<compile_context>
chip_gen: v7x
topology: tpu7x:2x2x1
jax: 0.10.2.dev20260603
libtpu: 0.0.44.dev20260713+nightly
codegen_flags: <defaults>
</compile_context>

<pallas_src>
import jax
import jax.numpy as jnp
from jax import lax
from jax.experimental import pallas as pl
from jax.experimental.pallas import tpu as pltpu
from jax.experimental.pallas import tpu_sc as plsc

N = 10000
E = 320000
DIM = 128
HEADS = 8
HEAD_DIM = DIM // HEADS
SCALE = HEAD_DIM ** -0.5

NW = 32
CH = 128
NCHUNKS = E // CH
CHD = 64
NCHUNKS_D = E // CHD


def _ln(x, g, b, eps=1e-5):
    mu = jnp.mean(x, axis=-1, keepdims=True)
    var = jnp.mean((x - mu) ** 2, axis=-1, keepdims=True)
    return (x - mu) / jnp.sqrt(var + eps) * g + b


def _node_proj_body(x_ref, g_ref, b_ref, wq_ref, wk_ref, wv_ref,
                    q_ref, k_ref, v_ref):
    xn = _ln(x_ref[...], g_ref[...], b_ref[...])
    q_ref[...] = jnp.dot(xn, wq_ref[...], preferred_element_type=jnp.float32)
    k_ref[...] = jnp.dot(xn, wk_ref[...], preferred_element_type=jnp.float32) * SCALE
    v_ref[...] = jnp.dot(xn, wv_ref[...], preferred_element_type=jnp.float32)


def _node_proj(x, g, b, Wq, Wk, Wv):
    BN = 1000
    grid = (N // BN,)
    row_spec = pl.BlockSpec((BN, DIM), lambda i: (i, 0))
    full_spec = pl.BlockSpec((DIM, DIM), lambda i: (0, 0))
    vec_spec = pl.BlockSpec((1, DIM), lambda i: (0, 0))
    out = jax.ShapeDtypeStruct((N, DIM), jnp.float32)
    return pl.pallas_call(
        _node_proj_body,
        grid=grid,
        in_specs=[row_spec, vec_spec, vec_spec, full_spec, full_spec, full_spec],
        out_specs=[row_spec, row_spec, row_spec],
        out_shape=[out, out, out],
    )(x, g, b, Wq, Wk, Wv)


def _edge_proj_body(e_ref, g_ref, b_ref, wk_ref, wv_ref, ek_ref, ev_ref):
    en = _ln(e_ref[...], g_ref[...], b_ref[...])
    ek_ref[...] = jnp.dot(en, wk_ref[...], preferred_element_type=jnp.float32) * SCALE
    ev_ref[...] = jnp.dot(en, wv_ref[...], preferred_element_type=jnp.float32)


def _edge_proj(edges, g, b, We_k, We_v):
    BE = 2000
    grid = (E // BE,)
    row_spec = pl.BlockSpec((BE, DIM), lambda i: (i, 0))
    full_spec = pl.BlockSpec((DIM, DIM), lambda i: (0, 0))
    vec_spec = pl.BlockSpec((1, DIM), lambda i: (0, 0))
    out = jax.ShapeDtypeStruct((E, DIM), jnp.float32)
    return pl.pallas_call(
        _edge_proj_body,
        grid=grid,
        in_specs=[row_spec, vec_spec, vec_spec, full_spec, full_spec],
        out_specs=[row_spec, row_spec],
        out_shape=[out, out],
    )(edges, g, b, We_k, We_v)


def _shuffle(v, idx):
    dnums = lax.GatherDimensionNumbers(
        offset_dims=(), collapsed_slice_dims=(0,), start_index_map=(0,))
    return lax.gather(v, idx.reshape(16, 1), dnums, (1,),
                      mode=lax.GatherScatterMode.PROMISE_IN_BOUNDS)


def _sc_logits_body(q_hbm, k_hbm, ek_hbm, dst_hbm, src_hbm, logit_hbm,
                    dsti, srci, qb, kb, ekb, lb, sem0, sem1):
    wid = lax.axis_index("c") * 16 + lax.axis_index("s")
    base_chunks = NCHUNKS // NW
    rem = NCHUNKS - base_chunks * NW
    start = wid * base_chunks + jnp.minimum(wid, rem)
    count = base_chunks + jnp.where(wid < rem, 1, 0)

    lanes = lax.iota(jnp.int32, 16)

    def chunk_body(ci, carry):
        base = ci * CH
        pltpu.sync_copy(dst_hbm.at[pl.ds(base, CH)], dsti)
        pltpu.sync_copy(src_hbm.at[pl.ds(base, CH)], srci)
        cq = pltpu.async_copy(q_hbm.at[dsti], qb, sem0)
        ck = pltpu.async_copy(k_hbm.at[srci], kb, sem1)
        pltpu.sync_copy(ek_hbm.at[pl.ds(base, CH)], ekb)
        cq.wait()
        ck.wait()

        def pair_body(t, c2):
            acc = jnp.zeros((16,), jnp.float32)
            for e in range(2):
                i = t * 2 + e
                for h in range(HEADS):
                    sl = pl.ds(h * HEAD_DIM, HEAD_DIM)
                    pr = qb[i, sl] * (kb[i, sl] + ekb[i, sl])
                    for d in (8, 4, 2, 1):
                        pr = pr + _shuffle(pr, lanes ^ d)
                    acc = jnp.where(lanes == (e * HEADS + h), pr, acc)
            lb[pl.ds(t * 16, 16)] = acc
            return c2

        lax.fori_loop(0, CH // 2, pair_body, 0)
        pltpu.sync_copy(lb, logit_hbm.at[pl.ds(base * HEADS, CH * HEADS)])
        return carry

    lax.fori_loop(start, start + count, chunk_body, 0)


def _sc_logits(q, k, ek, dst, src):
    mesh = plsc.VectorSubcoreMesh(core_axis_name="c", subcore_axis_name="s",
                                  num_cores=2, num_subcores=16)
    kern = pl.kernel(
        _sc_logits_body,
        out_type=jax.ShapeDtypeStruct((E * HEADS,), jnp.float32),
        mesh=mesh,
        scratch_types=[
            pltpu.VMEM((CH,), jnp.int32),
            pltpu.VMEM((CH,), jnp.int32),
            pltpu.VMEM((CH, DIM), jnp.float32),
            pltpu.VMEM((CH, DIM), jnp.float32),
            pltpu.VMEM((CH, DIM), jnp.float32),
            pltpu.VMEM((CH * HEADS,), jnp.float32),
            pltpu.SemaphoreType.DMA,
            pltpu.SemaphoreType.DMA,
        ],
    )
    return kern(q, k, ek, dst, src)


def _attn_mlp_body(l_ref, bdex_ref, bdsq_ref, s_ref):
    t = jnp.dot(l_ref[...], bdex_ref[...], preferred_element_type=jnp.float32)
    t = 0.5 * t * (1.0 + lax.erf(t * (2.0 ** -0.5)))
    t = jnp.dot(t, bdsq_ref[...], preferred_element_type=jnp.float32)
    s_ref[...] = jnp.exp(t)


def _attn_mlp(lflat, BD_ex, BD_sq):
    R = E * HEADS // DIM
    BR = 2000
    grid = (R // BR,)
    row_spec = pl.BlockSpec((BR, DIM), lambda i: (i, 0))
    full_spec = pl.BlockSpec((DIM, DIM), lambda i: (0, 0))
    return pl.pallas_call(
        _attn_mlp_body,
        grid=grid,
        in_specs=[row_spec, full_spec, full_spec],
        out_specs=row_spec,
        out_shape=jax.ShapeDtypeStruct((R, DIM), jnp.float32),
    )(lflat, BD_ex, BD_sq)


SHEADS = 16
ZC = (N + CHD - 1) // CHD
ZCT = ZC // 16
DCH = 16
NDCH = N // DCH
DPT = NDCH // 16


def _sc_accum_body(v_hbm, ev_hbm, s_hbm, dst_hbm, src_hbm,
                   nump_hbm,
                   dsti, srci, gi, vb, evb, sb, num_sp, sem0):
    cid = lax.axis_index("c")
    sid = lax.axis_index("s")
    wid = cid * 16 + sid
    lanes = lax.iota(jnp.int32, 16)

    def vbz(i, c2):
        for j in range(DIM // 16):
            vb[i, pl.ds(j * 16, 16)] = jnp.zeros((16,), jnp.float32)
        return c2

    lax.fori_loop(0, CHD, vbz, 0)

    zrem = ZC - 16 * ZCT
    zstart = sid * ZCT + jnp.minimum(sid, zrem)
    zcount = ZCT + jnp.where(sid < zrem, 1, 0)

    def zbody(zi, c2):
        base = zi * CHD
        for j in range(CHD // 16):
            dsti[pl.ds(j * 16, 16)] = jnp.minimum(lanes + (base + j * 16),
                                                  N - 1)
        pltpu.sync_copy(vb, num_sp.at[dsti])
        return c2

    lax.fori_loop(zstart, zstart + zcount, zbody, 0)
    plsc.subcore_barrier()

    base_chunks = NCHUNKS_D // NW
    rem = NCHUNKS_D - base_chunks * NW
    start = wid * base_chunks + jnp.minimum(wid, rem)
    count = base_chunks + jnp.where(wid < rem, 1, 0)

    def chunk_body(ci, carry):
        base = ci * CHD
        pltpu.sync_copy(dst_hbm.at[pl.ds(base, CHD)], dsti)
        pltpu.sync_copy(src_hbm.at[pl.ds(base, CHD)], srci)
        cv = pltpu.async_copy(v_hbm.at[srci], vb, sem0)
        pltpu.sync_copy(ev_hbm.at[pl.ds(base, CHD)], evb)
        pltpu.sync_copy(s_hbm.at[pl.ds(base, CHD)], sb)
        cv.wait()

        def edge_body(i, c2):
            sv = sb[i, pl.ds(0, SHEADS)]
            for h in range(HEADS):
                sl = pl.ds(h * HEAD_DIM, HEAD_DIM)
                vb[i, sl] = (vb[i, sl] + evb[i, sl]) * sv[h]
            return c2

        lax.fori_loop(0, CHD, edge_body, 0)
        pltpu.sync_copy(vb, num_sp.at[dsti], add=True)
        return carry

    lax.fori_loop(start, start + count, chunk_body, 0)
    plsc.subcore_barrier()

    dstart = sid * DPT
    dcount = DPT + jnp.where(sid == 15, NDCH - 16 * DPT, 0)

    def dbody(zi, c2):
        gi[pl.ds(0, DCH)] = lanes + zi * DCH
        pltpu.async_copy(num_sp.at[gi], vb.at[pl.ds(0, DCH)], sem0).wait()
        pltpu.sync_copy(vb.at[pl.ds(0, DCH)],
                        nump_hbm.at[pl.ds(cid * N + zi * DCH, DCH)])
        return c2

    lax.fori_loop(dstart, dstart + dcount, dbody, 0)


def _sc_accum(v, ev, s, dst, src):
    s16 = jnp.concatenate([s, jnp.zeros((E, HEADS), jnp.float32)], axis=1)
    mesh = plsc.VectorSubcoreMesh(core_axis_name="c", subcore_axis_name="s",
                                  num_cores=2, num_subcores=16)
    kern = pl.kernel(
        _sc_accum_body,
        out_type=jax.ShapeDtypeStruct((2 * N, DIM), jnp.float32),
        mesh=mesh,
        scratch_types=[
            pltpu.VMEM((CHD,), jnp.int32),
            pltpu.VMEM((CHD,), jnp.int32),
            pltpu.VMEM((DCH,), jnp.int32),
            pltpu.VMEM((CHD, DIM), jnp.float32),
            pltpu.VMEM((CHD, DIM), jnp.float32),
            pltpu.VMEM((CHD, SHEADS), jnp.float32),
            pltpu.VMEM_SHARED((N, DIM), jnp.float32),
            pltpu.SemaphoreType.DMA,
        ],
    )
    return kern(v, ev, s16, dst, src)


def _sc_den_body(s_hbm, dst_hbm, denp_hbm,
                 dsti, gi, sb16, sbw, den_sp, sem0):
    cid = lax.axis_index("c")
    sid = lax.axis_index("s")
    wid = cid * 16 + sid
    lanes = lax.iota(jnp.int32, 16)

    def sbz(i, c2):
        for j in range(DIM // 16):
            sbw[i, pl.ds(j * 16, 16)] = jnp.zeros((16,), jnp.float32)
        return c2

    lax.fori_loop(0, CHD, sbz, 0)

    zrem = ZC - 16 * ZCT
    zstart = sid * ZCT + jnp.minimum(sid, zrem)
    zcount = ZCT + jnp.where(sid < zrem, 1, 0)

    def zbody(zi, c2):
        base = zi * CHD
        for j in range(CHD // 16):
            dsti[pl.ds(j * 16, 16)] = jnp.minimum(lanes + (base + j * 16),
                                                  N - 1)
        pltpu.sync_copy(sbw, den_sp.at[dsti])
        return c2

    lax.fori_loop(zstart, zstart + zcount, zbody, 0)
    plsc.subcore_barrier()

    base_chunks = NCHUNKS_D // NW
    rem = NCHUNKS_D - base_chunks * NW
    start = wid * base_chunks + jnp.minimum(wid, rem)
    count = base_chunks + jnp.where(wid < rem, 1, 0)

    def chunk_body(ci, carry):
        base = ci * CHD
        pltpu.sync_copy(dst_hbm.at[pl.ds(base, CHD)], dsti)
        pltpu.sync_copy(s_hbm.at[pl.ds(base, CHD)], sb16)

        def copy_body(i, c2):
            sbw[i, pl.ds(0, SHEADS)] = sb16[i, pl.ds(0, SHEADS)]
            return c2

        lax.fori_loop(0, CHD, copy_body, 0)
        pltpu.sync_copy(sbw, den_sp.at[dsti], add=True)
        return carry

    lax.fori_loop(start, start + count, chunk_body, 0)
    plsc.subcore_barrier()

    dstart = sid * DPT
    dcount = DPT + jnp.where(sid == 15, NDCH - 16 * DPT, 0)

    def dbody(zi, c2):
        gi[pl.ds(0, DCH)] = lanes + zi * DCH
        pltpu.async_copy(den_sp.at[gi], sbw.at[pl.ds(0, DCH)], sem0).wait()
        pltpu.sync_copy(sbw.at[pl.ds(0, DCH)],
                        denp_hbm.at[pl.ds(cid * N + zi * DCH, DCH)])
        return c2

    lax.fori_loop(dstart, dstart + dcount, dbody, 0)


def _sc_den(s16, dst):
    mesh = plsc.VectorSubcoreMesh(core_axis_name="c", subcore_axis_name="s",
                                  num_cores=2, num_subcores=16)
    kern = pl.kernel(
        _sc_den_body,
        out_type=jax.ShapeDtypeStruct((2 * N, DIM), jnp.float32),
        mesh=mesh,
        scratch_types=[
            pltpu.VMEM((CHD,), jnp.int32),
            pltpu.VMEM((DCH,), jnp.int32),
            pltpu.VMEM((CHD, SHEADS), jnp.float32),
            pltpu.VMEM((CHD, DIM), jnp.float32),
            pltpu.VMEM_SHARED((N, DIM), jnp.float32),
            pltpu.SemaphoreType.DMA,
        ],
    )
    return kern(s16, dst)


def _finalize_body(n0_ref, n1_ref, d0_ref, d1_ref, w_ref, b_ref, out_ref):
    num = n0_ref[...] + n1_ref[...]
    den = d0_ref[:, :HEADS] + d1_ref[:, :HEADS] + 1e-16
    bn = num.shape[0]
    den_rep = jnp.broadcast_to(den.reshape(bn, HEADS, 1),
                               (bn, HEADS, HEAD_DIM)).reshape(bn, DIM)
    r = num / den_rep
    out_ref[...] = jnp.dot(r, w_ref[...], preferred_element_type=jnp.float32) + b_ref[...]


def _finalize(n0, n1, d0, d1, WoutT, b):
    BN = 1000
    grid = (N // BN,)
    row_spec = pl.BlockSpec((BN, DIM), lambda i: (i, 0))
    den_spec = pl.BlockSpec((BN, DIM), lambda i: (i, 0))
    full_spec = pl.BlockSpec((DIM, DIM), lambda i: (0, 0))
    vec_spec = pl.BlockSpec((1, DIM), lambda i: (0, 0))
    return pl.pallas_call(
        _finalize_body,
        grid=grid,
        in_specs=[row_spec, row_spec, den_spec, den_spec, full_spec, vec_spec],
        out_specs=row_spec,
        out_shape=jax.ShapeDtypeStruct((N, DIM), jnp.float32),
    )(n0, n1, d0, d1, WoutT, b)


def kernel(x, edges, edge_index, Wq, Wk, Wv, We_k, We_v, W_ex, W_sq,
           W_out, b_out, ln_g, ln_b):
    dst = edge_index[0].astype(jnp.int32)
    src = edge_index[1].astype(jnp.int32)
    g = ln_g.reshape(1, DIM)
    b = ln_b.reshape(1, DIM)

    q, k, v = _node_proj(x, g, b, Wq, Wk, Wv)
    ek, ev = _edge_proj(edges, g, b, We_k, We_v)

    logits = _sc_logits(q, k, ek, dst, src)

    eye16 = jnp.eye(16, dtype=jnp.float32)
    BD_ex = jnp.kron(eye16, W_ex.T)
    BD_sq = jnp.kron(eye16, W_sq.T)
    s = _attn_mlp(logits.reshape(E * HEADS // DIM, DIM), BD_ex, BD_sq)
    s = s.reshape(E, HEADS)

    nump = _sc_accum(v, ev, s, dst, src)
    s16 = jnp.concatenate([s, jnp.zeros((E, HEADS), jnp.float32)], axis=1)
    denp = _sc_den(s16, dst)

    return _finalize(nump[:N], nump[N:], denp[:N], denp[N:],
                     W_out.T, b_out.reshape(1, DIM))

# --- scband reference (transcript-rebuilt; emitter-appended) ---
"""Pipeline reference for scband-graph-laplacian-transformer-backbone-53128745452156 (READ-ONLY COPY).

The authoritative reference and input builder live on the scoring server;
editing this copy changes nothing except your own understanding.
"""

import jax, jax.numpy as jnp
import numpy as np

N = 10000
E = 320000
DIM = 128
HEADS = 8
HEAD_DIM = DIM // HEADS
SCALE = HEAD_DIM ** -0.5


def _ln(x, g, b, eps=1e-5):
    mu = jnp.mean(x, axis=-1, keepdims=True)
    var = jnp.mean((x - mu) ** 2, axis=-1, keepdims=True)
    return (x - mu) / jnp.sqrt(var + eps) * g + b


def _sparse_softmax(scores, idx, num_nodes):
    # softmax over edges grouped by destination node (segment softmax)
    m = jax.ops.segment_max(scores, idx, num_segments=num_nodes)
    m = jnp.where(jnp.isfinite(m), m, 0.0)
    s = jnp.exp(scores - m[idx])
    denom = jax.ops.segment_sum(s, idx, num_segments=num_nodes)
    return s / (denom[idx] + 1e-16)


def setup_inputs(seed: int = 0) -> dict:
    key = jax.random.key(seed)
    ks = jax.random.split(key, 14)
    w = 0.05
    inp = {}
    inp["x"] = jax.random.normal(ks[0], (N, DIM), dtype=jnp.float32)
    inp["edges"] = jax.random.normal(ks[1], (E, DIM), dtype=jnp.float32)
    inp["edge_index"] = jax.random.randint(ks[2], (2, E), 0, N)
    inp["Wq"] = jax.random.normal(ks[3], (DIM, DIM), dtype=jnp.float32) * w
    inp["Wk"] = jax.random.normal(ks[4], (DIM, DIM), dtype=jnp.float32) * w
    inp["Wv"] = jax.random.normal(ks[5], (DIM, DIM), dtype=jnp.float32) * w
    inp["We_k"] = jax.random.normal(ks[6], (DIM, DIM), dtype=jnp.float32) * w
    inp["We_v"] = jax.random.normal(ks[7], (DIM, DIM), dtype=jnp.float32) * w
    inp["W_ex"] = jax.random.normal(ks[8], (HEADS, HEADS), dtype=jnp.float32) * 0.3
    inp["W_sq"] = jax.random.normal(ks[9], (HEADS, HEADS), dtype=jnp.float32) * 0.3
    inp["W_out"] = jax.random.normal(ks[10], (DIM, DIM), dtype=jnp.float32) * w
    inp["b_out"] = jnp.zeros((DIM,), dtype=jnp.float32)
    inp["ln_g"] = jnp.ones((DIM,), dtype=jnp.float32)
    inp["ln_b"] = jnp.zeros((DIM,), dtype=jnp.float32)
    return inp


def reference(x, edges, edge_index, Wq, Wk, Wv, We_k, We_v, W_ex, W_sq, W_out, b_out, ln_g, ln_b):
    dst = edge_index[0]
    src = edge_index[1]
    # GraphEdgeFusionLayer: note original code applies node_norm to edges too (faithful)
    xn = _ln(x, ln_g, ln_b)
    en = _ln(edges, ln_g, ln_b)
    # projections, 'n (h d) -> h n d'
    q = (xn @ Wq).reshape(N, HEADS, HEAD_DIM).transpose(1, 0, 2)
    k = (xn @ Wk).reshape(N, HEADS, HEAD_DIM).transpose(1, 0, 2)
    v = (xn @ Wv).reshape(N, HEADS, HEAD_DIM).transpose(1, 0, 2)
    # gather per-edge (index_select)
    q_e = jnp.take(q, dst, axis=1)
    k_e = jnp.take(k, src, axis=1)
    v_e = jnp.take(v, src, axis=1)
    edge_k = (en @ We_k).reshape(E, HEADS, HEAD_DIM).transpose(1, 0, 2)
    edge_v = (en @ We_v).reshape(E, HEADS, HEAD_DIM).transpose(1, 0, 2)
    k_e = (k_e + edge_k) * SCALE
    attn = jnp.sum(q_e * k_e, axis=-1)  # h e
    attn = attn.T  # e h
    attn = attn @ W_ex.T
    attn = jax.nn.gelu(attn, approximate=False)
    attn = attn @ W_sq.T
    attn = _sparse_softmax(attn, dst, N)  # e h
    attn = attn.T  # h e
    v_e = v_e + edge_v
    out = attn[:, :, None] * v_e  # h e d
    out = out.transpose(1, 0, 2).reshape(E, HEADS * HEAD_DIM)  # e (h d)
    out = jax.ops.segment_sum(out, dst, num_segments=N)  # n (h d)
    out = out @ W_out.T + b_out
    return out

if __name__ == "__main__":
    import jax
    _d = setup_inputs()
    print(jax.jit(kernel)(*tuple(_d.values())))

</pallas_src>

<mosaic_0001>
#map = affine_map<(d0, d1) -> (0, 0)>
#map1 = affine_map<(d0, d1) -> (0)>
module attributes {stable_mosaic.version = 14 : i64} {
  func.func @_sc_den_body(%arg0: i32, %arg1: i32, %arg2: memref<320000x16xf32, #tpu.memory_space<hbm>>, %arg3: memref<320000xi32, #tpu.memory_space<hbm>>, %arg4: memref<20000x128xf32, #tpu.memory_space<hbm>>, %arg5: memref<64xi32, #tpu.memory_space<vmem>>, %arg6: memref<16xi32, #tpu.memory_space<vmem>>, %arg7: memref<64x16xf32, #tpu.memory_space<vmem>>, %arg8: memref<64x128xf32, #tpu.memory_space<vmem>>, %arg9: memref<10000x128xf32, #tpu.memory_space<vmem_shared>>, %arg10: memref<!tpu.dma_semaphore, #tpu.memory_space<semaphore_mem>>) attributes {dimension_semantics = [#tpu.dimension_semantics<core_parallel>, #tpu.dimension_semantics<subcore_parallel>], iteration_bounds = array<i64: 2, 16>, scalar_prefetch = 0 : i64, scratch_operands = 6 : i64, tpu.core_type = #tpu.core_type<sc_vector_subcore>, window_params = [{transform_indices = #map}, {transform_indices = #map1}, {transform_indices = #map}]} {
    %mul3A = arith.constant 16 : i32
    %mul3A_0 = arith.muli %arg0, %mul3A : i32
    %add3A = arith.addi %mul3A_0, %arg1 : i32
    %iota3A = tpu.iota {dimensions = array<i32: 0>} : vector<16xi32>
    %scan3A = arith.constant 0 : i32
    %scan3A_1 = arith.constant 0 : i32
    %scan3A_2 = arith.constant 64 : i32
    %scan3A_3 = arith.addi %scan3A_1, %scan3A_2 : i32
    %scan3A_4 = arith.constant 1 : i32
    scf.for %scan3A_64 = %scan3A_1 to %scan3A_3 step %scan3A_4  : i32 {
      %broadcast_in_dim3A = arith.constant 0.000000e+00 : f32
      %broadcast_in_dim3A_65 = vector.broadcast %broadcast_in_dim3A : f32 to vector<16xf32>
      %swap3A = arith.index_cast %scan3A_64 : i32 to index
      %swap3A_66 = arith.constant 0 : index
      %swap3A_67 = tpu.vector_load %arg8[%swap3A, %swap3A_66] {strides = array<i32>} : memref<64x128xf32, #tpu.memory_space<vmem>>, vector<1x16xf32>,
      %swap3A_68 = vector.shape_cast %swap3A_67 : vector<1x16xf32> to vector<16xf32>
      %swap3A_69 = vector.shape_cast %broadcast_in_dim3A_65 : vector<16xf32> to vector<1x16xf32>
      tpu.vector_store %arg8[%swap3A, %swap3A_66], %swap3A_69 {strides = array<i32>} : memref<64x128xf32, #tpu.memory_space<vmem>>, vector<1x16xf32>,
      %broadcast_in_dim3A_70 = arith.constant 0.000000e+00 : f32
      %broadcast_in_dim3A_71 = vector.broadcast %broadcast_in_dim3A_70 : f32 to vector<16xf32>
      %swap3A_72 = arith.index_cast %scan3A_64 : i32 to index
      %swap3A_73 = arith.constant 16 : index
      %swap3A_74 = tpu.vector_load %arg8[%swap3A_72, %swap3A_73] {strides = array<i32>} : memref<64x128xf32, #tpu.memory_space<vmem>>, vector<1x16xf32>,
      %swap3A_75 = vector.shape_cast %swap3A_74 : vector<1x16xf32> to vector<16xf32>
      %swap3A_76 = vector.shape_cast %broadcast_in_dim3A_71 : vector<16xf32> to vector<1x16xf32>
      tpu.vector_store %arg8[%swap3A_72, %swap3A_73], %swap3A_76 {strides = array<i32>} : memref<64x128xf32, #tpu.memory_space<vmem>>, vector<1x16xf32>,
      %broadcast_in_dim3A_77 = arith.constant 0.000000e+00 : f32
      %broadcast_in_dim3A_78 = vector.broadcast %broadcast_in_dim3A_77 : f32 to vector<16xf32>
      %swap3A_79 = arith.index_cast %scan3A_64 : i32 to index
      %swap3A_80 = arith.constant 32 : index
      %swap3A_81 = tpu.vector_load %arg8[%swap3A_79, %swap3A_80] {strides = array<i32>} : memref<64x128xf32, #tpu.memory_space<vmem>>, vector<1x16xf32>,
      %swap3A_82 = vector.shape_cast %swap3A_81 : vector<1x16xf32> to vector<16xf32>
      %swap3A_83 = vector.shape_cast %broadcast_in_dim3A_78 : vector<16xf32> to vector<1x16xf32>
      tpu.vector_store %arg8[%swap3A_79, %swap3A_80], %swap3A_83 {strides = array<i32>} : memref<64x128xf32, #tpu.memory_space<vmem>>, vector<1x16xf32>,
      %broadcast_in_dim3A_84 = arith.constant 0.000000e+00 : f32
      %broadcast_in_dim3A_85 = vector.broadcast %broadcast_in_dim3A_84 : f32 to vector<16xf32>
      %swap3A_86 = arith.index_cast %scan3A_64 : i32 to index
      %swap3A_87 = arith.constant 48 : index
      %swap3A_88 = tpu.vector_load %arg8[%swap3A_86, %swap3A_87] {strides = array<i32>} : memref<64x128xf32, #tpu.memory_space<vmem>>, vector<1x16xf32>,
      %swap3A_89 = vector.shape_cast %swap3A_88 : vector<1x16xf32> to vector<16xf32>
      %swap3A_90 = vector.shape_cast %broadcast_in_dim3A_85 : vector<16xf32> to vector<1x16xf32>
      tpu.vector_store %arg8[%swap3A_86, %swap3A_87], %swap3A_90 {strides = array<i32>} : memref<64x128xf32, #tpu.memory_space<vmem>>, vector<1x16xf32>,
      %broadcast_in_dim3A_91 = arith.constant 0.000000e+00 : f32
      %broadcast_in_dim3A_92 = vector.broadcast %broadcast_in_dim3A_91 : f32 to vector<16xf32>
      %swap3A_93 = arith.index_cast %scan3A_64 : i32 to index
      %swap3A_94 = arith.constant 64 : index
      %swap3A_95 = tpu.vector_load %arg8[%swap3A_93, %swap3A_94] {strides = array<i32>} : memref<64x128xf32, #tpu.memory_space<vmem>>, vector<1x16xf32>,
      %swap3A_96 = vector.shape_cast %swap3A_95 : vector<1x16xf32> to vector<16xf32>
      %swap3A_97 = vector.shape_cast %broadcast_in_dim3A_92 : vector<16xf32> to vector<1x16xf32>
      tpu.vector_store %arg8[%swap3A_93, %swap3A_94], %swap3A_97 {strides = array<i32>} : memref<64x128xf32, #tpu.memory_space<vmem>>, vector<1x16xf32>,
      %broadcast_in_dim3A_98 = arith.constant 0.000000e+00 : f32
      %broadcast_in_dim3A_99 = vector.broadcast %broadcast_in_dim3A_98 : f32 to vector<16xf32>
      %swap3A_100 = arith.index_cast %scan3A_64 : i32 to index
      %swap3A_101 = arith.constant 80 : index
      %swap3A_102 = tpu.vector_load %arg8[%swap3A_100, %swap3A_101] {strides = array<i32>} : memref<64x128xf32, #tpu.memory_space<vmem>>, vector<1x16xf32>,
      %swap3A_103 = vector.shape_cast %swap3A_102 : vector<1x16xf32> to vector<16xf32>
      %swap3A_104 = vector.shape_cast %broadcast_in_dim3A_99 : vector<16xf32> to vector<1x16xf32>
      tpu.vector_store %arg8[%swap3A_100, %swap3A_101], %swap3A_104 {strides = array<i32>} : memref<64x128xf32, #tpu.memory_space<vmem>>, vector<1x16xf32>,
      %broadcast_in_dim3A_105 = arith.constant 0.000000e+00 : f32
      %broadcast_in_dim3A_106 = vector.broadcast %broadcast_in_dim3A_105 : f32 to vector<16xf32>
      %swap3A_107 = arith.index_cast %scan3A_64 : i32 to index
      %swap3A_108 = arith.constant 96 : index
      %swap3A_109 = tpu.vector_load %arg8[%swap3A_107, %swap3A_108] {strides = array<i32>} : memref<64x128xf32, #tpu.memory_space<vmem>>, vector<1x16xf32>,
      %swap3A_110 = vector.shape_cast %swap3A_109 : vector<1x16xf32> to vector<16xf32>
      %swap3A_111 = vector.shape_cast %broadcast_in_dim3A_106 : vector<16xf32> to vector<1x16xf32>
      tpu.vector_store %arg8[%swap3A_107, %swap3A_108], %swap3A_111 {strides = array<i32>} : memref<64x128xf32, #tpu.memory_space<vmem>>, vector<1x16xf32>,
      %broadcast_in_dim3A_112 = arith.constant 0.000000e+00 : f32
      %broadcast_in_dim3A_113 = vector.broadcast %broadcast_in_dim3A_112 : f32 to vector<16xf32>
      %swap3A_114 = arith.index_cast %scan3A_64 : i32 to index
      %swap3A_115 = arith.constant 112 : index
      %swap3A_116 = tpu.vector_load %arg8[%swap3A_114, %swap3A_115] {strides = array<i32>} : memref<64x128xf32, #tpu.memory_space<vmem>>, vector<1x16xf32>,
      %swap3A_117 = vector.shape_cast %swap3A_116 : vector<1x16xf32> to vector<16xf32>
      %swap3A_118 = vector.shape_cast %broadcast_in_dim3A_113 : vector<16xf32> to vector<1x16xf32>
      tpu.vector_store %arg8[%swap3A_114, %swap3A_115], %swap3A_118 {strides = array<i32>} : memref<64x128xf32, #tpu.memory_space<vmem>>, vector<1x16xf32>,
    }
    %scan3A_5 = arith.constant 64 : i32
    %mul3A_6 = arith.constant 9 : i32
    %mul3A_7 = arith.muli %arg1, %mul3A_6 : i32
    %min3A = arith.constant 13 : i32
    %min3A_8 = arith.minsi %arg1, %min3A : i32
    %add3A_9 = arith.addi %mul3A_7, %min3A_8 : i32
    %lt3A = arith.constant 13 : i32
    %lt3A_10 = arith.cmpi slt, %arg1, %lt3A : i32
    %jit3A = arith.constant 1 : i32
    %jit3A_11 = arith.constant 0 : i32
    %select_n3A = arith.select %lt3A_10, %jit3A, %jit3A_11 : i32
    %add3A_12 = arith.constant 9 : i32
    %add3A_13 = arith.addi %add3A_12, %select_n3A : i32
    %add3A_14 = arith.addi %add3A_9, %add3A_13 : i32
    %while3A = arith.constant 0 : i32
    %while3A_15 = arith.subi %add3A_14, %add3A_9 : i32
    %while3A_16 = arith.addi %add3A_9, %while3A_15 : i32
    %while3A_17 = arith.constant 1 : i32
    %while3A_18 = arith.divsi %while3A_15, %while3A_17 : i32
    %while3A_19 = arith.muli %while3A_18, %while3A_17 : i32
    %while3A_20 = arith.addi %add3A_9, %while3A_19 : i32
    %while3A_21 = arith.constant 1 : i32
    scf.for %while3A_64 = %add3A_9 to %while3A_20 step %while3A_21  : i32 {
      %mul3A_65 = arith.constant 64 : i32
      %mul3A_66 = arith.muli %while3A_64, %mul3A_65 : i32
      %add3A_67 = arith.constant 0 : i32
      %add3A_68 = arith.addi %mul3A_66, %add3A_67 : i32
      %add3A_69 = vector.broadcast %add3A_68 : i32 to vector<16xi32>
      %add3A_70 = arith.addi %iota3A, %add3A_69 : vector<16xi32>
      %min3A_71 = arith.constant 9999 : i32
      %min3A_72 = vector.broadcast %min3A_71 : i32 to vector<16xi32>
      %min3A_73 = arith.minsi %add3A_70, %min3A_72 : vector<16xi32>
      %swap3A = arith.constant 0 : index
      %swap3A_74 = tpu.vector_load %arg5[%swap3A] {strides = array<i32>} : memref<64xi32, #tpu.memory_space<vmem>>, vector<16xi32>,
      %swap3A_75 = vector.shape_cast %swap3A_74 : vector<16xi32> to vector<16xi32>
      %swap3A_76 = vector.shape_cast %min3A_73 : vector<16xi32> to vector<16xi32>
      tpu.vector_store %arg5[%swap3A], %swap3A_76 {strides = array<i32>} : memref<64xi32, #tpu.memory_space<vmem>>, vector<16xi32>,
      %add3A_77 = arith.constant 16 : i32
      %add3A_78 = arith.addi %mul3A_66, %add3A_77 : i32
      %add3A_79 = vector.broadcast %add3A_78 : i32 to vector<16xi32>
      %add3A_80 = arith.addi %iota3A, %add3A_79 : vector<16xi32>
      %min3A_81 = arith.constant 9999 : i32
      %min3A_82 = vector.broadcast %min3A_81 : i32 to vector<16xi32>
      %min3A_83 = arith.minsi %add3A_80, %min3A_82 : vector<16xi32>
      %swap3A_84 = arith.constant 16 : index
      %swap3A_85 = tpu.vector_load %arg5[%swap3A_84] {strides = array<i32>} : memref<64xi32, #tpu.memory_space<vmem>>, vector<16xi32>,
      %swap3A_86 = vector.shape_cast %swap3A_85 : vector<16xi32> to vector<16xi32>
      %swap3A_87 = vector.shape_cast %min3A_83 : vector<16xi32> to vector<16xi32>
      tpu.vector_store %arg5[%swap3A_84], %swap3A_87 {strides = array<i32>} : memref<64xi32, #tpu.memory_space<vmem>>, vector<16xi32>,
      %add3A_88 = arith.constant 32 : i32
      %add3A_89 = arith.addi %mul3A_66, %add3A_88 : i32
      %add3A_90 = vector.broadcast %add3A_89 : i32 to vector<16xi32>
      %add3A_91 = arith.addi %iota3A, %add3A_90 : vector<16xi32>
      %min3A_92 = arith.constant 9999 : i32
      %min3A_93 = vector.broadcast %min3A_92 : i32 to vector<16xi32>
      %min3A_94 = arith.minsi %add3A_91, %min3A_93 : vector<16xi32>
      %swap3A_95 = arith.constant 32 : index
      %swap3A_96 = tpu.vector_load %arg5[%swap3A_95] {strides = array<i32>} : memref<64xi32, #tpu.memory_space<vmem>>, vector<16xi32>,
      %swap3A_97 = vector.shape_cast %swap3A_96 : vector<16xi32> to vector<16xi32>
      %swap3A_98 = vector.shape_cast %min3A_94 : vector<16xi32> to vector<16xi32>
      tpu.vector_store %arg5[%swap3A_95], %swap3A_98 {strides = array<i32>} : memref<64xi32, #tpu.memory_space<vmem>>, vector<16xi32>,
      %add3A_99 = arith.constant 48 : i32
      %add3A_100 = arith.addi %mul3A_66, %add3A_99 : i32
      %add3A_101 = vector.broadcast %add3A_100 : i32 to vector<16xi32>
      %add3A_102 = arith.addi %iota3A, %add3A_101 : vector<16xi32>
      %min3A_103 = arith.constant 9999 : i32
      %min3A_104 = vector.broadcast %min3A_103 : i32 to vector<16xi32>
      %min3A_105 = arith.minsi %add3A_102, %min3A_104 : vector<16xi32>
      %swap3A_106 = arith.constant 48 : index
      %swap3A_107 = tpu.vector_load %arg5[%swap3A_106] {strides = array<i32>} : memref<64xi32, #tpu.memory_space<vmem>>, vector<16xi32>,
      %swap3A_108 = vector.shape_cast %swap3A_107 : vector<16xi32> to vector<16xi32>
      %swap3A_109 = vector.shape_cast %min3A_105 : vector<16xi32> to vector<16xi32>
      tpu.vector_store %arg5[%swap3A_106], %swap3A_109 {strides = array<i32>} : memref<64xi32, #tpu.memory_space<vmem>>, vector<16xi32>,
      "tpu.region"() ({
        %run_scoped3A = tpu.sem_alloc : memref<!tpu.dma_semaphore, #tpu.memory_space<semaphore_mem>>
        %dma_start3A = arith.constant 0 : i32
        %dma_start3A_110 = arith.constant 0 : i32
        %dma_start3A_111 = tpu.memref_slice %arg9[%dma_start3A, %dma_start3A_110] : memref<10000x128xf32, #tpu.memory_space<vmem_shared>> -> memref<10000x128xf32, #tpu.memory_space<vmem_shared>>
        tpu.enqueue_indirect_dma source(%arg8 : memref<64x128xf32, #tpu.memory_space<vmem>>) target(%dma_start3A_111 : memref<10000x128xf32, #tpu.memory_space<vmem_shared>>) offsets(%arg5 : memref<64xi32, #tpu.memory_space<vmem>>) semaphore(%run_scoped3A : memref<!tpu.dma_semaphore, #tpu.memory_space<semaphore_mem>>)
        %dma_wait3A = arith.constant 0 : i32
        %dma_wait3A_112 = arith.constant 0 : i32
        %dma_wait3A_113 = tpu.memref_slice %arg9[%dma_wait3A, %dma_wait3A_112] : memref<10000x128xf32, #tpu.memory_space<vmem_shared>> -> memref<10000x128xf32, #tpu.memory_space<vmem_shared>>
        tpu.wait_indirect_dma semaphore(%run_scoped3A : memref<!tpu.dma_semaphore, #tpu.memory_space<semaphore_mem>>) src(%arg8 : memref<64x128xf32, #tpu.memory_space<vmem>>) dst(%dma_wait3A_113 : memref<10000x128xf32, #tpu.memory_space<vmem_shared>>)
        tpu.yield
      }) : () -> ()
    }
    %while3A_22 = arith.constant 1 : i32
    scf.for %while3A_64 = %while3A_20 to %while3A_16 step %while3A_22  : i32 {
      %mul3A_65 = arith.constant 64 : i32
      %mul3A_66 = arith.muli %while3A_64, %mul3A_65 : i32
      %add3A_67 = arith.constant 0 : i32
      %add3A_68 = arith.addi %mul3A_66, %add3A_67 : i32
      %add3A_69 = vector.broadcast %add3A_68 : i32 to vector<16xi32>
      %add3A_70 = arith.addi %iota3A, %add3A_69 : vector<16xi32>
      %min3A_71 = arith.constant 9999 : i32
      %min3A_72 = vector.broadcast %min3A_71 : i32 to vector<16xi32>
      %min3A_73 = arith.minsi %add3A_70, %min3A_72 : vector<16xi32>
      %swap3A = arith.constant 0 : index
      %swap3A_74 = tpu.vector_load %arg5[%swap3A] {strides = array<i32>} : memref<64xi32, #tpu.memory_space<vmem>>, vector<16xi32>,
      %swap3A_75 = vector.shape_cast %swap3A_74 : vector<16xi32> to vector<16xi32>
      %swap3A_76 = vector.shape_cast %min3A_73 : vector<16xi32> to vector<16xi32>
      tpu.vector_store %arg5[%swap3A], %swap3A_76 {strides = array<i32>} : memref<64xi32, #tpu.memory_space<vmem>>, vector<16xi32>,
      %add3A_77 = arith.constant 16 : i32
      %add3A_78 = arith.addi %mul3A_66, %add3A_77 : i32
      %add3A_79 = vector.broadcast %add3A_78 : i32 to vector<16xi32>
      %add3A_80 = arith.addi %iota3A, %add3A_79 : vector<16xi32>
      %min3A_81 = arith.constant 9999 : i32
      %min3A_82 = vector.broadcast %min3A_81 : i32 to vector<16xi32>
      %min3A_83 = arith.minsi %add3A_80, %min3A_82 : vector<16xi32>
      %swap3A_84 = arith.constant 16 : index
      %swap3A_85 = tpu.vector_load %arg5[%swap3A_84] {strides = array<i32>} : memref<64xi32, #tpu.memory_space<vmem>>, vector<16xi32>,
      %swap3A_86 = vector.shape_cast %swap3A_85 : vector<16xi32> to vector<16xi32>
      %swap3A_87 = vector.shape_cast %min3A_83 : vector<16xi32> to vector<16xi32>
      tpu.vector_store %arg5[%swap3A_84], %swap3A_87 {strides = array<i32>} : memref<64xi32, #tpu.memory_space<vmem>>, vector<16xi32>,
      %add3A_88 = arith.constant 32 : i32
      %add3A_89 = arith.addi %mul3A_66, %add3A_88 : i32
      %add3A_90 = vector.broadcast %add3A_89 : i32 to vector<16xi32>
      %add3A_91 = arith.addi %iota3A, %add3A_90 : vector<16xi32>
      %min3A_92 = arith.constant 9999 : i32
      %min3A_93 = vector.broadcast %min3A_92 : i32 to vector<16xi32>
      %min3A_94 = arith.minsi %add3A_91, %min3A_93 : vector<16xi32>
      %swap3A_95 = arith.constant 32 : index
      %swap3A_96 = tpu.vector_load %arg5[%swap3A_95] {strides = array<i32>} : memref<64xi32, #tpu.memory_space<vmem>>, vector<16xi32>,
      %swap3A_97 = vector.shape_cast %swap3A_96 : vector<16xi32> to vector<16xi32>
      %swap3A_98 = vector.shape_cast %min3A_94 : vector<16xi32> to vector<16xi32>
      tpu.vector_store %arg5[%swap3A_95], %swap3A_98 {strides = array<i32>} : memref<64xi32, #tpu.memory_space<vmem>>, vector<16xi32>,
      %add3A_99 = arith.constant 48 : i32
      %add3A_100 = arith.addi %mul3A_66, %add3A_99 : i32
      %add3A_101 = vector.broadcast %add3A_100 : i32 to vector<16xi32>
      %add3A_102 = arith.addi %iota3A, %add3A_101 : vector<16xi32>
      %min3A_103 = arith.constant 9999 : i32
      %min3A_104 = vector.broadcast %min3A_103 : i32 to vector<16xi32>
      %min3A_105 = arith.minsi %add3A_102, %min3A_104 : vector<16xi32>
      %swap3A_106 = arith.constant 48 : index
      %swap3A_107 = tpu.vector_load %arg5[%swap3A_106] {strides = array<i32>} : memref<64xi32, #tpu.memory_space<vmem>>, vector<16xi32>,
      %swap3A_108 = vector.shape_cast %swap3A_107 : vector<16xi32> to vector<16xi32>
      %swap3A_109 = vector.shape_cast %min3A_105 : vector<16xi32> to vector<16xi32>
      tpu.vector_store %arg5[%swap3A_106], %swap3A_109 {strides = array<i32>} : memref<64xi32, #tpu.memory_space<vmem>>, vector<16xi32>,
      "tpu.region"() ({
        %run_scoped3A = tpu.sem_alloc : memref<!tpu.dma_semaphore, #tpu.memory_space<semaphore_mem>>
        %dma_start3A = arith.constant 0 : i32
        %dma_start3A_110 = arith.constant 0 : i32
        %dma_start3A_111 = tpu.memref_slice %arg9[%dma_start3A, %dma_start3A_110] : memref<10000x128xf32, #tpu.memory_space<vmem_shared>> -> memref<10000x128xf32, #tpu.memory_space<vmem_shared>>
        tpu.enqueue_indirect_dma source(%arg8 : memref<64x128xf32, #tpu.memory_space<vmem>>) target(%dma_start3A_111 : memref<10000x128xf32, #tpu.memory_space<vmem_shared>>) offsets(%arg5 : memref<64xi32, #tpu.memory_space<vmem>>) semaphore(%run_scoped3A : memref<!tpu.dma_semaphore, #tpu.memory_space<semaphore_mem>>)
        %dma_wait3A = arith.constant 0 : i32
        %dma_wait3A_112 = arith.constant 0 : i32
        %dma_wait3A_113 = tpu.memref_slice %arg9[%dma_wait3A, %dma_wait3A_112] : memref<10000x128xf32, #tpu.memory_space<vmem_shared>> -> memref<10000x128xf32, #tpu.memory_space<vmem_shared>>
        tpu.wait_indirect_dma semaphore(%run_scoped3A : memref<!tpu.dma_semaphore, #tpu.memory_space<semaphore_mem>>) src(%arg8 : memref<64x128xf32, #tpu.memory_space<vmem>>) dst(%dma_wait3A_113 : memref<10000x128xf32, #tpu.memory_space<vmem_shared>>)
        tpu.yield
      }) : () -> ()
    }
    %barrier3A = arith.constant 0 : index
    tpu.barrier barrier_id(%barrier3A)
    %mul3A_23 = arith.constant 156 : i32
    %mul3A_24 = arith.muli %add3A, %mul3A_23 : i32
    %min3A_25 = arith.constant 8 : i32
    %min3A_26 = arith.minsi %add3A, %min3A_25 : i32
    %add3A_27 = arith.addi %mul3A_24, %min3A_26 : i32
    %lt3A_28 = arith.constant 8 : i32
    %lt3A_29 = arith.cmpi slt, %add3A, %lt3A_28 : i32
    %jit3A_30 = arith.constant 1 : i32
    %jit3A_31 = arith.constant 0 : i32
    %select_n3A_32 = arith.select %lt3A_29, %jit3A_30, %jit3A_31 : i32
    %add3A_33 = arith.constant 156 : i32
    %add3A_34 = arith.addi %add3A_33, %select_n3A_32 : i32
    %add3A_35 = arith.addi %add3A_27, %add3A_34 : i32
    %while3A_36 = arith.constant 0 : i32
    %while3A_37 = arith.subi %add3A_35, %add3A_27 : i32
    %while3A_38 = arith.addi %add3A_27, %while3A_37 : i32
    %while3A_39 = arith.constant 1 : i32
    %while3A_40 = arith.divsi %while3A_37, %while3A_39 : i32
    %while3A_41 = arith.muli %while3A_40, %while3A_39 : i32
    %while3A_42 = arith.addi %add3A_27, %while3A_41 : i32
    %while3A_43 = arith.constant 1 : i32
    scf.for %while3A_64 = %add3A_27 to %while3A_42 step %while3A_43  : i32 {
      %mul3A_65 = arith.constant 64 : i32
      %mul3A_66 = arith.muli %while3A_64, %mul3A_65 : i32
      "tpu.region"() ({
        %run_scoped3A = tpu.sem_alloc : memref<!tpu.dma_semaphore, #tpu.memory_space<semaphore_mem>>
        %dma_start3A = tpu.memref_slice %arg3[%mul3A_66] : memref<320000xi32, #tpu.memory_space<hbm>> -> memref<64xi32, #tpu.memory_space<hbm>>
        %dma_start3A_73 = tpu.memref_slice %arg3[%mul3A_66] : memref<320000xi32, #tpu.memory_space<hbm>> -> memref<64xi32, #tpu.memory_space<hbm>>
        tpu.enqueue_dma source(%dma_start3A_73 : memref<64xi32, #tpu.memory_space<hbm>>) target(%arg5 : memref<64xi32, #tpu.memory_space<vmem>>) target_semaphore(%run_scoped3A : memref<!tpu.dma_semaphore, #tpu.memory_space<semaphore_mem>>)
        %dma_wait3A = tpu.memref_slice %arg3[%mul3A_66] : memref<320000xi32, #tpu.memory_space<hbm>> -> memref<64xi32, #tpu.memory_space<hbm>>
        %dma_wait3A_74 = tpu.memref_slice %arg3[%mul3A_66] : memref<320000xi32, #tpu.memory_space<hbm>> -> memref<64xi32, #tpu.memory_space<hbm>>
        tpu.wait_dma2 semaphore(%run_scoped3A : memref<!tpu.dma_semaphore, #tpu.memory_space<semaphore_mem>>) src(%dma_wait3A_74 : memref<64xi32, #tpu.memory_space<hbm>>) dst(%arg5 : memref<64xi32, #tpu.memory_space<vmem>>)
        tpu.yield
      }) : () -> ()
      "tpu.region"() ({
        %run_scoped3A = tpu.sem_alloc : memref<!tpu.dma_semaphore, #tpu.memory_space<semaphore_mem>>
        %dma_start3A = arith.constant 0 : i32
        %dma_start3A_73 = tpu.memref_slice %arg2[%mul3A_66, %dma_start3A] : memref<320000x16xf32, #tpu.memory_space<hbm>> -> memref<64x16xf32, #tpu.memory_space<hbm>>
        %dma_start3A_74 = arith.constant 0 : i32
        %dma_start3A_75 = tpu.memref_slice %arg2[%mul3A_66, %dma_start3A_74] : memref<320000x16xf32, #tpu.memory_space<hbm>> -> memref<64x16xf32, #tpu.memory_space<hbm>>
        tpu.enqueue_dma source(%dma_start3A_75 : memref<64x16xf32, #tpu.memory_space<hbm>>) target(%arg7 : memref<64x16xf32, #tpu.memory_space<vmem>>) target_semaphore(%run_scoped3A : memref<!tpu.dma_semaphore, #tpu.memory_space<semaphore_mem>>)
        %dma_wait3A = arith.constant 0 : i32
        %dma_wait3A_76 = tpu.memref_slice %arg2[%mul3A_66, %dma_wait3A] : memref<320000x16xf32, #tpu.memory_space<hbm>> -> memref<64x16xf32, #tpu.memory_space<hbm>>
        %dma_wait3A_77 = arith.constant 0 : i32
        %dma_wait3A_78 = tpu.memref_slice %arg2[%mul3A_66, %dma_wait3A_77] : memref<320000x16xf32, #tpu.memory_space<hbm>> -> memref<64x16xf32, #tpu.memory_space<hbm>>
        tpu.wait_dma2 semaphore(%run_scoped3A : memref<!tpu.dma_semaphore, #tpu.memory_space<semaphore_mem>>) src(%dma_wait3A_78 : memref<64x16xf32, #tpu.memory_space<hbm>>) dst(%arg7 : memref<64x16xf32, #tpu.memory_space<vmem>>)
        tpu.yield
      }) : () -> ()
      %scan3A_67 = arith.constant 0 : i32
      %scan3A_68 = arith.constant 0 : i32
      %scan3A_69 = arith.constant 64 : i32
      %scan3A_70 = arith.addi %scan3A_68, %scan3A_69 : i32
      %scan3A_71 = arith.constant 1 : i32
      scf.for %scan3A_73 = %scan3A_68 to %scan3A_70 step %scan3A_71  : i32 {
        %get3A = arith.index_cast %scan3A_73 : i32 to index
        %get3A_74 = arith.constant 0 : index
        %get3A_75 = tpu.vector_load %arg7[%get3A, %get3A_74] {strides = array<i32>} : memref<64x16xf32, #tpu.memory_space<vmem>>, vector<1x16xf32>,
        %get3A_76 = vector.shape_cast %get3A_75 : vector<1x16xf32> to vector<16xf32>
        %swap3A = arith.index_cast %scan3A_73 : i32 to index
        %swap3A_77 = arith.constant 0 : index
        %swap3A_78 = tpu.vector_load %arg8[%swap3A, %swap3A_77] {strides = array<i32>} : memref<64x128xf32, #tpu.memory_space<vmem>>, vector<1x16xf32>,
        %swap3A_79 = vector.shape_cast %swap3A_78 : vector<1x16xf32> to vector<16xf32>
        %swap3A_80 = vector.shape_cast %get3A_76 : vector<16xf32> to vector<1x16xf32>
        tpu.vector_store %arg8[%swap3A, %swap3A_77], %swap3A_80 {strides = array<i32>} : memref<64x128xf32, #tpu.memory_space<vmem>>, vector<1x16xf32>,
      }
      %scan3A_72 = arith.constant 64 : i32
      "tpu.region"() ({
        %run_scoped3A = tpu.sem_alloc : memref<!tpu.dma_semaphore, #tpu.memory_space<semaphore_mem>>
        %dma_start3A = arith.constant 0 : i32
        %dma_start3A_73 = arith.constant 0 : i32
        %dma_start3A_74 = tpu.memref_slice %arg9[%dma_start3A, %dma_start3A_73] : memref<10000x128xf32, #tpu.memory_space<vmem_shared>> -> memref<10000x128xf32, #tpu.memory_space<vmem_shared>>
        tpu.enqueue_indirect_dma source(%arg8 : memref<64x128xf32, #tpu.memory_space<vmem>>) target(%dma_start3A_74 : memref<10000x128xf32, #tpu.memory_space<vmem_shared>>) offsets(%arg5 : memref<64xi32, #tpu.memory_space<vmem>>) semaphore(%run_scoped3A : memref<!tpu.dma_semaphore, #tpu.memory_space<semaphore_mem>>) {add = true}
        %dma_wait3A = arith.constant 0 : i32
        %dma_wait3A_75 = arith.constant 0 : i32
        %dma_wait3A_76 = tpu.memref_slice %arg9[%dma_wait3A, %dma_wait3A_75] : memref<10000x128xf32, #tpu.memory_space<vmem_shared>> -> memref<10000x128xf32, #tpu.memory_space<vmem_shared>>
        tpu.wait_indirect_dma semaphore(%run_scoped3A : memref<!tpu.dma_semaphore, #tpu.memory_space<semaphore_mem>>) src(%arg8 : memref<64x128xf32, #tpu.memory_space<vmem>>) dst(%dma_wait3A_76 : memref<10000x128xf32, #tpu.memory_space<vmem_shared>>)
        tpu.yield
      }) : () -> ()
    }
    %while3A_44 = arith.constant 1 : i32
    scf.for %while3A_64 = %while3A_42 to %while3A_38 step %while3A_44  : i32 {
      %mul3A_65 = arith.constant 64 : i32
      %mul3A_66 = arith.muli %while3A_64, %mul3A_65 : i32
      "tpu.region"() ({
        %run_scoped3A = tpu.sem_alloc : memref<!tpu.dma_semaphore, #tpu.memory_space<semaphore_mem>>
        %dma_start3A = tpu.memref_slice %arg3[%mul3A_66] : memref<320000xi32, #tpu.memory_space<hbm>> -> memref<64xi32, #tpu.memory_space<hbm>>
        %dma_start3A_73 = tpu.memref_slice %arg3[%mul3A_66] : memref<320000xi32, #tpu.memory_space<hbm>> -> memref<64xi32, #tpu.memory_space<hbm>>
        tpu.enqueue_dma source(%dma_start3A_73 : memref<64xi32, #tpu.memory_space<hbm>>) target(%arg5 : memref<64xi32, #tpu.memory_space<vmem>>) target_semaphore(%run_scoped3A : memref<!tpu.dma_semaphore, #tpu.memory_space<semaphore_mem>>)
        %dma_wait3A = tpu.memref_slice %arg3[%mul3A_66] : memref<320000xi32, #tpu.memory_space<hbm>> -> memref<64xi32, #tpu.memory_space<hbm>>
        %dma_wait3A_74 = tpu.memref_slice %arg3[%mul3A_66] : memref<320000xi32, #tpu.memory_space<hbm>> -> memref<64xi32, #tpu.memory_space<hbm>>
        tpu.wait_dma2 semaphore(%run_scoped3A : memref<!tpu.dma_semaphore, #tpu.memory_space<semaphore_mem>>) src(%dma_wait3A_74 : memref<64xi32, #tpu.memory_space<hbm>>) dst(%arg5 : memref<64xi32, #tpu.memory_space<vmem>>)
        tpu.yield
      }) : () -> ()
      "tpu.region"() ({
        %run_scoped3A = tpu.sem_alloc : memref<!tpu.dma_semaphore, #tpu.memory_space<semaphore_mem>>
        %dma_start3A = arith.constant 0 : i32
        %dma_start3A_73 = tpu.memref_slice %arg2[%mul3A_66, %dma_start3A] : memref<320000x16xf32, #tpu.memory_space<hbm>> -> memref<64x16xf32, #tpu.memory_space<hbm>>
        %dma_start3A_74 = arith.constant 0 : i32
        %dma_start3A_75 = tpu.memref_slice %arg2[%mul3A_66, %dma_start3A_74] : memref<320000x16xf32, #tpu.memory_space<hbm>> -> memref<64x16xf32, #tpu.memory_space<hbm>>
        tpu.enqueue_dma source(%dma_start3A_75 : memref<64x16xf32, #tpu.memory_space<hbm>>) target(%arg7 : memref<64x16xf32, #tpu.memory_space<vmem>>) target_semaphore(%run_scoped3A : memref<!tpu.dma_semaphore, #tpu.memory_space<semaphore_mem>>)
        %dma_wait3A = arith.constant 0 : i32
        %dma_wait3A_76 = tpu.memref_slice %arg2[%mul3A_66, %dma_wait3A] : memref<320000x16xf32, #tpu.memory_space<hbm>> -> memref<64x16xf32, #tpu.memory_space<hbm>>
        %dma_wait3A_77 = arith.constant 0 : i32
        %dma_wait3A_78 = tpu.memref_slice %arg2[%mul3A_66, %dma_wait3A_77] : memref<320000x16xf32, #tpu.memory_space<hbm>> -> memref<64x16xf32, #tpu.memory_space<hbm>>
        tpu.wait_dma2 semaphore(%run_scoped3A : memref<!tpu.dma_semaphore, #tpu.memory_space<semaphore_mem>>) src(%dma_wait3A_78 : memref<64x16xf32, #tpu.memory_space<hbm>>) dst(%arg7 : memref<64x16xf32, #tpu.memory_space<vmem>>)
        tpu.yield
      }) : () -> ()
      %scan3A_67 = arith.constant 0 : i32
      %scan3A_68 = arith.constant 0 : i32
      %scan3A_69 = arith.constant 64 : i32
      %scan3A_70 = arith.addi %scan3A_68, %scan3A_69 : i32
      %scan3A_71 = arith.constant 1 : i32
      scf.for %scan3A_73 = %scan3A_68 to %scan3A_70 step %scan3A_71  : i32 {
        %get3A = arith.index_cast %scan3A_73 : i32 to index
        %get3A_74 = arith.constant 0 : index
        %get3A_75 = tpu.vector_load %arg7[%get3A, %get3A_74] {strides = array<i32>} : memref<64x16xf32, #tpu.memory_space<vmem>>, vector<1x16xf32>,
        %get3A_76 = vector.shape_cast %get3A_75 : vector<1x16xf32> to vector<16xf32>
        %swap3A = arith.index_cast %scan3A_73 : i32 to index
        %swap3A_77 = arith.constant 0 : index
        %swap3A_78 = tpu.vector_load %arg8[%swap3A, %swap3A_77] {strides = array<i32>} : memref<64x128xf32, #tpu.memory_space<vmem>>, vector<1x16xf32>,
        %swap3A_79 = vector.shape_cast %swap3A_78 : vector<1x16xf32> to vector<16xf32>
        %swap3A_80 = vector.shape_cast %get3A_76 : vector<16xf32> to vector<1x16xf32>
        tpu.vector_store %arg8[%swap3A, %swap3A_77], %swap3A_80 {strides = array<i32>} : memref<64x128xf32, #tpu.memory_space<vmem>>, vector<1x16xf32>,
      }
      %scan3A_72 = arith.constant 64 : i32
      "tpu.region"() ({
        %run_scoped3A = tpu.sem_alloc : memref<!tpu.dma_semaphore, #tpu.memory_space<semaphore_mem>>
        %dma_start3A = arith.constant 0 : i32
        %dma_start3A_73 = arith.constant 0 : i32
        %dma_start3A_74 = tpu.memref_slice %arg9[%dma_start3A, %dma_start3A_73] : memref<10000x128xf32, #tpu.memory_space<vmem_shared>> -> memref<10000x128xf32, #tpu.memory_space<vmem_shared>>
        tpu.enqueue_indirect_dma source(%arg8 : memref<64x128xf32, #tpu.memory_space<vmem>>) target(%dma_start3A_74 : memref<10000x128xf32, #tpu.memory_space<vmem_shared>>) offsets(%arg5 : memref<64xi32, #tpu.memory_space<vmem>>) semaphore(%run_scoped3A : memref<!tpu.dma_semaphore, #tpu.memory_space<semaphore_mem>>) {add = true}
        %dma_wait3A = arith.constant 0 : i32
        %dma_wait3A_75 = arith.constant 0 : i32
        %dma_wait3A_76 = tpu.memref_slice %arg9[%dma_wait3A, %dma_wait3A_75] : memref<10000x128xf32, #tpu.memory_space<vmem_shared>> -> memref<10000x128xf32, #tpu.memory_space<vmem_shared>>
        tpu.wait_indirect_dma semaphore(%run_scoped3A : memref<!tpu.dma_semaphore, #tpu.memory_space<semaphore_mem>>) src(%arg8 : memref<64x128xf32, #tpu.memory_space<vmem>>) dst(%dma_wait3A_76 : memref<10000x128xf32, #tpu.memory_space<vmem_shared>>)
        tpu.yield
      }) : () -> ()
    }
    %barrier3A_45 = arith.constant 0 : index
    tpu.barrier barrier_id(%barrier3A_45)
    %mul3A_46 = arith.constant 39 : i32
    %mul3A_47 = arith.muli %arg1, %mul3A_46 : i32
    %eq3A = arith.constant 15 : i32
    %eq3A_48 = arith.cmpi eq, %arg1, %eq3A : i32
    %jit3A_49 = arith.constant 1 : i32
    %jit3A_50 = arith.constant 0 : i32
    %select_n3A_51 = arith.select %eq3A_48, %jit3A_49, %jit3A_50 : i32
    %add3A_52 = arith.constant 39 : i32
    %add3A_53 = arith.addi %add3A_52, %select_n3A_51 : i32
    %add3A_54 = arith.addi %mul3A_47, %add3A_53 : i32
    %while3A_55 = arith.constant 0 : i32
    %while3A_56 = arith.subi %add3A_54, %mul3A_47 : i32
    %while3A_57 = arith.addi %mul3A_47, %while3A_56 : i32
    %while3A_58 = arith.constant 1 : i32
    %while3A_59 = arith.divsi %while3A_56, %while3A_58 : i32
    %while3A_60 = arith.muli %while3A_59, %while3A_58 : i32
    %while3A_61 = arith.addi %mul3A_47, %while3A_60 : i32
    %while3A_62 = arith.constant 1 : i32
    scf.for %while3A_64 = %mul3A_47 to %while3A_61 step %while3A_62  : i32 {
      %mul3A_65 = arith.constant 16 : i32
      %mul3A_66 = arith.muli %while3A_64, %mul3A_65 : i32
      %add3A_67 = vector.broadcast %mul3A_66 : i32 to vector<16xi32>
      %add3A_68 = arith.addi %iota3A, %add3A_67 : vector<16xi32>
      %swap3A = arith.constant 0 : index
      %swap3A_69 = tpu.vector_load %arg6[%swap3A] {strides = array<i32>} : memref<16xi32, #tpu.memory_space<vmem>>, vector<16xi32>,
      %swap3A_70 = vector.shape_cast %swap3A_69 : vector<16xi32> to vector<16xi32>
      %swap3A_71 = vector.shape_cast %add3A_68 : vector<16xi32> to vector<16xi32>
      tpu.vector_store %arg6[%swap3A], %swap3A_71 {strides = array<i32>} : memref<16xi32, #tpu.memory_space<vmem>>, vector<16xi32>,
      %dma_start3A = arith.constant 0 : i32
      %dma_start3A_72 = arith.constant 0 : i32
      %dma_start3A_73 = tpu.memref_slice %arg8[%dma_start3A, %dma_start3A_72] : memref<64x128xf32, #tpu.memory_space<vmem>> -> memref<16x128xf32, #tpu.memory_space<vmem>>
      %dma_start3A_74 = arith.constant 0 : i32
      %dma_start3A_75 = arith.constant 0 : i32
      %dma_start3A_76 = tpu.memref_slice %arg9[%dma_start3A_74, %dma_start3A_75] : memref<10000x128xf32, #tpu.memory_space<vmem_shared>> -> memref<10000x128xf32, #tpu.memory_space<vmem_shared>>
      tpu.enqueue_indirect_dma source(%dma_start3A_76 : memref<10000x128xf32, #tpu.memory_space<vmem_shared>>) target(%dma_start3A_73 : memref<16x128xf32, #tpu.memory_space<vmem>>) offsets(%arg6 : memref<16xi32, #tpu.memory_space<vmem>>) semaphore(%arg10 : memref<!tpu.dma_semaphore, #tpu.memory_space<semaphore_mem>>)
      %dma_wait3A = arith.constant 0 : i32
      %dma_wait3A_77 = arith.constant 0 : i32
      %dma_wait3A_78 = tpu.memref_slice %arg8[%dma_wait3A, %dma_wait3A_77] : memref<64x128xf32, #tpu.memory_space<vmem>> -> memref<16x128xf32, #tpu.memory_space<vmem>>
      %dma_wait3A_79 = arith.constant 0 : i32
      %dma_wait3A_80 = arith.constant 0 : i32
      %dma_wait3A_81 = tpu.memref_slice %arg9[%dma_wait3A_79, %dma_wait3A_80] : memref<10000x128xf32, #tpu.memory_space<vmem_shared>> -> memref<10000x128xf32, #tpu.memory_space<vmem_shared>>
      tpu.wait_indirect_dma semaphore(%arg10 : memref<!tpu.dma_semaphore, #tpu.memory_space<semaphore_mem>>) src(%dma_wait3A_81 : memref<10000x128xf32, #tpu.memory_space<vmem_shared>>) dst(%dma_wait3A_78 : memref<16x128xf32, #tpu.memory_space<vmem>>)
      %mul3A_82 = arith.constant 10000 : i32
      %mul3A_83 = arith.muli %arg0, %mul3A_82 : i32
      %mul3A_84 = arith.constant 16 : i32
      %mul3A_85 = arith.muli %while3A_64, %mul3A_84 : i32
      %add3A_86 = arith.addi %mul3A_83, %mul3A_85 : i32
      "tpu.region"() ({
        %run_scoped3A = tpu.sem_alloc : memref<!tpu.dma_semaphore, #tpu.memory_space<semaphore_mem>>
        %dma_start3A_87 = arith.constant 0 : i32
        %dma_start3A_88 = arith.constant 0 : i32
        %dma_start3A_89 = tpu.memref_slice %arg8[%dma_start3A_87, %dma_start3A_88] : memref<64x128xf32, #tpu.memory_space<vmem>> -> memref<16x128xf32, #tpu.memory_space<vmem>>
        %dma_start3A_90 = arith.constant 0 : i32
        %dma_start3A_91 = tpu.memref_slice %arg4[%add3A_86, %dma_start3A_90] : memref<20000x128xf32, #tpu.memory_space<hbm>> -> memref<16x128xf32, #tpu.memory_space<hbm>>
        %dma_start3A_92 = arith.constant 0 : i32
        %dma_start3A_93 = tpu.memref_slice %arg4[%add3A_86, %dma_start3A_92] : memref<20000x128xf32, #tpu.memory_space<hbm>> -> memref<16x128xf32, #tpu.memory_space<hbm>>
        %dma_start3A_94 = arith.constant 0 : i32
        %dma_start3A_95 = arith.constant 0 : i32
        %dma_start3A_96 = tpu.memref_slice %arg8[%dma_start3A_94, %dma_start3A_95] : memref<64x128xf32, #tpu.memory_space<vmem>> -> memref<16x128xf32, #tpu.memory_space<vmem>>
        tpu.enqueue_dma source(%dma_start3A_96 : memref<16x128xf32, #tpu.memory_space<vmem>>) target(%dma_start3A_93 : memref<16x128xf32, #tpu.memory_space<hbm>>) target_semaphore(%run_scoped3A : memref<!tpu.dma_semaphore, #tpu.memory_space<semaphore_mem>>)
        %dma_wait3A_97 = arith.constant 0 : i32
        %dma_wait3A_98 = arith.constant 0 : i32
        %dma_wait3A_99 = tpu.memref_slice %arg8[%dma_wait3A_97, %dma_wait3A_98] : memref<64x128xf32, #tpu.memory_space<vmem>> -> memref<16x128xf32, #tpu.memory_space<vmem>>
        %dma_wait3A_100 = arith.constant 0 : i32
        %dma_wait3A_101 = tpu.memref_slice %arg4[%add3A_86, %dma_wait3A_100] : memref<20000x128xf32, #tpu.memory_space<hbm>> -> memref<16x128xf32, #tpu.memory_space<hbm>>
        %dma_wait3A_102 = arith.constant 0 : i32
        %dma_wait3A_103 = tpu.memref_slice %arg4[%add3A_86, %dma_wait3A_102] : memref<20000x128xf32, #tpu.memory_space<hbm>> -> memref<16x128xf32, #tpu.memory_space<hbm>>
        %dma_wait3A_104 = arith.constant 0 : i32
        %dma_wait3A_105 = arith.constant 0 : i32
        %dma_wait3A_106 = tpu.memref_slice %arg8[%dma_wait3A_104, %dma_wait3A_105] : memref<64x128xf32, #tpu.memory_space<vmem>> -> memref<16x128xf32, #tpu.memory_space<vmem>>
        tpu.wait_dma2 semaphore(%run_scoped3A : memref<!tpu.dma_semaphore, #tpu.memory_space<semaphore_mem>>) src(%dma_wait3A_106 : memref<16x128xf32, #tpu.memory_space<vmem>>) dst(%dma_wait3A_103 : memref<16x128xf32, #tpu.memory_space<hbm>>)
        tpu.yield
      }) : () -> ()
    }
    %while3A_63 = arith.constant 1 : i32
    scf.for %while3A_64 = %while3A_61 to %while3A_57 step %while3A_63  : i32 {
      %mul3A_65 = arith.constant 16 : i32
      %mul3A_66 = arith.muli %while3A_64, %mul3A_65 : i32
      %add3A_67 = vector.broadcast %mul3A_66 : i32 to vector<16xi32>
      %add3A_68 = arith.addi %iota3A, %add3A_67 : vector<16xi32>
      %swap3A = arith.constant 0 : index
      %swap3A_69 = tpu.vector_load %arg6[%swap3A] {strides = array<i32>} : memref<16xi32, #tpu.memory_space<vmem>>, vector<16xi32>,
      %swap3A_70 = vector.shape_cast %swap3A_69 : vector<16xi32> to vector<16xi32>
      %swap3A_71 = vector.shape_cast %add3A_68 : vector<16xi32> to vector<16xi32>
      tpu.vector_store %arg6[%swap3A], %swap3A_71 {strides = array<i32>} : memref<16xi32, #tpu.memory_space<vmem>>, vector<16xi32>,
      %dma_start3A = arith.constant 0 : i32
      %dma_start3A_72 = arith.constant 0 : i32
      %dma_start3A_73 = tpu.memref_slice %arg8[%dma_start3A, %dma_start3A_72] : memref<64x128xf32, #tpu.memory_space<vmem>> -> memref<16x128xf32, #tpu.memory_space<vmem>>
      %dma_start3A_74 = arith.constant 0 : i32
      %dma_start3A_75 = arith.constant 0 : i32
      %dma_start3A_76 = tpu.memref_slice %arg9[%dma_start3A_74, %dma_start3A_75] : memref<10000x128xf32, #tpu.memory_space<vmem_shared>> -> memref<10000x128xf32, #tpu.memory_space<vmem_shared>>
      tpu.enqueue_indirect_dma source(%dma_start3A_76 : memref<10000x128xf32, #tpu.memory_space<vmem_shared>>) target(%dma_start3A_73 : memref<16x128xf32, #tpu.memory_space<vmem>>) offsets(%arg6 : memref<16xi32, #tpu.memory_space<vmem>>) semaphore(%arg10 : memref<!tpu.dma_semaphore, #tpu.memory_space<semaphore_mem>>)
      %dma_wait3A = arith.constant 0 : i32
      %dma_wait3A_77 = arith.constant 0 : i32
      %dma_wait3A_78 = tpu.memref_slice %arg8[%dma_wait3A, %dma_wait3A_77] : memref<64x128xf32, #tpu.memory_space<vmem>> -> memref<16x128xf32, #tpu.memory_space<vmem>>
      %dma_wait3A_79 = arith.constant 0 : i32
      %dma_wait3A_80 = arith.constant 0 : i32
      %dma_wait3A_81 = tpu.memref_slice %arg9[%dma_wait3A_79, %dma_wait3A_80] : memref<10000x128xf32, #tpu.memory_space<vmem_shared>> -> memref<10000x128xf32, #tpu.memory_space<vmem_shared>>
      tpu.wait_indirect_dma semaphore(%arg10 : memref<!tpu.dma_semaphore, #tpu.memory_space<semaphore_mem>>) src(%dma_wait3A_81 : memref<10000x128xf32, #tpu.memory_space<vmem_shared>>) dst(%dma_wait3A_78 : memref<16x128xf32, #tpu.memory_space<vmem>>)
      %mul3A_82 = arith.constant 10000 : i32
      %mul3A_83 = arith.muli %arg0, %mul3A_82 : i32
      %mul3A_84 = arith.constant 16 : i32
      %mul3A_85 = arith.muli %while3A_64, %mul3A_84 : i32
      %add3A_86 = arith.addi %mul3A_83, %mul3A_85 : i32
      "tpu.region"() ({
        %run_scoped3A = tpu.sem_alloc : memref<!tpu.dma_semaphore, #tpu.memory_space<semaphore_mem>>
        %dma_start3A_87 = arith.constant 0 : i32
        %dma_start3A_88 = arith.constant 0 : i32
        %dma_start3A_89 = tpu.memref_slice %arg8[%dma_start3A_87, %dma_start3A_88] : memref<64x128xf32, #tpu.memory_space<vmem>> -> memref<16x128xf32, #tpu.memory_space<vmem>>
        %dma_start3A_90 = arith.constant 0 : i32
        %dma_start3A_91 = tpu.memref_slice %arg4[%add3A_86, %dma_start3A_90] : memref<20000x128xf32, #tpu.memory_space<hbm>> -> memref<16x128xf32, #tpu.memory_space<hbm>>
        %dma_start3A_92 = arith.constant 0 : i32
        %dma_start3A_93 = tpu.memref_slice %arg4[%add3A_86, %dma_start3A_92] : memref<20000x128xf32, #tpu.memory_space<hbm>> -> memref<16x128xf32, #tpu.memory_space<hbm>>
        %dma_start3A_94 = arith.constant 0 : i32
        %dma_start3A_95 = arith.constant 0 : i32
        %dma_start3A_96 = tpu.memref_slice %arg8[%dma_start3A_94, %dma_start3A_95] : memref<64x128xf32, #tpu.memory_space<vmem>> -> memref<16x128xf32, #tpu.memory_space<vmem>>
        tpu.enqueue_dma source(%dma_start3A_96 : memref<16x128xf32, #tpu.memory_space<vmem>>) target(%dma_start3A_93 : memref<16x128xf32, #tpu.memory_space<hbm>>) target_semaphore(%run_scoped3A : memref<!tpu.dma_semaphore, #tpu.memory_space<semaphore_mem>>)
        %dma_wait3A_97 = arith.constant 0 : i32
        %dma_wait3A_98 = arith.constant 0 : i32
        %dma_wait3A_99 = tpu.memref_slice %arg8[%dma_wait3A_97, %dma_wait3A_98] : memref<64x128xf32, #tpu.memory_space<vmem>> -> memref<16x128xf32, #tpu.memory_space<vmem>>
        %dma_wait3A_100 = arith.constant 0 : i32
        %dma_wait3A_101 = tpu.memref_slice %arg4[%add3A_86, %dma_wait3A_100] : memref<20000x128xf32, #tpu.memory_space<hbm>> -> memref<16x128xf32, #tpu.memory_space<hbm>>
        %dma_wait3A_102 = arith.constant 0 : i32
        %dma_wait3A_103 = tpu.memref_slice %arg4[%add3A_86, %dma_wait3A_102] : memref<20000x128xf32, #tpu.memory_space<hbm>> -> memref<16x128xf32, #tpu.memory_space<hbm>>
        %dma_wait3A_104 = arith.constant 0 : i32
        %dma_wait3A_105 = arith.constant 0 : i32
        %dma_wait3A_106 = tpu.memref_slice %arg8[%dma_wait3A_104, %dma_wait3A_105] : memref<64x128xf32, #tpu.memory_space<vmem>> -> memref<16x128xf32, #tpu.memory_space<vmem>>
        tpu.wait_dma2 semaphore(%run_scoped3A : memref<!tpu.dma_semaphore, #tpu.memory_space<semaphore_mem>>) src(%dma_wait3A_106 : memref<16x128xf32, #tpu.memory_space<vmem>>) dst(%dma_wait3A_103 : memref<16x128xf32, #tpu.memory_space<hbm>>)
        tpu.yield
      }) : () -> ()
    }
    return
  }
}

#map = affine_map<(d0, d1) -> (0, 0)>
#map1 = affine_map<(d0, d1) -> (0)>
module attributes {stable_mosaic.version = 14 : i64} {
  func.func @_sc_logits_body(%arg0: i32, %arg1: i32, %arg2: memref<10000x128xf32, #tpu.memory_space<hbm>>, %arg3: memref<10000x128xf32, #tpu.memory_space<hbm>>, %arg4: memref<320000x128xf32, #tpu.memory_space<hbm>>, %arg5: memref<320000xi32, #tpu.memory_space<hbm>>, %arg6: memref<320000xi32, #tpu.memory_space<hbm>>, %arg7: memref<2560000xf32, #tpu.memory_space<hbm>>, %arg8: memref<128xi32, #tpu.memory_space<vmem>>, %arg9: memref<128xi32, #tpu.memory_space<vmem>>, %arg10: memref<128x128xf32, #tpu.memory_space<vmem>>, %arg11: memref<128x128xf32, #tpu.memory_space<vmem>>, %arg12: memref<128x128xf32, #tpu.memory_space<vmem>>, %arg13: memref<1024xf32, #tpu.memory_space<vmem>>, %arg14: memref<!tpu.dma_semaphore, #tpu.memory_space<semaphore_mem>>, %arg15: memref<!tpu.dma_semaphore, #tpu.memory_space<semaphore_mem>>) attributes {dimension_semantics = [#tpu.dimension_semantics<core_parallel>, #tpu.dimension_semantics<subcore_parallel>], iteration_bounds = array<i64: 2, 16>, scalar_prefetch = 0 : i64, scratch_operands = 8 : i64, tpu.core_type = #tpu.core_type<sc_vector_subcore>, window_params = [{transform_indices = #map}, {transform_indices = #map}, {transform_indices = #map}, {transform_indices = #map1}, {transform_indices = #map1}, {transform_indices = #map1}]} {
    %mul3A = arith.constant 16 : i32
    %mul3A_0 = arith.muli %arg0, %mul3A : i32
    %add3A = arith.addi %mul3A_0, %arg1 : i32
    %mul3A_1 = arith.constant 78 : i32
    %mul3A_2 = arith.muli %add3A, %mul3A_1 : i32
    %min3A = arith.constant 4 : i32
    %min3A_3 = arith.minsi %add3A, %min3A : i32
    %add3A_4 = arith.addi %mul3A_2, %min3A_3 : i32
    %lt3A = arith.constant 4 : i32
    %lt3A_5 = arith.cmpi slt, %add3A, %lt3A : i32
    %jit3A = arith.constant 1 : i32
    %jit3A_6 = arith.constant 0 : i32
    %select_n3A = arith.select %lt3A_5, %jit3A, %jit3A_6 : i32
    %add3A_7 = arith.constant 78 : i32
    %add3A_8 = arith.addi %add3A_7, %select_n3A : i32
    %iota3A = tpu.iota {dimensions = array<i32: 0>} : vector<16xi32>
    %add3A_9 = arith.addi %add3A_4, %add3A_8 : i32
    %while3A = arith.constant 0 : i32
    %while3A_10 = arith.subi %add3A_9, %add3A_4 : i32
    %while3A_11 = arith.addi %add3A_4, %while3A_10 : i32
    %while3A_12 = arith.constant 1 : i32
    %while3A_13 = arith.divsi %while3A_10, %while3A_12 : i32
    %while3A_14 = arith.muli %while3A_13, %while3A_12 : i32
    %while3A_15 = arith.addi %add3A_4, %while3A_14 : i32
    %while3A_16 = arith.constant 1 : i32
    scf.for %while3A_18 = %add3A_4 to %while3A_15 step %while3A_16  : i32 {
      %mul3A_19 = arith.constant 128 : i32
      %mul3A_20 = arith.muli %while3A_18, %mul3A_19 : i32
      "tpu.region"() ({
        %run_scoped3A = tpu.sem_alloc : memref<!tpu.dma_semaphore, #tpu.memory_space<semaphore_mem>>
        %dma_start3A_38 = tpu.memref_slice %arg5[%mul3A_20] : memref<320000xi32, #tpu.memory_space<hbm>> -> memref<128xi32, #tpu.memory_space<hbm>>
        %dma_start3A_39 = tpu.memref_slice %arg5[%mul3A_20] : memref<320000xi32, #tpu.memory_space<hbm>> -> memref<128xi32, #tpu.memory_space<hbm>>
        tpu.enqueue_dma source(%dma_start3A_39 : memref<128xi32, #tpu.memory_space<hbm>>) target(%arg8 : memref<128xi32, #tpu.memory_space<vmem>>) target_semaphore(%run_scoped3A : memref<!tpu.dma_semaphore, #tpu.memory_space<semaphore_mem>>)
        %dma_wait3A_40 = tpu.memref_slice %arg5[%mul3A_20] : memref<320000xi32, #tpu.memory_space<hbm>> -> memref<128xi32, #tpu.memory_space<hbm>>
        %dma_wait3A_41 = tpu.memref_slice %arg5[%mul3A_20] : memref<320000xi32, #tpu.memory_space<hbm>> -> memref<128xi32, #tpu.memory_space<hbm>>
        tpu.wait_dma2 semaphore(%run_scoped3A : memref<!tpu.dma_semaphore, #tpu.memory_space<semaphore_mem>>) src(%dma_wait3A_41 : memref<128xi32, #tpu.memory_space<hbm>>) dst(%arg8 : memref<128xi32, #tpu.memory_space<vmem>>)
        tpu.yield
      }) : () -> ()
      "tpu.region"() ({
        %run_scoped3A = tpu.sem_alloc : memref<!tpu.dma_semaphore, #tpu.memory_space<semaphore_mem>>
        %dma_start3A_38 = tpu.memref_slice %arg6[%mul3A_20] : memref<320000xi32, #tpu.memory_space<hbm>> -> memref<128xi32, #tpu.memory_space<hbm>>
        %dma_start3A_39 = tpu.memref_slice %arg6[%mul3A_20] : memref<320000xi32, #tpu.memory_space<hbm>> -> memref<128xi32, #tpu.memory_space<hbm>>
        tpu.enqueue_dma source(%dma_start3A_39 : memref<128xi32, #tpu.memory_space<hbm>>) target(%arg9 : memref<128xi32, #tpu.memory_space<vmem>>) target_semaphore(%run_scoped3A : memref<!tpu.dma_semaphore, #tpu.memory_space<semaphore_mem>>)
        %dma_wait3A_40 = tpu.memref_slice %arg6[%mul3A_20] : memref<320000xi32, #tpu.memory_space<hbm>> -> memref<128xi32, #tpu.memory_space<hbm>>
        %dma_wait3A_41 = tpu.memref_slice %arg6[%mul3A_20] : memref<320000xi32, #tpu.memory_space<hbm>> -> memref<128xi32, #tpu.memory_space<hbm>>
        tpu.wait_dma2 semaphore(%run_scoped3A : memref<!tpu.dma_semaphore, #tpu.memory_space<semaphore_mem>>) src(%dma_wait3A_41 : memref<128xi32, #tpu.memory_space<hbm>>) dst(%arg9 : memref<128xi32, #tpu.memory_space<vmem>>)
        tpu.yield
      }) : () -> ()
      %dma_start3A = arith.constant 0 : i32
      %dma_start3A_21 = arith.constant 0 : i32
      %dma_start3A_22 = tpu.memref_slice %arg2[%dma_start3A, %dma_start3A_21] : memref<10000x128xf32, #tpu.memory_space<hbm>> -> memref<10000x128xf32, #tpu.memory_space<hbm>>
      tpu.enqueue_indirect_dma source(%dma_start3A_22 : memref<10000x128xf32, #tpu.memory_space<hbm>>) target(%arg10 : memref<128x128xf32, #tpu.memory_space<vmem>>) offsets(%arg8 : memref<128xi32, #tpu.memory_space<vmem>>) semaphore(%arg14 : memref<!tpu.dma_semaphore, #tpu.memory_space<semaphore_mem>>)
      %dma_start3A_23 = arith.constant 0 : i32
      %dma_start3A_24 = arith.constant 0 : i32
      %dma_start3A_25 = tpu.memref_slice %arg3[%dma_start3A_23, %dma_start3A_24] : memref<10000x128xf32, #tpu.memory_space<hbm>> -> memref<10000x128xf32, #tpu.memory_space<hbm>>
      tpu.enqueue_indirect_dma source(%dma_start3A_25 : memref<10000x128xf32, #tpu.memory_space<hbm>>) target(%arg11 : memref<128x128xf32, #tpu.memory_space<vmem>>) offsets(%arg9 : memref<128xi32, #tpu.memory_space<vmem>>) semaphore(%arg15 : memref<!tpu.dma_semaphore, #tpu.memory_space<semaphore_mem>>)
      "tpu.region"() ({
        %run_scoped3A = tpu.sem_alloc : memref<!tpu.dma_semaphore, #tpu.memory_space<semaphore_mem>>
        %dma_start3A_38 = arith.constant 0 : i32
        %dma_start3A_39 = tpu.memref_slice %arg4[%mul3A_20, %dma_start3A_38] : memref<320000x128xf32, #tpu.memory_space<hbm>> -> memref<128x128xf32, #tpu.memory_space<hbm>>
        %dma_start3A_40 = arith.constant 0 : i32
        %dma_start3A_41 = tpu.memref_slice %arg4[%mul3A_20, %dma_start3A_40] : memref<320000x128xf32, #tpu.memory_space<hbm>> -> memref<128x128xf32, #tpu.memory_space<hbm>>
        tpu.enqueue_dma source(%dma_start3A_41 : memref<128x128xf32, #tpu.memory_space<hbm>>) target(%arg12 : memref<128x128xf32, #tpu.memory_space<vmem>>) target_semaphore(%run_scoped3A : memref<!tpu.dma_semaphore, #tpu.memory_space<semaphore_mem>>)
        %dma_wait3A_42 = arith.constant 0 : i32
        %dma_wait3A_43 = tpu.memref_slice %arg4[%mul3A_20, %dma_wait3A_42] : memref<320000x128xf32, #tpu.memory_space<hbm>> -> memref<128x128xf32, #tpu.memory_space<hbm>>
        %dma_wait3A_44 = arith.constant 0 : i32
        %dma_wait3A_45 = tpu.memref_slice %arg4[%mul3A_20, %dma_wait3A_44] : memref<320000x128xf32, #tpu.memory_space<hbm>> -> memref<128x128xf32, #tpu.memory_space<hbm>>
        tpu.wait_dma2 semaphore(%run_scoped3A : memref<!tpu.dma_semaphore, #tpu.memory_space<semaphore_mem>>) src(%dma_wait3A_45 : memref<128x128xf32, #tpu.memory_space<hbm>>) dst(%arg12 : memref<128x128xf32, #tpu.memory_space<vmem>>)
        tpu.yield
      }) : () -> ()
      %dma_wait3A = arith.constant 0 : i32
      %dma_wait3A_26 = arith.constant 0 : i32
      %dma_wait3A_27 = tpu.memref_slice %arg2[%dma_wait3A, %dma_wait3A_26] : memref<10000x128xf32, #tpu.memory_space<hbm>> -> memref<10000x128xf32, #tpu.memory_space<hbm>>
      tpu.wait_indirect_dma semaphore(%arg14 : memref<!tpu.dma_semaphore, #tpu.memory_space<semaphore_mem>>) src(%dma_wait3A_27 : memref<10000x128xf32, #tpu.memory_space<hbm>>) dst(%arg10 : memref<128x128xf32, #tpu.memory_space<vmem>>)
      %dma_wait3A_28 = arith.constant 0 : i32
      %dma_wait3A_29 = arith.constant 0 : i32
      %dma_wait3A_30 = tpu.memref_slice %arg3[%dma_wait3A_28, %dma_wait3A_29] : memref<10000x128xf32, #tpu.memory_space<hbm>> -> memref<10000x128xf32, #tpu.memory_space<hbm>>
      tpu.wait_indirect_dma semaphore(%arg15 : memref<!tpu.dma_semaphore, #tpu.memory_space<semaphore_mem>>) src(%dma_wait3A_30 : memref<10000x128xf32, #tpu.memory_space<hbm>>) dst(%arg11 : memref<128x128xf32, #tpu.memory_space<vmem>>)
      %scan3A = arith.constant 0 : i32
      %scan3A_31 = arith.constant 0 : i32
      %scan3A_32 = arith.constant 64 : i32
      %scan3A_33 = arith.addi %scan3A_31, %scan3A_32 : i32
      %scan3A_34 = arith.constant 1 : i32
      scf.for %scan3A_38 = %scan3A_31 to %scan3A_33 step %scan3A_34  : i32 {
        %broadcast_in_dim3A = arith.constant 0.000000e+00 : f32
        %broadcast_in_dim3A_39 = vector.broadcast %broadcast_in_dim3A : f32 to vector<16xf32>
        %mul3A_40 = arith.constant 2 : i32
        %mul3A_41 = arith.muli %scan3A_38, %mul3A_40 : i32
        %add3A_42 = arith.constant 0 : i32
        %add3A_43 = arith.addi %mul3A_41, %add3A_42 : i32
        %get3A = arith.index_cast %add3A_43 : i32 to index
        %get3A_44 = arith.constant 0 : index
        %get3A_45 = tpu.vector_load %arg10[%get3A, %get3A_44] {strides = array<i32>} : memref<128x128xf32, #tpu.memory_space<vmem>>, vector<1x16xf32>,
        %get3A_46 = vector.shape_cast %get3A_45 : vector<1x16xf32> to vector<16xf32>
        %get3A_47 = arith.index_cast %add3A_43 : i32 to index
        %get3A_48 = arith.constant 0 : index
        %get3A_49 = tpu.vector_load %arg11[%get3A_47, %get3A_48] {strides = array<i32>} : memref<128x128xf32, #tpu.memory_space<vmem>>, vector<1x16xf32>,
        %get3A_50 = vector.shape_cast %get3A_49 : vector<1x16xf32> to vector<16xf32>
        %get3A_51 = arith.index_cast %add3A_43 : i32 to index
        %get3A_52 = arith.constant 0 : index
        %get3A_53 = tpu.vector_load %arg12[%get3A_51, %get3A_52] {strides = array<i32>} : memref<128x128xf32, #tpu.memory_space<vmem>>, vector<1x16xf32>,
        %get3A_54 = vector.shape_cast %get3A_53 : vector<1x16xf32> to vector<16xf32>
        %add3A_55 = arith.addf %get3A_50, %get3A_54 : vector<16xf32>
        %mul3A_56 = arith.mulf %get3A_46, %add3A_55 : vector<16xf32>
        %xor3A = arith.constant 8 : i32
        %xor3A_57 = vector.broadcast %xor3A : i32 to vector<16xi32>
        %xor3A_58 = arith.xori %iota3A, %xor3A_57 : vector<16xi32>
        %reshape3A = vector.shape_cast %xor3A_58 : vector<16xi32> to vector<16x1xi32>
        %gather3A = vector.shape_cast %reshape3A : vector<16x1xi32> to vector<16xi32>
        %gather3A_59 = tpu.dynamic_gather %mul3A_56[%gather3A] in [0] : vector<16xf32>, vector<16xi32> -> vector<16xf32>
        %add3A_60 = arith.addf %mul3A_56, %gather3A_59 : vector<16xf32>
        %xor3A_61 = arith.constant 4 : i32
        %xor3A_62 = vector.broadcast %xor3A_61 : i32 to vector<16xi32>
        %xor3A_63 = arith.xori %iota3A, %xor3A_62 : vector<16xi32>
        %reshape3A_64 = vector.shape_cast %xor3A_63 : vector<16xi32> to vector<16x1xi32>
        %gather3A_65 = vector.shape_cast %reshape3A_64 : vector<16x1xi32> to vector<16xi32>
        %gather3A_66 = tpu.dynamic_gather %add3A_60[%gather3A_65] in [0] : vector<16xf32>, vector<16xi32> -> vector<16xf32>
        %add3A_67 = arith.addf %add3A_60, %gather3A_66 : vector<16xf32>
        %xor3A_68 = arith.constant 2 : i32
        %xor3A_69 = vector.broadcast %xor3A_68 : i32 to vector<16xi32>
        %xor3A_70 = arith.xori %iota3A, %xor3A_69 : vector<16xi32>
        %reshape3A_71 = vector.shape_cast %xor3A_70 : vector<16xi32> to vector<16x1xi32>
        %gather3A_72 = vector.shape_cast %reshape3A_71 : vector<16x1xi32> to vector<16xi32>
        %gather3A_73 = tpu.dynamic_gather %add3A_67[%gather3A_72] in [0] : vector<16xf32>, vector<16xi32> -> vector<16xf32>
        %add3A_74 = arith.addf %add3A_67, %gather3A_73 : vector<16xf32>
        %xor3A_75 = arith.constant 1 : i32
        %xor3A_76 = vector.broadcast %xor3A_75 : i32 to vector<16xi32>
        %xor3A_77 = arith.xori %iota3A, %xor3A_76 : vector<16xi32>
        %reshape3A_78 = vector.shape_cast %xor3A_77 : vector<16xi32> to vector<16x1xi32>
        %gather3A_79 = vector.shape_cast %reshape3A_78 : vector<16x1xi32> to vector<16xi32>
        %gather3A_80 = tpu.dynamic_gather %add3A_74[%gather3A_79] in [0] : vector<16xf32>, vector<16xi32> -> vector<16xf32>
        %add3A_81 = arith.addf %add3A_74, %gather3A_80 : vector<16xf32>
        %eq3A = arith.constant 0 : i32
        %eq3A_82 = vector.broadcast %eq3A : i32 to vector<16xi32>
        %eq3A_83 = arith.cmpi eq, %iota3A, %eq3A_82 : vector<16xi32>
        %select_n3A_84 = arith.select %eq3A_83, %add3A_81, %broadcast_in_dim3A_39 : vector<16xi1>, vector<16xf32>
        %get3A_85 = arith.index_cast %add3A_43 : i32 to index
        %get3A_86 = arith.constant 16 : index
        %get3A_87 = tpu.vector_load %arg10[%get3A_85, %get3A_86] {strides = array<i32>} : memref<128x128xf32, #tpu.memory_space<vmem>>, vector<1x16xf32>,
        %get3A_88 = vector.shape_cast %get3A_87 : vector<1x16xf32> to vector<16xf32>
        %get3A_89 = arith.index_cast %add3A_43 : i32 to index
        %get3A_90 = arith.constant 16 : index
        %get3A_91 = tpu.vector_load %arg11[%get3A_89, %get3A_90] {strides = array<i32>} : memref<128x128xf32, #tpu.memory_space<vmem>>, vector<1x16xf32>,
        %get3A_92 = vector.shape_cast %get3A_91 : vector<1x16xf32> to vector<16xf32>
        %get3A_93 = arith.index_cast %add3A_43 : i32 to index
        %get3A_94 = arith.constant 16 : index
        %get3A_95 = tpu.vector_load %arg12[%get3A_93, %get3A_94] {strides = array<i32>} : memref<128x128xf32, #tpu.memory_space<vmem>>, vector<1x16xf32>,
        %get3A_96 = vector.shape_cast %get3A_95 : vector<1x16xf32> to vector<16xf32>
        %add3A_97 = arith.addf %get3A_92, %get3A_96 : vector<16xf32>
        %mul3A_98 = arith.mulf %get3A_88, %add3A_97 : vector<16xf32>
        %xor3A_99 = arith.constant 8 : i32
        %xor3A_100 = vector.broadcast %xor3A_99 : i32 to vector<16xi32>
        %xor3A_101 = arith.xori %iota3A, %xor3A_100 : vector<16xi32>
        %reshape3A_102 = vector.shape_cast %xor3A_101 : vector<16xi32> to vector<16x1xi32>
        %gather3A_103 = vector.shape_cast %reshape3A_102 : vector<16x1xi32> to vector<16xi32>
        %gather3A_104 = tpu.dynamic_gather %mul3A_98[%gather3A_103] in [0] : vector<16xf32>, vector<16xi32> -> vector<16xf32>
        %add3A_105 = arith.addf %mul3A_98, %gather3A_104 : vector<16xf32>
        %xor3A_106 = arith.constant 4 : i32
        %xor3A_107 = vector.broadcast %xor3A_106 : i32 to vector<16xi32>
        %xor3A_108 = arith.xori %iota3A, %xor3A_107 : vector<16xi32>
        %reshape3A_109 = vector.shape_cast %xor3A_108 : vector<16xi32> to vector<16x1xi32>
        %gather3A_110 = vector.shape_cast %reshape3A_109 : vector<16x1xi32> to vector<16xi32>
        %gather3A_111 = tpu.dynamic_gather %add3A_105[%gather3A_110] in [0] : vector<16xf32>, vector<16xi32> -> vector<16xf32>
        %add3A_112 = arith.addf %add3A_105, %gather3A_111 : vector<16xf32>
        %xor3A_113 = arith.constant 2 : i32
        %xor3A_114 = vector.broadcast %xor3A_113 : i32 to vector<16xi32>
        %xor3A_115 = arith.xori %iota3A, %xor3A_114 : vector<16xi32>
        %reshape3A_116 = vector.shape_cast %xor3A_115 : vector<16xi32> to vector<16x1xi32>
        %gather3A_117 = vector.shape_cast %reshape3A_116 : vector<16x1xi32> to vector<16xi32>
        %gather3A_118 = tpu.dynamic_gather %add3A_112[%gather3A_117] in [0] : vector<16xf32>, vector<16xi32> -> vector<16xf32>
        %add3A_119 = arith.addf %add3A_112, %gather3A_118 : vector<16xf32>
        %xor3A_120 = arith.constant 1 : i32
        %xor3A_121 = vector.broadcast %xor3A_120 : i32 to vector<16xi32>
        %xor3A_122 = arith.xori %iota3A, %xor3A_121 : vector<16xi32>
        %reshape3A_123 = vector.shape_cast %xor3A_122 : vector<16xi32> to vector<16x1xi32>
        %gather3A_124 = vector.shape_cast %reshape3A_123 : vector<16x1xi32> to vector<16xi32>
        %gather3A_125 = tpu.dynamic_gather %add3A_119[%gather3A_124] in [0] : vector<16xf32>, vector<16xi32> -> vector<16xf32>
        %add3A_126 = arith.addf %add3A_119, %gather3A_125 : vector<16xf32>
        %eq3A_127 = arith.constant 1 : i32
        %eq3A_128 = vector.broadcast %eq3A_127 : i32 to vector<16xi32>
        %eq3A_129 = arith.cmpi eq, %iota3A, %eq3A_128 : vector<16xi32>
        %select_n3A_130 = arith.select %eq3A_129, %add3A_126, %select_n3A_84 : vector<16xi1>, vector<16xf32>
        %get3A_131 = arith.index_cast %add3A_43 : i32 to index
        %get3A_132 = arith.constant 32 : index
        %get3A_133 = tpu.vector_load %arg10[%get3A_131, %get3A_132] {strides = array<i32>} : memref<128x128xf32, #tpu.memory_space<vmem>>, vector<1x16xf32>,
        %get3A_134 = vector.shape_cast %get3A_133 : vector<1x16xf32> to vector<16xf32>
        %get3A_135 = arith.index_cast %add3A_43 : i32 to index
        %get3A_136 = arith.constant 32 : index
        %get3A_137 = tpu.vector_load %arg11[%get3A_135, %get3A_136] {strides = array<i32>} : memref<128x128xf32, #tpu.memory_space<vmem>>, vector<1x16xf32>,
        %get3A_138 = vector.shape_cast %get3A_137 : vector<1x16xf32> to vector<16xf32>
        %get3A_139 = arith.index_cast %add3A_43 : i32 to index
        %get3A_140 = arith.constant 32 : index
        %get3A_141 = tpu.vector_load %arg12[%get3A_139, %get3A_140] {strides = array<i32>} : memref<128x128xf32, #tpu.memory_space<vmem>>, vector<1x16xf32>,
        %get3A_142 = vector.shape_cast %get3A_141 : vector<1x16xf32> to vector<16xf32>
        %add3A_143 = arith.addf %get3A_138, %get3A_142 : vector<16xf32>
        %mul3A_144 = arith.mulf %get3A_134, %add3A_143 : vector<16xf32>
        %xor3A_145 = arith.constant 8 : i32
        %xor3A_146 = vector.broadcast %xor3A_145 : i32 to vector<16xi32>
        %xor3A_147 = arith.xori %iota3A, %xor3A_146 : vector<16xi32>
        %reshape3A_148 = vector.shape_cast %xor3A_147 : vector<16xi32> to vector<16x1xi32>
        %gather3A_149 = vector.shape_cast %reshape3A_148 : vector<16x1xi32> to vector<16xi32>
        %gather3A_150 = tpu.dynamic_gather %mul3A_144[%gather3A_149] in [0] : vector<16xf32>, vector<16xi32> -> vector<16xf32>
        %add3A_151 = arith.addf %mul3A_144, %gather3A_150 : vector<16xf32>
        %xor3A_152 = arith.constant 4 : i32
        %xor3A_153 = vector.broadcast %xor3A_152 : i32 to vector<16xi32>
        %xor3A_154 = arith.xori %iota3A, %xor3A_153 : vector<16xi32>
        %reshape3A_155 = vector.shape_cast %xor3A_154 : vector<16xi32> to vector<16x1xi32>
        %gather3A_156 = vector.shape_cast %reshape3A_155 : vector<16x1xi32> to vector<16xi32>
        %gather3A_157 = tpu.dynamic_gather %add3A_151[%gather3A_156] in [0] : vector<16xf32>, vector<16xi32> -> vector<16xf32>
        %add3A_158 = arith.addf %add3A_151, %gather3A_157 : vector<16xf32>
        %xor3A_159 = arith.constant 2 : i32
        %xor3A_160 = vector.broadcast %xor3A_159 : i32 to vector<16xi32>
        %xor3A_161 = arith.xori %iota3A, %xor3A_160 : vector<16xi32>
        %reshape3A_162 = vector.shape_cast %xor3A_161 : vector<16xi32> to vector<16x1xi32>
        %gather3A_163 = vector.shape_cast %reshape3A_162 : vector<16x1xi32> to vector<16xi32>
        %gather3A_164 = tpu.dynamic_gather %add3A_158[%gather3A_163] in [0] : vector<16xf32>, vector<16xi32> -> vector<16xf32>
        %add3A_165 = arith.addf %add3A_158, %gather3A_164 : vector<16xf32>
        %xor3A_166 = arith.constant 1 : i32
        %xor3A_167 = vector.broadcast %xor3A_166 : i32 to vector<16xi32>
        %xor3A_168 = arith.xori %iota3A, %xor3A_167 : vector<16xi32>
        %reshape3A_169 = vector.shape_cast %xor3A_168 : vector<16xi32> to vector<16x1xi32>
        %gather3A_170 = vector.shape_cast %reshape3A_169 : vector<16x1xi32> to vector<16xi32>
        %gather3A_171 = tpu.dynamic_gather %add3A_165[%gather3A_170] in [0] : vector<16xf32>, vector<16xi32> -> vector<16xf32>
        %add3A_172 = arith.addf %add3A_165, %gather3A_171 : vector<16xf32>
        %eq3A_173 = arith.constant 2 : i32
        %eq3A_174 = vector.broadcast %eq3A_173 : i32 to vector<16xi32>
        %eq3A_175 = arith.cmpi eq, %iota3A, %eq3A_174 : vector<16xi32>
        %select_n3A_176 = arith.select %eq3A_175, %add3A_172, %select_n3A_130 : vector<16xi1>, vector<16xf32>
        %get3A_177 = arith.index_cast %add3A_43 : i32 to index
        %get3A_178 = arith.constant 48 : index
        %get3A_179 = tpu.vector_load %arg10[%get3A_177, %get3A_178] {strides = array<i32>} : memref<128x128xf32, #tpu.memory_space<vmem>>, vector<1x16xf32>,
        %get3A_180 = vector.shape_cast %get3A_179 : vector<1x16xf32> to vector<16xf32>
        %get3A_181 = arith.index_cast %add3A_43 : i32 to index
        %get3A_182 = arith.constant 48 : index
        %get3A_183 = tpu.vector_load %arg11[%get3A_181, %get3A_182] {strides = array<i32>} : memref<128x128xf32, #tpu.memory_space<vmem>>, vector<1x16xf32>,
        %get3A_184 = vector.shape_cast %get3A_183 : vector<1x16xf32> to vector<16xf32>
        %get3A_185 = arith.index_cast %add3A_43 : i32 to index
        %get3A_186 = arith.constant 48 : index
        %get3A_187 = tpu.vector_load %arg12[%get3A_185, %get3A_186] {strides = array<i32>} : memref<128x128xf32, #tpu.memory_space<vmem>>, vector<1x16xf32>,
        %get3A_188 = vector.shape_cast %get3A_187 : vector<1x16xf32> to vector<16xf32>
        %add3A_189 = arith.addf %get3A_184, %get3A_188 : vector<16xf32>
        %mul3A_190 = arith.mulf %get3A_180, %add3A_189 : vector<16xf32>
        %xor3A_191 = arith.constant 8 : i32
        %xor3A_192 = vector.broadcast %xor3A_191 : i32 to vector<16xi32>
        %xor3A_193 = arith.xori %iota3A, %xor3A_192 : vector<16xi32>
        %reshape3A_194 = vector.shape_cast %xor3A_193 : vector<16xi32> to vector<16x1xi32>
        %gather3A_195 = vector.shape_cast %reshape3A_194 : vector<16x1xi32> to vector<16xi32>
        %gather3A_196 = tpu.dynamic_gather %mul3A_190[%gather3A_195] in [0] : vector<16xf32>, vector<16xi32> -> vector<16xf32>
        %add3A_197 = arith.addf %mul3A_190, %gather3A_196 : vector<16xf32>
        %xor3A_198 = arith.constant 4 : i32
        %xor3A_199 = vector.broadcast %xor3A_198 : i32 to vector<16xi32>
        %xor3A_200 = arith.xori %iota3A, %xor3A_199 : vector<16xi32>
        %reshape3A_201 = vector.shape_cast %xor3A_200 : vector<16xi32> to vector<16x1xi32>
        %gather3A_202 = vector.shape_cast %reshape3A_201 : vector<16x1xi32> to vector<16xi32>
        %gather3A_203 = tpu.dynamic_gather %add3A_197[%gather3A_202] in [0] : vector<16xf32>, vector<16xi32> -> vector<16xf32>
        %add3A_204 = arith.addf %add3A_197, %gather3A_203 : vector<16xf32>
        %xor3A_205 = arith.constant 2 : i32
        %xor3A_206 = vector.broadcast %xor3A_205 : i32 to vector<16xi32>
        %xor3A_207 = arith.xori %iota3A, %xor3A_206 : vector<16xi32>
        %reshape3A_208 = vector.shape_cast %xor3A_207 : vector<16xi32> to vector<16x1xi32>
        %gather3A_209 = vector.shape_cast %reshape3A_208 : vector<16x1xi32> to vector<16xi32>
        %gather3A_210 = tpu.dynamic_gather %add3A_204[%gather3A_209] in [0] : vector<16xf32>, vector<16xi32> -> vector<16xf32>
        %add3A_211 = arith.addf %add3A_204, %gather3A_210 : vector<16xf32>
        %xor3A_212 = arith.constant 1 : i32
        %xor3A_213 = vector.broadcast %xor3A_212 : i32 to vector<16xi32>
        %xor3A_214 = arith.xori %iota3A, %xor3A_213 : vector<16xi32>
        %reshape3A_215 = vector.shape_cast %xor3A_214 : vector<16xi32> to vector<16x1xi32>
        %gather3A_216 = vector.shape_cast %reshape3A_215 : vector<16x1xi32> to vector<16xi32>
        %gather3A_217 = tpu.dynamic_gather %add3A_211[%gather3A_216] in [0] : vector<16xf32>, vector<16xi32> -> vector<16xf32>
        %add3A_218 = arith.addf %add3A_211, %gather3A_217 : vector<16xf32>
        %eq3A_219 = arith.constant 3 : i32
        %eq3A_220 = vector.broadcast %eq3A_219 : i32 to vector<16xi32>
        %eq3A_221 = arith.cmpi eq, %iota3A, %eq3A_220 : vector<16xi32>
        %select_n3A_222 = arith.select %eq3A_221, %add3A_218, %select_n3A_176 : vector<16xi1>, vector<16xf32>
        %get3A_223 = arith.index_cast %add3A_43 : i32 to index
        %get3A_224 = arith.constant 64 : index
        %get3A_225 = tpu.vector_load %arg10[%get3A_223, %get3A_224] {strides = array<i32>} : memref<128x128xf32, #tpu.memory_space<vmem>>, vector<1x16xf32>,
        %get3A_226 = vector.shape_cast %get3A_225 : vector<1x16xf32> to vector<16xf32>
        %get3A_227 = arith.index_cast %add3A_43 : i32 to index
        %get3A_228 = arith.constant 64 : index
        %get3A_229 = tpu.vector_load %arg11[%get3A_227, %get3A_228] {strides = array<i32>} : memref<128x128xf32, #tpu.memory_space<vmem>>, vector<1x16xf32>,
        %get3A_230 = vector.shape_cast %get3A_229 : vector<1x16xf32> to vector<16xf32>
        %get3A_231 = arith.index_cast %add3A_43 : i32 to index
        %get3A_232 = arith.constant 64 : index
        %get3A_233 = tpu.vector_load %arg12[%get3A_231, %get3A_232] {strides = array<i32>} : memref<128x128xf32, #tpu.memory_space<vmem>>, vector<1x16xf32>,
        %get3A_234 = vector.shape_cast %get3A_233 : vector<1x16xf32> to vector<16xf32>
        %add3A_235 = arith.addf %get3A_230, %get3A_234 : vector<16xf32>
        %mul3A_236 = arith.mulf %get3A_226, %add3A_235 : vector<16xf32>
        %xor3A_237 = arith.constant 8 : i32
        %xor3A_238 = vector.broadcast %xor3A_237 : i32 to vector<16xi32>
        %xor3A_239 = arith.xori %iota3A, %xor3A_238 : vector<16xi32>
        %reshape3A_240 = vector.shape_cast %xor3A_239 : vector<16xi32> to vector<16x1xi32>
        %gather3A_241 = vector.shape_cast %reshape3A_240 : vector<16x1xi32> to vector<16xi32>
        %gather3A_242 = tpu.dynamic_gather %mul3A_236[%gather3A_241] in [0] : vector<16xf32>, vector<16xi32> -> vector<16xf32>
        %add3A_243 = arith.addf %mul3A_236, %gather3A_242 : vector<16xf32>
        %xor3A_244 = arith.constant 4 : i32
        %xor3A_245 = vector.broadcast %xor3A_244 : i32 to vector<16xi32>
        %xor3A_246 = arith.xori %iota3A, %xor3A_245 : vector<16xi32>
        %reshape3A_247 = vector.shape_cast %xor3A_246 : vector<16xi32> to vector<16x1xi32>
        %gather3A_248 = vector.shape_cast %reshape3A_247 : vector<16x1xi32> to vector<16xi32>
        %gather3A_249 = tpu.dynamic_gather %add3A_243[%gather3A_248] in [0] : vector<16xf32>, vector<16xi32> -> vector<16xf32>
        %add3A_250 = arith.addf %add3A_243, %gather3A_249 : vector<16xf32>
        %xor3A_251 = arith.constant 2 : i32
        %xor3A_252 = vector.broadcast %xor3A_251 : i32 to vector<16xi32>
        %xor3A_253 = arith.xori %iota3A, %xor3A_252 : vector<16xi32>
        %reshape3A_254 = vector.shape_cast %xor3A_253 : vector<16xi32> to vector<16x1xi32>
        %gather3A_255 = vector.shape_cast %reshape3A_254 : vector<16x1xi32> to vector<16xi32>
        %gather3A_256 = tpu.dynamic_gather %add3A_250[%gather3A_255] in [0] : vector<16xf32>, vector<16xi32> -> vector<16xf32>
        %add3A_257 = arith.addf %add3A_250, %gather3A_256 : vector<16xf32>
        %xor3A_258 = arith.constant 1 : i32
        %xor3A_259 = vector.broadcast %xor3A_258 : i32 to vector<16xi32>
        %xor3A_260 = arith.xori %iota3A, %xor3A_259 : vector<16xi32>
        %reshape3A_261 = vector.shape_cast %xor3A_260 : vector<16xi32> to vector<16x1xi32>
        %gather3A_262 = vector.shape_cast %reshape3A_261 : vector<16x1xi32> to vector<16xi32>
        %gather3A_263 = tpu.dynamic_gather %add3A_257[%gather3A_262] in [0] : vector<16xf32>, vector<16xi32> -> vector<16xf32>
        %add3A_264 = arith.addf %add3A_257, %gather3A_263 : vector<16xf32>
        %eq3A_265 = arith.constant 4 : i32
        %eq3A_266 = vector.broadcast %eq3A_265 : i32 to vector<16xi32>
        %eq3A_267 = arith.cmpi eq, %iota3A, %eq3A_266 : vector<16xi32>
        %select_n3A_268 = arith.select %eq3A_267, %add3A_264, %select_n3A_222 : vector<16xi1>, vector<16xf32>
        %get3A_269 = arith.index_cast %add3A_43 : i32 to index
        %get3A_270 = arith.constant 80 : index
        %get3A_271 = tpu.vector_load %arg10[%get3A_269, %get3A_270] {strides = array<i32>} : memref<128x128xf32, #tpu.memory_space<vmem>>, vector<1x16xf32>,
        %get3A_272 = vector.shape_cast %get3A_271 : vector<1x16xf32> to vector<16xf32>
        %get3A_273 = arith.index_cast %add3A_43 : i32 to index
        %get3A_274 = arith.constant 80 : index
        %get3A_275 = tpu.vector_load %arg11[%get3A_273, %get3A_274] {strides = array<i32>} : memref<128x128xf32, #tpu.memory_space<vmem>>, vector<1x16xf32>,
        %get3A_276 = vector.shape_cast %get3A_275 : vector<1x16xf32> to vector<16xf32>
        %get3A_277 = arith.index_cast %add3A_43 : i32 to index
        %get3A_278 = arith.constant 80 : index
        %get3A_279 = tpu.vector_load %arg12[%get3A_277, %get3A_278] {strides = array<i32>} : memref<128x128xf32, #tpu.memory_space<vmem>>, vector<1x16xf32>,
        %get3A_280 = vector.shape_cast %get3A_279 : vector<1x16xf32> to vector<16xf32>
        %add3A_281 = arith.addf %get3A_276, %get3A_280 : vector<16xf32>
        %mul3A_282 = arith.mulf %get3A_272, %add3A_281 : vector<16xf32>
        %xor3A_283 = arith.constant 8 : i32
        %xor3A_284 = vector.broadcast %xor3A_283 : i32 to vector<16xi32>
        %xor3A_285 = arith.xori %iota3A, %xor3A_284 : vector<16xi32>
        %reshape3A_286 = vector.shape_cast %xor3A_285 : vector<16xi32> to vector<16x1xi32>
        %gather3A_287 = vector.shape_cast %reshape3A_286 : vector<16x1xi32> to vector<16xi32>
        %gather3A_288 = tpu.dynamic_gather %mul3A_282[%gather3A_287] in [0] : vector<16xf32>, vector<16xi32> -> vector<16xf32>
        %add3A_289 = arith.addf %mul3A_282, %gather3A_288 : vector<16xf32>
        %xor3A_290 = arith.constant 4 : i32
        %xor3A_291 = vector.broadcast %xor3A_290 : i32 to vector<16xi32>
        %xor3A_292 = arith.xori %iota3A, %xor3A_291 : vector<16xi32>
        %reshape3A_293 = vector.shape_cast %xor3A_292 : vector<16xi32> to vector<16x1xi32>
        %gather3A_294 = vector.shape_cast %reshape3A_293 : vector<16x1xi32> to vector<16xi32>
        %gather3A_295 = tpu.dynamic_gather %add3A_289[%gather3A_294] in [0] : vector<16xf32>, vector<16xi32> -> vector<16xf32>
        %add3A_296 = arith.addf %add3A_289, %gather3A_295 : vector<16xf32>
        %xor3A_297 = arith.constant 2 : i32
        %xor3A_298 = vector.broadcast %xor3A_297 : i32 to vector<16xi32>
        %xor3A_299 = arith.xori %iota3A, %xor3A_298 : vector<16xi32>
        %reshape3A_300 = vector.shape_cast %xor3A_299 : vector<16xi32> to vector<16x1xi32>
        %gather3A_301 = vector.shape_cast %reshape3A_300 : vector<16x1xi32> to vector<16xi32>
        %gather3A_302 = tpu.dynamic_gather %add3A_296[%gather3A_301] in [0] : vector<16xf32>, vector<16xi32> -> vector<16xf32>
        %add3A_303 = arith.addf %add3A_296, %gather3A_302 : vector<16xf32>
        %xor3A_304 = arith.constant 1 : i32
        %xor3A_305 = vector.broadcast %xor3A_304 : i32 to vector<16xi32>
        %xor3A_306 = arith.xori %iota3A, %xor3A_305 : vector<16xi32>
        %reshape3A_307 = vector.shape_cast %xor3A_306 : vector<16xi32> to vector<16x1xi32>
        %gather3A_308 = vector.shape_cast %reshape3A_307 : vector<16x1xi32> to vector<16xi32>
        %gather3A_309 = tpu.dynamic_gather %add3A_303[%gather3A_308] in [0] : vector<16xf32>, vector<16xi32> -> vector<16xf32>
        %add3A_310 = arith.addf %add3A_303, %gather3A_309 : vector<16xf32>
        %eq3A_311 = arith.constant 5 : i32
        %eq3A_312 = vector.broadcast %eq3A_311 : i32 to vector<16xi32>
        %eq3A_313 = arith.cmpi eq, %iota3A, %eq3A_312 : vector<16xi32>
        %select_n3A_314 = arith.select %eq3A_313, %add3A_310, %select_n3A_268 : vector<16xi1>, vector<16xf32>
        %get3A_315 = arith.index_cast %add3A_43 : i32 to index
        %get3A_316 = arith.constant 96 : index
        %get3A_317 = tpu.vector_load %arg10[%get3A_315, %get3A_316] {strides = array<i32>} : memref<128x128xf32, #tpu.memory_space<vmem>>, vector<1x16xf32>,
        %get3A_318 = vector.shape_cast %get3A_317 : vector<1x16xf32> to vector<16xf32>
        %get3A_319 = arith.index_cast %add3A_43 : i32 to index
        %get3A_320 = arith.constant 96 : index
        %get3A_321 = tpu.vector_load %arg11[%get3A_319, %get3A_320] {strides = array<i32>} : memref<128x128xf32, #tpu.memory_space<vmem>>, vector<1x16xf32>,
        %get3A_322 = vector.shape_cast %get3A_321 : vector<1x16xf32> to vector<16xf32>
        %get3A_323 = arith.index_cast %add3A_43 : i32 to index
        %get3A_324 = arith.constant 96 : index
        %get3A_325 = tpu.vector_load %arg12[%get3A_323, %get3A_324] {strides = array<i32>} : memref<128x128xf32, #tpu.memory_space<vmem>>, vector<1x16xf32>,
        %get3A_326 = vector.shape_cast %get3A_325 : vector<1x16xf32> to vector<16xf32>
        %add3A_327 = arith.addf %get3A_322, %get3A_326 : vector<16xf32>
        %mul3A_328 = arith.mulf %get3A_318, %add3A_327 : vector<16xf32>
        %xor3A_329 = arith.constant 8 : i32
        %xor3A_330 = vector.broadcast %xor3A_329 : i32 to vector<16xi32>
        %xor3A_331 = arith.xori %iota3A, %xor3A_330 : vector<16xi32>
        %reshape3A_332 = vector.shape_cast %xor3A_331 : vector<16xi32> to vector<16x1xi32>
        %gather3A_333 = vector.shape_cast %reshape3A_332 : vector<16x1xi32> to vector<16xi32>
        %gather3A_334 = tpu.dynamic_gather %mul3A_328[%gather3A_333] in [0] : vector<16xf32>, vector<16xi32> -> vector<16xf32>
        %add3A_335 = arith.addf %mul3A_328, %gather3A_334 : vector<16xf32>
        %xor3A_336 = arith.constant 4 : i32
        %xor3A_337 = vector.broadcast %xor3A_336 : i32 to vector<16xi32>
        %xor3A_338 = arith.xori %iota3A, %xor3A_337 : vector<16xi32>
        %reshape3A_339 = vector.shape_cast %xor3A_338 : vector<16xi32> to vector<16x1xi32>
        %gather3A_340 = vector.shape_cast %reshape3A_339 : vector<16x1xi32> to vector<16xi32>
        %gather3A_341 = tpu.dynamic_gather %add3A_335[%gather3A_340] in [0] : vector<16xf32>, vector<16xi32> -> vector<16xf32>
        %add3A_342 = arith.addf %add3A_335, %gather3A_341 : vector<16xf32>
        %xor3A_343 = arith.constant 2 : i32
        %xor3A_344 = vector.broadcast %xor3A_343 : i32 to vector<16xi32>
        %xor3A_345 = arith.xori %iota3A, %xor3A_344 : vector<16xi32>
        %reshape3A_346 = vector.shape_cast %xor3A_345 : vector<16xi32> to vector<16x1xi32>
        %gather3A_347 = vector.shape_cast %reshape3A_346 : vector<16x1xi32> to vector<16xi32>
        %gather3A_348 = tpu.dynamic_gather %add3A_342[%gather3A_347] in [0] : vector<16xf32>, vector<16xi32> -> vector<16xf32>
        %add3A_349 = arith.addf %add3A_342, %gather3A_348 : vector<16xf32>
        %xor3A_350 = arith.constant 1 : i32
        %xor3A_351 = vector.broadcast %xor3A_350 : i32 to vector<16xi32>
        %xor3A_352 = arith.xori %iota3A, %xor3A_351 : vector<16xi32>
        %reshape3A_353 = vector.shape_cast %xor3A_352 : vector<16xi32> to vector<16x1xi32>
        %gather3A_354 = vector.shape_cast %reshape3A_353 : vector<16x1xi32> to vector<16xi32>
        %gather3A_355 = tpu.dynamic_gather %add3A_349[%gather3A_354] in [0] : vector<16xf32>, vector<16xi32> -> vector<16xf32>
        %add3A_356 = arith.addf %add3A_349, %gather3A_355 : vector<16xf32>
        %eq3A_357 = arith.constant 6 : i32
        %eq3A_358 = vector.broadcast %eq3A_357 : i32 to vector<16xi32>
        %eq3A_359 = arith.cmpi eq, %iota3A, %eq3A_358 : vector<16xi32>
        %select_n3A_360 = arith.select %eq3A_359, %add3A_356, %select_n3A_314 : vector<16xi1>, vector<16xf32>
        %get3A_361 = arith.index_cast %add3A_43 : i32 to index
        %get3A_362 = arith.constant 112 : index
        %get3A_363 = tpu.vector_load %arg10[%get3A_361, %get3A_362] {strides = array<i32>} : memref<128x128xf32, #tpu.memory_space<vmem>>, vector<1x16xf32>,
        %get3A_364 = vector.shape_cast %get3A_363 : vector<1x16xf32> to vector<16xf32>
        %get3A_365 = arith.index_cast %add3A_43 : i32 to index
        %get3A_366 = arith.constant 112 : index
        %get3A_367 = tpu.vector_load %arg11[%get3A_365, %get3A_366] {strides = array<i32>} : memref<128x128xf32, #tpu.memory_space<vmem>>, vector<1x16xf32>,
        %get3A_368 = vector.shape_cast %get3A_367 : vector<1x16xf32> to vector<16xf32>
        %get3A_369 = arith.index_cast %add3A_43 : i32 to index
        %get3A_370 = arith.constant 112 : index
        %get3A_371 = tpu.vector_load %arg12[%get3A_369, %get3A_370] {strides = array<i32>} : memref<128x128xf32, #tpu.memory_space<vmem>>, vector<1x16xf32>,
        %get3A_372 = vector.shape_cast %get3A_371 : vector<1x16xf32> to vector<16xf32>
        %add3A_373 = arith.addf %get3A_368, %get3A_372 : vector<16xf32>
        %mul3A_374 = arith.mulf %get3A_364, %add3A_373 : vector<16xf32>
        %xor3A_375 = arith.constant 8 : i32
        %xor3A_376 = vector.broadcast %xor3A_375 : i32 to vector<16xi32>
        %xor3A_377 = arith.xori %iota3A, %xor3A_376 : vector<16xi32>
        %reshape3A_378 = vector.shape_cast %xor3A_377 : vector<16xi32> to vector<16x1xi32>
        %gather3A_379 = vector.shape_cast %reshape3A_378 : vector<16x1xi32> to vector<16xi32>
        %gather3A_380 = tpu.dynamic_gather %mul3A_374[%gather3A_379] in [0] : vector<16xf32>, vector<16xi32> -> vector<16xf32>
        %add3A_381 = arith.addf %mul3A_374, %gather3A_380 : vector<16xf32>
        %xor3A_382 = arith.constant 4 : i32
        %xor3A_383 = vector.broadcast %xor3A_382 : i32 to vector<16xi32>
        %xor3A_384 = arith.xori %iota3A, %xor3A_383 : vector<16xi32>
        %reshape3A_385 = vector.shape_cast %xor3A_384 : vector<16xi32> to vector<16x1xi32>
        %gather3A_386 = vector.shape_cast %reshape3A_385 : vector<16x1xi32> to vector<16xi32>
        %gather3A_387 = tpu.dynamic_gather %add3A_381[%gather3A_386] in [0] : vector<16xf32>, vector<16xi32> -> vector<16xf32>
        %add3A_388 = arith.addf %add3A_381, %gather3A_387 : vector<16xf32>
        %xor3A_389 = arith.constant 2 : i32
        %xor3A_390 = vector.broadcast %xor3A_389 : i32 to vector<16xi32>
        %xor3A_391 = arith.xori %iota3A, %xor3A_390 : vector<16xi32>
        %reshape3A_392 = vector.shape_cast %xor3A_391 : vector<16xi32> to vector<16x1xi32>
        %gather3A_393 = vector.shape_cast %reshape3A_392 : vector<16x1xi32> to vector<16xi32>
        %gather3A_394 = tpu.dynamic_gather %add3A_388[%gather3A_393] in [0] : vector<16xf32>, vector<16xi32> -> vector<16xf32>
        %add3A_395 = arith.addf %add3A_388, %gather3A_394 : vector<16xf32>
        %xor3A_396 = arith.constant 1 : i32
        %xor3A_397 = vector.broadcast %xor3A_396 : i32 to vector<16xi32>
        %xor3A_398 = arith.xori %iota3A, %xor3A_397 : vector<16xi32>
        %reshape3A_399 = vector.shape_cast %xor3A_398 : vector<16xi32> to vector<16x1xi32>
        %gather3A_400 = vector.shape_cast %reshape3A_399 : vector<16x1xi32> to vector<16xi32>
        %gather3A_401 = tpu.dynamic_gather %add3A_395[%gather3A_400] in [0] : vector<16xf32>, vector<16xi32> -> vector<16xf32>
        %add3A_402 = arith.addf %add3A_395, %gather3A_401 : vector<16xf32>
        %eq3A_403 = arith.constant 7 : i32
        %eq3A_404 = vector.broadcast %eq3A_403 : i32 to vector<16xi32>
        %eq3A_405 = arith.cmpi eq, %iota3A, %eq3A_404 : vector<16xi32>
        %select_n3A_406 = arith.select %eq3A_405, %add3A_402, %select_n3A_360 : vector<16xi1>, vector<16xf32>
        %mul3A_407 = arith.constant 2 : i32
        %mul3A_408 = arith.muli %scan3A_38, %mul3A_407 : i32
        %add3A_409 = arith.constant 1 : i32
        %add3A_410 = arith.addi %mul3A_408, %add3A_409 : i32
        %get3A_411 = arith.index_cast %add3A_410 : i32 to index
        %get3A_412 = arith.constant 0 : index
        %get3A_413 = tpu.vector_load %arg10[%get3A_411, %get3A_412] {strides = array<i32>} : memref<128x128xf32, #tpu.memory_space<vmem>>, vector<1x16xf32>,
        %get3A_414 = vector.shape_cast %get3A_413 : vector<1x16xf32> to vector<16xf32>
        %get3A_415 = arith.index_cast %add3A_410 : i32 to index
        %get3A_416 = arith.constant 0 : index
        %get3A_417 = tpu.vector_load %arg11[%get3A_415, %get3A_416] {strides = array<i32>} : memref<128x128xf32, #tpu.memory_space<vmem>>, vector<1x16xf32>,
        %get3A_418 = vector.shape_cast %get3A_417 : vector<1x16xf32> to vector<16xf32>
        %get3A_419 = arith.index_cast %add3A_410 : i32 to index
        %get3A_420 = arith.constant 0 : index
        %get3A_421 = tpu.vector_load %arg12[%get3A_419, %get3A_420] {strides = array<i32>} : memref<128x128xf32, #tpu.memory_space<vmem>>, vector<1x16xf32>,
        %get3A_422 = vector.shape_cast %get3A_421 : vector<1x16xf32> to vector<16xf32>
        %add3A_423 = arith.addf %get3A_418, %get3A_422 : vector<16xf32>
        %mul3A_424 = arith.mulf %get3A_414, %add3A_423 : vector<16xf32>
        %xor3A_425 = arith.constant 8 : i32
        %xor3A_426 = vector.broadcast %xor3A_425 : i32 to vector<16xi32>
        %xor3A_427 = arith.xori %iota3A, %xor3A_426 : vector<16xi32>
        %reshape3A_428 = vector.shape_cast %xor3A_427 : vector<16xi32> to vector<16x1xi32>
        %gather3A_429 = vector.shape_cast %reshape3A_428 : vector<16x1xi32> to vector<16xi32>
        %gather3A_430 = tpu.dynamic_gather %mul3A_424[%gather3A_429] in [0] : vector<16xf32>, vector<16xi32> -> vector<16xf32>
        %add3A_431 = arith.addf %mul3A_424, %gather3A_430 : vector<16xf32>
        %xor3A_432 = arith.constant 4 : i32
        %xor3A_433 = vector.broadcast %xor3A_432 : i32 to vector<16xi32>
        %xor3A_434 = arith.xori %iota3A, %xor3A_433 : vector<16xi32>
        %reshape3A_435 = vector.shape_cast %xor3A_434 : vector<16xi32> to vector<16x1xi32>
        %gather3A_436 = vector.shape_cast %reshape3A_435 : vector<16x1xi32> to vector<16xi32>
        %gather3A_437 = tpu.dynamic_gather %add3A_431[%gather3A_436] in [0] : vector<16xf32>, vector<16xi32> -> vector<16xf32>
        %add3A_438 = arith.addf %add3A_431, %gather3A_437 : vector<16xf32>
        %xor3A_439 = arith.constant 2 : i32
        %xor3A_440 = vector.broadcast %xor3A_439 : i32 to vector<16xi32>
        %xor3A_441 = arith.xori %iota3A, %xor3A_440 : vector<16xi32>
        %reshape3A_442 = vector.shape_cast %xor3A_441 : vector<16xi32> to vector<16x1xi32>
        %gather3A_443 = vector.shape_cast %reshape3A_442 : vector<16x1xi32> to vector<16xi32>
        %gather3A_444 = tpu.dynamic_gather %add3A_438[%gather3A_443] in [0] : vector<16xf32>, vector<16xi32> -> vector<16xf32>
        %add3A_445 = arith.addf %add3A_438, %gather3A_444 : vector<16xf32>
        %xor3A_446 = arith.constant 1 : i32
        %xor3A_447 = vector.broadcast %xor3A_446 : i32 to vector<16xi32>
        %xor3A_448 = arith.xori %iota3A, %xor3A_447 : vector<16xi32>
        %reshape3A_449 = vector.shape_cast %xor3A_448 : vector<16xi32> to vector<16x1xi32>
        %gather3A_450 = vector.shape_cast %reshape3A_449 : vector<16x1xi32> to vector<16xi32>
        %gather3A_451 = tpu.dynamic_gather %add3A_445[%gather3A_450] in [0] : vector<16xf32>, vector<16xi32> -> vector<16xf32>
        %add3A_452 = arith.addf %add3A_445, %gather3A_451 : vector<16xf32>
        %eq3A_453 = arith.constant 8 : i32
        %eq3A_454 = vector.broadcast %eq3A_453 : i32 to vector<16xi32>
        %eq3A_455 = arith.cmpi eq, %iota3A, %eq3A_454 : vector<16xi32>
        %select_n3A_456 = arith.select %eq3A_455, %add3A_452, %select_n3A_406 : vector<16xi1>, vector<16xf32>
        %get3A_457 = arith.index_cast %add3A_410 : i32 to index
        %get3A_458 = arith.constant 16 : index
        %get3A_459 = tpu.vector_load %arg10[%get3A_457, %get3A_458] {strides = array<i32>} : memref<128x128xf32, #tpu.memory_space<vmem>>, vector<1x16xf32>,
        %get3A_460 = vector.shape_cast %get3A_459 : vector<1x16xf32> to vector<16xf32>
        %get3A_461 = arith.index_cast %add3A_410 : i32 to index
        %get3A_462 = arith.constant 16 : index
        %get3A_463 = tpu.vector_load %arg11[%get3A_461, %get3A_462] {strides = array<i32>} : memref<128x128xf32, #tpu.memory_space<vmem>>, vector<1x16xf32>,
        %get3A_464 = vector.shape_cast %get3A_463 : vector<1x16xf32> to vector<16xf32>
        %get3A_465 = arith.index_cast %add3A_410 : i32 to index
        %get3A_466 = arith.constant 16 : index
        %get3A_467 = tpu.vector_load %arg12[%get3A_465, %get3A_466] {strides = array<i32>} : memref<128x128xf32, #tpu.memory_space<vmem>>, vector<1x16xf32>,
        %get3A_468 = vector.shape_cast %get3A_467 : vector<1x16xf32> to vector<16xf32>
        %add3A_469 = arith.addf %get3A_464, %get3A_468 : vector<16xf32>
        %mul3A_470 = arith.mulf %get3A_460, %add3A_469 : vector<16xf32>
        %xor3A_471 = arith.constant 8 : i32
        %xor3A_472 = vector.broadcast %xor3A_471 : i32 to vector<16xi32>
        %xor3A_473 = arith.xori %iota3A, %xor3A_472 : vector<16xi32>
        %reshape3A_474 = vector.shape_cast %xor3A_473 : vector<16xi32> to vector<16x1xi32>
        %gather3A_475 = vector.shape_cast %reshape3A_474 : vector<16x1xi32> to vector<16xi32>
        %gather3A_476 = tpu.dynamic_gather %mul3A_470[%gather3A_475] in [0] : vector<16xf32>, vector<16xi32> -> vector<16xf32>
        %add3A_477 = arith.addf %mul3A_470, %gather3A_476 : vector<16xf32>
        %xor3A_478 = arith.constant 4 : i32
        %xor3A_479 = vector.broadcast %xor3A_478 : i32 to vector<16xi32>
        %xor3A_480 = arith.xori %iota3A, %xor3A_479 : vector<16xi32>
        %reshape3A_481 = vector.shape_cast %xor3A_480 : vector<16xi32> to vector<16x1xi32>
        %gather3A_482 = vector.shape_cast %reshape3A_481 : vector<16x1xi32> to vector<16xi32>
        %gather3A_483 = tpu.dynamic_gather %add3A_477[%gather3A_482] in [0] : vector<16xf32>, vector<16xi32> -> vector<16xf32>
        %add3A_484 = arith.addf %add3A_477, %gather3A_483 : vector<16xf32>
        %xor3A_485 = arith.constant 2 : i32
        %xor3A_486 = vector.broadcast %xor3A_485 : i32 to vector<16xi32>
        %xor3A_487 = arith.xori %iota3A, %xor3A_486 : vector<16xi32>
        %reshape3A_488 = vector.shape_cast %xor3A_487 : vector<16xi32> to vector<16x1xi32>
        %gather3A_489 = vector.shape_cast %reshape3A_488 : vector<16x1xi32> to vector<16xi32>
        %gather3A_490 = tpu.dynamic_gather %add3A_484[%gather3A_489] in [0] : vector<16xf32>, vector<16xi32> -> vector<16xf32>
        %add3A_491 = arith.addf %add3A_484, %gather3A_490 : vector<16xf32>
        %xor3A_492 = arith.constant 1 : i32
        %xor3A_493 = vector.broadcast %xor3A_492 : i32 to vector<16xi32>
        %xor3A_494 = arith.xori %iota3A, %xor3A_493 : vector<16xi32>
        %reshape3A_495 = vector.shape_cast %xor3A_494 : vector<16xi32> to vector<16x1xi32>
        %gather3A_496 = vector.shape_cast %reshape3A_495 : vector<16x1xi32> to vector<16xi32>
        %gather3A_497 = tpu.dynamic_gather %add3A_491[%gather3A_496] in [0] : vector<16xf32>, vector<16xi32> -> vector<16xf32>
        %add3A_498 = arith.addf %add3A_491, %gather3A_497 : vector<16xf32>
        %eq3A_499 = arith.constant 9 : i32
        %eq3A_500 = vector.broadcast %eq3A_499 : i32 to vector<16xi32>
        %eq3A_501 = arith.cmpi eq, %iota3A, %eq3A_500 : vector<16xi32>
        %select_n3A_502 = arith.select %eq3A_501, %add3A_498, %select_n3A_456 : vector<16xi1>, vector<16xf32>
        %get3A_503 = arith.index_cast %add3A_410 : i32 to index
        %get3A_504 = arith.constant 32 : index
        %get3A_505 = tpu.vector_load %arg10[%get3A_503, %get3A_504] {strides = array<i32>} : memref<128x128xf32, #tpu.memory_space<vmem>>, vector<1x16xf32>,
        %get3A_506 = vector.shape_cast %get3A_505 : vector<1x16xf32> to vector<16xf32>
        %get3A_507 = arith.index_cast %add3A_410 : i32 to index
        %get3A_508 = arith.constant 32 : index
        %get3A_509 = tpu.vector_load %arg11[%get3A_507, %get3A_508] {strides = array<i32>} : memref<128x128xf32, #tpu.memory_space<vmem>>, vector<1x16xf32>,
        %get3A_510 = vector.shape_cast %get3A_509 : vector<1x16xf32> to vector<16xf32>
        %get3A_511 = arith.index_cast %add3A_410 : i32 to index
        %get3A_512 = arith.constant 32 : index
        %get3A_513 = tpu.vector_load %arg12[%get3A_511, %get3A_512] {strides = array<i32>} : memref<128x128xf32, #tpu.memory_space<vmem>>, vector<1x16xf32>,
        %get3A_514 = vector.shape_cast %get3A_513 : vector<1x16xf32> to vector<16xf32>
        %add3A_515 = arith.addf %get3A_510, %get3A_514 : vector<16xf32>
        %mul3A_516 = arith.mulf %get3A_506, %add3A_515 : vector<16xf32>
        %xor3A_517 = arith.constant 8 : i32
        %xor3A_518 = vector.broadcast %xor3A_517 : i32 to vector<16xi32>
        %xor3A_519 = arith.xori %iota3A, %xor3A_518 : vector<16xi32>
        %reshape3A_520 = vector.shape_cast %xor3A_519 : vector<16xi32> to vector<16x1xi32>
        %gather3A_521 = vector.shape_cast %reshape3A_520 : vector<16x1xi32> to vector<16xi32>
        %gather3A_522 = tpu.dynamic_gather %mul3A_516[%gather3A_521] in [0] : vector<16xf32>, vector<16xi32> -> vector<16xf32>
        %add3A_523 = arith.addf %mul3A_516, %gather3A_522 : vector<16xf32>
        %xor3A_524 = arith.constant 4 : i32
        %xor3A_525 = vector.broadcast %xor3A_524 : i32 to vector<16xi32>
        %xor3A_526 = arith.xori %iota3A, %xor3A_525 : vector<16xi32>
        %reshape3A_527 = vector.shape_cast %xor3A_526 : vector<16xi32> to vector<16x1xi32>
        %gather3A_528 = vector.shape_cast %reshape3A_527 : vector<16x1xi32> to vector<16xi32>
        %gather3A_529 = tpu.dynamic_gather %add3A_523[%gather3A_528] in [0] : vector<16xf32>, vector<16xi32> -> vector<16xf32>
        %add3A_530 = arith.addf %add3A_523, %gather3A_529 : vector<16xf32>
        %xor3A_531 = arith.constant 2 : i32
        %xor3A_532 = vector.broadcast %xor3A_531 : i32 to vector<16xi32>
        %xor3A_533 = arith.xori %iota3A, %xor3A_532 : vector<16xi32>
        %reshape3A_534 = vector.shape_cast %xor3A_533 : vector<16xi32> to vector<16x1xi32>
        %gather3A_535 = vector.shape_cast %reshape3A_534 : vector<16x1xi32> to vector<16xi32>
        %gather3A_536 = tpu.dynamic_gather %add3A_530[%gather3A_535] in [0] : vector<16xf32>, vector<16xi32> -> vector<16xf32>
        %add3A_537 = arith.addf %add3A_530, %gather3A_536 : vector<16xf32>
        %xor3A_538 = arith.constant 1 : i32
        %xor3A_539 = vector.broadcast %xor3A_538 : i32 to vector<16xi32>
        %xor3A_540 = arith.xori %iota3A, %xor3A_539 : vector<16xi32>
        %reshape3A_541 = vector.shape_cast %xor3A_540 : vector<16xi32> to vector<16x1xi32>
        %gather3A_542 = vector.shape_cast %reshape3A_541 : vector<16x1xi32> to vector<16xi32>
        %gather3A_543 = tpu.dynamic_gather %add3A_537[%gather3A_542] in [0] : vector<16xf32>, vector<16xi32> -> vector<16xf32>
        %add3A_544 = arith.addf %add3A_537, %gather3A_543 : vector<16xf32>
        %eq3A_545 = arith.constant 10 : i32
        %eq3A_546 = vector.broadcast %eq3A_545 : i32 to vector<16xi32>
        %eq3A_547 = arith.cmpi eq, %iota3A, %eq3A_546 : vector<16xi32>
        %select_n3A_548 = arith.select %eq3A_547, %add3A_544, %select_n3A_502 : vector<16xi1>, vector<16xf32>
        %get3A_549 = arith.index_cast %add3A_410 : i32 to index
        %get3A_550 = arith.constant 48 : index
        %get3A_551 = tpu.vector_load %arg10[%get3A_549, %get3A_550] {strides = array<i32>} : memref<128x128xf32, #tpu.memory_space<vmem>>, vector<1x16xf32>,
        %get3A_552 = vector.shape_cast %get3A_551 : vector<1x16xf32> to vector<16xf32>
        %get3A_553 = arith.index_cast %add3A_410 : i32 to index
        %get3A_554 = arith.constant 48 : index
        %get3A_555 = tpu.vector_load %arg11[%get3A_553, %get3A_554] {strides = array<i32>} : memref<128x128xf32, #tpu.memory_space<vmem>>, vector<1x16xf32>,
        %get3A_556 = vector.shape_cast %get3A_555 : vector<1x16xf32> to vector<16xf32>
        %get3A_557 = arith.index_cast %add3A_410 : i32 to index
        %get3A_558 = arith.constant 48 : index
        %get3A_559 = tpu.vector_load %arg12[%get3A_557, %get3A_558] {strides = array<i32>} : memref<128x128xf32, #tpu.memory_space<vmem>>, vector<1x16xf32>,
        %get3A_560 = vector.shape_cast %get3A_559 : vector<1x16xf32> to vector<16xf32>
        %add3A_561 = arith.addf %get3A_556, %get3A_560 : vector<16xf32>
        %mul3A_562 = arith.mulf %get3A_552, %add3A_561 : vector<16xf32>
        %xor3A_563 = arith.constant 8 : i32
        %xor3A_564 = vector.broadcast %xor3A_563 : i32 to vector<16xi32>
        %xor3A_565 = arith.xori %iota3A, %xor3A_564 : vector<16xi32>
        %reshape3A_566 = vector.shape_cast %xor3A_565 : vector<16xi32> to vector<16x1xi32>
        %gather3A_567 = vector.shape_cast %reshape3A_566 : vector<16x1xi32> to vector<16xi32>
        %gather3A_568 = tpu.dynamic_gather %mul3A_562[%gather3A_567] in [0] : vector<16xf32>, vector<16xi32> -> vector<16xf32>
        %add3A_569 = arith.addf %mul3A_562, %gather3A_568 : vector<16xf32>
        %xor3A_570 = arith.constant 4 : i32
        %xor3A_571 = vector.broadcast %xor3A_570 : i32 to vector<16xi32>
        %xor3A_572 = arith.xori %iota3A, %xor3A_571 : vector<16xi32>
        %reshape3A_573 = vector.shape_cast %xor3A_572 : vector<16xi32> to vector<16x1xi32>
        %gather3A_574 = vector.shape_cast %reshape3A_573 : vector<16x1xi32> to vector<16xi32>
        %gather3A_575 = tpu.dynamic_gather %add3A_569[%gather3A_574] in [0] : vector<16xf32>, vector<16xi32> -> vector<16xf32>
        %add3A_576 = arith.addf %add3A_569, %gather3A_575 : vector<16xf32>
        %xor3A_577 = arith.constant 2 : i32
        %xor3A_578 = vector.broadcast %xor3A_577 : i32 to vector<16xi32>
        %xor3A_579 = arith.xori %iota3A, %xor3A_578 : vector<16xi32>
        %reshape3A_580 = vector.shape_cast %xor3A_579 : vector<16xi32> to vector<16x1xi32>
        %gather3A_581 = vector.shape_cast %reshape3A_580 : vector<16x1xi32> to vector<16xi32>
        %gather3A_582 = tpu.dynamic_gather %add3A_576[%gather3A_581] in [0] : vector<16xf32>, vector<16xi32> -> vector<16xf32>
        %add3A_583 = arith.addf %add3A_576, %gather3A_582 : vector<16xf32>
        %xor3A_584 = arith.constant 1 : i32
        %xor3A_585 = vector.broadcast %xor3A_584 : i32 to vector<16xi32>
        %xor3A_586 = arith.xori %iota3A, %xor3A_585 : vector<16xi32>
        %reshape3A_587 = vector.shape_cast %xor3A_586 : vector<16xi32> to vector<16x1xi32>
        %gather3A_588 = vector.shape_cast %reshape3A_587 : vector<16x1xi32> to vector<16xi32>
        %gather3A_589 = tpu.dynamic_gather %add3A_583[%gather3A_588] in [0] : vector<16xf32>, vector<16xi32> -> vector<16xf32>
        %add3A_590 = arith.addf %add3A_583, %gather3A_589 : vector<16xf32>
        %eq3A_591 = arith.constant 11 : i32
        %eq3A_592 = vector.broadcast %eq3A_591 : i32 to vector<16xi32>
        %eq3A_593 = arith.cmpi eq, %iota3A, %eq3A_592 : vector<16xi32>
        %select_n3A_594 = arith.select %eq3A_593, %add3A_590, %select_n3A_548 : vector<16xi1>, vector<16xf32>
        %get3A_595 = arith.index_cast %add3A_410 : i32 to index
        %get3A_596 = arith.constant 64 : index
        %get3A_597 = tpu.vector_load %arg10[%get3A_595, %get3A_596] {strides = array<i32>} : memref<128x128xf32, #tpu.memory_space<vmem>>, vector<1x16xf32>,
        %get3A_598 = vector.shape_cast %get3A_597 : vector<1x16xf32> to vector<16xf32>
        %get3A_599 = arith.index_cast %add3A_410 : i32 to index
        %get3A_600 = arith.constant 64 : index
        %get3A_601 = tpu.vector_load %arg11[%get3A_599, %get3A_600] {strides = array<i32>} : memref<128x128xf32, #tpu.memory_space<vmem>>, vector<1x16xf32>,
        %get3A_602 = vector.shape_cast %get3A_601 : vector<1x16xf32> to vector<16xf32>
        %get3A_603 = arith.index_cast %add3A_410 : i32 to index
        %get3A_604 = arith.constant 64 : index
        %get3A_605 = tpu.vector_load %arg12[%get3A_603, %get3A_604] {strides = array<i32>} : memref<128x128xf32, #tpu.memory_space<vmem>>, vector<1x16xf32>,
        %get3A_606 = vector.shape_cast %get3A_605 : vector<1x16xf32> to vector<16xf32>
        %add3A_607 = arith.addf %get3A_602, %get3A_606 : vector<16xf32>
        %mul3A_608 = arith.mulf %get3A_598, %add3A_607 : vector<16xf32>
        %xor3A_609 = arith.constant 8 : i32
        %xor3A_610 = vector.broadcast %xor3A_609 : i32 to vector<16xi32>
        %xor3A_611 = arith.xori %iota3A, %xor3A_610 : vector<16xi32>
        %reshape3A_612 = vector.shape_cast %xor3A_611 : vector<16xi32> to vector<16x1xi32>
        %gather3A_613 = vector.shape_cast %reshape3A_612 : vector<16x1xi32> to vector<16xi32>
        %gather3A_614 = tpu.dynamic_gather %mul3A_608[%gather3A_613] in [0] : vector<16xf32>, vector<16xi32> -> vector<16xf32>
        %add3A_615 = arith.addf %mul3A_608, %gather3A_614 : vector<16xf32>
        %xor3A_616 = arith.constant 4 : i32
        %xor3A_617 = vector.broadcast %xor3A_616 : i32 to vector<16xi32>
        %xor3A_618 = arith.xori %iota3A, %xor3A_617 : vector<16xi32>
        %reshape3A_619 = vector.shape_cast %xor3A_618 : vector<16xi32> to vector<16x1xi32>
        %gather3A_620 = vector.shape_cast %reshape3A_619 : vector<16x1xi32> to vector<16xi32>
        %gather3A_621 = tpu.dynamic_gather %add3A_615[%gather3A_620] in [0] : vector<16xf32>, vector<16xi32> -> vector<16xf32>
        %add3A_622 = arith.addf %add3A_615, %gather3A_621 : vector<16xf32>
        %xor3A_623 = arith.constant 2 : i32
        %xor3A_624 = vector.broadcast %xor3A_623 : i32 to vector<16xi32>
        %xor3A_625 = arith.xori %iota3A, %xor3A_624 : vector<16xi32>
        %reshape3A_626 = vector.shape_cast %xor3A_625 : vector<16xi32> to vector<16x1xi32>
        %gather3A_627 = vector.shape_cast %reshape3A_626 : vector<16x1xi32> to vector<16xi32>
        %gather3A_628 = tpu.dynamic_gather %add3A_622[%gather3A_627] in [0] : vector<16xf32>, vector<16xi32> -> vector<16xf32>
        %add3A_629 = arith.addf %add3A_622, %gather3A_628 : vector<16xf32>
        %xor3A_630 = arith.constant 1 : i32
        %xor3A_631 = vector.broadcast %xor3A_630 : i32 to vector<16xi32>
        %xor3A_632 = arith.xori %iota3A, %xor3A_631 : vector<16xi32>
        %reshape3A_633 = vector.shape_cast %xor3A_632 : vector<16xi32> to vector<16x1xi32>
        %gather3A_634 = vector.shape_cast %reshape3A_633 : vector<16x1xi32> to vector<16xi32>
        %gather3A_635 = tpu.dynamic_gather %add3A_629[%gather3A_634] in [0] : vector<16xf32>, vector<16xi32> -> vector<16xf32>
        %add3A_636 = arith.addf %add3A_629, %gather3A_635 : vector<16xf32>
        %eq3A_637 = arith.constant 12 : i32
        %eq3A_638 = vector.broadcast %eq3A_637 : i32 to vector<16xi32>
        %eq3A_639 = arith.cmpi eq, %iota3A, %eq3A_638 : vector<16xi32>
        %select_n3A_640 = arith.select %eq3A_639, %add3A_636, %select_n3A_594 : vector<16xi1>, vector<16xf32>
        %get3A_641 = arith.index_cast %add3A_410 : i32 to index
        %get3A_642 = arith.constant 80 : index
        %get3A_643 = tpu.vector_load %arg10[%get3A_641, %get3A_642] {strides = array<i32>} : memref<128x128xf32, #tpu.memory_space<vmem>>, vector<1x16xf32>,
        %get3A_644 = vector.shape_cast %get3A_643 : vector<1x16xf32> to vector<16xf32>
        %get3A_645 = arith.index_cast %add3A_410 : i32 to index
        %get3A_646 = arith.constant 80 : index
        %get3A_647 = tpu.vector_load %arg11[%get3A_645, %get3A_646] {strides = array<i32>} : memref<128x128xf32, #tpu.memory_space<vmem>>, vector<1x16xf32>,
        %get3A_648 = vector.shape_cast %get3A_647 : vector<1x16xf32> to vector<16xf32>
        %get3A_649 = arith.index_cast %add3A_410 : i32 to index
        %get3A_650 = arith.constant 80 : index
        %get3A_651 = tpu.vector_load %arg12[%get3A_649, %get3A_650] {strides = array<i32>} : memref<128x128xf32, #tpu.memory_space<vmem>>, vector<1x16xf32>,
        %get3A_652 = vector.shape_cast %get3A_651 : vector<1x16xf32> to vector<16xf32>
        %add3A_653 = arith.addf %get3A_648, %get3A_652 : vector<16xf32>
        %mul3A_654 = arith.mulf %get3A_644, %add3A_653 : vector<16xf32>
        %xor3A_655 = arith.constant 8 : i32
        %xor3A_656 = vector.broadcast %xor3A_655 : i32 to vector<16xi32>
        %xor3A_657 = arith.xori %iota3A, %xor3A_656 : vector<16xi32>
        %reshape3A_658 = vector.shape_cast %xor3A_657 : vector<16xi32> to vector<16x1xi32>
        %gather3A_659 = vector.shape_cast %reshape3A_658 : vector<16x1xi32> to vector<16xi32>
        %gather3A_660 = tpu.dynamic_gather %mul3A_654[%gather3A_659] in [0] : vector<16xf32>, vector<16xi32> -> vector<16xf32>
        %add3A_661 = arith.addf %mul3A_654, %gather3A_660 : vector<16xf32>
        %xor3A_662 = arith.constant 4 : i32
        %xor3A_663 = vector.broadcast %xor3A_662 : i32 to vector<16xi32>
        %xor3A_664 = arith.xori %iota3A, %xor3A_663 : vector<16xi32>
        %reshape3A_665 = vector.shape_cast %xor3A_664 : vector<16xi32> to vector<16x1xi32>
        %gather3A_666 = vector.shape_cast %reshape3A_665 : vector<16x1xi32> to vector<16xi32>
        %gather3A_667 = tpu.dynamic_gather %add3A_661[%gather3A_666] in [0] : vector<16xf32>, vector<16xi32> -> vector<16xf32>
        %add3A_668 = arith.addf %add3A_661, %gather3A_667 : vector<16xf32>
        %xor3A_669 = arith.constant 2 : i32
        %xor3A_670 = vector.broadcast %xor3A_669 : i32 to vector<16xi32>
        %xor3A_671 = arith.xori %iota3A, %xor3A_670 : vector<16xi32>
        %reshape3A_672 = vector.shape_cast %xor3A_671 : vector<16xi32> to vector<16x1xi32>
        %gather3A_673 = vector.shape_cast %reshape3A_672 : vector<16x1xi32> to vector<16xi32>
        %gather3A_674 = tpu.dynamic_gather %add3A_668[%gather3A_673] in [0] : vector<16xf32>, vector<16xi32> -> vector<16xf32>
        %add3A_675 = arith.addf %add3A_668, %gather3A_674 : vector<16xf32>
        %xor3A_676 = arith.constant 1 : i32
        %xor3A_677 = vector.broadcast %xor3A_676 : i32 to vector<16xi32>
        %xor3A_678 = arith.xori %iota3A, %xor3A_677 : vector<16xi32>
        %reshape3A_679 = vector.shape_cast %xor3A_678 : vector<16xi32> to vector<16x1xi32>
        %gather3A_680 = vector.shape_cast %reshape3A_679 : vector<16x1xi32> to vector<16xi32>
        %gather3A_681 = tpu.dynamic_gather %add3A_675[%gather3A_680] in [0] : vector<16xf32>, vector<16xi32> -> vector<16xf32>
        %add3A_682 = arith.addf %add3A_675, %gather3A_681 : vector<16xf32>
        %eq3A_683 = arith.constant 13 : i32
        %eq3A_684 = vector.broadcast %eq3A_683 : i32 to vector<16xi32>
        %eq3A_685 = arith.cmpi eq, %iota3A, %eq3A_684 : vector<16xi32>
        %select_n3A_686 = arith.select %eq3A_685, %add3A_682, %select_n3A_640 : vector<16xi1>, vector<16xf32>
        %get3A_687 = arith.index_cast %add3A_410 : i32 to index
        %get3A_688 = arith.constant 96 : index
        %get3A_689 = tpu.vector_load %arg10[%get3A_687, %get3A_688] {strides = array<i32>} : memref<128x128xf32, #tpu.memory_space<vmem>>, vector<1x16xf32>,
        %get3A_690 = vector.shape_cast %get3A_689 : vector<1x16xf32> to vector<16xf32>
        %get3A_691 = arith.index_cast %add3A_410 : i32 to index
        %get3A_692 = arith.constant 96 : index
        %get3A_693 = tpu.vector_load %arg11[%get3A_691, %get3A_692] {strides = array<i32>} : memref<128x128xf32, #tpu.memory_space<vmem>>, vector<1x16xf32>,
        %get3A_694 = vector.shape_cast %get3A_693 : vector<1x16xf32> to vector<16xf32>
        %get3A_695 = arith.index_cast %add3A_410 : i32 to index
        %get3A_696 = arith.constant 96 : index
        %get3A_697 = tpu.vector_load %arg12[%get3A_695, %get3A_696] {strides = array<i32>} : memref<128x128xf32, #tpu.memory_space<vmem>>, vector<1x16xf32>,
        %get3A_698 = vector.shape_cast %get3A_697 : vector<1x16xf32> to vector<16xf32>
        %add3A_699 = arith.addf %get3A_694, %get3A_698 : vector<16xf32>
        %mul3A_700 = arith.mulf %get3A_690, %add3A_699 : vector<16xf32>
        %xor3A_701 = arith.constant 8 : i32
        %xor3A_702 = vector.broadcast %xor3A_701 : i32 to vector<16xi32>
        %xor3A_703 = arith.xori %iota3A, %xor3A_702 : vector<16xi32>
        %reshape3A_704 = vector.shape_cast %xor3A_703 : vector<16xi32> to vector<16x1xi32>
        %gather3A_705 = vector.shape_cast %reshape3A_704 : vector<16x1xi32> to vector<16xi32>
        %gather3A_706 = tpu.dynamic_gather %mul3A_700[%gather3A_705] in [0] : vector<16xf32>, vector<16xi32> -> vector<16xf32>
        %add3A_707 = arith.addf %mul3A_700, %gather3A_706 : vector<16xf32>
        %xor3A_708 = arith.constant 4 : i32
        %xor3A_709 = vector.broadcast %xor3A_708 : i32 to vector<16xi32>
        %xor3A_710 = arith.xori %iota3A, %xor3A_709 : vector<16xi32>
        %reshape3A_711 = vector.shape_cast %xor3A_710 : vector<16xi32> to vector<16x1xi32>
        %gather3A_712 = vector.shape_cast %reshape3A_711 : vector<16x1xi32> to vector<16xi32>
        %gather3A_713 = tpu.dynamic_gather %add3A_707[%gather3A_712] in [0] : vector<16xf32>, vector<16xi32> -> vector<16xf32>
        %add3A_714 = arith.addf %add3A_707, %gather3A_713 : vector<16xf32>
        %xor3A_715 = arith.constant 2 : i32
        %xor3A_716 = vector.broadcast %xor3A_715 : i32 to vector<16xi32>
        %xor3A_717 = arith.xori %iota3A, %xor3A_716 : vector<16xi32>
        %reshape3A_718 = vector.shape_cast %xor3A_717 : vector<16xi32> to vector<16x1xi32>
        %gather3A_719 = vector.shape_cast %reshape3A_718 : vector<16x1xi32> to vector<16xi32>
        %gather3A_720 = tpu.dynamic_gather %add3A_714[%gather3A_719] in [0] : vector<16xf32>, vector<16xi32> -> vector<16xf32>
        %add3A_721 = arith.addf %add3A_714, %gather3A_720 : vector<16xf32>
        %xor3A_722 = arith.constant 1 : i32
        %xor3A_723 = vector.broadcast %xor3A_722 : i32 to vector<16xi32>
        %xor3A_724 = arith.xori %iota3A, %xor3A_723 : vector<16xi32>
        %reshape3A_725 = vector.shape_cast %xor3A_724 : vector<16xi32> to vector<16x1xi32>
        %gather3A_726 = vector.shape_cast %reshape3A_725 : vector<16x1xi32> to vector<16xi32>
        %gather3A_727 = tpu.dynamic_gather %add3A_721[%gather3A_726] in [0] : vector<16xf32>, vector<16xi32> -> vector<16xf32>
        %add3A_728 = arith.addf %add3A_721, %gather3A_727 : vector<16xf32>
        %eq3A_729 = arith.constant 14 : i32
        %eq3A_730 = vector.broadcast %eq3A_729 : i32 to vector<16xi32>
        %eq3A_731 = arith.cmpi eq, %iota3A, %eq3A_730 : vector<16xi32>
        %select_n3A_732 = arith.select %eq3A_731, %add3A_728, %select_n3A_686 : vector<16xi1>, vector<16xf32>
        %get3A_733 = arith.index_cast %add3A_410 : i32 to index
        %get3A_734 = arith.constant 112 : index
        %get3A_735 = tpu.vector_load %arg10[%get3A_733, %get3A_734] {strides = array<i32>} : memref<128x128xf32, #tpu.memory_space<vmem>>, vector<1x16xf32>,
        %get3A_736 = vector.shape_cast %get3A_735 : vector<1x16xf32> to vector<16xf32>
        %get3A_737 = arith.index_cast %add3A_410 : i32 to index
        %get3A_738 = arith.constant 112 : index
        %get3A_739 = tpu.vector_load %arg11[%get3A_737, %get3A_738] {strides = array<i32>} : memref<128x128xf32, #tpu.memory_space<vmem>>, vector<1x16xf32>,
        %get3A_740 = vector.shape_cast %get3A_739 : vector<1x16xf32> to vector<16xf32>
        %get3A_741 = arith.index_cast %add3A_410 : i32 to index
        %get3A_742 = arith.constant 112 : index
        %get3A_743 = tpu.vector_load %arg12[%get3A_741, %get3A_742] {strides = array<i32>} : memref<128x128xf32, #tpu.memory_space<vmem>>, vector<1x16xf32>,
        %get3A_744 = vector.shape_cast %get3A_743 : vector<1x16xf32> to vector<16xf32>
        %add3A_745 = arith.addf %get3A_740, %get3A_744 : vector<16xf32>
        %mul3A_746 = arith.mulf %get3A_736, %add3A_745 : vector<16xf32>
        %xor3A_747 = arith.constant 8 : i32
        %xor3A_748 = vector.broadcast %xor3A_747 : i32 to vector<16xi32>
        %xor3A_749 = arith.xori %iota3A, %xor3A_748 : vector<16xi32>
        %reshape3A_750 = vector.shape_cast %xor3A_749 : vector<16xi32> to vector<16x1xi32>
        %gather3A_751 = vector.shape_cast %reshape3A_750 : vector<16x1xi32> to vector<16xi32>
        %gather3A_752 = tpu.dynamic_gather %mul3A_746[%gather3A_751] in [0] : vector<16xf32>, vector<16xi32> -> vector<16xf32>
        %add3A_753 = arith.addf %mul3A_746, %gather3A_752 : vector<16xf32>
        %xor3A_754 = arith.constant 4 : i32
        %xor3A_755 = vector.broadcast %xor3A_754 : i32 to vector<16xi32>
        %xor3A_756 = arith.xori %iota3A, %xor3A_755 : vector<16xi32>
        %reshape3A_757 = vector.shape_cast %xor3A_756 : vector<16xi32> to vector<16x1xi32>
        %gather3A_758 = vector.shape_cast %reshape3A_757 : vector<16x1xi32> to vector<16xi32>
        %gather3A_759 = tpu.dynamic_gather %add3A_753[%gather3A_758] in [0] : vector<16xf32>, vector<16xi32> -> vector<16xf32>
        %add3A_760 = arith.addf %add3A_753, %gather3A_759 : vector<16xf32>
        %xor3A_761 = arith.constant 2 : i32
        %xor3A_762 = vector.broadcast %xor3A_761 : i32 to vector<16xi32>
        %xor3A_763 = arith.xori %iota3A, %xor3A_762 : vector<16xi32>
        %reshape3A_764 = vector.shape_cast %xor3A_763 : vector<16xi32> to vector<16x1xi32>
        %gather3A_765 = vector.shape_cast %reshape3A_764 : vector<16x1xi32> to vector<16xi32>
        %gather3A_766 = tpu.dynamic_gather %add3A_760[%gather3A_765] in [0] : vector<16xf32>, vector<16xi32> -> vector<16xf32>
        %add3A_767 = arith.addf %add3A_760, %gather3A_766 : vector<16xf32>
        %xor3A_768 = arith.constant 1 : i32
        %xor3A_769 = vector.broadcast %xor3A_768 : i32 to vector<16xi32>
        %xor3A_770 = arith.xori %iota3A, %xor3A_769 : vector<16xi32>
        %reshape3A_771 = vector.shape_cast %xor3A_770 : vector<16xi32> to vector<16x1xi32>
        %gather3A_772 = vector.shape_cast %reshape3A_771 : vector<16x1xi32> to vector<16xi32>
        %gather3A_773 = tpu.dynamic_gather %add3A_767[%gather3A_772] in [0] : vector<16xf32>, vector<16xi32> -> vector<16xf32>
        %add3A_774 = arith.addf %add3A_767, %gather3A_773 : vector<16xf32>
        %eq3A_775 = arith.constant 15 : i32
        %eq3A_776 = vector.broadcast %eq3A_775 : i32 to vector<16xi32>
        %eq3A_777 = arith.cmpi eq, %iota3A, %eq3A_776 : vector<16xi32>
        %select_n3A_778 = arith.select %eq3A_777, %add3A_774, %select_n3A_732 : vector<16xi1>, vector<16xf32>
        %mul3A_779 = arith.constant 16 : i32
        %mul3A_780 = arith.muli %scan3A_38, %mul3A_779 : i32
        %swap3A = arith.index_cast %mul3A_780 : i32 to index
        %swap3A_781 = tpu.vector_load %arg13[%swap3A] {strides = array<i32>} : memref<1024xf32, #tpu.memory_space<vmem>>, vector<16xf32>,
        %swap3A_782 = vector.shape_cast %swap3A_781 : vector<16xf32> to vector<16xf32>
        %swap3A_783 = vector.shape_cast %select_n3A_778 : vector<16xf32> to vector<16xf32>
        tpu.vector_store %arg13[%swap3A], %swap3A_783 {strides = array<i32>} : memref<1024xf32, #tpu.memory_space<vmem>>, vector<16xf32>,
      }
      %scan3A_35 = arith.constant 64 : i32
      %mul3A_36 = arith.constant 8 : i32
      %mul3A_37 = arith.muli %mul3A_20, %mul3A_36 : i32
      "tpu.region"() ({
        %run_scoped3A = tpu.sem_alloc : memref<!tpu.dma_semaphore, #tpu.memory_space<semaphore_mem>>
        %dma_start3A_38 = tpu.memref_slice %arg7[%mul3A_37] : memref<2560000xf32, #tpu.memory_space<hbm>> -> memref<1024xf32, #tpu.memory_space<hbm>>
        %dma_start3A_39 = tpu.memref_slice %arg7[%mul3A_37] : memref<2560000xf32, #tpu.memory_space<hbm>> -> memref<1024xf32, #tpu.memory_space<hbm>>
        tpu.enqueue_dma source(%arg13 : memref<1024xf32, #tpu.memory_space<vmem>>) target(%dma_start3A_39 : memref<1024xf32, #tpu.memory_space<hbm>>) target_semaphore(%run_scoped3A : memref<!tpu.dma_semaphore, #tpu.memory_space<semaphore_mem>>)
        %dma_wait3A_40 = tpu.memref_slice %arg7[%mul3A_37] : memref<2560000xf32, #tpu.memory_space<hbm>> -> memref<1024xf32, #tpu.memory_space<hbm>>
        %dma_wait3A_41 = tpu.memref_slice %arg7[%mul3A_37] : memref<2560000xf32, #tpu.memory_space<hbm>> -> memref<1024xf32, #tpu.memory_space<hbm>>
        tpu.wait_dma2 semaphore(%run_scoped3A : memref<!tpu.dma_semaphore, #tpu.memory_space<semaphore_mem>>) src(%arg13 : memref<1024xf32, #tpu.memory_space<vmem>>) dst(%dma_wait3A_41 : memref<1024xf32, #tpu.memory_space<hbm>>)
        tpu.yield
      }) : () -> ()
    }
    %while3A_17 = arith.constant 1 : i32
    scf.for %while3A_18 = %while3A_15 to %while3A_11 step %while3A_17  : i32 {
      %mul3A_19 = arith.constant 128 : i32
      %mul3A_20 = arith.muli %while3A_18, %mul3A_19 : i32
      "tpu.region"() ({
        %run_scoped3A = tpu.sem_alloc : memref<!tpu.dma_semaphore, #tpu.memory_space<semaphore_mem>>
        %dma_start3A_38 = tpu.memref_slice %arg5[%mul3A_20] : memref<320000xi32, #tpu.memory_space<hbm>> -> memref<128xi32, #tpu.memory_space<hbm>>
        %dma_start3A_39 = tpu.memref_slice %arg5[%mul3A_20] : memref<320000xi32, #tpu.memory_space<hbm>> -> memref<128xi32, #tpu.memory_space<hbm>>
        tpu.enqueue_dma source(%dma_start3A_39 : memref<128xi32, #tpu.memory_space<hbm>>) target(%arg8 : memref<128xi32, #tpu.memory_space<vmem>>) target_semaphore(%run_scoped3A : memref<!tpu.dma_semaphore, #tpu.memory_space<semaphore_mem>>)
        %dma_wait3A_40 = tpu.memref_slice %arg5[%mul3A_20] : memref<320000xi32, #tpu.memory_space<hbm>> -> memref<128xi32, #tpu.memory_space<hbm>>
        %dma_wait3A_41 = tpu.memref_slice %arg5[%mul3A_20] : memref<320000xi32, #tpu.memory_space<hbm>> -> memref<128xi32, #tpu.memory_space<hbm>>
        tpu.wait_dma2 semaphore(%run_scoped3A : memref<!tpu.dma_semaphore, #tpu.memory_space<semaphore_mem>>) src(%dma_wait3A_41 : memref<128xi32, #tpu.memory_space<hbm>>) dst(%arg8 : memref<128xi32, #tpu.memory_space<vmem>>)
        tpu.yield
      }) : () -> ()
      "tpu.region"() ({
        %run_scoped3A = tpu.sem_alloc : memref<!tpu.dma_semaphore, #tpu.memory_space<semaphore_mem>>
        %dma_start3A_38 = tpu.memref_slice %arg6[%mul3A_20] : memref<320000xi32, #tpu.memory_space<hbm>> -> memref<128xi32, #tpu.memory_space<hbm>>
        %dma_start3A_39 = tpu.memref_slice %arg6[%mul3A_20] : memref<320000xi32, #tpu.memory_space<hbm>> -> memref<128xi32, #tpu.memory_space<hbm>>
        tpu.enqueue_dma source(%dma_start3A_39 : memref<128xi32, #tpu.memory_space<hbm>>) target(%arg9 : memref<128xi32, #tpu.memory_space<vmem>>) target_semaphore(%run_scoped3A : memref<!tpu.dma_semaphore, #tpu.memory_space<semaphore_mem>>)
        %dma_wait3A_40 = tpu.memref_slice %arg6[%mul3A_20] : memref<320000xi32, #tpu.memory_space<hbm>> -> memref<128xi32, #tpu.memory_space<hbm>>
        %dma_wait3A_41 = tpu.memref_slice %arg6[%mul3A_20] : memref<320000xi32, #tpu.memory_space<hbm>> -> memref<128xi32, #tpu.memory_space<hbm>>
        tpu.wait_dma2 semaphore(%run_scoped3A : memref<!tpu.dma_semaphore, #tpu.memory_space<semaphore_mem>>) src(%dma_wait3A_41 : memref<128xi32, #tpu.memory_space<hbm>>) dst(%arg9 : memref<128xi32, #tpu.memory_space<vmem>>)
        tpu.yield
      }) : () -> ()
      %dma_start3A = arith.constant 0 : i32
      %dma_start3A_21 = arith.constant 0 : i32
      %dma_start3A_22 = tpu.memref_slice %arg2[%dma_start3A, %dma_start3A_21] : memref<10000x128xf32, #tpu.memory_space<hbm>> -> memref<10000x128xf32, #tpu.memory_space<hbm>>
      tpu.enqueue_indirect_dma source(%dma_start3A_22 : memref<10000x128xf32, #tpu.memory_space<hbm>>) target(%arg10 : memref<128x128xf32, #tpu.memory_space<vmem>>) offsets(%arg8 : memref<128xi32, #tpu.memory_space<vmem>>) semaphore(%arg14 : memref<!tpu.dma_semaphore, #tpu.memory_space<semaphore_mem>>)
      %dma_start3A_23 = arith.constant 0 : i32
      %dma_start3A_24 = arith.constant 0 : i32
      %dma_start3A_25 = tpu.memref_slice %arg3[%dma_start3A_23, %dma_start3A_24] : memref<10000x128xf32, #tpu.memory_space<hbm>> -> memref<10000x128xf32, #tpu.memory_space<hbm>>
      tpu.enqueue_indirect_dma source(%dma_start3A_25 : memref<10000x128xf32, #tpu.memory_space<hbm>>) target(%arg11 : memref<128x128xf32, #tpu.memory_space<vmem>>) offsets(%arg9 : memref<128xi32, #tpu.memory_space<vmem>>) semaphore(%arg15 : memref<!tpu.dma_semaphore, #tpu.memory_space<semaphore_mem>>)
      "tpu.region"() ({
        %run_scoped3A = tpu.sem_alloc : memref<!tpu.dma_semaphore, #tpu.memory_space<semaphore_mem>>
        %dma_start3A_38 = arith.constant 0 : i32
        %dma_start3A_39 = tpu.memref_slice %arg4[%mul3A_20, %dma_start3A_38] : memref<320000x128xf32, #tpu.memory_space<hbm>> -> memref<128x128xf32, #tpu.memory_space<hbm>>
        %dma_start3A_40 = arith.constant 0 : i32
        %dma_start3A_41 = tpu.memref_slice %arg4[%mul3A_20, %dma_start3A_40] : memref<320000x128xf32, #tpu.memory_space<hbm>> -> memref<128x128xf32, #tpu.memory_space<hbm>>
        tpu.enqueue_dma source(%dma_start3A_41 : memref<128x128xf32, #tpu.memory_space<hbm>>) target(%arg12 : memref<128x128xf32, #tpu.memory_space<vmem>>) target_semaphore(%run_scoped3A : memref<!tpu.dma_semaphore, #tpu.memory_space<semaphore_mem>>)
        %dma_wait3A_42 = arith.constant 0 : i32
        %dma_wait3A_43 = tpu.memref_slice %arg4[%mul3A_20, %dma_wait3A_42] : memref<320000x128xf32, #tpu.memory_space<hbm>> -> memref<128x128xf32, #tpu.memory_space<hbm>>
        %dma_wait3A_44 = arith.constant 0 : i32
        %dma_wait3A_45 = tpu.memref_slice %arg4[%mul3A_20, %dma_wait3A_44] : memref<320000x128xf32, #tpu.memory_space<hbm>> -> memref<128x128xf32, #tpu.memory_space<hbm>>
        tpu.wait_dma2 semaphore(%run_scoped3A : memref<!tpu.dma_semaphore, #tpu.memory_space<semaphore_mem>>) src(%dma_wait3A_45 : memref<128x128xf32, #tpu.memory_space<hbm>>) dst(%arg12 : memref<128x128xf32, #tpu.memory_space<vmem>>)
        tpu.yield
      }) : () -> ()
      %dma_wait3A = arith.constant 0 : i32
      %dma_wait3A_26 = arith.constant 0 : i32
      %dma_wait3A_27 = tpu.memref_slice %arg2[%dma_wait3A, %dma_wait3A_26] : memref<10000x128xf32, #tpu.memory_space<hbm>> -> memref<10000x128xf32, #tpu.memory_space<hbm>>
      tpu.wait_indirect_dma semaphore(%arg14 : memref<!tpu.dma_semaphore, #tpu.memory_space<semaphore_mem>>) src(%dma_wait3A_27 : memref<10000x128xf32, #tpu.memory_space<hbm>>) dst(%arg10 : memref<128x128xf32, #tpu.memory_space<vmem>>)
      %dma_wait3A_28 = arith.constant 0 : i32
      %dma_wait3A_29 = arith.constant 0 : i32
      %dma_wait3A_30 = tpu.memref_slice %arg3[%dma_wait3A_28, %dma_wait3A_29] : memref<10000x128xf32, #tpu.memory_space<hbm>> -> memref<10000x128xf32, #tpu.memory_space<hbm>>
      tpu.wait_indirect_dma semaphore(%arg15 : memref<!tpu.dma_semaphore, #tpu.memory_space<semaphore_mem>>) src(%dma_wait3A_30 : memref<10000x128xf32, #tpu.memory_space<hbm>>) dst(%arg11 : memref<128x128xf32, #tpu.memory_space<vmem>>)
      %scan3A = arith.constant 0 : i32
      %scan3A_31 = arith.constant 0 : i32
      %scan3A_32 = arith.constant 64 : i32
      %scan3A_33 = arith.addi %scan3A_31, %scan3A_32 : i32
      %scan3A_34 = arith.constant 1 : i32
      scf.for %scan3A_38 = %scan3A_31 to %scan3A_33 step %scan3A_34  : i32 {
        %broadcast_in_dim3A = arith.constant 0.000000e+00 : f32
        %broadcast_in_dim3A_39 = vector.broadcast %broadcast_in_dim3A : f32 to vector<16xf32>
        %mul3A_40 = arith.constant 2 : i32
        %mul3A_41 = arith.muli %scan3A_38, %mul3A_40 : i32
        %add3A_42 = arith.constant 0 : i32
        %add3A_43 = arith.addi %mul3A_41, %add3A_42 : i32
        %get3A = arith.index_cast %add3A_43 : i32 to index
        %get3A_44 = arith.constant 0 : index
        %get3A_45 = tpu.vector_load %arg10[%get3A, %get3A_44] {strides = array<i32>} : memref<128x128xf32, #tpu.memory_space<vmem>>, vector<1x16xf32>,
        %get3A_46 = vector.shape_cast %get3A_45 : vector<1x16xf32> to vector<16xf32>
        %get3A_47 = arith.index_cast %add3A_43 : i32 to index
        %get3A_48 = arith.constant 0 : index
        %get3A_49 = tpu.vector_load %arg11[%get3A_47, %get3A_48] {strides = array<i32>} : memref<128x128xf32, #tpu.memory_space<vmem>>, vector<1x16xf32>,
        %get3A_50 = vector.shape_cast %get3A_49 : vector<1x16xf32> to vector<16xf32>
        %get3A_51 = arith.index_cast %add3A_43 : i32 to index
        %get3A_52 = arith.constant 0 : index
        %get3A_53 = tpu.vector_load %arg12[%get3A_51, %get3A_52] {strides = array<i32>} : memref<128x128xf32, #tpu.memory_space<vmem>>, vector<1x16xf32>,
        %get3A_54 = vector.shape_cast %get3A_53 : vector<1x16xf32> to vector<16xf32>
        %add3A_55 = arith.addf %get3A_50, %get3A_54 : vector<16xf32>
        %mul3A_56 = arith.mulf %get3A_46, %add3A_55 : vector<16xf32>
        %xor3A = arith.constant 8 : i32
        %xor3A_57 = vector.broadcast %xor3A : i32 to vector<16xi32>
        %xor3A_58 = arith.xori %iota3A, %xor3A_57 : vector<16xi32>
        %reshape3A = vector.shape_cast %xor3A_58 : vector<16xi32> to vector<16x1xi32>
        %gather3A = vector.shape_cast %reshape3A : vector<16x1xi32> to vector<16xi32>
        %gather3A_59 = tpu.dynamic_gather %mul3A_56[%gather3A] in [0] : vector<16xf32>, vector<16xi32> -> vector<16xf32>
        %add3A_60 = arith.addf %mul3A_56, %gather3A_59 : vector<16xf32>
        %xor3A_61 = arith.constant 4 : i32
        %xor3A_62 = vector.broadcast %xor3A_61 : i32 to vector<16xi32>
        %xor3A_63 = arith.xori %iota3A, %xor3A_62 : vector<16xi32>
        %reshape3A_64 = vector.shape_cast %xor3A_63 : vector<16xi32> to vector<16x1xi32>
        %gather3A_65 = vector.shape_cast %reshape3A_64 : vector<16x1xi32> to vector<16xi32>
        %gather3A_66 = tpu.dynamic_gather %add3A_60[%gather3A_65] in [0] : vector<16xf32>, vector<16xi32> -> vector<16xf32>
        %add3A_67 = arith.addf %add3A_60, %gather3A_66 : vector<16xf32>
        %xor3A_68 = arith.constant 2 : i32
        %xor3A_69 = vector.broadcast %xor3A_68 : i32 to vector<16xi32>
        %xor3A_70 = arith.xori %iota3A, %xor3A_69 : vector<16xi32>
        %reshape3A_71 = vector.shape_cast %xor3A_70 : vector<16xi32> to vector<16x1xi32>
        %gather3A_72 = vector.shape_cast %reshape3A_71 : vector<16x1xi32> to vector<16xi32>
        %gather3A_73 = tpu.dynamic_gather %add3A_67[%gather3A_72] in [0] : vector<16xf32>, vector<16xi32> -> vector<16xf32>
        %add3A_74 = arith.addf %add3A_67, %gather3A_73 : vector<16xf32>
        %xor3A_75 = arith.constant 1 : i32
        %xor3A_76 = vector.broadcast %xor3A_75 : i32 to vector<16xi32>
        %xor3A_77 = arith.xori %iota3A, %xor3A_76 : vector<16xi32>
        %reshape3A_78 = vector.shape_cast %xor3A_77 : vector<16xi32> to vector<16x1xi32>
        %gather3A_79 = vector.shape_cast %reshape3A_78 : vector<16x1xi32> to vector<16xi32>
        %gather3A_80 = tpu.dynamic_gather %add3A_74[%gather3A_79] in [0] : vector<16xf32>, vector<16xi32> -> vector<16xf32>
        %add3A_81 = arith.addf %add3A_74, %gather3A_80 : vector<16xf32>
        %eq3A = arith.constant 0 : i32
        %eq3A_82 = vector.broadcast %eq3A : i32 to vector<16xi32>
        %eq3A_83 = arith.cmpi eq, %iota3A, %eq3A_82 : vector<16xi32>
        %select_n3A_84 = arith.select %eq3A_83, %add3A_81, %broadcast_in_dim3A_39 : vector<16xi1>, vector<16xf32>
        %get3A_85 = arith.index_cast %add3A_43 : i32 to index
        %get3A_86 = arith.constant 16 : index
        %get3A_87 = tpu.vector_load %arg10[%get3A_85, %get3A_86] {strides = array<i32>} : memref<128x128xf32, #tpu.memory_space<vmem>>, vector<1x16xf32>,
        %get3A_88 = vector.shape_cast %get3A_87 : vector<1x16xf32> to vector<16xf32>
        %get3A_89 = arith.index_cast %add3A_43 : i32 to index
        %get3A_90 = arith.constant 16 : index
        %get3A_91 = tpu.vector_load %arg11[%get3A_89, %get3A_90] {strides = array<i32>} : memref<128x128xf32, #tpu.memory_space<vmem>>, vector<1x16xf32>,
        %get3A_92 = vector.shape_cast %get3A_91 : vector<1x16xf32> to vector<16xf32>
        %get3A_93 = arith.index_cast %add3A_43 : i32 to index
        %get3A_94 = arith.constant 16 : index
        %get3A_95 = tpu.vector_load %arg12[%get3A_93, %get3A_94] {strides = array<i32>} : memref<128x128xf32, #tpu.memory_space<vmem>>, vector<1x16xf32>,
        %get3A_96 = vector.shape_cast %get3A_95 : vector<1x16xf32> to vector<16xf32>
        %add3A_97 = arith.addf %get3A_92, %get3A_96 : vector<16xf32>
        %mul3A_98 = arith.mulf %get3A_88, %add3A_97 : vector<16xf32>
        %xor3A_99 = arith.constant 8 : i32
        %xor3A_100 = vector.broadcast %xor3A_99 : i32 to vector<16xi32>
        %xor3A_101 = arith.xori %iota3A, %xor3A_100 : vector<16xi32>
        %reshape3A_102 = vector.shape_cast %xor3A_101 : vector<16xi32> to vector<16x1xi32>
        %gather3A_103 = vector.shape_cast %reshape3A_102 : vector<16x1xi32> to vector<16xi32>
        %gather3A_104 = tpu.dynamic_gather %mul3A_98[%gather3A_103] in [0] : vector<16xf32>, vector<16xi32> -> vector<16xf32>
        %add3A_105 = arith.addf %mul3A_98, %gather3A_104 : vector<16xf32>
        %xor3A_106 = arith.constant 4 : i32
        %xor3A_107 = vector.broadcast %xor3A_106 : i32 to vector<16xi32>
        %xor3A_108 = arith.xori %iota3A, %xor3A_107 : vector<16xi32>
        %reshape3A_109 = vector.shape_cast %xor3A_108 : vector<16xi32> to vector<16x1xi32>
        %gather3A_110 = vector.shape_cast %reshape3A_109 : vector<16x1xi32> to vector<16xi32>
        %gather3A_111 = tpu.dynamic_gather %add3A_105[%gather3A_110] in [0] : vector<16xf32>, vector<16xi32> -> vector<16xf32>
        %add3A_112 = arith.addf %add3A_105, %gather3A_111 : vector<16xf32>
        %xor3A_113 = arith.constant 2 : i32
        %xor3A_114 = vector.broadcast %xor3A_113 : i32 to vector<16xi32>
        %xor3A_115 = arith.xori %iota3A, %xor3A_114 : vector<16xi32>
        %reshape3A_116 = vector.shape_cast %xor3A_115 : vector<16xi32> to vector<16x1xi32>
        %gather3A_117 = vector.shape_cast %reshape3A_116 : vector<16x1xi32> to vector<16xi32>
        %gather3A_118 = tpu.dynamic_gather %add3A_112[%gather3A_117] in [0] : vector<16xf32>, vector<16xi32> -> vector<16xf32>
        %add3A_119 = arith.addf %add3A_112, %gather3A_118 : vector<16xf32>
        %xor3A_120 = arith.constant 1 : i32
        %xor3A_121 = vector.broadcast %xor3A_120 : i32 to vector<16xi32>
        %xor3A_122 = arith.xori %iota3A, %xor3A_121 : vector<16xi32>
        %reshape3A_123 = vector.shape_cast %xor3A_122 : vector<16xi32> to vector<16x1xi32>
        %gather3A_124 = vector.shape_cast %reshape3A_123 : vector<16x1xi32> to vector<16xi32>
        %gather3A_125 = tpu.dynamic_gather %add3A_119[%gather3A_124] in [0] : vector<16xf32>, vector<16xi32> -> vector<16xf32>
        %add3A_126 = arith.addf %add3A_119, %gather3A_125 : vector<16xf32>
        %eq3A_127 = arith.constant 1 : i32
        %eq3A_128 = vector.broadcast %eq3A_127 : i32 to vector<16xi32>
        %eq3A_129 = arith.cmpi eq, %iota3A, %eq3A_128 : vector<16xi32>
        %select_n3A_130 = arith.select %eq3A_129, %add3A_126, %select_n3A_84 : vector<16xi1>, vector<16xf32>
        %get3A_131 = arith.index_cast %add3A_43 : i32 to index
        %get3A_132 = arith.constant 32 : index
        %get3A_133 = tpu.vector_load %arg10[%get3A_131, %get3A_132] {strides = array<i32>} : memref<128x128xf32, #tpu.memory_space<vmem>>, vector<1x16xf32>,
        %get3A_134 = vector.shape_cast %get3A_133 : vector<1x16xf32> to vector<16xf32>
        %get3A_135 = arith.index_cast %add3A_43 : i32 to index
        %get3A_136 = arith.constant 32 : index
        %get3A_137 = tpu.vector_load %arg11[%get3A_135, %get3A_136] {strides = array<i32>} : memref<128x128xf32, #tpu.memory_space<vmem>>, vector<1x16xf32>,
        %get3A_138 = vector.shape_cast %get3A_137 : vector<1x16xf32> to vector<16xf32>
        %get3A_139 = arith.index_cast %add3A_43 : i32 to index
        %get3A_140 = arith.constant 32 : index
        %get3A_141 = tpu.vector_load %arg12[%get3A_139, %get3A_140] {strides = array<i32>} : memref<128x128xf32, #tpu.memory_space<vmem>>, vector<1x16xf32>,
        %get3A_142 = vector.shape_cast %get3A_141 : vector<1x16xf32> to vector<16xf32>
        %add3A_143 = arith.addf %get3A_138, %get3A_142 : vector<16xf32>
        %mul3A_144 = arith.mulf %get3A_134, %add3A_143 : vector<16xf32>
        %xor3A_145 = arith.constant 8 : i32
        %xor3A_146 = vector.broadcast %xor3A_145 : i32 to vector<16xi32>
        %xor3A_147 = arith.xori %iota3A, %xor3A_146 : vector<16xi32>
        %reshape3A_148 = vector.shape_cast %xor3A_147 : vector<16xi32> to vector<16x1xi32>
        %gather3A_149 = vector.shape_cast %reshape3A_148 : vector<16x1xi32> to vector<16xi32>
        %gather3A_150 = tpu.dynamic_gather %mul3A_144[%gather3A_149] in [0] : vector<16xf32>, vector<16xi32> -> vector<16xf32>
        %add3A_151 = arith.addf %mul3A_144, %gather3A_150 : vector<16xf32>
        %xor3A_152 = arith.constant 4 : i32
        %xor3A_153 = vector.broadcast %xor3A_152 : i32 to vector<16xi32>
        %xor3A_154 = arith.xori %iota3A, %xor3A_153 : vector<16xi32>
        %reshape3A_155 = vector.shape_cast %xor3A_154 : vector<16xi32> to vector<16x1xi32>
        %gather3A_156 = vector.shape_cast %reshape3A_155 : vector<16x1xi32> to vector<16xi32>
        %gather3A_157 = tpu.dynamic_gather %add3A_151[%gather3A_156] in [0] : vector<16xf32>, vector<16xi32> -> vector<16xf32>
        %add3A_158 = arith.addf %add3A_151, %gather3A_157 : vector<16xf32>
        %xor3A_159 = arith.constant 2 : i32
        %xor3A_160 = vector.broadcast %xor3A_159 : i32 to vector<16xi32>
        %xor3A_161 = arith.xori %iota3A, %xor3A_160 : vector<16xi32>
        %reshape3A_162 = vector.shape_cast %xor3A_161 : vector<16xi32> to vector<16x1xi32>
        %gather3A_163 = vector.shape_cast %reshape3A_162 : vector<16x1xi32> to vector<16xi32>
        %gather3A_164 = tpu.dynamic_gather %add3A_158[%gather3A_163] in [0] : vector<16xf32>, vector<16xi32> -> vector<16xf32>
        %add3A_165 = arith.addf %add3A_158, %gather3A_164 : vector<16xf32>
        %xor3A_166 = arith.constant 1 : i32
        %xor3A_167 = vector.broadcast %xor3A_166 : i32 to vector<16xi32>
        %xor3A_168 = arith.xori %iota3A, %xor3A_167 : vector<16xi32>
        %reshape3A_169 = vector.shape_cast %xor3A_168 : vector<16xi32> to vector<16x1xi32>
        %gather3A_170 = vector.shape_cast %reshape3A_169 : vector<16x1xi32> to vector<16xi32>
        %gather3A_171 = tpu.dynamic_gather %add3A_165[%gather3A_170] in [0] : vector<16xf32>, vector<16xi32> -> vector<16xf32>
        %add3A_172 = arith.addf %add3A_165, %gather3A_171 : vector<16xf32>
        %eq3A_173 = arith.constant 2 : i32
        %eq3A_174 = vector.broadcast %eq3A_173 : i32 to vector<16xi32>
        %eq3A_175 = arith.cmpi eq, %iota3A, %eq3A_174 : vector<16xi32>
        %select_n3A_176 = arith.select %eq3A_175, %add3A_172, %select_n3A_130 : vector<16xi1>, vector<16xf32>
        %get3A_177 = arith.index_cast %add3A_43 : i32 to index
        %get3A_178 = arith.constant 48 : index
        %get3A_179 = tpu.vector_load %arg10[%get3A_177, %get3A_178] {strides = array<i32>} : memref<128x128xf32, #tpu.memory_space<vmem>>, vector<1x16xf32>,
        %get3A_180 = vector.shape_cast %get3A_179 : vector<1x16xf32> to vector<16xf32>
        %get3A_181 = arith.index_cast %add3A_43 : i32 to index
        %get3A_182 = arith.constant 48 : index
        %get3A_183 = tpu.vector_load %arg11[%get3A_181, %get3A_182] {strides = array<i32>} : memref<128x128xf32, #tpu.memory_space<vmem>>, vector<1x16xf32>,
        %get3A_184 = vector.shape_cast %get3A_183 : vector<1x16xf32> to vector<16xf32>
        %get3A_185 = arith.index_cast %add3A_43 : i32 to index
        %get3A_186 = arith.constant 48 : index
        %get3A_187 = tpu.vector_load %arg12[%get3A_185, %get3A_186] {strides = array<i32>} : memref<128x128xf32, #tpu.memory_space<vmem>>, vector<1x16xf32>,
        %get3A_188 = vector.shape_cast %get3A_187 : vector<1x16xf32> to vector<16xf32>
        %add3A_189 = arith.addf %get3A_184, %get3A_188 : vector<16xf32>
        %mul3A_190 = arith.mulf %get3A_180, %add3A_189 : vector<16xf32>
        %xor3A_191 = arith.constant 8 : i32
        %xor3A_192 = vector.broadcast %xor3A_191 : i32 to vector<16xi32>
        %xor3A_193 = arith.xori %iota3A, %xor3A_192 : vector<16xi32>
        %reshape3A_194 = vector.shape_cast %xor3A_193 : vector<16xi32> to vector<16x1xi32>
        %gather3A_195 = vector.shape_cast %reshape3A_194 : vector<16x1xi32> to vector<16xi32>
        %gather3A_196 = tpu.dynamic_gather %mul3A_190[%gather3A_195] in [0] : vector<16xf32>, vector<16xi32> -> vector<16xf32>
        %add3A_197 = arith.addf %mul3A_190, %gather3A_196 : vector<16xf32>
        %xor3A_198 = arith.constant 4 : i32
        %xor3A_199 = vector.broadcast %xor3A_198 : i32 to vector<16xi32>
        %xor3A_200 = arith.xori %iota3A, %xor3A_199 : vector<16xi32>
        %reshape3A_201 = vector.shape_cast %xor3A_200 : vector<16xi32> to vector<16x1xi32>
        %gather3A_202 = vector.shape_cast %reshape3A_201 : vector<16x1xi32> to vector<16xi32>
        %gather3A_203 = tpu.dynamic_gather %add3A_197[%gather3A_202] in [0] : vector<16xf32>, vector<16xi32> -> vector<16xf32>
        %add3A_204 = arith.addf %add3A_197, %gather3A_203 : vector<16xf32>
        %xor3A_205 = arith.constant 2 : i32
        %xor3A_206 = vector.broadcast %xor3A_205 : i32 to vector<16xi32>
        %xor3A_207 = arith.xori %iota3A, %xor3A_206 : vector<16xi32>
        %reshape3A_208 = vector.shape_cast %xor3A_207 : vector<16xi32> to vector<16x1xi32>
        %gather3A_209 = vector.shape_cast %reshape3A_208 : vector<16x1xi32> to vector<16xi32>
        %gather3A_210 = tpu.dynamic_gather %add3A_204[%gather3A_209] in [0] : vector<16xf32>, vector<16xi32> -> vector<16xf32>
        %add3A_211 = arith.addf %add3A_204, %gather3A_210 : vector<16xf32>
        %xor3A_212 = arith.constant 1 : i32
        %xor3A_213 = vector.broadcast %xor3A_212 : i32 to vector<16xi32>
        %xor3A_214 = arith.xori %iota3A, %xor3A_213 : vector<16xi32>
        %reshape3A_215 = vector.shape_cast %xor3A_214 : vector<16xi32> to vector<16x1xi32>
        %gather3A_216 = vector.shape_cast %reshape3A_215 : vector<16x1xi32> to vector<16xi32>
        %gather3A_217 = tpu.dynamic_gather %add3A_211[%gather3A_216] in [0] : vector<16xf32>, vector<16xi32> -> vector<16xf32>
        %add3A_218 = arith.addf %add3A_211, %gather3A_217 : vector<16xf32>
        %eq3A_219 = arith.constant 3 : i32
        %eq3A_220 = vector.broadcast %eq3A_219 : i32 to vector<16xi32>
        %eq3A_221 = arith.cmpi eq, %iota3A, %eq3A_220 : vector<16xi32>
        %select_n3A_222 = arith.select %eq3A_221, %add3A_218, %select_n3A_176 : vector<16xi1>, vector<16xf32>
        %get3A_223 = arith.index_cast %add3A_43 : i32 to index
        %get3A_224 = arith.constant 64 : index
        %get3A_225 = tpu.vector_load %arg10[%get3A_223, %get3A_224] {strides = array<i32>} : memref<128x128xf32, #tpu.memory_space<vmem>>, vector<1x16xf32>,
        %get3A_226 = vector.shape_cast %get3A_225 : vector<1x16xf32> to vector<16xf32>
        %get3A_227 = arith.index_cast %add3A_43 : i32 to index
        %get3A_228 = arith.constant 64 : index
        %get3A_229 = tpu.vector_load %arg11[%get3A_227, %get3A_228] {strides = array<i32>} : memref<128x128xf32, #tpu.memory_space<vmem>>, vector<1x16xf32>,
        %get3A_230 = vector.shape_cast %get3A_229 : vector<1x16xf32> to vector<16xf32>
        %get3A_231 = arith.index_cast %add3A_43 : i32 to index
        %get3A_232 = arith.constant 64 : index
        %get3A_233 = tpu.vector_load %arg12[%get3A_231, %get3A_232] {strides = array<i32>} : memref<128x128xf32, #tpu.memory_space<vmem>>, vector<1x16xf32>,
        %get3A_234 = vector.shape_cast %get3A_233 : vector<1x16xf32> to vector<16xf32>
        %add3A_235 = arith.addf %get3A_230, %get3A_234 : vector<16xf32>
        %mul3A_236 = arith.mulf %get3A_226, %add3A_235 : vector<16xf32>
        %xor3A_237 = arith.constant 8 : i32
        %xor3A_238 = vector.broadcast %xor3A_237 : i32 to vector<16xi32>
        %xor3A_239 = arith.xori %iota3A, %xor3A_238 : vector<16xi32>
        %reshape3A_240 = vector.shape_cast %xor3A_239 : vector<16xi32> to vector<16x1xi32>
        %gather3A_241 = vector.shape_cast %reshape3A_240 : vector<16x1xi32> to vector<16xi32>
        %gather3A_242 = tpu.dynamic_gather %mul3A_236[%gather3A_241] in [0] : vector<16xf32>, vector<16xi32> -> vector<16xf32>
        %add3A_243 = arith.addf %mul3A_236, %gather3A_242 : vector<16xf32>
        %xor3A_244 = arith.constant 4 : i32
        %xor3A_245 = vector.broadcast %xor3A_244 : i32 to vector<16xi32>
        %xor3A_246 = arith.xori %iota3A, %xor3A_245 : vector<16xi32>
        %reshape3A_247 = vector.shape_cast %xor3A_246 : vector<16xi32> to vector<16x1xi32>
        %gather3A_248 = vector.shape_cast %reshape3A_247 : vector<16x1xi32> to vector<16xi32>
        %gather3A_249 = tpu.dynamic_gather %add3A_243[%gather3A_248] in [0] : vector<16xf32>, vector<16xi32> -> vector<16xf32>
        %add3A_250 = arith.addf %add3A_243, %gather3A_249 : vector<16xf32>
        %xor3A_251 = arith.constant 2 : i32
        %xor3A_252 = vector.broadcast %xor3A_251 : i32 to vector<16xi32>
        %xor3A_253 = arith.xori %iota3A, %xor3A_252 : vector<16xi32>
        %reshape3A_254 = vector.shape_cast %xor3A_253 : vector<16xi32> to vector<16x1xi32>
        %gather3A_255 = vector.shape_cast %reshape3A_254 : vector<16x1xi32> to vector<16xi32>
        %gather3A_256 = tpu.dynamic_gather %add3A_250[%gather3A_255] in [0] : vector<16xf32>, vector<16xi32> -> vector<16xf32>
        %add3A_257 = arith.addf %add3A_250, %gather3A_256 : vector<16xf32>
        %xor3A_258 = arith.constant 1 : i32
        %xor3A_259 = vector.broadcast %xor3A_258 : i32 to vector<16xi32>
        %xor3A_260 = arith.xori %iota3A, %xor3A_259 : vector<16xi32>
        %reshape3A_261 = vector.shape_cast %xor3A_260 : vector<16xi32> to vector<16x1xi32>
        %gather3A_262 = vector.shape_cast %reshape3A_261 : vector<16x1xi32> to vector<16xi32>
        %gather3A_263 = tpu.dynamic_gather %add3A_257[%gather3A_262] in [0] : vector<16xf32>, vector<16xi32> -> vector<16xf32>
        %add3A_264 = arith.addf %add3A_257, %gather3A_263 : vector<16xf32>
        %eq3A_265 = arith.constant 4 : i32
        %eq3A_266 = vector.broadcast %eq3A_265 : i32 to vector<16xi32>
        %eq3A_267 = arith.cmpi eq, %iota3A, %eq3A_266 : vector<16xi32>
        %select_n3A_268 = arith.select %eq3A_267, %add3A_264, %select_n3A_222 : vector<16xi1>, vector<16xf32>
        %get3A_269 = arith.index_cast %add3A_43 : i32 to index
        %get3A_270 = arith.constant 80 : index
        %get3A_271 = tpu.vector_load %arg10[%get3A_269, %get3A_270] {strides = array<i32>} : memref<128x128xf32, #tpu.memory_space<vmem>>, vector<1x16xf32>,
        %get3A_272 = vector.shape_cast %get3A_271 : vector<1x16xf32> to vector<16xf32>
        %get3A_273 = arith.index_cast %add3A_43 : i32 to index
        %get3A_274 = arith.constant 80 : index
        %get3A_275 = tpu.vector_load %arg11[%get3A_273, %get3A_274] {strides = array<i32>} : memref<128x128xf32, #tpu.memory_space<vmem>>, vector<1x16xf32>,
        %get3A_276 = vector.shape_cast %get3A_275 : vector<1x16xf32> to vector<16xf32>
        %get3A_277 = arith.index_cast %add3A_43 : i32 to index
        %get3A_278 = arith.constant 80 : index
        %get3A_279 = tpu.vector_load %arg12[%get3A_277, %get3A_278] {strides = array<i32>} : memref<128x128xf32, #tpu.memory_space<vmem>>, vector<1x16xf32>,
        %get3A_280 = vector.shape_cast %get3A_279 : vector<1x16xf32> to vector<16xf32>
        %add3A_281 = arith.addf %get3A_276, %get3A_280 : vector<16xf32>
        %mul3A_282 = arith.mulf %get3A_272, %add3A_281 : vector<16xf32>
        %xor3A_283 = arith.constant 8 : i32
        %xor3A_284 = vector.broadcast %xor3A_283 : i32 to vector<16xi32>
        %xor3A_285 = arith.xori %iota3A, %xor3A_284 : vector<16xi32>
        %reshape3A_286 = vector.shape_cast %xor3A_285 : vector<16xi32> to vector<16x1xi32>
        %gather3A_287 = vector.shape_cast %reshape3A_286 : vector<16x1xi32> to vector<16xi32>
        %gather3A_288 = tpu.dynamic_gather %mul3A_282[%gather3A_287] in [0] : vector<16xf32>, vector<16xi32> -> vector<16xf32>
        %add3A_289 = arith.addf %mul3A_282, %gather3A_288 : vector<16xf32>
        %xor3A_290 = arith.constant 4 : i32
        %xor3A_291 = vector.broadcast %xor3A_290 : i32 to vector<16xi32>
        %xor3A_292 = arith.xori %iota3A, %xor3A_291 : vector<16xi32>
        %reshape3A_293 = vector.shape_cast %xor3A_292 : vector<16xi32> to vector<16x1xi32>
        %gather3A_294 = vector.shape_cast %reshape3A_293 : vector<16x1xi32> to vector<16xi32>
        %gather3A_295 = tpu.dynamic_gather %add3A_289[%gather3A_294] in [0] : vector<16xf32>, vector<16xi32> -> vector<16xf32>
        %add3A_296 = arith.addf %add3A_289, %gather3A_295 : vector<16xf32>
        %xor3A_297 = arith.constant 2 : i32
        %xor3A_298 = vector.broadcast %xor3A_297 : i32 to vector<16xi32>
        %xor3A_299 = arith.xori %iota3A, %xor3A_298 : vector<16xi32>
        %reshape3A_300 = vector.shape_cast %xor3A_299 : vector<16xi32> to vector<16x1xi32>
        %gather3A_301 = vector.shape_cast %reshape3A_300 : vector<16x1xi32> to vector<16xi32>
        %gather3A_302 = tpu.dynamic_gather %add3A_296[%gather3A_301] in [0] : vector<16xf32>, vector<16xi32> -> vector<16xf32>
        %add3A_303 = arith.addf %add3A_296, %gather3A_302 : vector<16xf32>
        %xor3A_304 = arith.constant 1 : i32
        %xor3A_305 = vector.broadcast %xor3A_304 : i32 to vector<16xi32>
        %xor3A_306 = arith.xori %iota3A, %xor3A_305 : vector<16xi32>
        %reshape3A_307 = vector.shape_cast %xor3A_306 : vector<16xi32> to vector<16x1xi32>
        %gather3A_308 = vector.shape_cast %reshape3A_307 : vector<16x1xi32> to vector<16xi32>
        %gather3A_309 = tpu.dynamic_gather %add3A_303[%gather3A_308] in [0] : vector<16xf32>, vector<16xi32> -> vector<16xf32>
        %add3A_310 = arith.addf %add3A_303, %gather3A_309 : vector<16xf32>
        %eq3A_311 = arith.constant 5 : i32
        %eq3A_312 = vector.broadcast %eq3A_311 : i32 to vector<16xi32>
        %eq3A_313 = arith.cmpi eq, %iota3A, %eq3A_312 : vector<16xi32>
        %select_n3A_314 = arith.select %eq3A_313, %add3A_310, %select_n3A_268 : vector<16xi1>, vector<16xf32>
        %get3A_315 = arith.index_cast %add3A_43 : i32 to index
        %get3A_316 = arith.constant 96 : index
        %get3A_317 = tpu.vector_load %arg10[%get3A_315, %get3A_316] {strides = array<i32>} : memref<128x128xf32, #tpu.memory_space<vmem>>, vector<1x16xf32>,
        %get3A_318 = vector.shape_cast %get3A_317 : vector<1x16xf32> to vector<16xf32>
        %get3A_319 = arith.index_cast %add3A_43 : i32 to index
        %get3A_320 = arith.constant 96 : index
        %get3A_321 = tpu.vector_load %arg11[%get3A_319, %get3A_320] {strides = array<i32>} : memref<128x128xf32, #tpu.memory_space<vmem>>, vector<1x16xf32>,
        %get3A_322 = vector.shape_cast %get3A_321 : vector<1x16xf32> to vector<16xf32>
        %get3A_323 = arith.index_cast %add3A_43 : i32 to index
        %get3A_324 = arith.constant 96 : index
        %get3A_325 = tpu.vector_load %arg12[%get3A_323, %get3A_324] {strides = array<i32>} : memref<128x128xf32, #tpu.memory_space<vmem>>, vector<1x16xf32>,
        %get3A_326 = vector.shape_cast %get3A_325 : vector<1x16xf32> to vector<16xf32>
        %add3A_327 = arith.addf %get3A_322, %get3A_326 : vector<16xf32>
        %mul3A_328 = arith.mulf %get3A_318, %add3A_327 : vector<16xf32>
        %xor3A_329 = arith.constant 8 : i32
        %xor3A_330 = vector.broadcast %xor3A_329 : i32 to vector<16xi32>
        %xor3A_331 = arith.xori %iota3A, %xor3A_330 : vector<16xi32>
        %reshape3A_332 = vector.shape_cast %xor3A_331 : vector<16xi32> to vector<16x1xi32>
        %gather3A_333 = vector.shape_cast %reshape3A_332 : vector<16x1xi32> to vector<16xi32>
        %gather3A_334 = tpu.dynamic_gather %mul3A_328[%gather3A_333] in [0] : vector<16xf32>, vector<16xi32> -> vector<16xf32>
        %add3A_335 = arith.addf %mul3A_328, %gather3A_334 : vector<16xf32>
        %xor3A_336 = arith.constant 4 : i32
        %xor3A_337 = vector.broadcast %xor3A_336 : i32 to vector<16xi32>
        %xor3A_338 = arith.xori %iota3A, %xor3A_337 : vector<16xi32>
        %reshape3A_339 = vector.shape_cast %xor3A_338 : vector<16xi32> to vector<16x1xi32>
        %gather3A_340 = vector.shape_cast %reshape3A_339 : vector<16x1xi32> to vector<16xi32>
        %gather3A_341 = tpu.dynamic_gather %add3A_335[%gather3A_340] in [0] : vector<16xf32>, vector<16xi32> -> vector<16xf32>
        %add3A_342 = arith.addf %add3A_335, %gather3A_341 : vector<16xf32>
        %xor3A_343 = arith.constant 2 : i32
        %xor3A_344 = vector.broadcast %xor3A_343 : i32 to vector<16xi32>
        %xor3A_345 = arith.xori %iota3A, %xor3A_344 : vector<16xi32>
        %reshape3A_346 = vector.shape_cast %xor3A_345 : vector<16xi32> to vector<16x1xi32>
        %gather3A_347 = vector.shape_cast %reshape3A_346 : vector<16x1xi32> to vector<16xi32>
        %gather3A_348 = tpu.dynamic_gather %add3A_342[%gather3A_347] in [0] : vector<16xf32>, vector<16xi32> -> vector<16xf32>
        %add3A_349 = arith.addf %add3A_342, %gather3A_348 : vector<16xf32>
        %xor3A_350 = arith.constant 1 : i32
        %xor3A_351 = vector.broadcast %xor3A_350 : i32 to vector<16xi32>
        %xor3A_352 = arith.xori %iota3A, %xor3A_351 : vector<16xi32>
        %reshape3A_353 = vector.shape_cast %xor3A_352 : vector<16xi32> to vector<16x1xi32>
        %gather3A_354 = vector.shape_cast %reshape3A_353 : vector<16x1xi32> to vector<16xi32>
        %gather3A_355 = tpu.dynamic_gather %add3A_349[%gather3A_354] in [0] : vector<16xf32>, vector<16xi32> -> vector<16xf32>
        %add3A_356 = arith.addf %add3A_349, %gather3A_355 : vector<16xf32>
        %eq3A_357 = arith.constant 6 : i32
        %eq3A_358 = vector.broadcast %eq3A_357 : i32 to vector<16xi32>
        %eq3A_359 = arith.cmpi eq, %iota3A, %eq3A_358 : vector<16xi32>
        %select_n3A_360 = arith.select %eq3A_359, %add3A_356, %select_n3A_314 : vector<16xi1>, vector<16xf32>
        %get3A_361 = arith.index_cast %add3A_43 : i32 to index
        %get3A_362 = arith.constant 112 : index
        %get3A_363 = tpu.vector_load %arg10[%get3A_361, %get3A_362] {strides = array<i32>} : memref<128x128xf32, #tpu.memory_space<vmem>>, vector<1x16xf32>,
        %get3A_364 = vector.shape_cast %get3A_363 : vector<1x16xf32> to vector<16xf32>
        %get3A_365 = arith.index_cast %add3A_43 : i32 to index
        %get3A_366 = arith.constant 112 : index
        %get3A_367 = tpu.vector_load %arg11[%get3A_365, %get3A_366] {strides = array<i32>} : memref<128x128xf32, #tpu.memory_space<vmem>>, vector<1x16xf32>,
        %get3A_368 = vector.shape_cast %get3A_367 : vector<1x16xf32> to vector<16xf32>
        %get3A_369 = arith.index_cast %add3A_43 : i32 to index
        %get3A_370 = arith.constant 112 : index
        %get3A_371 = tpu.vector_load %arg12[%get3A_369, %get3A_370] {strides = array<i32>} : memref<128x128xf32, #tpu.memory_space<vmem>>, vector<1x16xf32>,
        %get3A_372 = vector.shape_cast %get3A_371 : vector<1x16xf32> to vector<16xf32>
        %add3A_373 = arith.addf %get3A_368, %get3A_372 : vector<16xf32>
        %mul3A_374 = arith.mulf %get3A_364, %add3A_373 : vector<16xf32>
        %xor3A_375 = arith.constant 8 : i32
        %xor3A_376 = vector.broadcast %xor3A_375 : i32 to vector<16xi32>
        %xor3A_377 = arith.xori %iota3A, %xor3A_376 : vector<16xi32>
        %reshape3A_378 = vector.shape_cast %xor3A_377 : vector<16xi32> to vector<16x1xi32>
        %gather3A_379 = vector.shape_cast %reshape3A_378 : vector<16x1xi32> to vector<16xi32>
        %gather3A_380 = tpu.dynamic_gather %mul3A_374[%gather3A_379] in [0] : vector<16xf32>, vector<16xi32> -> vector<16xf32>
        %add3A_381 = arith.addf %mul3A_374, %gather3A_380 : vector<16xf32>
        %xor3A_382 = arith.constant 4 : i32
        %xor3A_383 = vector.broadcast %xor3A_382 : i32 to vector<16xi32>
        %xor3A_384 = arith.xori %iota3A, %xor3A_383 : vector<16xi32>
        %reshape3A_385 = vector.shape_cast %xor3A_384 : vector<16xi32> to vector<16x1xi32>
        %gather3A_386 = vector.shape_cast %reshape3A_385 : vector<16x1xi32> to vector<16xi32>
        %gather3A_387 = tpu.dynamic_gather %add3A_381[%gather3A_386] in [0] : vector<16xf32>, vector<16xi32> -> vector<16xf32>
        %add3A_388 = arith.addf %add3A_381, %gather3A_387 : vector<16xf32>
        %xor3A_389 = arith.constant 2 : i32
        %xor3A_390 = vector.broadcast %xor3A_389 : i32 to vector<16xi32>
        %xor3A_391 = arith.xori %iota3A, %xor3A_390 : vector<16xi32>
        %reshape3A_392 = vector.shape_cast %xor3A_391 : vector<16xi32> to vector<16x1xi32>
        %gather3A_393 = vector.shape_cast %reshape3A_392 : vector<16x1xi32> to vector<16xi32>
        %gather3A_394 = tpu.dynamic_gather %add3A_388[%gather3A_393] in [0] : vector<16xf32>, vector<16xi32> -> vector<16xf32>
        %add3A_395 = arith.addf %add3A_388, %gather3A_394 : vector<16xf32>
        %xor3A_396 = arith.constant 1 : i32
        %xor3A_397 = vector.broadcast %xor3A_396 : i32 to vector<16xi32>
        %xor3A_398 = arith.xori %iota3A, %xor3A_397 : vector<16xi32>
        %reshape3A_399 = vector.shape_cast %xor3A_398 : vector<16xi32> to vector<16x1xi32>
        %gather3A_400 = vector.shape_cast %reshape3A_399 : vector<16x1xi32> to vector<16xi32>
        %gather3A_401 = tpu.dynamic_gather %add3A_395[%gather3A_400] in [0] : vector<16xf32>, vector<16xi32> -> vector<16xf32>
        %add3A_402 = arith.addf %add3A_395, %gather3A_401 : vector<16xf32>
        %eq3A_403 = arith.constant 7 : i32
        %eq3A_404 = vector.broadcast %eq3A_403 : i32 to vector<16xi32>
        %eq3A_405 = arith.cmpi eq, %iota3A, %eq3A_404 : vector<16xi32>
        %select_n3A_406 = arith.select %eq3A_405, %add3A_402, %select_n3A_360 : vector<16xi1>, vector<16xf32>
        %mul3A_407 = arith.constant 2 : i32
        %mul3A_408 = arith.muli %scan3A_38, %mul3A_407 : i32
        %add3A_409 = arith.constant 1 : i32
        %add3A_410 = arith.addi %mul3A_408, %add3A_409 : i32
        %get3A_411 = arith.index_cast %add3A_410 : i32 to index
        %get3A_412 = arith.constant 0 : index
        %get3A_413 = tpu.vector_load %arg10[%get3A_411, %get3A_412] {strides = array<i32>} : memref<128x128xf32, #tpu.memory_space<vmem>>, vector<1x16xf32>,
        %get3A_414 = vector.shape_cast %get3A_413 : vector<1x16xf32> to vector<16xf32>
        %get3A_415 = arith.index_cast %add3A_410 : i32 to index
        %get3A_416 = arith.constant 0 : index
        %get3A_417 = tpu.vector_load %arg11[%get3A_415, %get3A_416] {strides = array<i32>} : memref<128x128xf32, #tpu.memory_space<vmem>>, vector<1x16xf32>,
        %get3A_418 = vector.shape_cast %get3A_417 : vector<1x16xf32> to vector<16xf32>
        %get3A_419 = arith.index_cast %add3A_410 : i32 to index
        %get3A_420 = arith.constant 0 : index
        %get3A_421 = tpu.vector_load %arg12[%get3A_419, %get3A_420] {strides = array<i32>} : memref<128x128xf32, #tpu.memory_space<vmem>>, vector<1x16xf32>,
        %get3A_422 = vector.shape_cast %get3A_421 : vector<1x16xf32> to vector<16xf32>
        %add3A_423 = arith.addf %get3A_418, %get3A_422 : vector<16xf32>
        %mul3A_424 = arith.mulf %get3A_414, %add3A_423 : vector<16xf32>
        %xor3A_425 = arith.constant 8 : i32
        %xor3A_426 = vector.broadcast %xor3A_425 : i32 to vector<16xi32>
        %xor3A_427 = arith.xori %iota3A, %xor3A_426 : vector<16xi32>
        %reshape3A_428 = vector.shape_cast %xor3A_427 : vector<16xi32> to vector<16x1xi32>
        %gather3A_429 = vector.shape_cast %reshape3A_428 : vector<16x1xi32> to vector<16xi32>
        %gather3A_430 = tpu.dynamic_gather %mul3A_424[%gather3A_429] in [0] : vector<16xf32>, vector<16xi32> -> vector<16xf32>
        %add3A_431 = arith.addf %mul3A_424, %gather3A_430 : vector<16xf32>
        %xor3A_432 = arith.constant 4 : i32
        %xor3A_433 = vector.broadcast %xor3A_432 : i32 to vector<16xi32>
        %xor3A_434 = arith.xori %iota3A, %xor3A_433 : vector<16xi32>
        %reshape3A_435 = vector.shape_cast %xor3A_434 : vector<16xi32> to vector<16x1xi32>
        %gather3A_436 = vector.shape_cast %reshape3A_435 : vector<16x1xi32> to vector<16xi32>
        %gather3A_437 = tpu.dynamic_gather %add3A_431[%gather3A_436] in [0] : vector<16xf32>, vector<16xi32> -> vector<16xf32>
        %add3A_438 = arith.addf %add3A_431, %gather3A_437 : vector<16xf32>
        %xor3A_439 = arith.constant 2 : i32
        %xor3A_440 = vector.broadcast %xor3A_439 : i32 to vector<16xi32>
        %xor3A_441 = arith.xori %iota3A, %xor3A_440 : vector<16xi32>
        %reshape3A_442 = vector.shape_cast %xor3A_441 : vector<16xi32> to vector<16x1xi32>
        %gather3A_443 = vector.shape_cast %reshape3A_442 : vector<16x1xi32> to vector<16xi32>
        %gather3A_444 = tpu.dynamic_gather %add3A_438[%gather3A_443] in [0] : vector<16xf32>, vector<16xi32> -> vector<16xf32>
        %add3A_445 = arith.addf %add3A_438, %gather3A_444 : vector<16xf32>
        %xor3A_446 = arith.constant 1 : i32
        %xor3A_447 = vector.broadcast %xor3A_446 : i32 to vector<16xi32>
        %xor3A_448 = arith.xori %iota3A, %xor3A_447 : vector<16xi32>
        %reshape3A_449 = vector.shape_cast %xor3A_448 : vector<16xi32> to vector<16x1xi32>
        %gather3A_450 = vector.shape_cast %reshape3A_449 : vector<16x1xi32> to vector<16xi32>
        %gather3A_451 = tpu.dynamic_gather %add3A_445[%gather3A_450] in [0] : vector<16xf32>, vector<16xi32> -> vector<16xf32>
        %add3A_452 = arith.addf %add3A_445, %gather3A_451 : vector<16xf32>
        %eq3A_453 = arith.constant 8 : i32
        %eq3A_454 = vector.broadcast %eq3A_453 : i32 to vector<16xi32>
        %eq3A_455 = arith.cmpi eq, %iota3A, %eq3A_454 : vector<16xi32>
        %select_n3A_456 = arith.select %eq3A_455, %add3A_452, %select_n3A_406 : vector<16xi1>, vector<16xf32>
        %get3A_457 = arith.index_cast %add3A_410 : i32 to index
        %get3A_458 = arith.constant 16 : index
        %get3A_459 = tpu.vector_load %arg10[%get3A_457, %get3A_458] {strides = array<i32>} : memref<128x128xf32, #tpu.memory_space<vmem>>, vector<1x16xf32>,
        %get3A_460 = vector.shape_cast %get3A_459 : vector<1x16xf32> to vector<16xf32>
        %get3A_461 = arith.index_cast %add3A_410 : i32 to index
        %get3A_462 = arith.constant 16 : index
        %get3A_463 = tpu.vector_load %arg11[%get3A_461, %get3A_462] {strides = array<i32>} : memref<128x128xf32, #tpu.memory_space<vmem>>, vector<1x16xf32>,
        %get3A_464 = vector.shape_cast %get3A_463 : vector<1x16xf32> to vector<16xf32>
        %get3A_465 = arith.index_cast %add3A_410 : i32 to index
        %get3A_466 = arith.constant 16 : index
        %get3A_467 = tpu.vector_load %arg12[%get3A_465, %get3A_466] {strides = array<i32>} : memref<128x128xf32, #tpu.memory_space<vmem>>, vector<1x16xf32>,
        %get3A_468 = vector.shape_cast %get3A_467 : vector<1x16xf32> to vector<16xf32>
        %add3A_469 = arith.addf %get3A_464, %get3A_468 : vector<16xf32>
        %mul3A_470 = arith.mulf %get3A_460, %add3A_469 : vector<16xf32>
        %xor3A_471 = arith.constant 8 : i32
        %xor3A_472 = vector.broadcast %xor3A_471 : i32 to vector<16xi32>
        %xor3A_473 = arith.xori %iota3A, %xor3A_472 : vector<16xi32>
        %reshape3A_474 = vector.shape_cast %xor3A_473 : vector<16xi32> to vector<16x1xi32>
        %gather3A_475 = vector.shape_cast %reshape3A_474 : vector<16x1xi32> to vector<16xi32>
        %gather3A_476 = tpu.dynamic_gather %mul3A_470[%gather3A_475] in [0] : vector<16xf32>, vector<16xi32> -> vector<16xf32>
        %add3A_477 = arith.addf %mul3A_470, %gather3A_476 : vector<16xf32>
        %xor3A_478 = arith.constant 4 : i32
        %xor3A_479 = vector.broadcast %xor3A_478 : i32 to vector<16xi32>
        %xor3A_480 = arith.xori %iota3A, %xor3A_479 : vector<16xi32>
        %reshape3A_481 = vector.shape_cast %xor3A_480 : vector<16xi32> to vector<16x1xi32>
        %gather3A_482 = vector.shape_cast %reshape3A_481 : vector<16x1xi32> to vector<16xi32>
        %gather3A_483 = tpu.dynamic_gather %add3A_477[%gather3A_482] in [0] : vector<16xf32>, vector<16xi32> -> vector<16xf32>
        %add3A_484 = arith.addf %add3A_477, %gather3A_483 : vector<16xf32>
        %xor3A_485 = arith.constant 2 : i32
        %xor3A_486 = vector.broadcast %xor3A_485 : i32 to vector<16xi32>
        %xor3A_487 = arith.xori %iota3A, %xor3A_486 : vector<16xi32>
        %reshape3A_488 = vector.shape_cast %xor3A_487 : vector<16xi32> to vector<16x1xi32>
        %gather3A_489 = vector.shape_cast %reshape3A_488 : vector<16x1xi32> to vector<16xi32>
        %gather3A_490 = tpu.dynamic_gather %add3A_484[%gather3A_489] in [0] : vector<16xf32>, vector<16xi32> -> vector<16xf32>
        %add3A_491 = arith.addf %add3A_484, %gather3A_490 : vector<16xf32>
        %xor3A_492 = arith.constant 1 : i32
        %xor3A_493 = vector.broadcast %xor3A_492 : i32 to vector<16xi32>
        %xor3A_494 = arith.xori %iota3A, %xor3A_493 : vector<16xi32>
        %reshape3A_495 = vector.shape_cast %xor3A_494 : vector<16xi32> to vector<16x1xi32>
        %gather3A_496 = vector.shape_cast %reshape3A_495 : vector<16x1xi32> to vector<16xi32>
        %gather3A_497 = tpu.dynamic_gather %add3A_491[%gather3A_496] in [0] : vector<16xf32>, vector<16xi32> -> vector<16xf32>
        %add3A_498 = arith.addf %add3A_491, %gather3A_497 : vector<16xf32>
        %eq3A_499 = arith.constant 9 : i32
        %eq3A_500 = vector.broadcast %eq3A_499 : i32 to vector<16xi32>
        %eq3A_501 = arith.cmpi eq, %iota3A, %eq3A_500 : vector<16xi32>
        %select_n3A_502 = arith.select %eq3A_501, %add3A_498, %select_n3A_456 : vector<16xi1>, vector<16xf32>
        %get3A_503 = arith.index_cast %add3A_410 : i32 to index
        %get3A_504 = arith.constant 32 : index
        %get3A_505 = tpu.vector_load %arg10[%get3A_503, %get3A_504] {strides = array<i32>} : memref<128x128xf32, #tpu.memory_space<vmem>>, vector<1x16xf32>,
        %get3A_506 = vector.shape_cast %get3A_505 : vector<1x16xf32> to vector<16xf32>
        %get3A_507 = arith.index_cast %add3A_410 : i32 to index
        %get3A_508 = arith.constant 32 : index
        %get3A_509 = tpu.vector_load %arg11[%get3A_507, %get3A_508] {strides = array<i32>} : memref<128x128xf32, #tpu.memory_space<vmem>>, vector<1x16xf32>,
        %get3A_510 = vector.shape_cast %get3A_509 : vector<1x16xf32> to vector<16xf32>
        %get3A_511 = arith.index_cast %add3A_410 : i32 to index
        %get3A_512 = arith.constant 32 : index
        %get3A_513 = tpu.vector_load %arg12[%get3A_511, %get3A_512] {strides = array<i32>} : memref<128x128xf32, #tpu.memory_space<vmem>>, vector<1x16xf32>,
        %get3A_514 = vector.shape_cast %get3A_513 : vector<1x16xf32> to vector<16xf32>
        %add3A_515 = arith.addf %get3A_510, %get3A_514 : vector<16xf32>
        %mul3A_516 = arith.mulf %get3A_506, %add3A_515 : vector<16xf32>
        %xor3A_517 = arith.constant 8 : i32
        %xor3A_518 = vector.broadcast %xor3A_517 : i32 to vector<16xi32>
        %xor3A_519 = arith.xori %iota3A, %xor3A_518 : vector<16xi32>
        %reshape3A_520 = vector.shape_cast %xor3A_519 : vector<16xi32> to vector<16x1xi32>
        %gather3A_521 = vector.shape_cast %reshape3A_520 : vector<16x1xi32> to vector<16xi32>
        %gather3A_522 = tpu.dynamic_gather %mul3A_516[%gather3A_521] in [0] : vector<16xf32>, vector<16xi32> -> vector<16xf32>
        %add3A_523 = arith.addf %mul3A_516, %gather3A_522 : vector<16xf32>
        %xor3A_524 = arith.constant 4 : i32
        %xor3A_525 = vector.broadcast %xor3A_524 : i32 to vector<16xi32>
        %xor3A_526 = arith.xori %iota3A, %xor3A_525 : vector<16xi32>
        %reshape3A_527 = vector.shape_cast %xor3A_526 : vector<16xi32> to vector<16x1xi32>
        %gather3A_528 = vector.shape_cast %reshape3A_527 : vector<16x1xi32> to vector<16xi32>
        %gather3A_529 = tpu.dynamic_gather %add3A_523[%gather3A_528] in [0] : vector<16xf32>, vector<16xi32> -> vector<16xf32>
        %add3A_530 = arith.addf %add3A_523, %gather3A_529 : vector<16xf32>
        %xor3A_531 = arith.constant 2 : i32
        %xor3A_532 = vector.broadcast %xor3A_531 : i32 to vector<16xi32>
        %xor3A_533 = arith.xori %iota3A, %xor3A_532 : vector<16xi32>
        %reshape3A_534 = vector.shape_cast %xor3A_533 : vector<16xi32> to vector<16x1xi32>
        %gather3A_535 = vector.shape_cast %reshape3A_534 : vector<16x1xi32> to vector<16xi32>
        %gather3A_536 = tpu.dynamic_gather %add3A_530[%gather3A_535] in [0] : vector<16xf32>, vector<16xi32> -> vector<16xf32>
        %add3A_537 = arith.addf %add3A_530, %gather3A_536 : vector<16xf32>
        %xor3A_538 = arith.constant 1 : i32
        %xor3A_539 = vector.broadcast %xor3A_538 : i32 to vector<16xi32>
        %xor3A_540 = arith.xori %iota3A, %xor3A_539 : vector<16xi32>
        %reshape3A_541 = vector.shape_cast %xor3A_540 : vector<16xi32> to vector<16x1xi32>
        %gather3A_542 = vector.shape_cast %reshape3A_541 : vector<16x1xi32> to vector<16xi32>
        %gather3A_543 = tpu.dynamic_gather %add3A_537[%gather3A_542] in [0] : vector<16xf32>, vector<16xi32> -> vector<16xf32>
        %add3A_544 = arith.addf %add3A_537, %gather3A_543 : vector<16xf32>
        %eq3A_545 = arith.constant 10 : i32
        %eq3A_546 = vector.broadcast %eq3A_545 : i32 to vector<16xi32>
        %eq3A_547 = arith.cmpi eq, %iota3A, %eq3A_546 : vector<16xi32>
        %select_n3A_548 = arith.select %eq3A_547, %add3A_544, %select_n3A_502 : vector<16xi1>, vector<16xf32>
        %get3A_549 = arith.index_cast %add3A_410 : i32 to index
        %get3A_550 = arith.constant 48 : index
        %get3A_551 = tpu.vector_load %arg10[%get3A_549, %get3A_550] {strides = array<i32>} : memref<128x128xf32, #tpu.memory_space<vmem>>, vector<1x16xf32>,
        %get3A_552 = vector.shape_cast %get3A_551 : vector<1x16xf32> to vector<16xf32>
        %get3A_553 = arith.index_cast %add3A_410 : i32 to index
        %get3A_554 = arith.constant 48 : index
        %get3A_555 = tpu.vector_load %arg11[%get3A_553, %get3A_554] {strides = array<i32>} : memref<128x128xf32, #tpu.memory_space<vmem>>, vector<1x16xf32>,
        %get3A_556 = vector.shape_cast %get3A_555 : vector<1x16xf32> to vector<16xf32>
        %get3A_557 = arith.index_cast %add3A_410 : i32 to index
        %get3A_558 = arith.constant 48 : index
        %get3A_559 = tpu.vector_load %arg12[%get3A_557, %get3A_558] {strides = array<i32>} : memref<128x128xf32, #tpu.memory_space<vmem>>, vector<1x16xf32>,
        %get3A_560 = vector.shape_cast %get3A_559 : vector<1x16xf32> to vector<16xf32>
        %add3A_561 = arith.addf %get3A_556, %get3A_560 : vector<16xf32>
        %mul3A_562 = arith.mulf %get3A_552, %add3A_561 : vector<16xf32>
        %xor3A_563 = arith.constant 8 : i32
        %xor3A_564 = vector.broadcast %xor3A_563 : i32 to vector<16xi32>
        %xor3A_565 = arith.xori %iota3A, %xor3A_564 : vector<16xi32>
        %reshape3A_566 = vector.shape_cast %xor3A_565 : vector<16xi32> to vector<16x1xi32>
        %gather3A_567 = vector.shape_cast %reshape3A_566 : vector<16x1xi32> to vector<16xi32>
        %gather3A_568 = tpu.dynamic_gather %mul3A_562[%gather3A_567] in [0] : vector<16xf32>, vector<16xi32> -> vector<16xf32>
        %add3A_569 = arith.addf %mul3A_562, %gather3A_568 : vector<16xf32>
        %xor3A_570 = arith.constant 4 : i32
        %xor3A_571 = vector.broadcast %xor3A_570 : i32 to vector<16xi32>
        %xor3A_572 = arith.xori %iota3A, %xor3A_571 : vector<16xi32>
        %reshape3A_573 = vector.shape_cast %xor3A_572 : vector<16xi32> to vector<16x1xi32>
        %gather3A_574 = vector.shape_cast %reshape3A_573 : vector<16x1xi32> to vector<16xi32>
        %gather3A_575 = tpu.dynamic_gather %add3A_569[%gather3A_574] in [0] : vector<16xf32>, vector<16xi32> -> vector<16xf32>
        %add3A_576 = arith.addf %add3A_569, %gather3A_575 : vector<16xf32>
        %xor3A_577 = arith.constant 2 : i32
        %xor3A_578 = vector.broadcast %xor3A_577 : i32 to vector<16xi32>
        %xor3A_579 = arith.xori %iota3A, %xor3A_578 : vector<16xi32>
        %reshape3A_580 = vector.shape_cast %xor3A_579 : vector<16xi32> to vector<16x1xi32>
        %gather3A_581 = vector.shape_cast %reshape3A_580 : vector<16x1xi32> to vector<16xi32>
        %gather3A_582 = tpu.dynamic_gather %add3A_576[%gather3A_581] in [0] : vector<16xf32>, vector<16xi32> -> vector<16xf32>
        %add3A_583 = arith.addf %add3A_576, %gather3A_582 : vector<16xf32>
        %xor3A_584 = arith.constant 1 : i32
        %xor3A_585 = vector.broadcast %xor3A_584 : i32 to vector<16xi32>
        %xor3A_586 = arith.xori %iota3A, %xor3A_585 : vector<16xi32>
        %reshape3A_587 = vector.shape_cast %xor3A_586 : vector<16xi32> to vector<16x1xi32>
        %gather3A_588 = vector.shape_cast %reshape3A_587 : vector<16x1xi32> to vector<16xi32>
        %gather3A_589 = tpu.dynamic_gather %add3A_583[%gather3A_588] in [0] : vector<16xf32>, vector<16xi32> -> vector<16xf32>
        %add3A_590 = arith.addf %add3A_583, %gather3A_589 : vector<16xf32>
        %eq3A_591 = arith.constant 11 : i32
        %eq3A_592 = vector.broadcast %eq3A_591 : i32 to vector<16xi32>
        %eq3A_593 = arith.cmpi eq, %iota3A, %eq3A_592 : vector<16xi32>
        %select_n3A_594 = arith.select %eq3A_593, %add3A_590, %select_n3A_548 : vector<16xi1>, vector<16xf32>
        %get3A_595 = arith.index_cast %add3A_410 : i32 to index
        %get3A_596 = arith.constant 64 : index
        %get3A_597 = tpu.vector_load %arg10[%get3A_595, %get3A_596] {strides = array<i32>} : memref<128x128xf32, #tpu.memory_space<vmem>>, vector<1x16xf32>,
        %get3A_598 = vector.shape_cast %get3A_597 : vector<1x16xf32> to vector<16xf32>
        %get3A_599 = arith.index_cast %add3A_410 : i32 to index
        %get3A_600 = arith.constant 64 : index
        %get3A_601 = tpu.vector_load %arg11[%get3A_599, %get3A_600] {strides = array<i32>} : memref<128x128xf32, #tpu.memory_space<vmem>>, vector<1x16xf32>,
        %get3A_602 = vector.shape_cast %get3A_601 : vector<1x16xf32> to vector<16xf32>
        %get3A_603 = arith.index_cast %add3A_410 : i32 to index
        %get3A_604 = arith.constant 64 : index
        %get3A_605 = tpu.vector_load %arg12[%get3A_603, %get3A_604] {strides = array<i32>} : memref<128x128xf32, #tpu.memory_space<vmem>>, vector<1x16xf32>,
        %get3A_606 = vector.shape_cast %get3A_605 : vector<1x16xf32> to vector<16xf32>
        %add3A_607 = arith.addf %get3A_602, %get3A_606 : vector<16xf32>
        %mul3A_608 = arith.mulf %get3A_598, %add3A_607 : vector<16xf32>
        %xor3A_609 = arith.constant 8 : i32
        %xor3A_610 = vector.broadcast %xor3A_609 : i32 to vector<16xi32>
        %xor3A_611 = arith.xori %iota3A, %xor3A_610 : vector<16xi32>
        %reshape3A_612 = vector.shape_cast %xor3A_611 : vector<16xi32> to vector<16x1xi32>
        %gather3A_613 = vector.shape_cast %reshape3A_612 : vector<16x1xi32> to vector<16xi32>
        %gather3A_614 = tpu.dynamic_gather %mul3A_608[%gather3A_613] in [0] : vector<16xf32>, vector<16xi32> -> vector<16xf32>
        %add3A_615 = arith.addf %mul3A_608, %gather3A_614 : vector<16xf32>
        %xor3A_616 = arith.constant 4 : i32
        %xor3A_617 = vector.broadcast %xor3A_616 : i32 to vector<16xi32>
        %xor3A_618 = arith.xori %iota3A, %xor3A_617 : vector<16xi32>
        %reshape3A_619 = vector.shape_cast %xor3A_618 : vector<16xi32> to vector<16x1xi32>
        %gather3A_620 = vector.shape_cast %reshape3A_619 : vector<16x1xi32> to vector<16xi32>
        %gather3A_621 = tpu.dynamic_gather %add3A_615[%gather3A_620] in [0] : vector<16xf32>, vector<16xi32> -> vector<16xf32>
        %add3A_622 = arith.addf %add3A_615, %gather3A_621 : vector<16xf32>
        %xor3A_623 = arith.constant 2 : i32
        %xor3A_624 = vector.broadcast %xor3A_623 : i32 to vector<16xi32>
        %xor3A_625 = arith.xori %iota3A, %xor3A_624 : vector<16xi32>
        %reshape3A_626 = vector.shape_cast %xor3A_625 : vector<16xi32> to vector<16x1xi32>
        %gather3A_627 = vector.shape_cast %reshape3A_626 : vector<16x1xi32> to vector<16xi32>
        %gather3A_628 = tpu.dynamic_gather %add3A_622[%gather3A_627] in [0] : vector<16xf32>, vector<16xi32> -> vector<16xf32>
        %add3A_629 = arith.addf %add3A_622, %gather3A_628 : vector<16xf32>
        %xor3A_630 = arith.constant 1 : i32
        %xor3A_631 = vector.broadcast %xor3A_630 : i32 to vector<16xi32>
        %xor3A_632 = arith.xori %iota3A, %xor3A_631 : vector<16xi32>
        %reshape3A_633 = vector.shape_cast %xor3A_632 : vector<16xi32> to vector<16x1xi32>
        %gather3A_634 = vector.shape_cast %reshape3A_633 : vector<16x1xi32> to vector<16xi32>
        %gather3A_635 = tpu.dynamic_gather %add3A_629[%gather3A_634] in [0] : vector<16xf32>, vector<16xi32> -> vector<16xf32>
        %add3A_636 = arith.addf %add3A_629, %gather3A_635 : vector<16xf32>
        %eq3A_637 = arith.constant 12 : i32
        %eq3A_638 = vector.broadcast %eq3A_637 : i32 to vector<16xi32>
        %eq3A_639 = arith.cmpi eq, %iota3A, %eq3A_638 : vector<16xi32>
        %select_n3A_640 = arith.select %eq3A_639, %add3A_636, %select_n3A_594 : vector<16xi1>, vector<16xf32>
        %get3A_641 = arith.index_cast %add3A_410 : i32 to index
        %get3A_642 = arith.constant 80 : index
        %get3A_643 = tpu.vector_load %arg10[%get3A_641, %get3A_642] {strides = array<i32>} : memref<128x128xf32, #tpu.memory_space<vmem>>, vector<1x16xf32>,
        %get3A_644 = vector.shape_cast %get3A_643 : vector<1x16xf32> to vector<16xf32>
        %get3A_645 = arith.index_cast %add3A_410 : i32 to index
        %get3A_646 = arith.constant 80 : index
        %get3A_647 = tpu.vector_load %arg11[%get3A_645, %get3A_646] {strides = array<i32>} : memref<128x128xf32, #tpu.memory_space<vmem>>, vector<1x16xf32>,
        %get3A_648 = vector.shape_cast %get3A_647 : vector<1x16xf32> to vector<16xf32>
        %get3A_649 = arith.index_cast %add3A_410 : i32 to index
        %get3A_650 = arith.constant 80 : index
        %get3A_651 = tpu.vector_load %arg12[%get3A_649, %get3A_650] {strides = array<i32>} : memref<128x128xf32, #tpu.memory_space<vmem>>, vector<1x16xf32>,
        %get3A_652 = vector.shape_cast %get3A_651 : vector<1x16xf32> to vector<16xf32>
        %add3A_653 = arith.addf %get3A_648, %get3A_652 : vector<16xf32>
        %mul3A_654 = arith.mulf %get3A_644, %add3A_653 : vector<16xf32>
        %xor3A_655 = arith.constant 8 : i32
        %xor3A_656 = vector.broadcast %xor3A_655 : i32 to vector<16xi32>
        %xor3A_657 = arith.xori %iota3A, %xor3A_656 : vector<16xi32>
        %reshape3A_658 = vector.shape_cast %xor3A_657 : vector<16xi32> to vector<16x1xi32>
        %gather3A_659 = vector.shape_cast %reshape3A_658 : vector<16x1xi32> to vector<16xi32>
        %gather3A_660 = tpu.dynamic_gather %mul3A_654[%gather3A_659] in [0] : vector<16xf32>, vector<16xi32> -> vector<16xf32>
        %add3A_661 = arith.addf %mul3A_654, %gather3A_660 : vector<16xf32>
        %xor3A_662 = arith.constant 4 : i32
        %xor3A_663 = vector.broadcast %xor3A_662 : i32 to vector<16xi32>
        %xor3A_664 = arith.xori %iota3A, %xor3A_663 : vector<16xi32>
        %reshape3A_665 = vector.shape_cast %xor3A_664 : vector<16xi32> to vector<16x1xi32>
        %gather3A_666 = vector.shape_cast %reshape3A_665 : vector<16x1xi32> to vector<16xi32>
        %gather3A_667 = tpu.dynamic_gather %add3A_661[%gather3A_666] in [0] : vector<16xf32>, vector<16xi32> -> vector<16xf32>
        %add3A_668 = arith.addf %add3A_661, %gather3A_667 : vector<16xf32>
        %xor3A_669 = arith.constant 2 : i32
        %xor3A_670 = vector.broadcast %xor3A_669 : i32 to vector<16xi32>
        %xor3A_671 = arith.xori %iota3A, %xor3A_670 : vector<16xi32>
        %reshape3A_672 = vector.shape_cast %xor3A_671 : vector<16xi32> to vector<16x1xi32>
        %gather3A_673 = vector.shape_cast %reshape3A_672 : vector<16x1xi32> to vector<16xi32>
        %gather3A_674 = tpu.dynamic_gather %add3A_668[%gather3A_673] in [0] : vector<16xf32>, vector<16xi32> -> vector<16xf32>
        %add3A_675 = arith.addf %add3A_668, %gather3A_674 : vector<16xf32>
        %xor3A_676 = arith.constant 1 : i32
        %xor3A_677 = vector.broadcast %xor3A_676 : i32 to vector<16xi32>
        %xor3A_678 = arith.xori %iota3A, %xor3A_677 : vector<16xi32>
        %reshape3A_679 = vector.shape_cast %xor3A_678 : vector<16xi32> to vector<16x1xi32>
        %gather3A_680 = vector.shape_cast %reshape3A_679 : vector<16x1xi32> to vector<16xi32>
        %gather3A_681 = tpu.dynamic_gather %add3A_675[%gather3A_680] in [0] : vector<16xf32>, vector<16xi32> -> vector<16xf32>
        %add3A_682 = arith.addf %add3A_675, %gather3A_681 : vector<16xf32>
        %eq3A_683 = arith.constant 13 : i32
        %eq3A_684 = vector.broadcast %eq3A_683 : i32 to vector<16xi32>
        %eq3A_685 = arith.cmpi eq, %iota3A, %eq3A_684 : vector<16xi32>
        %select_n3A_686 = arith.select %eq3A_685, %add3A_682, %select_n3A_640 : vector<16xi1>, vector<16xf32>
        %get3A_687 = arith.index_cast %add3A_410 : i32 to index
        %get3A_688 = arith.constant 96 : index
        %get3A_689 = tpu.vector_load %arg10[%get3A_687, %get3A_688] {strides = array<i32>} : memref<128x128xf32, #tpu.memory_space<vmem>>, vector<1x16xf32>,
        %get3A_690 = vector.shape_cast %get3A_689 : vector<1x16xf32> to vector<16xf32>
        %get3A_691 = arith.index_cast %add3A_410 : i32 to index
        %get3A_692 = arith.constant 96 : index
        %get3A_693 = tpu.vector_load %arg11[%get3A_691, %get3A_692] {strides = array<i32>} : memref<128x128xf32, #tpu.memory_space<vmem>>, vector<1x16xf32>,
        %get3A_694 = vector.shape_cast %get3A_693 : vector<1x16xf32> to vector<16xf32>
        %get3A_695 = arith.index_cast %add3A_410 : i32 to index
        %get3A_696 = arith.constant 96 : index
        %get3A_697 = tpu.vector_load %arg12[%get3A_695, %get3A_696] {strides = array<i32>} : memref<128x128xf32, #tpu.memory_space<vmem>>, vector<1x16xf32>,
        %get3A_698 = vector.shape_cast %get3A_697 : vector<1x16xf32> to vector<16xf32>
        %add3A_699 = arith.addf %get3A_694, %get3A_698 : vector<16xf32>
        %mul3A_700 = arith.mulf %get3A_690, %add3A_699 : vector<16xf32>
        %xor3A_701 = arith.constant 8 : i32
        %xor3A_702 = vector.broadcast %xor3A_701 : i32 to vector<16xi32>
        %xor3A_703 = arith.xori %iota3A, %xor3A_702 : vector<16xi32>
        %reshape3A_704 = vector.shape_cast %xor3A_703 : vector<16xi32> to vector<16x1xi32>
        %gather3A_705 = vector.shape_cast %reshape3A_704 : vector<16x1xi32> to vector<16xi32>
        %gather3A_706 = tpu.dynamic_gather %mul3A_700[%gather3A_705] in [0] : vector<16xf32>, vector<16xi32> -> vector<16xf32>
        %add3A_707 = arith.addf %mul3A_700, %gather3A_706 : vector<16xf32>
        %xor3A_708 = arith.constant 4 : i32
        %xor3A_709 = vector.broadcast %xor3A_708 : i32 to vector<16xi32>
        %xor3A_710 = arith.xori %iota3A, %xor3A_709 : vector<16xi32>
        %reshape3A_711 = vector.shape_cast %xor3A_710 : vector<16xi32> to vector<16x1xi32>
        %gather3A_712 = vector.shape_cast %reshape3A_711 : vector<16x1xi32> to vector<16xi32>
        %gather3A_713 = tpu.dynamic_gather %add3A_707[%gather3A_712] in [0] : vector<16xf32>, vector<16xi32> -> vector<16xf32>
        %add3A_714 = arith.addf %add3A_707, %gather3A_713 : vector<16xf32>
        %xor3A_715 = arith.constant 2 : i32
        %xor3A_716 = vector.broadcast %xor3A_715 : i32 to vector<16xi32>
        %xor3A_717 = arith.xori %iota3A, %xor3A_716 : vector<16xi32>
        %reshape3A_718 = vector.shape_cast %xor3A_717 : vector<16xi32> to vector<16x1xi32>
        %gather3A_719 = vector.shape_cast %reshape3A_718 : vector<16x1xi32> to vector<16xi32>
        %gather3A_720 = tpu.dynamic_gather %add3A_714[%gather3A_719] in [0] : vector<16xf32>, vector<16xi32> -> vector<16xf32>
        %add3A_721 = arith.addf %add3A_714, %gather3A_720 : vector<16xf32>
        %xor3A_722 = arith.constant 1 : i32
        %xor3A_723 = vector.broadcast %xor3A_722 : i32 to vector<16xi32>
        %xor3A_724 = arith.xori %iota3A, %xor3A_723 : vector<16xi32>
        %reshape3A_725 = vector.shape_cast %xor3A_724 : vector<16xi32> to vector<16x1xi32>
        %gather3A_726 = vector.shape_cast %reshape3A_725 : vector<16x1xi32> to vector<16xi32>
        %gather3A_727 = tpu.dynamic_gather %add3A_721[%gather3A_726] in [0] : vector<16xf32>, vector<16xi32> -> vector<16xf32>
        %add3A_728 = arith.addf %add3A_721, %gather3A_727 : vector<16xf32>
        %eq3A_729 = arith.constant 14 : i32
        %eq3A_730 = vector.broadcast %eq3A_729 : i32 to vector<16xi32>
        %eq3A_731 = arith.cmpi eq, %iota3A, %eq3A_730 : vector<16xi32>
        %select_n3A_732 = arith.select %eq3A_731, %add3A_728, %select_n3A_686 : vector<16xi1>, vector<16xf32>
        %get3A_733 = arith.index_cast %add3A_410 : i32 to index
        %get3A_734 = arith.constant 112 : index
        %get3A_735 = tpu.vector_load %arg10[%get3A_733, %get3A_734] {strides = array<i32>} : memref<128x128xf32, #tpu.memory_space<vmem>>, vector<1x16xf32>,
        %get3A_736 = vector.shape_cast %get3A_735 : vector<1x16xf32> to vector<16xf32>
        %get3A_737 = arith.index_cast %add3A_410 : i32 to index
        %get3A_738 = arith.constant 112 : index
        %get3A_739 = tpu.vector_load %arg11[%get3A_737, %get3A_738] {strides = array<i32>} : memref<128x128xf32, #tpu.memory_space<vmem>>, vector<1x16xf32>,
        %get3A_740 = vector.shape_cast %get3A_739 : vector<1x16xf32> to vector<16xf32>
        %get3A_741 = arith.index_cast %add3A_410 : i32 to index
        %get3A_742 = arith.constant 112 : index
        %get3A_743 = tpu.vector_load %arg12[%get3A_741, %get3A_742] {strides = array<i32>} : memref<128x128xf32, #tpu.memory_space<vmem>>, vector<1x16xf32>,
        %get3A_744 = vector.shape_cast %get3A_743 : vector<1x16xf32> to vector<16xf32>
        %add3A_745 = arith.addf %get3A_740, %get3A_744 : vector<16xf32>
        %mul3A_746 = arith.mulf %get3A_736, %add3A_745 : vector<16xf32>
        %xor3A_747 = arith.constant 8 : i32
        %xor3A_748 = vector.broadcast %xor3A_747 : i32 to vector<16xi32>
        %xor3A_749 = arith.xori %iota3A, %xor3A_748 : vector<16xi32>
        %reshape3A_750 = vector.shape_cast %xor3A_749 : vector<16xi32> to vector<16x1xi32>
        %gather3A_751 = vector.shape_cast %reshape3A_750 : vector<16x1xi32> to vector<16xi32>
        %gather3A_752 = tpu.dynamic_gather %mul3A_746[%gather3A_751] in [0] : vector<16xf32>, vector<16xi32> -> vector<16xf32>
        %add3A_753 = arith.addf %mul3A_746, %gather3A_752 : vector<16xf32>
        %xor3A_754 = arith.constant 4 : i32
        %xor3A_755 = vector.broadcast %xor3A_754 : i32 to vector<16xi32>
        %xor3A_756 = arith.xori %iota3A, %xor3A_755 : vector<16xi32>
        %reshape3A_757 = vector.shape_cast %xor3A_756 : vector<16xi32> to vector<16x1xi32>
        %gather3A_758 = vector.shape_cast %reshape3A_757 : vector<16x1xi32> to vector<16xi32>
        %gather3A_759 = tpu.dynamic_gather %add3A_753[%gather3A_758] in [0] : vector<16xf32>, vector<16xi32> -> vector<16xf32>
        %add3A_760 = arith.addf %add3A_753, %gather3A_759 : vector<16xf32>
        %xor3A_761 = arith.constant 2 : i32
        %xor3A_762 = vector.broadcast %xor3A_761 : i32 to vector<16xi32>
        %xor3A_763 = arith.xori %iota3A, %xor3A_762 : vector<16xi32>
        %reshape3A_764 = vector.shape_cast %xor3A_763 : vector<16xi32> to vector<16x1xi32>
        %gather3A_765 = vector.shape_cast %reshape3A_764 : vector<16x1xi32> to vector<16xi32>
        %gather3A_766 = tpu.dynamic_gather %add3A_760[%gather3A_765] in [0] : vector<16xf32>, vector<16xi32> -> vector<16xf32>
        %add3A_767 = arith.addf %add3A_760, %gather3A_766 : vector<16xf32>
        %xor3A_768 = arith.constant 1 : i32
        %xor3A_769 = vector.broadcast %xor3A_768 : i32 to vector<16xi32>
        %xor3A_770 = arith.xori %iota3A, %xor3A_769 : vector<16xi32>
        %reshape3A_771 = vector.shape_cast %xor3A_770 : vector<16xi32> to vector<16x1xi32>
        %gather3A_772 = vector.shape_cast %reshape3A_771 : vector<16x1xi32> to vector<16xi32>
        %gather3A_773 = tpu.dynamic_gather %add3A_767[%gather3A_772] in [0] : vector<16xf32>, vector<16xi32> -> vector<16xf32>
        %add3A_774 = arith.addf %add3A_767, %gather3A_773 : vector<16xf32>
        %eq3A_775 = arith.constant 15 : i32
        %eq3A_776 = vector.broadcast %eq3A_775 : i32 to vector<16xi32>
        %eq3A_777 = arith.cmpi eq, %iota3A, %eq3A_776 : vector<16xi32>
        %select_n3A_778 = arith.select %eq3A_777, %add3A_774, %select_n3A_732 : vector<16xi1>, vector<16xf32>
        %mul3A_779 = arith.constant 16 : i32
        %mul3A_780 = arith.muli %scan3A_38, %mul3A_779 : i32
        %swap3A = arith.index_cast %mul3A_780 : i32 to index
        %swap3A_781 = tpu.vector_load %arg13[%swap3A] {strides = array<i32>} : memref<1024xf32, #tpu.memory_space<vmem>>, vector<16xf32>,
        %swap3A_782 = vector.shape_cast %swap3A_781 : vector<16xf32> to vector<16xf32>
        %swap3A_783 = vector.shape_cast %select_n3A_778 : vector<16xf32> to vector<16xf32>
        tpu.vector_store %arg13[%swap3A], %swap3A_783 {strides = array<i32>} : memref<1024xf32, #tpu.memory_space<vmem>>, vector<16xf32>,
      }
      %scan3A_35 = arith.constant 64 : i32
      %mul3A_36 = arith.constant 8 : i32
      %mul3A_37 = arith.muli %mul3A_20, %mul3A_36 : i32
      "tpu.region"() ({
        %run_scoped3A = tpu.sem_alloc : memref<!tpu.dma_semaphore, #tpu.memory_space<semaphore_mem>>
        %dma_start3A_38 = tpu.memref_slice %arg7[%mul3A_37] : memref<2560000xf32, #tpu.memory_space<hbm>> -> memref<1024xf32, #tpu.memory_space<hbm>>
        %dma_start3A_39 = tpu.memref_slice %arg7[%mul3A_37] : memref<2560000xf32, #tpu.memory_space<hbm>> -> memref<1024xf32, #tpu.memory_space<hbm>>
        tpu.enqueue_dma source(%arg13 : memref<1024xf32, #tpu.memory_space<vmem>>) target(%dma_start3A_39 : memref<1024xf32, #tpu.memory_space<hbm>>) target_semaphore(%run_scoped3A : memref<!tpu.dma_semaphore, #tpu.memory_space<semaphore_mem>>)
        %dma_wait3A_40 = tpu.memref_slice %arg7[%mul3A_37] : memref<2560000xf32, #tpu.memory_space<hbm>> -> memref<1024xf32, #tpu.memory_space<hbm>>
        %dma_wait3A_41 = tpu.memref_slice %arg7[%mul3A_37] : memref<2560000xf32, #tpu.memory_space<hbm>> -> memref<1024xf32, #tpu.memory_space<hbm>>
        tpu.wait_dma2 semaphore(%run_scoped3A : memref<!tpu.dma_semaphore, #tpu.memory_space<semaphore_mem>>) src(%arg13 : memref<1024xf32, #tpu.memory_space<vmem>>) dst(%dma_wait3A_41 : memref<1024xf32, #tpu.memory_space<hbm>>)
        tpu.yield
      }) : () -> ()
    }
    return
  }
}

#map = affine_map<(d0, d1) -> (0, 0)>
#map1 = affine_map<(d0, d1) -> (0)>
module attributes {stable_mosaic.version = 14 : i64} {
  func.func @_sc_accum_body(%arg0: i32, %arg1: i32, %arg2: memref<10000x128xf32, #tpu.memory_space<hbm>>, %arg3: memref<320000x128xf32, #tpu.memory_space<hbm>>, %arg4: memref<320000x16xf32, #tpu.memory_space<hbm>>, %arg5: memref<320000xi32, #tpu.memory_space<hbm>>, %arg6: memref<320000xi32, #tpu.memory_space<hbm>>, %arg7: memref<20000x128xf32, #tpu.memory_space<hbm>>, %arg8: memref<64xi32, #tpu.memory_space<vmem>>, %arg9: memref<64xi32, #tpu.memory_space<vmem>>, %arg10: memref<16xi32, #tpu.memory_space<vmem>>, %arg11: memref<64x128xf32, #tpu.memory_space<vmem>>, %arg12: memref<64x128xf32, #tpu.memory_space<vmem>>, %arg13: memref<64x16xf32, #tpu.memory_space<vmem>>, %arg14: memref<10000x128xf32, #tpu.memory_space<vmem_shared>>, %arg15: memref<!tpu.dma_semaphore, #tpu.memory_space<semaphore_mem>>) attributes {dimension_semantics = [#tpu.dimension_semantics<core_parallel>, #tpu.dimension_semantics<subcore_parallel>], iteration_bounds = array<i64: 2, 16>, scalar_prefetch = 0 : i64, scratch_operands = 8 : i64, tpu.core_type = #tpu.core_type<sc_vector_subcore>, window_params = [{transform_indices = #map}, {transform_indices = #map}, {transform_indices = #map}, {transform_indices = #map1}, {transform_indices = #map1}, {transform_indices = #map}]} {
    %mul3A = arith.constant 16 : i32
    %mul3A_0 = arith.muli %arg0, %mul3A : i32
    %add3A = arith.addi %mul3A_0, %arg1 : i32
    %iota3A = tpu.iota {dimensions = array<i32: 0>} : vector<16xi32>
    %scan3A = arith.constant 0 : i32
    %scan3A_1 = arith.constant 0 : i32
    %scan3A_2 = arith.constant 64 : i32
    %scan3A_3 = arith.addi %scan3A_1, %scan3A_2 : i32
    %scan3A_4 = arith.constant 1 : i32
    scf.for %scan3A_64 = %scan3A_1 to %scan3A_3 step %scan3A_4  : i32 {
      %broadcast_in_dim3A = arith.constant 0.000000e+00 : f32
      %broadcast_in_dim3A_65 = vector.broadcast %broadcast_in_dim3A : f32 to vector<16xf32>
      %swap3A = arith.index_cast %scan3A_64 : i32 to index
      %swap3A_66 = arith.constant 0 : index
      %swap3A_67 = tpu.vector_load %arg11[%swap3A, %swap3A_66] {strides = array<i32>} : memref<64x128xf32, #tpu.memory_space<vmem>>, vector<1x16xf32>,
      %swap3A_68 = vector.shape_cast %swap3A_67 : vector<1x16xf32> to vector<16xf32>
      %swap3A_69 = vector.shape_cast %broadcast_in_dim3A_65 : vector<16xf32> to vector<1x16xf32>
      tpu.vector_store %arg11[%swap3A, %swap3A_66], %swap3A_69 {strides = array<i32>} : memref<64x128xf32, #tpu.memory_space<vmem>>, vector<1x16xf32>,
      %broadcast_in_dim3A_70 = arith.constant 0.000000e+00 : f32
      %broadcast_in_dim3A_71 = vector.broadcast %broadcast_in_dim3A_70 : f32 to vector<16xf32>
      %swap3A_72 = arith.index_cast %scan3A_64 : i32 to index
      %swap3A_73 = arith.constant 16 : index
      %swap3A_74 = tpu.vector_load %arg11[%swap3A_72, %swap3A_73] {strides = array<i32>} : memref<64x128xf32, #tpu.memory_space<vmem>>, vector<1x16xf32>,
      %swap3A_75 = vector.shape_cast %swap3A_74 : vector<1x16xf32> to vector<16xf32>
      %swap3A_76 = vector.shape_cast %broadcast_in_dim3A_71 : vector<16xf32> to vector<1x16xf32>
      tpu.vector_store %arg11[%swap3A_72, %swap3A_73], %swap3A_76 {strides = array<i32>} : memref<64x128xf32, #tpu.memory_space<vmem>>, vector<1x16xf32>,
      %broadcast_in_dim3A_77 = arith.constant 0.000000e+00 : f32
      %broadcast_in_dim3A_78 = vector.broadcast %broadcast_in_dim3A_77 : f32 to vector<16xf32>
      %swap3A_79 = arith.index_cast %scan3A_64 : i32 to index
      %swap3A_80 = arith.constant 32 : index
      %swap3A_81 = tpu.vector_load %arg11[%swap3A_79, %swap3A_80] {strides = array<i32>} : memref<64x128xf32, #tpu.memory_space<vmem>>, vector<1x16xf32>,
      %swap3A_82 = vector.shape_cast %swap3A_81 : vector<1x16xf32> to vector<16xf32>
      %swap3A_83 = vector.shape_cast %broadcast_in_dim3A_78 : vector<16xf32> to vector<1x16xf32>
      tpu.vector_store %arg11[%swap3A_79, %swap3A_80], %swap3A_83 {strides = array<i32>} : memref<64x128xf32, #tpu.memory_space<vmem>>, vector<1x16xf32>,
      %broadcast_in_dim3A_84 = arith.constant 0.000000e+00 : f32
      %broadcast_in_dim3A_85 = vector.broadcast %broadcast_in_dim3A_84 : f32 to vector<16xf32>
      %swap3A_86 = arith.index_cast %scan3A_64 : i32 to index
      %swap3A_87 = arith.constant 48 : index
      %swap3A_88 = tpu.vector_load %arg11[%swap3A_86, %swap3A_87] {strides = array<i32>} : memref<64x128xf32, #tpu.memory_space<vmem>>, vector<1x16xf32>,
      %swap3A_89 = vector.shape_cast %swap3A_88 : vector<1x16xf32> to vector<16xf32>
      %swap3A_90 = vector.shape_cast %broadcast_in_dim3A_85 : vector<16xf32> to vector<1x16xf32>
      tpu.vector_store %arg11[%swap3A_86, %swap3A_87], %swap3A_90 {strides = array<i32>} : memref<64x128xf32, #tpu.memory_space<vmem>>, vector<1x16xf32>,
      %broadcast_in_dim3A_91 = arith.constant 0.000000e+00 : f32
      %broadcast_in_dim3A_92 = vector.broadcast %broadcast_in_dim3A_91 : f32 to vector<16xf32>
      %swap3A_93 = arith.index_cast %scan3A_64 : i32 to index
      %swap3A_94 = arith.constant 64 : index
      %swap3A_95 = tpu.vector_load %arg11[%swap3A_93, %swap3A_94] {strides = array<i32>} : memref<64x128xf32, #tpu.memory_space<vmem>>, vector<1x16xf32>,
      %swap3A_96 = vector.shape_cast %swap3A_95 : vector<1x16xf32> to vector<16xf32>
      %swap3A_97 = vector.shape_cast %broadcast_in_dim3A_92 : vector<16xf32> to vector<1x16xf32>
      tpu.vector_store %arg11[%swap3A_93, %swap3A_94], %swap3A_97 {strides = array<i32>} : memref<64x128xf32, #tpu.memory_space<vmem>>, vector<1x16xf32>,
      %broadcast_in_dim3A_98 = arith.constant 0.000000e+00 : f32
      %broadcast_in_dim3A_99 = vector.broadcast %broadcast_in_dim3A_98 : f32 to vector<16xf32>
      %swap3A_100 = arith.index_cast %scan3A_64 : i32 to index
      %swap3A_101 = arith.constant 80 : index
      %swap3A_102 = tpu.vector_load %arg11[%swap3A_100, %swap3A_101] {strides = array<i32>} : memref<64x128xf32, #tpu.memory_space<vmem>>, vector<1x16xf32>,
      %swap3A_103 = vector.shape_cast %swap3A_102 : vector<1x16xf32> to vector<16xf32>
      %swap3A_104 = vector.shape_cast %broadcast_in_dim3A_99 : vector<16xf32> to vector<1x16xf32>
      tpu.vector_store %arg11[%swap3A_100, %swap3A_101], %swap3A_104 {strides = array<i32>} : memref<64x128xf32, #tpu.memory_space<vmem>>, vector<1x16xf32>,
      %broadcast_in_dim3A_105 = arith.constant 0.000000e+00 : f32
      %broadcast_in_dim3A_106 = vector.broadcast %broadcast_in_dim3A_105 : f32 to vector<16xf32>
      %swap3A_107 = arith.index_cast %scan3A_64 : i32 to index
      %swap3A_108 = arith.constant 96 : index
      %swap3A_109 = tpu.vector_load %arg11[%swap3A_107, %swap3A_108] {strides = array<i32>} : memref<64x128xf32, #tpu.memory_space<vmem>>, vector<1x16xf32>,
      %swap3A_110 = vector.shape_cast %swap3A_109 : vector<1x16xf32> to vector<16xf32>
      %swap3A_111 = vector.shape_cast %broadcast_in_dim3A_106 : vector<16xf32> to vector<1x16xf32>
      tpu.vector_store %arg11[%swap3A_107, %swap3A_108], %swap3A_111 {strides = array<i32>} : memref<64x128xf32, #tpu.memory_space<vmem>>, vector<1x16xf32>,
      %broadcast_in_dim3A_112 = arith.constant 0.000000e+00 : f32
      %broadcast_in_dim3A_113 = vector.broadcast %broadcast_in_dim3A_112 : f32 to vector<16xf32>
      %swap3A_114 = arith.index_cast %scan3A_64 : i32 to index
      %swap3A_115 = arith.constant 112 : index
      %swap3A_116 = tpu.vector_load %arg11[%swap3A_114, %swap3A_115] {strides = array<i32>} : memref<64x128xf32, #tpu.memory_space<vmem>>, vector<1x16xf32>,
      %swap3A_117 = vector.shape_cast %swap3A_116 : vector<1x16xf32> to vector<16xf32>
      %swap3A_118 = vector.shape_cast %broadcast_in_dim3A_113 : vector<16xf32> to vector<1x16xf32>
      tpu.vector_store %arg11[%swap3A_114, %swap3A_115], %swap3A_118 {strides = array<i32>} : memref<64x128xf32, #tpu.memory_space<vmem>>, vector<1x16xf32>,
    }
    %scan3A_5 = arith.constant 64 : i32
    %mul3A_6 = arith.constant 9 : i32
    %mul3A_7 = arith.muli %arg1, %mul3A_6 : i32
    %min3A = arith.constant 13 : i32
    %min3A_8 = arith.minsi %arg1, %min3A : i32
    %add3A_9 = arith.addi %mul3A_7, %min3A_8 : i32
    %lt3A = arith.constant 13 : i32
    %lt3A_10 = arith.cmpi slt, %arg1, %lt3A : i32
    %jit3A = arith.constant 1 : i32
    %jit3A_11 = arith.constant 0 : i32
    %select_n3A = arith.select %lt3A_10, %jit3A, %jit3A_11 : i32
    %add3A_12 = arith.constant 9 : i32
    %add3A_13 = arith.addi %add3A_12, %select_n3A : i32
    %add3A_14 = arith.addi %add3A_9, %add3A_13 : i32
    %while3A = arith.constant 0 : i32
    %while3A_15 = arith.subi %add3A_14, %add3A_9 : i32
    %while3A_16 = arith.addi %add3A_9, %while3A_15 : i32
    %while3A_17 = arith.constant 1 : i32
    %while3A_18 = arith.divsi %while3A_15, %while3A_17 : i32
    %while3A_19 = arith.muli %while3A_18, %while3A_17 : i32
    %while3A_20 = arith.addi %add3A_9, %while3A_19 : i32
    %while3A_21 = arith.constant 1 : i32
    scf.for %while3A_64 = %add3A_9 to %while3A_20 step %while3A_21  : i32 {
      %mul3A_65 = arith.constant 64 : i32
      %mul3A_66 = arith.muli %while3A_64, %mul3A_65 : i32
      %add3A_67 = arith.constant 0 : i32
      %add3A_68 = arith.addi %mul3A_66, %add3A_67 : i32
      %add3A_69 = vector.broadcast %add3A_68 : i32 to vector<16xi32>
      %add3A_70 = arith.addi %iota3A, %add3A_69 : vector<16xi32>
      %min3A_71 = arith.constant 9999 : i32
      %min3A_72 = vector.broadcast %min3A_71 : i32 to vector<16xi32>
      %min3A_73 = arith.minsi %add3A_70, %min3A_72 : vector<16xi32>
      %swap3A = arith.constant 0 : index
      %swap3A_74 = tpu.vector_load %arg8[%swap3A] {strides = array<i32>} : memref<64xi32, #tpu.memory_space<vmem>>, vector<16xi32>,
      %swap3A_75 = vector.shape_cast %swap3A_74 : vector<16xi32> to vector<16xi32>
      %swap3A_76 = vector.shape_cast %min3A_73 : vector<16xi32> to vector<16xi32>
      tpu.vector_store %arg8[%swap3A], %swap3A_76 {strides = array<i32>} : memref<64xi32, #tpu.memory_space<vmem>>, vector<16xi32>,
      %add3A_77 = arith.constant 16 : i32
      %add3A_78 = arith.addi %mul3A_66, %add3A_77 : i32
      %add3A_79 = vector.broadcast %add3A_78 : i32 to vector<16xi32>
      %add3A_80 = arith.addi %iota3A, %add3A_79 : vector<16xi32>
      %min3A_81 = arith.constant 9999 : i32
      %min3A_82 = vector.broadcast %min3A_81 : i32 to vector<16xi32>
      %min3A_83 = arith.minsi %add3A_80, %min3A_82 : vector<16xi32>
      %swap3A_84 = arith.constant 16 : index
      %swap3A_85 = tpu.vector_load %arg8[%swap3A_84] {strides = array<i32>} : memref<64xi32, #tpu.memory_space<vmem>>, vector<16xi32>,
      %swap3A_86 = vector.shape_cast %swap3A_85 : vector<16xi32> to vector<16xi32>
      %swap3A_87 = vector.shape_cast %min3A_83 : vector<16xi32> to vector<16xi32>
      tpu.vector_store %arg8[%swap3A_84], %swap3A_87 {strides = array<i32>} : memref<64xi32, #tpu.memory_space<vmem>>, vector<16xi32>,
      %add3A_88 = arith.constant 32 : i32
      %add3A_89 = arith.addi %mul3A_66, %add3A_88 : i32
      %add3A_90 = vector.broadcast %add3A_89 : i32 to vector<16xi32>
      %add3A_91 = arith.addi %iota3A, %add3A_90 : vector<16xi32>
      %min3A_92 = arith.constant 9999 : i32
      %min3A_93 = vector.broadcast %min3A_92 : i32 to vector<16xi32>
      %min3A_94 = arith.minsi %add3A_91, %min3A_93 : vector<16xi32>
      %swap3A_95 = arith.constant 32 : index
      %swap3A_96 = tpu.vector_load %arg8[%swap3A_95] {strides = array<i32>} : memref<64xi32, #tpu.memory_space<vmem>>, vector<16xi32>,
      %swap3A_97 = vector.shape_cast %swap3A_96 : vector<16xi32> to vector<16xi32>
      %swap3A_98 = vector.shape_cast %min3A_94 : vector<16xi32> to vector<16xi32>
      tpu.vector_store %arg8[%swap3A_95], %swap3A_98 {strides = array<i32>} : memref<64xi32, #tpu.memory_space<vmem>>, vector<16xi32>,
      %add3A_99 = arith.constant 48 : i32
      %add3A_100 = arith.addi %mul3A_66, %add3A_99 : i32
      %add3A_101 = vector.broadcast %add3A_100 : i32 to vector<16xi32>
      %add3A_102 = arith.addi %iota3A, %add3A_101 : vector<16xi32>
      %min3A_103 = arith.constant 9999 : i32
      %min3A_104 = vector.broadcast %min3A_103 : i32 to vector<16xi32>
      %min3A_105 = arith.minsi %add3A_102, %min3A_104 : vector<16xi32>
      %swap3A_106 = arith.constant 48 : index
      %swap3A_107 = tpu.vector_load %arg8[%swap3A_106] {strides = array<i32>} : memref<64xi32, #tpu.memory_space<vmem>>, vector<16xi32>,
      %swap3A_108 = vector.shape_cast %swap3A_107 : vector<16xi32> to vector<16xi32>
      %swap3A_109 = vector.shape_cast %min3A_105 : vector<16xi32> to vector<16xi32>
      tpu.vector_store %arg8[%swap3A_106], %swap3A_109 {strides = array<i32>} : memref<64xi32, #tpu.memory_space<vmem>>, vector<16xi32>,
      "tpu.region"() ({
        %run_scoped3A = tpu.sem_alloc : memref<!tpu.dma_semaphore, #tpu.memory_space<semaphore_mem>>
        %dma_start3A = arith.constant 0 : i32
        %dma_start3A_110 = arith.constant 0 : i32
        %dma_start3A_111 = tpu.memref_slice %arg14[%dma_start3A, %dma_start3A_110] : memref<10000x128xf32, #tpu.memory_space<vmem_shared>> -> memref<10000x128xf32, #tpu.memory_space<vmem_shared>>
        tpu.enqueue_indirect_dma source(%arg11 : memref<64x128xf32, #tpu.memory_space<vmem>>) target(%dma_start3A_111 : memref<10000x128xf32, #tpu.memory_space<vmem_shared>>) offsets(%arg8 : memref<64xi32, #tpu.memory_space<vmem>>) semaphore(%run_scoped3A : memref<!tpu.dma_semaphore, #tpu.memory_space<semaphore_mem>>)
        %dma_wait3A = arith.constant 0 : i32
        %dma_wait3A_112 = arith.constant 0 : i32
        %dma_wait3A_113 = tpu.memref_slice %arg14[%dma_wait3A, %dma_wait3A_112] : memref<10000x128xf32, #tpu.memory_space<vmem_shared>> -> memref<10000x128xf32, #tpu.memory_space<vmem_shared>>
        tpu.wait_indirect_dma semaphore(%run_scoped3A : memref<!tpu.dma_semaphore, #tpu.memory_space<semaphore_mem>>) src(%arg11 : memref<64x128xf32, #tpu.memory_space<vmem>>) dst(%dma_wait3A_113 : memref<10000x128xf32, #tpu.memory_space<vmem_shared>>)
        tpu.yield
      }) : () -> ()
    }
    %while3A_22 = arith.constant 1 : i32
    scf.for %while3A_64 = %while3A_20 to %while3A_16 step %while3A_22  : i32 {
      %mul3A_65 = arith.constant 64 : i32
      %mul3A_66 = arith.muli %while3A_64, %mul3A_65 : i32
      %add3A_67 = arith.constant 0 : i32
      %add3A_68 = arith.addi %mul3A_66, %add3A_67 : i32
      %add3A_69 = vector.broadcast %add3A_68 : i32 to vector<16xi32>
      %add3A_70 = arith.addi %iota3A, %add3A_69 : vector<16xi32>
      %min3A_71 = arith.constant 9999 : i32
      %min3A_72 = vector.broadcast %min3A_71 : i32 to vector<16xi32>
      %min3A_73 = arith.minsi %add3A_70, %min3A_72 : vector<16xi32>
      %swap3A = arith.constant 0 : index
      %swap3A_74 = tpu.vector_load %arg8[%swap3A] {strides = array<i32>} : memref<64xi32, #tpu.memory_space<vmem>>, vector<16xi32>,
      %swap3A_75 = vector.shape_cast %swap3A_74 : vector<16xi32> to vector<16xi32>
      %swap3A_76 = vector.shape_cast %min3A_73 : vector<16xi32> to vector<16xi32>
      tpu.vector_store %arg8[%swap3A], %swap3A_76 {strides = array<i32>} : memref<64xi32, #tpu.memory_space<vmem>>, vector<16xi32>,
      %add3A_77 = arith.constant 16 : i32
      %add3A_78 = arith.addi %mul3A_66, %add3A_77 : i32
      %add3A_79 = vector.broadcast %add3A_78 : i32 to vector<16xi32>
      %add3A_80 = arith.addi %iota3A, %add3A_79 : vector<16xi32>
      %min3A_81 = arith.constant 9999 : i32
      %min3A_82 = vector.broadcast %min3A_81 : i32 to vector<16xi32>
      %min3A_83 = arith.minsi %add3A_80, %min3A_82 : vector<16xi32>
      %swap3A_84 = arith.constant 16 : index
      %swap3A_85 = tpu.vector_load %arg8[%swap3A_84] {strides = array<i32>} : memref<64xi32, #tpu.memory_space<vmem>>, vector<16xi32>,
      %swap3A_86 = vector.shape_cast %swap3A_85 : vector<16xi32> to vector<16xi32>
      %swap3A_87 = vector.shape_cast %min3A_83 : vector<16xi32> to vector<16xi32>
      tpu.vector_store %arg8[%swap3A_84], %swap3A_87 {strides = array<i32>} : memref<64xi32, #tpu.memory_space<vmem>>, vector<16xi32>,
      %add3A_88 = arith.constant 32 : i32
      %add3A_89 = arith.addi %mul3A_66, %add3A_88 : i32
      %add3A_90 = vector.broadcast %add3A_89 : i32 to vector<16xi32>
      %add3A_91 = arith.addi %iota3A, %add3A_90 : vector<16xi32>
      %min3A_92 = arith.constant 9999 : i32
      %min3A_93 = vector.broadcast %min3A_92 : i32 to vector<16xi32>
      %min3A_94 = arith.minsi %add3A_91, %min3A_93 : vector<16xi32>
      %swap3A_95 = arith.constant 32 : index
      %swap3A_96 = tpu.vector_load %arg8[%swap3A_95] {strides = array<i32>} : memref<64xi32, #tpu.memory_space<vmem>>, vector<16xi32>,
      %swap3A_97 = vector.shape_cast %swap3A_96 : vector<16xi32> to vector<16xi32>
      %swap3A_98 = vector.shape_cast %min3A_94 : vector<16xi32> to vector<16xi32>
      tpu.vector_store %arg8[%swap3A_95], %swap3A_98 {strides = array<i32>} : memref<64xi32, #tpu.memory_space<vmem>>, vector<16xi32>,
      %add3A_99 = arith.constant 48 : i32
      %add3A_100 = arith.addi %mul3A_66, %add3A_99 : i32
      %add3A_101 = vector.broadcast %add3A_100 : i32 to vector<16xi32>
      %add3A_102 = arith.addi %iota3A, %add3A_101 : vector<16xi32>
      %min3A_103 = arith.constant 9999 : i32
      %min3A_104 = vector.broadcast %min3A_103 : i32 to vector<16xi32>
      %min3A_105 = arith.minsi %add3A_102, %min3A_104 : vector<16xi32>
      %swap3A_106 = arith.constant 48 : index
      %swap3A_107 = tpu.vector_load %arg8[%swap3A_106] {strides = array<i32>} : memref<64xi32, #tpu.memory_space<vmem>>, vector<16xi32>,
      %swap3A_108 = vector.shape_cast %swap3A_107 : vector<16xi32> to vector<16xi32>
      %swap3A_109 = vector.shape_cast %min3A_105 : vector<16xi32> to vector<16xi32>
      tpu.vector_store %arg8[%swap3A_106], %swap3A_109 {strides = array<i32>} : memref<64xi32, #tpu.memory_space<vmem>>, vector<16xi32>,
      "tpu.region"() ({
        %run_scoped3A = tpu.sem_alloc : memref<!tpu.dma_semaphore, #tpu.memory_space<semaphore_mem>>
        %dma_start3A = arith.constant 0 : i32
        %dma_start3A_110 = arith.constant 0 : i32
        %dma_start3A_111 = tpu.memref_slice %arg14[%dma_start3A, %dma_start3A_110] : memref<10000x128xf32, #tpu.memory_space<vmem_shared>> -> memref<10000x128xf32, #tpu.memory_space<vmem_shared>>
        tpu.enqueue_indirect_dma source(%arg11 : memref<64x128xf32, #tpu.memory_space<vmem>>) target(%dma_start3A_111 : memref<10000x128xf32, #tpu.memory_space<vmem_shared>>) offsets(%arg8 : memref<64xi32, #tpu.memory_space<vmem>>) semaphore(%run_scoped3A : memref<!tpu.dma_semaphore, #tpu.memory_space<semaphore_mem>>)
        %dma_wait3A = arith.constant 0 : i32
        %dma_wait3A_112 = arith.constant 0 : i32
        %dma_wait3A_113 = tpu.memref_slice %arg14[%dma_wait3A, %dma_wait3A_112] : memref<10000x128xf32, #tpu.memory_space<vmem_shared>> -> memref<10000x128xf32, #tpu.memory_space<vmem_shared>>
        tpu.wait_indirect_dma semaphore(%run_scoped3A : memref<!tpu.dma_semaphore, #tpu.memory_space<semaphore_mem>>) src(%arg11 : memref<64x128xf32, #tpu.memory_space<vmem>>) dst(%dma_wait3A_113 : memref<10000x128xf32, #tpu.memory_space<vmem_shared>>)
        tpu.yield
      }) : () -> ()
    }
    %barrier3A = arith.constant 0 : index
    tpu.barrier barrier_id(%barrier3A)
    %mul3A_23 = arith.constant 156 : i32
    %mul3A_24 = arith.muli %add3A, %mul3A_23 : i32
    %min3A_25 = arith.constant 8 : i32
    %min3A_26 = arith.minsi %add3A, %min3A_25 : i32
    %add3A_27 = arith.addi %mul3A_24, %min3A_26 : i32
    %lt3A_28 = arith.constant 8 : i32
    %lt3A_29 = arith.cmpi slt, %add3A, %lt3A_28 : i32
    %jit3A_30 = arith.constant 1 : i32
    %jit3A_31 = arith.constant 0 : i32
    %select_n3A_32 = arith.select %lt3A_29, %jit3A_30, %jit3A_31 : i32
    %add3A_33 = arith.constant 156 : i32
    %add3A_34 = arith.addi %add3A_33, %select_n3A_32 : i32
    %add3A_35 = arith.addi %add3A_27, %add3A_34 : i32
    %while3A_36 = arith.constant 0 : i32
    %while3A_37 = arith.subi %add3A_35, %add3A_27 : i32
    %while3A_38 = arith.addi %add3A_27, %while3A_37 : i32
    %while3A_39 = arith.constant 1 : i32
    %while3A_40 = arith.divsi %while3A_37, %while3A_39 : i32
    %while3A_41 = arith.muli %while3A_40, %while3A_39 : i32
    %while3A_42 = arith.addi %add3A_27, %while3A_41 : i32
    %while3A_43 = arith.constant 1 : i32
    scf.for %while3A_64 = %add3A_27 to %while3A_42 step %while3A_43  : i32 {
      %mul3A_65 = arith.constant 64 : i32
      %mul3A_66 = arith.muli %while3A_64, %mul3A_65 : i32
      "tpu.region"() ({
        %run_scoped3A = tpu.sem_alloc : memref<!tpu.dma_semaphore, #tpu.memory_space<semaphore_mem>>
        %dma_start3A_77 = tpu.memref_slice %arg5[%mul3A_66] : memref<320000xi32, #tpu.memory_space<hbm>> -> memref<64xi32, #tpu.memory_space<hbm>>
        %dma_start3A_78 = tpu.memref_slice %arg5[%mul3A_66] : memref<320000xi32, #tpu.memory_space<hbm>> -> memref<64xi32, #tpu.memory_space<hbm>>
        tpu.enqueue_dma source(%dma_start3A_78 : memref<64xi32, #tpu.memory_space<hbm>>) target(%arg8 : memref<64xi32, #tpu.memory_space<vmem>>) target_semaphore(%run_scoped3A : memref<!tpu.dma_semaphore, #tpu.memory_space<semaphore_mem>>)
        %dma_wait3A_79 = tpu.memref_slice %arg5[%mul3A_66] : memref<320000xi32, #tpu.memory_space<hbm>> -> memref<64xi32, #tpu.memory_space<hbm>>
        %dma_wait3A_80 = tpu.memref_slice %arg5[%mul3A_66] : memref<320000xi32, #tpu.memory_space<hbm>> -> memref<64xi32, #tpu.memory_space<hbm>>
        tpu.wait_dma2 semaphore(%run_scoped3A : memref<!tpu.dma_semaphore, #tpu.memory_space<semaphore_mem>>) src(%dma_wait3A_80 : memref<64xi32, #tpu.memory_space<hbm>>) dst(%arg8 : memref<64xi32, #tpu.memory_space<vmem>>)
        tpu.yield
      }) : () -> ()
      "tpu.region"() ({
        %run_scoped3A = tpu.sem_alloc : memref<!tpu.dma_semaphore, #tpu.memory_space<semaphore_mem>>
        %dma_start3A_77 = tpu.memref_slice %arg6[%mul3A_66] : memref<320000xi32, #tpu.memory_space<hbm>> -> memref<64xi32, #tpu.memory_space<hbm>>
        %dma_start3A_78 = tpu.memref_slice %arg6[%mul3A_66] : memref<320000xi32, #tpu.memory_space<hbm>> -> memref<64xi32, #tpu.memory_space<hbm>>
        tpu.enqueue_dma source(%dma_start3A_78 : memref<64xi32, #tpu.memory_space<hbm>>) target(%arg9 : memref<64xi32, #tpu.memory_space<vmem>>) target_semaphore(%run_scoped3A : memref<!tpu.dma_semaphore, #tpu.memory_space<semaphore_mem>>)
        %dma_wait3A_79 = tpu.memref_slice %arg6[%mul3A_66] : memref<320000xi32, #tpu.memory_space<hbm>> -> memref<64xi32, #tpu.memory_space<hbm>>
        %dma_wait3A_80 = tpu.memref_slice %arg6[%mul3A_66] : memref<320000xi32, #tpu.memory_space<hbm>> -> memref<64xi32, #tpu.memory_space<hbm>>
        tpu.wait_dma2 semaphore(%run_scoped3A : memref<!tpu.dma_semaphore, #tpu.memory_space<semaphore_mem>>) src(%dma_wait3A_80 : memref<64xi32, #tpu.memory_space<hbm>>) dst(%arg9 : memref<64xi32, #tpu.memory_space<vmem>>)
        tpu.yield
      }) : () -> ()
      %dma_start3A = arith.constant 0 : i32
      %dma_start3A_67 = arith.constant 0 : i32
      %dma_start3A_68 = tpu.memref_slice %arg2[%dma_start3A, %dma_start3A_67] : memref<10000x128xf32, #tpu.memory_space<hbm>> -> memref<10000x128xf32, #tpu.memory_space<hbm>>
      tpu.enqueue_indirect_dma source(%dma_start3A_68 : memref<10000x128xf32, #tpu.memory_space<hbm>>) target(%arg11 : memref<64x128xf32, #tpu.memory_space<vmem>>) offsets(%arg9 : memref<64xi32, #tpu.memory_space<vmem>>) semaphore(%arg15 : memref<!tpu.dma_semaphore, #tpu.memory_space<semaphore_mem>>)
      "tpu.region"() ({
        %run_scoped3A = tpu.sem_alloc : memref<!tpu.dma_semaphore, #tpu.memory_space<semaphore_mem>>
        %dma_start3A_77 = arith.constant 0 : i32
        %dma_start3A_78 = tpu.memref_slice %arg3[%mul3A_66, %dma_start3A_77] : memref<320000x128xf32, #tpu.memory_space<hbm>> -> memref<64x128xf32, #tpu.memory_space<hbm>>
        %dma_start3A_79 = arith.constant 0 : i32
        %dma_start3A_80 = tpu.memref_slice %arg3[%mul3A_66, %dma_start3A_79] : memref<320000x128xf32, #tpu.memory_space<hbm>> -> memref<64x128xf32, #tpu.memory_space<hbm>>
        tpu.enqueue_dma source(%dma_start3A_80 : memref<64x128xf32, #tpu.memory_space<hbm>>) target(%arg12 : memref<64x128xf32, #tpu.memory_space<vmem>>) target_semaphore(%run_scoped3A : memref<!tpu.dma_semaphore, #tpu.memory_space<semaphore_mem>>)
        %dma_wait3A_81 = arith.constant 0 : i32
        %dma_wait3A_82 = tpu.memref_slice %arg3[%mul3A_66, %dma_wait3A_81] : memref<320000x128xf32, #tpu.memory_space<hbm>> -> memref<64x128xf32, #tpu.memory_space<hbm>>
        %dma_wait3A_83 = arith.constant 0 : i32
        %dma_wait3A_84 = tpu.memref_slice %arg3[%mul3A_66, %dma_wait3A_83] : memref<320000x128xf32, #tpu.memory_space<hbm>> -> memref<64x128xf32, #tpu.memory_space<hbm>>
        tpu.wait_dma2 semaphore(%run_scoped3A : memref<!tpu.dma_semaphore, #tpu.memory_space<semaphore_mem>>) src(%dma_wait3A_84 : memref<64x128xf32, #tpu.memory_space<hbm>>) dst(%arg12 : memref<64x128xf32, #tpu.memory_space<vmem>>)
        tpu.yield
      }) : () -> ()
      "tpu.region"() ({
        %run_scoped3A = tpu.sem_alloc : memref<!tpu.dma_semaphore, #tpu.memory_space<semaphore_mem>>
        %dma_start3A_77 = arith.constant 0 : i32
        %dma_start3A_78 = tpu.memref_slice %arg4[%mul3A_66, %dma_start3A_77] : memref<320000x16xf32, #tpu.memory_space<hbm>> -> memref<64x16xf32, #tpu.memory_space<hbm>>
        %dma_start3A_79 = arith.constant 0 : i32
        %dma_start3A_80 = tpu.memref_slice %arg4[%mul3A_66, %dma_start3A_79] : memref<320000x16xf32, #tpu.memory_space<hbm>> -> memref<64x16xf32, #tpu.memory_space<hbm>>
        tpu.enqueue_dma source(%dma_start3A_80 : memref<64x16xf32, #tpu.memory_space<hbm>>) target(%arg13 : memref<64x16xf32, #tpu.memory_space<vmem>>) target_semaphore(%run_scoped3A : memref<!tpu.dma_semaphore, #tpu.memory_space<semaphore_mem>>)
        %dma_wait3A_81 = arith.constant 0 : i32
        %dma_wait3A_82 = tpu.memref_slice %arg4[%mul3A_66, %dma_wait3A_81] : memref<320000x16xf32, #tpu.memory_space<hbm>> -> memref<64x16xf32, #tpu.memory_space<hbm>>
        %dma_wait3A_83 = arith.constant 0 : i32
        %dma_wait3A_84 = tpu.memref_slice %arg4[%mul3A_66, %dma_wait3A_83] : memref<320000x16xf32, #tpu.memory_space<hbm>> -> memref<64x16xf32, #tpu.memory_space<hbm>>
        tpu.wait_dma2 semaphore(%run_scoped3A : memref<!tpu.dma_semaphore, #tpu.memory_space<semaphore_mem>>) src(%dma_wait3A_84 : memref<64x16xf32, #tpu.memory_space<hbm>>) dst(%arg13 : memref<64x16xf32, #tpu.memory_space<vmem>>)
        tpu.yield
      }) : () -> ()
      %dma_wait3A = arith.constant 0 : i32
      %dma_wait3A_69 = arith.constant 0 : i32
      %dma_wait3A_70 = tpu.memref_slice %arg2[%dma_wait3A, %dma_wait3A_69] : memref<10000x128xf32, #tpu.memory_space<hbm>> -> memref<10000x128xf32, #tpu.memory_space<hbm>>
      tpu.wait_indirect_dma semaphore(%arg15 : memref<!tpu.dma_semaphore, #tpu.memory_space<semaphore_mem>>) src(%dma_wait3A_70 : memref<10000x128xf32, #tpu.memory_space<hbm>>) dst(%arg11 : memref<64x128xf32, #tpu.memory_space<vmem>>)
      %scan3A_71 = arith.constant 0 : i32
      %scan3A_72 = arith.constant 0 : i32
      %scan3A_73 = arith.constant 64 : i32
      %scan3A_74 = arith.addi %scan3A_72, %scan3A_73 : i32
      %scan3A_75 = arith.constant 1 : i32
      scf.for %scan3A_77 = %scan3A_72 to %scan3A_74 step %scan3A_75  : i32 {
        %get3A = arith.index_cast %scan3A_77 : i32 to index
        %get3A_78 = arith.constant 0 : index
        %get3A_79 = tpu.vector_load %arg13[%get3A, %get3A_78] {strides = array<i32>} : memref<64x16xf32, #tpu.memory_space<vmem>>, vector<1x16xf32>,
        %get3A_80 = vector.shape_cast %get3A_79 : vector<1x16xf32> to vector<16xf32>
        %get3A_81 = arith.index_cast %scan3A_77 : i32 to index
        %get3A_82 = arith.constant 0 : index
        %get3A_83 = tpu.vector_load %arg11[%get3A_81, %get3A_82] {strides = array<i32>} : memref<64x128xf32, #tpu.memory_space<vmem>>, vector<1x16xf32>,
        %get3A_84 = vector.shape_cast %get3A_83 : vector<1x16xf32> to vector<16xf32>
        %get3A_85 = arith.index_cast %scan3A_77 : i32 to index
        %get3A_86 = arith.constant 0 : index
        %get3A_87 = tpu.vector_load %arg12[%get3A_85, %get3A_86] {strides = array<i32>} : memref<64x128xf32, #tpu.memory_space<vmem>>, vector<1x16xf32>,
        %get3A_88 = vector.shape_cast %get3A_87 : vector<1x16xf32> to vector<16xf32>
        %add3A_89 = arith.addf %get3A_84, %get3A_88 : vector<16xf32>
        %slice3A = vector.extract_strided_slice %get3A_80 {offsets = [0], sizes = [1], strides = [1]} : vector<16xf32> to vector<1xf32>
        %squeeze3A = vector.extract %slice3A[0] : f32 from vector<1xf32>
        %mul3A_90 = vector.broadcast %squeeze3A : f32 to vector<16xf32>
        %mul3A_91 = arith.mulf %add3A_89, %mul3A_90 : vector<16xf32>
        %swap3A = arith.index_cast %scan3A_77 : i32 to index
        %swap3A_92 = arith.constant 0 : index
        %swap3A_93 = tpu.vector_load %arg11[%swap3A, %swap3A_92] {strides = array<i32>} : memref<64x128xf32, #tpu.memory_space<vmem>>, vector<1x16xf32>,
        %swap3A_94 = vector.shape_cast %swap3A_93 : vector<1x16xf32> to vector<16xf32>
        %swap3A_95 = vector.shape_cast %mul3A_91 : vector<16xf32> to vector<1x16xf32>
        tpu.vector_store %arg11[%swap3A, %swap3A_92], %swap3A_95 {strides = array<i32>} : memref<64x128xf32, #tpu.memory_space<vmem>>, vector<1x16xf32>,
        %get3A_96 = arith.index_cast %scan3A_77 : i32 to index
        %get3A_97 = arith.constant 16 : index
        %get3A_98 = tpu.vector_load %arg11[%get3A_96, %get3A_97] {strides = array<i32>} : memref<64x128xf32, #tpu.memory_space<vmem>>, vector<1x16xf32>,
        %get3A_99 = vector.shape_cast %get3A_98 : vector<1x16xf32> to vector<16xf32>
        %get3A_100 = arith.index_cast %scan3A_77 : i32 to index
        %get3A_101 = arith.constant 16 : index
        %get3A_102 = tpu.vector_load %arg12[%get3A_100, %get3A_101] {strides = array<i32>} : memref<64x128xf32, #tpu.memory_space<vmem>>, vector<1x16xf32>,
        %get3A_103 = vector.shape_cast %get3A_102 : vector<1x16xf32> to vector<16xf32>
        %add3A_104 = arith.addf %get3A_99, %get3A_103 : vector<16xf32>
        %slice3A_105 = vector.extract_strided_slice %get3A_80 {offsets = [1], sizes = [1], strides = [1]} : vector<16xf32> to vector<1xf32>
        %squeeze3A_106 = vector.extract %slice3A_105[0] : f32 from vector<1xf32>
        %mul3A_107 = vector.broadcast %squeeze3A_106 : f32 to vector<16xf32>
        %mul3A_108 = arith.mulf %add3A_104, %mul3A_107 : vector<16xf32>
        %swap3A_109 = arith.index_cast %scan3A_77 : i32 to index
        %swap3A_110 = arith.constant 16 : index
        %swap3A_111 = tpu.vector_load %arg11[%swap3A_109, %swap3A_110] {strides = array<i32>} : memref<64x128xf32, #tpu.memory_space<vmem>>, vector<1x16xf32>,
        %swap3A_112 = vector.shape_cast %swap3A_111 : vector<1x16xf32> to vector<16xf32>
        %swap3A_113 = vector.shape_cast %mul3A_108 : vector<16xf32> to vector<1x16xf32>
        tpu.vector_store %arg11[%swap3A_109, %swap3A_110], %swap3A_113 {strides = array<i32>} : memref<64x128xf32, #tpu.memory_space<vmem>>, vector<1x16xf32>,
        %get3A_114 = arith.index_cast %scan3A_77 : i32 to index
        %get3A_115 = arith.constant 32 : index
        %get3A_116 = tpu.vector_load %arg11[%get3A_114, %get3A_115] {strides = array<i32>} : memref<64x128xf32, #tpu.memory_space<vmem>>, vector<1x16xf32>,
        %get3A_117 = vector.shape_cast %get3A_116 : vector<1x16xf32> to vector<16xf32>
        %get3A_118 = arith.index_cast %scan3A_77 : i32 to index
        %get3A_119 = arith.constant 32 : index
        %get3A_120 = tpu.vector_load %arg12[%get3A_118, %get3A_119] {strides = array<i32>} : memref<64x128xf32, #tpu.memory_space<vmem>>, vector<1x16xf32>,
        %get3A_121 = vector.shape_cast %get3A_120 : vector<1x16xf32> to vector<16xf32>
        %add3A_122 = arith.addf %get3A_117, %get3A_121 : vector<16xf32>
        %slice3A_123 = vector.extract_strided_slice %get3A_80 {offsets = [2], sizes = [1], strides = [1]} : vector<16xf32> to vector<1xf32>
        %squeeze3A_124 = vector.extract %slice3A_123[0] : f32 from vector<1xf32>
        %mul3A_125 = vector.broadcast %squeeze3A_124 : f32 to vector<16xf32>
        %mul3A_126 = arith.mulf %add3A_122, %mul3A_125 : vector<16xf32>
        %swap3A_127 = arith.index_cast %scan3A_77 : i32 to index
        %swap3A_128 = arith.constant 32 : index
        %swap3A_129 = tpu.vector_load %arg11[%swap3A_127, %swap3A_128] {strides = array<i32>} : memref<64x128xf32, #tpu.memory_space<vmem>>, vector<1x16xf32>,
        %swap3A_130 = vector.shape_cast %swap3A_129 : vector<1x16xf32> to vector<16xf32>
        %swap3A_131 = vector.shape_cast %mul3A_126 : vector<16xf32> to vector<1x16xf32>
        tpu.vector_store %arg11[%swap3A_127, %swap3A_128], %swap3A_131 {strides = array<i32>} : memref<64x128xf32, #tpu.memory_space<vmem>>, vector<1x16xf32>,
        %get3A_132 = arith.index_cast %scan3A_77 : i32 to index
        %get3A_133 = arith.constant 48 : index
        %get3A_134 = tpu.vector_load %arg11[%get3A_132, %get3A_133] {strides = array<i32>} : memref<64x128xf32, #tpu.memory_space<vmem>>, vector<1x16xf32>,
        %get3A_135 = vector.shape_cast %get3A_134 : vector<1x16xf32> to vector<16xf32>
        %get3A_136 = arith.index_cast %scan3A_77 : i32 to index
        %get3A_137 = arith.constant 48 : index
        %get3A_138 = tpu.vector_load %arg12[%get3A_136, %get3A_137] {strides = array<i32>} : memref<64x128xf32, #tpu.memory_space<vmem>>, vector<1x16xf32>,
        %get3A_139 = vector.shape_cast %get3A_138 : vector<1x16xf32> to vector<16xf32>
        %add3A_140 = arith.addf %get3A_135, %get3A_139 : vector<16xf32>
        %slice3A_141 = vector.extract_strided_slice %get3A_80 {offsets = [3], sizes = [1], strides = [1]} : vector<16xf32> to vector<1xf32>
        %squeeze3A_142 = vector.extract %slice3A_141[0] : f32 from vector<1xf32>
        %mul3A_143 = vector.broadcast %squeeze3A_142 : f32 to vector<16xf32>
        %mul3A_144 = arith.mulf %add3A_140, %mul3A_143 : vector<16xf32>
        %swap3A_145 = arith.index_cast %scan3A_77 : i32 to index
        %swap3A_146 = arith.constant 48 : index
        %swap3A_147 = tpu.vector_load %arg11[%swap3A_145, %swap3A_146] {strides = array<i32>} : memref<64x128xf32, #tpu.memory_space<vmem>>, vector<1x16xf32>,
        %swap3A_148 = vector.shape_cast %swap3A_147 : vector<1x16xf32> to vector<16xf32>
        %swap3A_149 = vector.shape_cast %mul3A_144 : vector<16xf32> to vector<1x16xf32>
        tpu.vector_store %arg11[%swap3A_145, %swap3A_146], %swap3A_149 {strides = array<i32>} : memref<64x128xf32, #tpu.memory_space<vmem>>, vector<1x16xf32>,
        %get3A_150 = arith.index_cast %scan3A_77 : i32 to index
        %get3A_151 = arith.constant 64 : index
        %get3A_152 = tpu.vector_load %arg11[%get3A_150, %get3A_151] {strides = array<i32>} : memref<64x128xf32, #tpu.memory_space<vmem>>, vector<1x16xf32>,
        %get3A_153 = vector.shape_cast %get3A_152 : vector<1x16xf32> to vector<16xf32>
        %get3A_154 = arith.index_cast %scan3A_77 : i32 to index
        %get3A_155 = arith.constant 64 : index
        %get3A_156 = tpu.vector_load %arg12[%get3A_154, %get3A_155] {strides = array<i32>} : memref<64x128xf32, #tpu.memory_space<vmem>>, vector<1x16xf32>,
        %get3A_157 = vector.shape_cast %get3A_156 : vector<1x16xf32> to vector<16xf32>
        %add3A_158 = arith.addf %get3A_153, %get3A_157 : vector<16xf32>
        %slice3A_159 = vector.extract_strided_slice %get3A_80 {offsets = [4], sizes = [1], strides = [1]} : vector<16xf32> to vector<1xf32>
        %squeeze3A_160 = vector.extract %slice3A_159[0] : f32 from vector<1xf32>
        %mul3A_161 = vector.broadcast %squeeze3A_160 : f32 to vector<16xf32>
        %mul3A_162 = arith.mulf %add3A_158, %mul3A_161 : vector<16xf32>
        %swap3A_163 = arith.index_cast %scan3A_77 : i32 to index
        %swap3A_164 = arith.constant 64 : index
        %swap3A_165 = tpu.vector_load %arg11[%swap3A_163, %swap3A_164] {strides = array<i32>} : memref<64x128xf32, #tpu.memory_space<vmem>>, vector<1x16xf32>,
        %swap3A_166 = vector.shape_cast %swap3A_165 : vector<1x16xf32> to vector<16xf32>
        %swap3A_167 = vector.shape_cast %mul3A_162 : vector<16xf32> to vector<1x16xf32>
        tpu.vector_store %arg11[%swap3A_163, %swap3A_164], %swap3A_167 {strides = array<i32>} : memref<64x128xf32, #tpu.memory_space<vmem>>, vector<1x16xf32>,
        %get3A_168 = arith.index_cast %scan3A_77 : i32 to index
        %get3A_169 = arith.constant 80 : index
        %get3A_170 = tpu.vector_load %arg11[%get3A_168, %get3A_169] {strides = array<i32>} : memref<64x128xf32, #tpu.memory_space<vmem>>, vector<1x16xf32>,
        %get3A_171 = vector.shape_cast %get3A_170 : vector<1x16xf32> to vector<16xf32>
        %get3A_172 = arith.index_cast %scan3A_77 : i32 to index
        %get3A_173 = arith.constant 80 : index
        %get3A_174 = tpu.vector_load %arg12[%get3A_172, %get3A_173] {strides = array<i32>} : memref<64x128xf32, #tpu.memory_space<vmem>>, vector<1x16xf32>,
        %get3A_175 = vector.shape_cast %get3A_174 : vector<1x16xf32> to vector<16xf32>
        %add3A_176 = arith.addf %get3A_171, %get3A_175 : vector<16xf32>
        %slice3A_177 = vector.extract_strided_slice %get3A_80 {offsets = [5], sizes = [1], strides = [1]} : vector<16xf32> to vector<1xf32>
        %squeeze3A_178 = vector.extract %slice3A_177[0] : f32 from vector<1xf32>
        %mul3A_179 = vector.broadcast %squeeze3A_178 : f32 to vector<16xf32>
        %mul3A_180 = arith.mulf %add3A_176, %mul3A_179 : vector<16xf32>
        %swap3A_181 = arith.index_cast %scan3A_77 : i32 to index
        %swap3A_182 = arith.constant 80 : index
        %swap3A_183 = tpu.vector_load %arg11[%swap3A_181, %swap3A_182] {strides = array<i32>} : memref<64x128xf32, #tpu.memory_space<vmem>>, vector<1x16xf32>,
        %swap3A_184 = vector.shape_cast %swap3A_183 : vector<1x16xf32> to vector<16xf32>
        %swap3A_185 = vector.shape_cast %mul3A_180 : vector<16xf32> to vector<1x16xf32>
        tpu.vector_store %arg11[%swap3A_181, %swap3A_182], %swap3A_185 {strides = array<i32>} : memref<64x128xf32, #tpu.memory_space<vmem>>, vector<1x16xf32>,
        %get3A_186 = arith.index_cast %scan3A_77 : i32 to index
        %get3A_187 = arith.constant 96 : index
        %get3A_188 = tpu.vector_load %arg11[%get3A_186, %get3A_187] {strides = array<i32>} : memref<64x128xf32, #tpu.memory_space<vmem>>, vector<1x16xf32>,
        %get3A_189 = vector.shape_cast %get3A_188 : vector<1x16xf32> to vector<16xf32>
        %get3A_190 = arith.index_cast %scan3A_77 : i32 to index
        %get3A_191 = arith.constant 96 : index
        %get3A_192 = tpu.vector_load %arg12[%get3A_190, %get3A_191] {strides = array<i32>} : memref<64x128xf32, #tpu.memory_space<vmem>>, vector<1x16xf32>,
        %get3A_193 = vector.shape_cast %get3A_192 : vector<1x16xf32> to vector<16xf32>
        %add3A_194 = arith.addf %get3A_189, %get3A_193 : vector<16xf32>
        %slice3A_195 = vector.extract_strided_slice %get3A_80 {offsets = [6], sizes = [1], strides = [1]} : vector<16xf32> to vector<1xf32>
        %squeeze3A_196 = vector.extract %slice3A_195[0] : f32 from vector<1xf32>
        %mul3A_197 = vector.broadcast %squeeze3A_196 : f32 to vector<16xf32>
        %mul3A_198 = arith.mulf %add3A_194, %mul3A_197 : vector<16xf32>
        %swap3A_199 = arith.index_cast %scan3A_77 : i32 to index
        %swap3A_200 = arith.constant 96 : index
        %swap3A_201 = tpu.vector_load %arg11[%swap3A_199, %swap3A_200] {strides = array<i32>} : memref<64x128xf32, #tpu.memory_space<vmem>>, vector<1x16xf32>,
        %swap3A_202 = vector.shape_cast %swap3A_201 : vector<1x16xf32> to vector<16xf32>
        %swap3A_203 = vector.shape_cast %mul3A_198 : vector<16xf32> to vector<1x16xf32>
        tpu.vector_store %arg11[%swap3A_199, %swap3A_200], %swap3A_203 {strides = array<i32>} : memref<64x128xf32, #tpu.memory_space<vmem>>, vector<1x16xf32>,
        %get3A_204 = arith.index_cast %scan3A_77 : i32 to index
        %get3A_205 = arith.constant 112 : index
        %get3A_206 = tpu.vector_load %arg11[%get3A_204, %get3A_205] {strides = array<i32>} : memref<64x128xf32, #tpu.memory_space<vmem>>, vector<1x16xf32>,
        %get3A_207 = vector.shape_cast %get3A_206 : vector<1x16xf32> to vector<16xf32>
        %get3A_208 = arith.index_cast %scan3A_77 : i32 to index
        %get3A_209 = arith.constant 112 : index
        %get3A_210 = tpu.vector_load %arg12[%get3A_208, %get3A_209] {strides = array<i32>} : memref<64x128xf32, #tpu.memory_space<vmem>>, vector<1x16xf32>,
        %get3A_211 = vector.shape_cast %get3A_210 : vector<1x16xf32> to vector<16xf32>
        %add3A_212 = arith.addf %get3A_207, %get3A_211 : vector<16xf32>
        %slice3A_213 = vector.extract_strided_slice %get3A_80 {offsets = [7], sizes = [1], strides = [1]} : vector<16xf32> to vector<1xf32>
        %squeeze3A_214 = vector.extract %slice3A_213[0] : f32 from vector<1xf32>
        %mul3A_215 = vector.broadcast %squeeze3A_214 : f32 to vector<16xf32>
        %mul3A_216 = arith.mulf %add3A_212, %mul3A_215 : vector<16xf32>
        %swap3A_217 = arith.index_cast %scan3A_77 : i32 to index
        %swap3A_218 = arith.constant 112 : index
        %swap3A_219 = tpu.vector_load %arg11[%swap3A_217, %swap3A_218] {strides = array<i32>} : memref<64x128xf32, #tpu.memory_space<vmem>>, vector<1x16xf32>,
        %swap3A_220 = vector.shape_cast %swap3A_219 : vector<1x16xf32> to vector<16xf32>
        %swap3A_221 = vector.shape_cast %mul3A_216 : vector<16xf32> to vector<1x16xf32>
        tpu.vector_store %arg11[%swap3A_217, %swap3A_218], %swap3A_221 {strides = array<i32>} : memref<64x128xf32, #tpu.memory_space<vmem>>, vector<1x16xf32>,
      }
      %scan3A_76 = arith.constant 64 : i32
      "tpu.region"() ({
        %run_scoped3A = tpu.sem_alloc : memref<!tpu.dma_semaphore, #tpu.memory_space<semaphore_mem>>
        %dma_start3A_77 = arith.constant 0 : i32
        %dma_start3A_78 = arith.constant 0 : i32
        %dma_start3A_79 = tpu.memref_slice %arg14[%dma_start3A_77, %dma_start3A_78] : memref<10000x128xf32, #tpu.memory_space<vmem_shared>> -> memref<10000x128xf32, #tpu.memory_space<vmem_shared>>
        tpu.enqueue_indirect_dma source(%arg11 : memref<64x128xf32, #tpu.memory_space<vmem>>) target(%dma_start3A_79 : memref<10000x128xf32, #tpu.memory_space<vmem_shared>>) offsets(%arg8 : memref<64xi32, #tpu.memory_space<vmem>>) semaphore(%run_scoped3A : memref<!tpu.dma_semaphore, #tpu.memory_space<semaphore_mem>>) {add = true}
        %dma_wait3A_80 = arith.constant 0 : i32
        %dma_wait3A_81 = arith.constant 0 : i32
        %dma_wait3A_82 = tpu.memref_slice %arg14[%dma_wait3A_80, %dma_wait3A_81] : memref<10000x128xf32, #tpu.memory_space<vmem_shared>> -> memref<10000x128xf32, #tpu.memory_space<vmem_shared>>
        tpu.wait_indirect_dma semaphore(%run_scoped3A : memref<!tpu.dma_semaphore, #tpu.memory_space<semaphore_mem>>) src(%arg11 : memref<64x128xf32, #tpu.memory_space<vmem>>) dst(%dma_wait3A_82 : memref<10000x128xf32, #tpu.memory_space<vmem_shared>>)
        tpu.yield
      }) : () -> ()
    }
    %while3A_44 = arith.constant 1 : i32
    scf.for %while3A_64 = %while3A_42 to %while3A_38 step %while3A_44  : i32 {
      %mul3A_65 = arith.constant 64 : i32
      %mul3A_66 = arith.muli %while3A_64, %mul3A_65 : i32
      "tpu.region"() ({
        %run_scoped3A = tpu.sem_alloc : memref<!tpu.dma_semaphore, #tpu.memory_space<semaphore_mem>>
        %dma_start3A_77 = tpu.memref_slice %arg5[%mul3A_66] : memref<320000xi32, #tpu.memory_space<hbm>> -> memref<64xi32, #tpu.memory_space<hbm>>
        %dma_start3A_78 = tpu.memref_slice %arg5[%mul3A_66] : memref<320000xi32, #tpu.memory_space<hbm>> -> memref<64xi32, #tpu.memory_space<hbm>>
        tpu.enqueue_dma source(%dma_start3A_78 : memref<64xi32, #tpu.memory_space<hbm>>) target(%arg8 : memref<64xi32, #tpu.memory_space<vmem>>) target_semaphore(%run_scoped3A : memref<!tpu.dma_semaphore, #tpu.memory_space<semaphore_mem>>)
        %dma_wait3A_79 = tpu.memref_slice %arg5[%mul3A_66] : memref<320000xi32, #tpu.memory_space<hbm>> -> memref<64xi32, #tpu.memory_space<hbm>>
        %dma_wait3A_80 = tpu.memref_slice %arg5[%mul3A_66] : memref<320000xi32, #tpu.memory_space<hbm>> -> memref<64xi32, #tpu.memory_space<hbm>>
        tpu.wait_dma2 semaphore(%run_scoped3A : memref<!tpu.dma_semaphore, #tpu.memory_space<semaphore_mem>>) src(%dma_wait3A_80 : memref<64xi32, #tpu.memory_space<hbm>>) dst(%arg8 : memref<64xi32, #tpu.memory_space<vmem>>)
        tpu.yield
      }) : () -> ()
      "tpu.region"() ({
        %run_scoped3A = tpu.sem_alloc : memref<!tpu.dma_semaphore, #tpu.memory_space<semaphore_mem>>
        %dma_start3A_77 = tpu.memref_slice %arg6[%mul3A_66] : memref<320000xi32, #tpu.memory_space<hbm>> -> memref<64xi32, #tpu.memory_space<hbm>>
        %dma_start3A_78 = tpu.memref_slice %arg6[%mul3A_66] : memref<320000xi32, #tpu.memory_space<hbm>> -> memref<64xi32, #tpu.memory_space<hbm>>
        tpu.enqueue_dma source(%dma_start3A_78 : memref<64xi32, #tpu.memory_space<hbm>>) target(%arg9 : memref<64xi32, #tpu.memory_space<vmem>>) target_semaphore(%run_scoped3A : memref<!tpu.dma_semaphore, #tpu.memory_space<semaphore_mem>>)
        %dma_wait3A_79 = tpu.memref_slice %arg6[%mul3A_66] : memref<320000xi32, #tpu.memory_space<hbm>> -> memref<64xi32, #tpu.memory_space<hbm>>
        %dma_wait3A_80 = tpu.memref_slice %arg6[%mul3A_66] : memref<320000xi32, #tpu.memory_space<hbm>> -> memref<64xi32, #tpu.memory_space<hbm>>
        tpu.wait_dma2 semaphore(%run_scoped3A : memref<!tpu.dma_semaphore, #tpu.memory_space<semaphore_mem>>) src(%dma_wait3A_80 : memref<64xi32, #tpu.memory_space<hbm>>) dst(%arg9 : memref<64xi32, #tpu.memory_space<vmem>>)
        tpu.yield
      }) : () -> ()
      %dma_start3A = arith.constant 0 : i32
      %dma_start3A_67 = arith.constant 0 : i32
      %dma_start3A_68 = tpu.memref_slice %arg2[%dma_start3A, %dma_start3A_67] : memref<10000x128xf32, #tpu.memory_space<hbm>> -> memref<10000x128xf32, #tpu.memory_space<hbm>>
      tpu.enqueue_indirect_dma source(%dma_start3A_68 : memref<10000x128xf32, #tpu.memory_space<hbm>>) target(%arg11 : memref<64x128xf32, #tpu.memory_space<vmem>>) offsets(%arg9 : memref<64xi32, #tpu.memory_space<vmem>>) semaphore(%arg15 : memref<!tpu.dma_semaphore, #tpu.memory_space<semaphore_mem>>)
      "tpu.region"() ({
        %run_scoped3A = tpu.sem_alloc : memref<!tpu.dma_semaphore, #tpu.memory_space<semaphore_mem>>
        %dma_start3A_77 = arith.constant 0 : i32
        %dma_start3A_78 = tpu.memref_slice %arg3[%mul3A_66, %dma_start3A_77] : memref<320000x128xf32, #tpu.memory_space<hbm>> -> memref<64x128xf32, #tpu.memory_space<hbm>>
        %dma_start3A_79 = arith.constant 0 : i32
        %dma_start3A_80 = tpu.memref_slice %arg3[%mul3A_66, %dma_start3A_79] : memref<320000x128xf32, #tpu.memory_space<hbm>> -> memref<64x128xf32, #tpu.memory_space<hbm>>
        tpu.enqueue_dma source(%dma_start3A_80 : memref<64x128xf32, #tpu.memory_space<hbm>>) target(%arg12 : memref<64x128xf32, #tpu.memory_space<vmem>>) target_semaphore(%run_scoped3A : memref<!tpu.dma_semaphore, #tpu.memory_space<semaphore_mem>>)
        %dma_wait3A_81 = arith.constant 0 : i32
        %dma_wait3A_82 = tpu.memref_slice %arg3[%mul3A_66, %dma_wait3A_81] : memref<320000x128xf32, #tpu.memory_space<hbm>> -> memref<64x128xf32, #tpu.memory_space<hbm>>
        %dma_wait3A_83 = arith.constant 0 : i32
        %dma_wait3A_84 = tpu.memref_slice %arg3[%mul3A_66, %dma_wait3A_83] : memref<320000x128xf32, #tpu.memory_space<hbm>> -> memref<64x128xf32, #tpu.memory_space<hbm>>
        tpu.wait_dma2 semaphore(%run_scoped3A : memref<!tpu.dma_semaphore, #tpu.memory_space<semaphore_mem>>) src(%dma_wait3A_84 : memref<64x128xf32, #tpu.memory_space<hbm>>) dst(%arg12 : memref<64x128xf32, #tpu.memory_space<vmem>>)
        tpu.yield
      }) : () -> ()
      "tpu.region"() ({
        %run_scoped3A = tpu.sem_alloc : memref<!tpu.dma_semaphore, #tpu.memory_space<semaphore_mem>>
        %dma_start3A_77 = arith.constant 0 : i32
        %dma_start3A_78 = tpu.memref_slice %arg4[%mul3A_66, %dma_start3A_77] : memref<320000x16xf32, #tpu.memory_space<hbm>> -> memref<64x16xf32, #tpu.memory_space<hbm>>
        %dma_start3A_79 = arith.constant 0 : i32
        %dma_start3A_80 = tpu.memref_slice %arg4[%mul3A_66, %dma_start3A_79] : memref<320000x16xf32, #tpu.memory_space<hbm>> -> memref<64x16xf32, #tpu.memory_space<hbm>>
        tpu.enqueue_dma source(%dma_start3A_80 : memref<64x16xf32, #tpu.memory_space<hbm>>) target(%arg13 : memref<64x16xf32, #tpu.memory_space<vmem>>) target_semaphore(%run_scoped3A : memref<!tpu.dma_semaphore, #tpu.memory_space<semaphore_mem>>)
        %dma_wait3A_81 = arith.constant 0 : i32
        %dma_wait3A_82 = tpu.memref_slice %arg4[%mul3A_66, %dma_wait3A_81] : memref<320000x16xf32, #tpu.memory_space<hbm>> -> memref<64x16xf32, #tpu.memory_space<hbm>>
        %dma_wait3A_83 = arith.constant 0 : i32
        %dma_wait3A_84 = tpu.memref_slice %arg4[%mul3A_66, %dma_wait3A_83] : memref<320000x16xf32, #tpu.memory_space<hbm>> -> memref<64x16xf32, #tpu.memory_space<hbm>>
        tpu.wait_dma2 semaphore(%run_scoped3A : memref<!tpu.dma_semaphore, #tpu.memory_space<semaphore_mem>>) src(%dma_wait3A_84 : memref<64x16xf32, #tpu.memory_space<hbm>>) dst(%arg13 : memref<64x16xf32, #tpu.memory_space<vmem>>)
        tpu.yield
      }) : () -> ()
      %dma_wait3A = arith.constant 0 : i32
      %dma_wait3A_69 = arith.constant 0 : i32
      %dma_wait3A_70 = tpu.memref_slice %arg2[%dma_wait3A, %dma_wait3A_69] : memref<10000x128xf32, #tpu.memory_space<hbm>> -> memref<10000x128xf32, #tpu.memory_space<hbm>>
      tpu.wait_indirect_dma semaphore(%arg15 : memref<!tpu.dma_semaphore, #tpu.memory_space<semaphore_mem>>) src(%dma_wait3A_70 : memref<10000x128xf32, #tpu.memory_space<hbm>>) dst(%arg11 : memref<64x128xf32, #tpu.memory_space<vmem>>)
      %scan3A_71 = arith.constant 0 : i32
      %scan3A_72 = arith.constant 0 : i32
      %scan3A_73 = arith.constant 64 : i32
      %scan3A_74 = arith.addi %scan3A_72, %scan3A_73 : i32
      %scan3A_75 = arith.constant 1 : i32
      scf.for %scan3A_77 = %scan3A_72 to %scan3A_74 step %scan3A_75  : i32 {
        %get3A = arith.index_cast %scan3A_77 : i32 to index
        %get3A_78 = arith.constant 0 : index
        %get3A_79 = tpu.vector_load %arg13[%get3A, %get3A_78] {strides = array<i32>} : memref<64x16xf32, #tpu.memory_space<vmem>>, vector<1x16xf32>,
        %get3A_80 = vector.shape_cast %get3A_79 : vector<1x16xf32> to vector<16xf32>
        %get3A_81 = arith.index_cast %scan3A_77 : i32 to index
        %get3A_82 = arith.constant 0 : index
        %get3A_83 = tpu.vector_load %arg11[%get3A_81, %get3A_82] {strides = array<i32>} : memref<64x128xf32, #tpu.memory_space<vmem>>, vector<1x16xf32>,
        %get3A_84 = vector.shape_cast %get3A_83 : vector<1x16xf32> to vector<16xf32>
        %get3A_85 = arith.index_cast %scan3A_77 : i32 to index
        %get3A_86 = arith.constant 0 : index
        %get3A_87 = tpu.vector_load %arg12[%get3A_85, %get3A_86] {strides = array<i32>} : memref<64x128xf32, #tpu.memory_space<vmem>>, vector<1x16xf32>,
        %get3A_88 = vector.shape_cast %get3A_87 : vector<1x16xf32> to vector<16xf32>
        %add3A_89 = arith.addf %get3A_84, %get3A_88 : vector<16xf32>
        %slice3A = vector.extract_strided_slice %get3A_80 {offsets = [0], sizes = [1], strides = [1]} : vector<16xf32> to vector<1xf32>
        %squeeze3A = vector.extract %slice3A[0] : f32 from vector<1xf32>
        %mul3A_90 = vector.broadcast %squeeze3A : f32 to vector<16xf32>
        %mul3A_91 = arith.mulf %add3A_89, %mul3A_90 : vector<16xf32>
        %swap3A = arith.index_cast %scan3A_77 : i32 to index
        %swap3A_92 = arith.constant 0 : index
        %swap3A_93 = tpu.vector_load %arg11[%swap3A, %swap3A_92] {strides = array<i32>} : memref<64x128xf32, #tpu.memory_space<vmem>>, vector<1x16xf32>,
        %swap3A_94 = vector.shape_cast %swap3A_93 : vector<1x16xf32> to vector<16xf32>
        %swap3A_95 = vector.shape_cast %mul3A_91 : vector<16xf32> to vector<1x16xf32>
        tpu.vector_store %arg11[%swap3A, %swap3A_92], %swap3A_95 {strides = array<i32>} : memref<64x128xf32, #tpu.memory_space<vmem>>, vector<1x16xf32>,
        %get3A_96 = arith.index_cast %scan3A_77 : i32 to index
        %get3A_97 = arith.constant 16 : index
        %get3A_98 = tpu.vector_load %arg11[%get3A_96, %get3A_97] {strides = array<i32>} : memref<64x128xf32, #tpu.memory_space<vmem>>, vector<1x16xf32>,
        %get3A_99 = vector.shape_cast %get3A_98 : vector<1x16xf32> to vector<16xf32>
        %get3A_100 = arith.index_cast %scan3A_77 : i32 to index
        %get3A_101 = arith.constant 16 : index
        %get3A_102 = tpu.vector_load %arg12[%get3A_100, %get3A_101] {strides = array<i32>} : memref<64x128xf32, #tpu.memory_space<vmem>>, vector<1x16xf32>,
        %get3A_103 = vector.shape_cast %get3A_102 : vector<1x16xf32> to vector<16xf32>
        %add3A_104 = arith.addf %get3A_99, %get3A_103 : vector<16xf32>
        %slice3A_105 = vector.extract_strided_slice %get3A_80 {offsets = [1], sizes = [1], strides = [1]} : vector<16xf32> to vector<1xf32>
        %squeeze3A_106 = vector.extract %slice3A_105[0] : f32 from vector<1xf32>
        %mul3A_107 = vector.broadcast %squeeze3A_106 : f32 to vector<16xf32>
        %mul3A_108 = arith.mulf %add3A_104, %mul3A_107 : vector<16xf32>
        %swap3A_109 = arith.index_cast %scan3A_77 : i32 to index
        %swap3A_110 = arith.constant 16 : index
        %swap3A_111 = tpu.vector_load %arg11[%swap3A_109, %swap3A_110] {strides = array<i32>} : memref<64x128xf32, #tpu.memory_space<vmem>>, vector<1x16xf32>,
        %swap3A_112 = vector.shape_cast %swap3A_111 : vector<1x16xf32> to vector<16xf32>
        %swap3A_113 = vector.shape_cast %mul3A_108 : vector<16xf32> to vector<1x16xf32>
        tpu.vector_store %arg11[%swap3A_109, %swap3A_110], %swap3A_113 {strides = array<i32>} : memref<64x128xf32, #tpu.memory_space<vmem>>, vector<1x16xf32>,
        %get3A_114 = arith.index_cast %scan3A_77 : i32 to index
        %get3A_115 = arith.constant 32 : index
        %get3A_116 = tpu.vector_load %arg11[%get3A_114, %get3A_115] {strides = array<i32>} : memref<64x128xf32, #tpu.memory_space<vmem>>, vector<1x16xf32>,
        %get3A_117 = vector.shape_cast %get3A_116 : vector<1x16xf32> to vector<16xf32>
        %get3A_118 = arith.index_cast %scan3A_77 : i32 to index
        %get3A_119 = arith.constant 32 : index
        %get3A_120 = tpu.vector_load %arg12[%get3A_118, %get3A_119] {strides = array<i32>} : memref<64x128xf32, #tpu.memory_space<vmem>>, vector<1x16xf32>,
        %get3A_121 = vector.shape_cast %get3A_120 : vector<1x16xf32> to vector<16xf32>
        %add3A_122 = arith.addf %get3A_117, %get3A_121 : vector<16xf32>
        %slice3A_123 = vector.extract_strided_slice %get3A_80 {offsets = [2], sizes = [1], strides = [1]} : vector<16xf32> to vector<1xf32>
        %squeeze3A_124 = vector.extract %slice3A_123[0] : f32 from vector<1xf32>
        %mul3A_125 = vector.broadcast %squeeze3A_124 : f32 to vector<16xf32>
        %mul3A_126 = arith.mulf %add3A_122, %mul3A_125 : vector<16xf32>
        %swap3A_127 = arith.index_cast %scan3A_77 : i32 to index
        %swap3A_128 = arith.constant 32 : index
        %swap3A_129 = tpu.vector_load %arg11[%swap3A_127, %swap3A_128] {strides = array<i32>} : memref<64x128xf32, #tpu.memory_space<vmem>>, vector<1x16xf32>,
        %swap3A_130 = vector.shape_cast %swap3A_129 : vector<1x16xf32> to vector<16xf32>
        %swap3A_131 = vector.shape_cast %mul3A_126 : vector<16xf32> to vector<1x16xf32>
        tpu.vector_store %arg11[%swap3A_127, %swap3A_128], %swap3A_131 {strides = array<i32>} : memref<64x128xf32, #tpu.memory_space<vmem>>, vector<1x16xf32>,
        %get3A_132 = arith.index_cast %scan3A_77 : i32 to index
        %get3A_133 = arith.constant 48 : index
        %get3A_134 = tpu.vector_load %arg11[%get3A_132, %get3A_133] {strides = array<i32>} : memref<64x128xf32, #tpu.memory_space<vmem>>, vector<1x16xf32>,
        %get3A_135 = vector.shape_cast %get3A_134 : vector<1x16xf32> to vector<16xf32>
        %get3A_136 = arith.index_cast %scan3A_77 : i32 to index
        %get3A_137 = arith.constant 48 : index
        %get3A_138 = tpu.vector_load %arg12[%get3A_136, %get3A_137] {strides = array<i32>} : memref<64x128xf32, #tpu.memory_space<vmem>>, vector<1x16xf32>,
        %get3A_139 = vector.shape_cast %get3A_138 : vector<1x16xf32> to vector<16xf32>
        %add3A_140 = arith.addf %get3A_135, %get3A_139 : vector<16xf32>
        %slice3A_141 = vector.extract_strided_slice %get3A_80 {offsets = [3], sizes = [1], strides = [1]} : vector<16xf32> to vector<1xf32>
        %squeeze3A_142 = vector.extract %slice3A_141[0] : f32 from vector<1xf32>
        %mul3A_143 = vector.broadcast %squeeze3A_142 : f32 to vector<16xf32>
        %mul3A_144 = arith.mulf %add3A_140, %mul3A_143 : vector<16xf32>
        %swap3A_145 = arith.index_cast %scan3A_77 : i32 to index
        %swap3A_146 = arith.constant 48 : index
        %swap3A_147 = tpu.vector_load %arg11[%swap3A_145, %swap3A_146] {strides = array<i32>} : memref<64x128xf32, #tpu.memory_space<vmem>>, vector<1x16xf32>,
        %swap3A_148 = vector.shape_cast %swap3A_147 : vector<1x16xf32> to vector<16xf32>
        %swap3A_149 = vector.shape_cast %mul3A_144 : vector<16xf32> to vector<1x16xf32>
        tpu.vector_store %arg11[%swap3A_145, %swap3A_146], %swap3A_149 {strides = array<i32>} : memref<64x128xf32, #tpu.memory_space<vmem>>, vector<1x16xf32>,
        %get3A_150 = arith.index_cast %scan3A_77 : i32 to index
        %get3A_151 = arith.constant 64 : index
        %get3A_152 = tpu.vector_load %arg11[%get3A_150, %get3A_151] {strides = array<i32>} : memref<64x128xf32, #tpu.memory_space<vmem>>, vector<1x16xf32>,
        %get3A_153 = vector.shape_cast %get3A_152 : vector<1x16xf32> to vector<16xf32>
        %get3A_154 = arith.index_cast %scan3A_77 : i32 to index
        %get3A_155 = arith.constant 64 : index
        %get3A_156 = tpu.vector_load %arg12[%get3A_154, %get3A_155] {strides = array<i32>} : memref<64x128xf32, #tpu.memory_space<vmem>>, vector<1x16xf32>,
        %get3A_157 = vector.shape_cast %get3A_156 : vector<1x16xf32> to vector<16xf32>
        %add3A_158 = arith.addf %get3A_153, %get3A_157 : vector<16xf32>
        %slice3A_159 = vector.extract_strided_slice %get3A_80 {offsets = [4], sizes = [1], strides = [1]} : vector<16xf32> to vector<1xf32>
        %squeeze3A_160 = vector.extract %slice3A_159[0] : f32 from vector<1xf32>
        %mul3A_161 = vector.broadcast %squeeze3A_160 : f32 to vector<16xf32>
        %mul3A_162 = arith.mulf %add3A_158, %mul3A_161 : vector<16xf32>
        %swap3A_163 = arith.index_cast %scan3A_77 : i32 to index
        %swap3A_164 = arith.constant 64 : index
        %swap3A_165 = tpu.vector_load %arg11[%swap3A_163, %swap3A_164] {strides = array<i32>} : memref<64x128xf32, #tpu.memory_space<vmem>>, vector<1x16xf32>,
        %swap3A_166 = vector.shape_cast %swap3A_165 : vector<1x16xf32> to vector<16xf32>
        %swap3A_167 = vector.shape_cast %mul3A_162 : vector<16xf32> to vector<1x16xf32>
        tpu.vector_store %arg11[%swap3A_163, %swap3A_164], %swap3A_167 {strides = array<i32>} : memref<64x128xf32, #tpu.memory_space<vmem>>, vector<1x16xf32>,
        %get3A_168 = arith.index_cast %scan3A_77 : i32 to index
        %get3A_169 = arith.constant 80 : index
        %get3A_170 = tpu.vector_load %arg11[%get3A_168, %get3A_169] {strides = array<i32>} : memref<64x128xf32, #tpu.memory_space<vmem>>, vector<1x16xf32>,
        %get3A_171 = vector.shape_cast %get3A_170 : vector<1x16xf32> to vector<16xf32>
        %get3A_172 = arith.index_cast %scan3A_77 : i32 to index
        %get3A_173 = arith.constant 80 : index
        %get3A_174 = tpu.vector_load %arg12[%get3A_172, %get3A_173] {strides = array<i32>} : memref<64x128xf32, #tpu.memory_space<vmem>>, vector<1x16xf32>,
        %get3A_175 = vector.shape_cast %get3A_174 : vector<1x16xf32> to vector<16xf32>
        %add3A_176 = arith.addf %get3A_171, %get3A_175 : vector<16xf32>
        %slice3A_177 = vector.extract_strided_slice %get3A_80 {offsets = [5], sizes = [1], strides = [1]} : vector<16xf32> to vector<1xf32>
        %squeeze3A_178 = vector.extract %slice3A_177[0] : f32 from vector<1xf32>
        %mul3A_179 = vector.broadcast %squeeze3A_178 : f32 to vector<16xf32>
        %mul3A_180 = arith.mulf %add3A_176, %mul3A_179 : vector<16xf32>
        %swap3A_181 = arith.index_cast %scan3A_77 : i32 to index
        %swap3A_182 = arith.constant 80 : index
        %swap3A_183 = tpu.vector_load %arg11[%swap3A_181, %swap3A_182] {strides = array<i32>} : memref<64x128xf32, #tpu.memory_space<vmem>>, vector<1x16xf32>,
        %swap3A_184 = vector.shape_cast %swap3A_183 : vector<1x16xf32> to vector<16xf32>
        %swap3A_185 = vector.shape_cast %mul3A_180 : vector<16xf32> to vector<1x16xf32>
        tpu.vector_store %arg11[%swap3A_181, %swap3A_182], %swap3A_185 {strides = array<i32>} : memref<64x128xf32, #tpu.memory_space<vmem>>, vector<1x16xf32>,
        %get3A_186 = arith.index_cast %scan3A_77 : i32 to index
        %get3A_187 = arith.constant 96 : index
        %get3A_188 = tpu.vector_load %arg11[%get3A_186, %get3A_187] {strides = array<i32>} : memref<64x128xf32, #tpu.memory_space<vmem>>, vector<1x16xf32>,
        %get3A_189 = vector.shape_cast %get3A_188 : vector<1x16xf32> to vector<16xf32>
        %get3A_190 = arith.index_cast %scan3A_77 : i32 to index
        %get3A_191 = arith.constant 96 : index
        %get3A_192 = tpu.vector_load %arg12[%get3A_190, %get3A_191] {strides = array<i32>} : memref<64x128xf32, #tpu.memory_space<vmem>>, vector<1x16xf32>,
        %get3A_193 = vector.shape_cast %get3A_192 : vector<1x16xf32> to vector<16xf32>
        %add3A_194 = arith.addf %get3A_189, %get3A_193 : vector<16xf32>
        %slice3A_195 = vector.extract_strided_slice %get3A_80 {offsets = [6], sizes = [1], strides = [1]} : vector<16xf32> to vector<1xf32>
        %squeeze3A_196 = vector.extract %slice3A_195[0] : f32 from vector<1xf32>
        %mul3A_197 = vector.broadcast %squeeze3A_196 : f32 to vector<16xf32>
        %mul3A_198 = arith.mulf %add3A_194, %mul3A_197 : vector<16xf32>
        %swap3A_199 = arith.index_cast %scan3A_77 : i32 to index
        %swap3A_200 = arith.constant 96 : index
        %swap3A_201 = tpu.vector_load %arg11[%swap3A_199, %swap3A_200] {strides = array<i32>} : memref<64x128xf32, #tpu.memory_space<vmem>>, vector<1x16xf32>,
        %swap3A_202 = vector.shape_cast %swap3A_201 : vector<1x16xf32> to vector<16xf32>
        %swap3A_203 = vector.shape_cast %mul3A_198 : vector<16xf32> to vector<1x16xf32>
        tpu.vector_store %arg11[%swap3A_199, %swap3A_200], %swap3A_203 {strides = array<i32>} : memref<64x128xf32, #tpu.memory_space<vmem>>, vector<1x16xf32>,
        %get3A_204 = arith.index_cast %scan3A_77 : i32 to index
        %get3A_205 = arith.constant 112 : index
        %get3A_206 = tpu.vector_load %arg11[%get3A_204, %get3A_205] {strides = array<i32>} : memref<64x128xf32, #tpu.memory_space<vmem>>, vector<1x16xf32>,
        %get3A_207 = vector.shape_cast %get3A_206 : vector<1x16xf32> to vector<16xf32>
        %get3A_208 = arith.index_cast %scan3A_77 : i32 to index
        %get3A_209 = arith.constant 112 : index
        %get3A_210 = tpu.vector_load %arg12[%get3A_208, %get3A_209] {strides = array<i32>} : memref<64x128xf32, #tpu.memory_space<vmem>>, vector<1x16xf32>,
        %get3A_211 = vector.shape_cast %get3A_210 : vector<1x16xf32> to vector<16xf32>
        %add3A_212 = arith.addf %get3A_207, %get3A_211 : vector<16xf32>
        %slice3A_213 = vector.extract_strided_slice %get3A_80 {offsets = [7], sizes = [1], strides = [1]} : vector<16xf32> to vector<1xf32>
        %squeeze3A_214 = vector.extract %slice3A_213[0] : f32 from vector<1xf32>
        %mul3A_215 = vector.broadcast %squeeze3A_214 : f32 to vector<16xf32>
        %mul3A_216 = arith.mulf %add3A_212, %mul3A_215 : vector<16xf32>
        %swap3A_217 = arith.index_cast %scan3A_77 : i32 to index
        %swap3A_218 = arith.constant 112 : index
        %swap3A_219 = tpu.vector_load %arg11[%swap3A_217, %swap3A_218] {strides = array<i32>} : memref<64x128xf32, #tpu.memory_space<vmem>>, vector<1x16xf32>,
        %swap3A_220 = vector.shape_cast %swap3A_219 : vector<1x16xf32> to vector<16xf32>
        %swap3A_221 = vector.shape_cast %mul3A_216 : vector<16xf32> to vector<1x16xf32>
        tpu.vector_store %arg11[%swap3A_217, %swap3A_218], %swap3A_221 {strides = array<i32>} : memref<64x128xf32, #tpu.memory_space<vmem>>, vector<1x16xf32>,
      }
      %scan3A_76 = arith.constant 64 : i32
      "tpu.region"() ({
        %run_scoped3A = tpu.sem_alloc : memref<!tpu.dma_semaphore, #tpu.memory_space<semaphore_mem>>
        %dma_start3A_77 = arith.constant 0 : i32
        %dma_start3A_78 = arith.constant 0 : i32
        %dma_start3A_79 = tpu.memref_slice %arg14[%dma_start3A_77, %dma_start3A_78] : memref<10000x128xf32, #tpu.memory_space<vmem_shared>> -> memref<10000x128xf32, #tpu.memory_space<vmem_shared>>
        tpu.enqueue_indirect_dma source(%arg11 : memref<64x128xf32, #tpu.memory_space<vmem>>) target(%dma_start3A_79 : memref<10000x128xf32, #tpu.memory_space<vmem_shared>>) offsets(%arg8 : memref<64xi32, #tpu.memory_space<vmem>>) semaphore(%run_scoped3A : memref<!tpu.dma_semaphore, #tpu.memory_space<semaphore_mem>>) {add = true}
        %dma_wait3A_80 = arith.constant 0 : i32
        %dma_wait3A_81 = arith.constant 0 : i32
        %dma_wait3A_82 = tpu.memref_slice %arg14[%dma_wait3A_80, %dma_wait3A_81] : memref<10000x128xf32, #tpu.memory_space<vmem_shared>> -> memref<10000x128xf32, #tpu.memory_space<vmem_shared>>
        tpu.wait_indirect_dma semaphore(%run_scoped3A : memref<!tpu.dma_semaphore, #tpu.memory_space<semaphore_mem>>) src(%arg11 : memref<64x128xf32, #tpu.memory_space<vmem>>) dst(%dma_wait3A_82 : memref<10000x128xf32, #tpu.memory_space<vmem_shared>>)
        tpu.yield
      }) : () -> ()
    }
    %barrier3A_45 = arith.constant 0 : index
    tpu.barrier barrier_id(%barrier3A_45)
    %mul3A_46 = arith.constant 39 : i32
    %mul3A_47 = arith.muli %arg1, %mul3A_46 : i32
    %eq3A = arith.constant 15 : i32
    %eq3A_48 = arith.cmpi eq, %arg1, %eq3A : i32
    %jit3A_49 = arith.constant 1 : i32
    %jit3A_50 = arith.constant 0 : i32
    %select_n3A_51 = arith.select %eq3A_48, %jit3A_49, %jit3A_50 : i32
    %add3A_52 = arith.constant 39 : i32
    %add3A_53 = arith.addi %add3A_52, %select_n3A_51 : i32
    %add3A_54 = arith.addi %mul3A_47, %add3A_53 : i32
    %while3A_55 = arith.constant 0 : i32
    %while3A_56 = arith.subi %add3A_54, %mul3A_47 : i32
    %while3A_57 = arith.addi %mul3A_47, %while3A_56 : i32
    %while3A_58 = arith.constant 1 : i32
    %while3A_59 = arith.divsi %while3A_56, %while3A_58 : i32
    %while3A_60 = arith.muli %while3A_59, %while3A_58 : i32
    %while3A_61 = arith.addi %mul3A_47, %while3A_60 : i32
    %while3A_62 = arith.constant 1 : i32
    scf.for %while3A_64 = %mul3A_47 to %while3A_61 step %while3A_62  : i32 {
      %mul3A_65 = arith.constant 16 : i32
      %mul3A_66 = arith.muli %while3A_64, %mul3A_65 : i32
      %add3A_67 = vector.broadcast %mul3A_66 : i32 to vector<16xi32>
      %add3A_68 = arith.addi %iota3A, %add3A_67 : vector<16xi32>
      %swap3A = arith.constant 0 : index
      %swap3A_69 = tpu.vector_load %arg10[%swap3A] {strides = array<i32>} : memref<16xi32, #tpu.memory_space<vmem>>, vector<16xi32>,
      %swap3A_70 = vector.shape_cast %swap3A_69 : vector<16xi32> to vector<16xi32>
      %swap3A_71 = vector.shape_cast %add3A_68 : vector<16xi32> to vector<16xi32>
      tpu.vector_store %arg10[%swap3A], %swap3A_71 {strides = array<i32>} : memref<16xi32, #tpu.memory_space<vmem>>, vector<16xi32>,
      %dma_start3A = arith.constant 0 : i32
      %dma_start3A_72 = arith.constant 0 : i32
      %dma_start3A_73 = tpu.memref_slice %arg11[%dma_start3A, %dma_start3A_72] : memref<64x128xf32, #tpu.memory_space<vmem>> -> memref<16x128xf32, #tpu.memory_space<vmem>>
      %dma_start3A_74 = arith.constant 0 : i32
      %dma_start3A_75 = arith.constant 0 : i32
      %dma_start3A_76 = tpu.memref_slice %arg14[%dma_start3A_74, %dma_start3A_75] : memref<10000x128xf32, #tpu.memory_space<vmem_shared>> -> memref<10000x128xf32, #tpu.memory_space<vmem_shared>>
      tpu.enqueue_indirect_dma source(%dma_start3A_76 : memref<10000x128xf32, #tpu.memory_space<vmem_shared>>) target(%dma_start3A_73 : memref<16x128xf32, #tpu.memory_space<vmem>>) offsets(%arg10 : memref<16xi32, #tpu.memory_space<vmem>>) semaphore(%arg15 : memref<!tpu.dma_semaphore, #tpu.memory_space<semaphore_mem>>)
      %dma_wait3A = arith.constant 0 : i32
      %dma_wait3A_77 = arith.constant 0 : i32
      %dma_wait3A_78 = tpu.memref_slice %arg11[%dma_wait3A, %dma_wait3A_77] : memref<64x128xf32, #tpu.memory_space<vmem>> -> memref<16x128xf32, #tpu.memory_space<vmem>>
      %dma_wait3A_79 = arith.constant 0 : i32
      %dma_wait3A_80 = arith.constant 0 : i32
      %dma_wait3A_81 = tpu.memref_slice %arg14[%dma_wait3A_79, %dma_wait3A_80] : memref<10000x128xf32, #tpu.memory_space<vmem_shared>> -> memref<10000x128xf32, #tpu.memory_space<vmem_shared>>
      tpu.wait_indirect_dma semaphore(%arg15 : memref<!tpu.dma_semaphore, #tpu.memory_space<semaphore_mem>>) src(%dma_wait3A_81 : memref<10000x128xf32, #tpu.memory_space<vmem_shared>>) dst(%dma_wait3A_78 : memref<16x128xf32, #tpu.memory_space<vmem>>)
      %mul3A_82 = arith.constant 10000 : i32
      %mul3A_83 = arith.muli %arg0, %mul3A_82 : i32
      %mul3A_84 = arith.constant 16 : i32
      %mul3A_85 = arith.muli %while3A_64, %mul3A_84 : i32
      %add3A_86 = arith.addi %mul3A_83, %mul3A_85 : i32
      "tpu.region"() ({
        %run_scoped3A = tpu.sem_alloc : memref<!tpu.dma_semaphore, #tpu.memory_space<semaphore_mem>>
        %dma_start3A_87 = arith.constant 0 : i32
        %dma_start3A_88 = arith.constant 0 : i32
        %dma_start3A_89 = tpu.memref_slice %arg11[%dma_start3A_87, %dma_start3A_88] : memref<64x128xf32, #tpu.memory_space<vmem>> -> memref<16x128xf32, #tpu.memory_space<vmem>>
        %dma_start3A_90 = arith.constant 0 : i32
        %dma_start3A_91 = tpu.memref_slice %arg7[%add3A_86, %dma_start3A_90] : memref<20000x128xf32, #tpu.memory_space<hbm>> -> memref<16x128xf32, #tpu.memory_space<hbm>>
        %dma_start3A_92 = arith.constant 0 : i32
        %dma_start3A_93 = tpu.memref_slice %arg7[%add3A_86, %dma_start3A_92] : memref<20000x128xf32, #tpu.memory_space<hbm>> -> memref<16x128xf32, #tpu.memory_space<hbm>>
        %dma_start3A_94 = arith.constant 0 : i32
        %dma_start3A_95 = arith.constant 0 : i32
        %dma_start3A_96 = tpu.memref_slice %arg11[%dma_start3A_94, %dma_start3A_95] : memref<64x128xf32, #tpu.memory_space<vmem>> -> memref<16x128xf32, #tpu.memory_space<vmem>>
        tpu.enqueue_dma source(%dma_start3A_96 : memref<16x128xf32, #tpu.memory_space<vmem>>) target(%dma_start3A_93 : memref<16x128xf32, #tpu.memory_space<hbm>>) target_semaphore(%run_scoped3A : memref<!tpu.dma_semaphore, #tpu.memory_space<semaphore_mem>>)
        %dma_wait3A_97 = arith.constant 0 : i32
        %dma_wait3A_98 = arith.constant 0 : i32
        %dma_wait3A_99 = tpu.memref_slice %arg11[%dma_wait3A_97, %dma_wait3A_98] : memref<64x128xf32, #tpu.memory_space<vmem>> -> memref<16x128xf32, #tpu.memory_space<vmem>>
        %dma_wait3A_100 = arith.constant 0 : i32
        %dma_wait3A_101 = tpu.memref_slice %arg7[%add3A_86, %dma_wait3A_100] : memref<20000x128xf32, #tpu.memory_space<hbm>> -> memref<16x128xf32, #tpu.memory_space<hbm>>
        %dma_wait3A_102 = arith.constant 0 : i32
        %dma_wait3A_103 = tpu.memref_slice %arg7[%add3A_86, %dma_wait3A_102] : memref<20000x128xf32, #tpu.memory_space<hbm>> -> memref<16x128xf32, #tpu.memory_space<hbm>>
        %dma_wait3A_104 = arith.constant 0 : i32
        %dma_wait3A_105 = arith.constant 0 : i32
        %dma_wait3A_106 = tpu.memref_slice %arg11[%dma_wait3A_104, %dma_wait3A_105] : memref<64x128xf32, #tpu.memory_space<vmem>> -> memref<16x128xf32, #tpu.memory_space<vmem>>
        tpu.wait_dma2 semaphore(%run_scoped3A : memref<!tpu.dma_semaphore, #tpu.memory_space<semaphore_mem>>) src(%dma_wait3A_106 : memref<16x128xf32, #tpu.memory_space<vmem>>) dst(%dma_wait3A_103 : memref<16x128xf32, #tpu.memory_space<hbm>>)
        tpu.yield
      }) : () -> ()
    }
    %while3A_63 = arith.constant 1 : i32
    scf.for %while3A_64 = %while3A_61 to %while3A_57 step %while3A_63  : i32 {
      %mul3A_65 = arith.constant 16 : i32
      %mul3A_66 = arith.muli %while3A_64, %mul3A_65 : i32
      %add3A_67 = vector.broadcast %mul3A_66 : i32 to vector<16xi32>
      %add3A_68 = arith.addi %iota3A, %add3A_67 : vector<16xi32>
      %swap3A = arith.constant 0 : index
      %swap3A_69 = tpu.vector_load %arg10[%swap3A] {strides = array<i32>} : memref<16xi32, #tpu.memory_space<vmem>>, vector<16xi32>,
      %swap3A_70 = vector.shape_cast %swap3A_69 : vector<16xi32> to vector<16xi32>
      %swap3A_71 = vector.shape_cast %add3A_68 : vector<16xi32> to vector<16xi32>
      tpu.vector_store %arg10[%swap3A], %swap3A_71 {strides = array<i32>} : memref<16xi32, #tpu.memory_space<vmem>>, vector<16xi32>,
      %dma_start3A = arith.constant 0 : i32
      %dma_start3A_72 = arith.constant 0 : i32
      %dma_start3A_73 = tpu.memref_slice %arg11[%dma_start3A, %dma_start3A_72] : memref<64x128xf32, #tpu.memory_space<vmem>> -> memref<16x128xf32, #tpu.memory_space<vmem>>
      %dma_start3A_74 = arith.constant 0 : i32
      %dma_start3A_75 = arith.constant 0 : i32
      %dma_start3A_76 = tpu.memref_slice %arg14[%dma_start3A_74, %dma_start3A_75] : memref<10000x128xf32, #tpu.memory_space<vmem_shared>> -> memref<10000x128xf32, #tpu.memory_space<vmem_shared>>
      tpu.enqueue_indirect_dma source(%dma_start3A_76 : memref<10000x128xf32, #tpu.memory_space<vmem_shared>>) target(%dma_start3A_73 : memref<16x128xf32, #tpu.memory_space<vmem>>) offsets(%arg10 : memref<16xi32, #tpu.memory_space<vmem>>) semaphore(%arg15 : memref<!tpu.dma_semaphore, #tpu.memory_space<semaphore_mem>>)
      %dma_wait3A = arith.constant 0 : i32
      %dma_wait3A_77 = arith.constant 0 : i32
      %dma_wait3A_78 = tpu.memref_slice %arg11[%dma_wait3A, %dma_wait3A_77] : memref<64x128xf32, #tpu.memory_space<vmem>> -> memref<16x128xf32, #tpu.memory_space<vmem>>
      %dma_wait3A_79 = arith.constant 0 : i32
      %dma_wait3A_80 = arith.constant 0 : i32
      %dma_wait3A_81 = tpu.memref_slice %arg14[%dma_wait3A_79, %dma_wait3A_80] : memref<10000x128xf32, #tpu.memory_space<vmem_shared>> -> memref<10000x128xf32, #tpu.memory_space<vmem_shared>>
      tpu.wait_indirect_dma semaphore(%arg15 : memref<!tpu.dma_semaphore, #tpu.memory_space<semaphore_mem>>) src(%dma_wait3A_81 : memref<10000x128xf32, #tpu.memory_space<vmem_shared>>) dst(%dma_wait3A_78 : memref<16x128xf32, #tpu.memory_space<vmem>>)
      %mul3A_82 = arith.constant 10000 : i32
      %mul3A_83 = arith.muli %arg0, %mul3A_82 : i32
      %mul3A_84 = arith.constant 16 : i32
      %mul3A_85 = arith.muli %while3A_64, %mul3A_84 : i32
      %add3A_86 = arith.addi %mul3A_83, %mul3A_85 : i32
      "tpu.region"() ({
        %run_scoped3A = tpu.sem_alloc : memref<!tpu.dma_semaphore, #tpu.memory_space<semaphore_mem>>
        %dma_start3A_87 = arith.constant 0 : i32
        %dma_start3A_88 = arith.constant 0 : i32
        %dma_start3A_89 = tpu.memref_slice %arg11[%dma_start3A_87, %dma_start3A_88] : memref<64x128xf32, #tpu.memory_space<vmem>> -> memref<16x128xf32, #tpu.memory_space<vmem>>
        %dma_start3A_90 = arith.constant 0 : i32
        %dma_start3A_91 = tpu.memref_slice %arg7[%add3A_86, %dma_start3A_90] : memref<20000x128xf32, #tpu.memory_space<hbm>> -> memref<16x128xf32, #tpu.memory_space<hbm>>
        %dma_start3A_92 = arith.constant 0 : i32
        %dma_start3A_93 = tpu.memref_slice %arg7[%add3A_86, %dma_start3A_92] : memref<20000x128xf32, #tpu.memory_space<hbm>> -> memref<16x128xf32, #tpu.memory_space<hbm>>
        %dma_start3A_94 = arith.constant 0 : i32
        %dma_start3A_95 = arith.constant 0 : i32
        %dma_start3A_96 = tpu.memref_slice %arg11[%dma_start3A_94, %dma_start3A_95] : memref<64x128xf32, #tpu.memory_space<vmem>> -> memref<16x128xf32, #tpu.memory_space<vmem>>
        tpu.enqueue_dma source(%dma_start3A_96 : memref<16x128xf32, #tpu.memory_space<vmem>>) target(%dma_start3A_93 : memref<16x128xf32, #tpu.memory_space<hbm>>) target_semaphore(%run_scoped3A : memref<!tpu.dma_semaphore, #tpu.memory_space<semaphore_mem>>)
        %dma_wait3A_97 = arith.constant 0 : i32
        %dma_wait3A_98 = arith.constant 0 : i32
        %dma_wait3A_99 = tpu.memref_slice %arg11[%dma_wait3A_97, %dma_wait3A_98] : memref<64x128xf32, #tpu.memory_space<vmem>> -> memref<16x128xf32, #tpu.memory_space<vmem>>
        %dma_wait3A_100 = arith.constant 0 : i32
        %dma_wait3A_101 = tpu.memref_slice %arg7[%add3A_86, %dma_wait3A_100] : memref<20000x128xf32, #tpu.memory_space<hbm>> -> memref<16x128xf32, #tpu.memory_space<hbm>>
        %dma_wait3A_102 = arith.constant 0 : i32
        %dma_wait3A_103 = tpu.memref_slice %arg7[%add3A_86, %dma_wait3A_102] : memref<20000x128xf32, #tpu.memory_space<hbm>> -> memref<16x128xf32, #tpu.memory_space<hbm>>
        %dma_wait3A_104 = arith.constant 0 : i32
        %dma_wait3A_105 = arith.constant 0 : i32
        %dma_wait3A_106 = tpu.memref_slice %arg11[%dma_wait3A_104, %dma_wait3A_105] : memref<64x128xf32, #tpu.memory_space<vmem>> -> memref<16x128xf32, #tpu.memory_space<vmem>>
        tpu.wait_dma2 semaphore(%run_scoped3A : memref<!tpu.dma_semaphore, #tpu.memory_space<semaphore_mem>>) src(%dma_wait3A_106 : memref<16x128xf32, #tpu.memory_space<vmem>>) dst(%dma_wait3A_103 : memref<16x128xf32, #tpu.memory_space<hbm>>)
        tpu.yield
      }) : () -> ()
    }
    return
  }
}

module attributes {stable_mosaic.version = 14 : i64} {
  func.func @_node_proj_body(%arg0: i32, %arg1: memref<1000x128xf32, #tpu.memory_space<vmem>>, %arg2: memref<1x128xf32, #tpu.memory_space<vmem>>, %arg3: memref<1x128xf32, #tpu.memory_space<vmem>>, %arg4: memref<128x128xf32, #tpu.memory_space<vmem>>, %arg5: memref<128x128xf32, #tpu.memory_space<vmem>>, %arg6: memref<128x128xf32, #tpu.memory_space<vmem>>, %arg7: memref<1000x128xf32, #tpu.memory_space<vmem>>, %arg8: memref<1000x128xf32, #tpu.memory_space<vmem>>, %arg9: memref<1000x128xf32, #tpu.memory_space<vmem>>) attributes {dimension_semantics = [#tpu.dimension_semantics<arbitrary>], iteration_bounds = array<i64: 10>, scalar_prefetch = 0 : i64, scratch_operands = 0 : i64, tpu.core_type = #tpu.core_type<tc>, window_params = [{transform_indices = @transform_0, window_bounds = array<i64: 1000, 128>}, {pipeline_mode = #tpu.pipeline_mode<synchronous>, transform_indices = @transform_1, window_bounds = array<i64: 1, 128>}, {pipeline_mode = #tpu.pipeline_mode<synchronous>, transform_indices = @transform_2, window_bounds = array<i64: 1, 128>}, {pipeline_mode = #tpu.pipeline_mode<synchronous>, transform_indices = @transform_3, window_bounds = array<i64: 128, 128>}, {pipeline_mode = #tpu.pipeline_mode<synchronous>, transform_indices = @transform_4, window_bounds = array<i64: 128, 128>}, {pipeline_mode = #tpu.pipeline_mode<synchronous>, transform_indices = @transform_5, window_bounds = array<i64: 128, 128>}, {transform_indices = @transform_6, window_bounds = array<i64: 1000, 128>}, {transform_indices = @transform_7, window_bounds = array<i64: 1000, 128>}, {transform_indices = @transform_8, window_bounds = array<i64: 1000, 128>}]} {
    %get3A = arith.constant 0 : index
    %get3A_0 = arith.constant 0 : index
    %get3A_1 = vector.load %arg1[%get3A, %get3A_0] : memref<1000x128xf32, #tpu.memory_space<vmem>>, vector<1000x128xf32>
    %get3A_2 = arith.constant 0 : index
    %get3A_3 = arith.constant 0 : index
    %get3A_4 = vector.load %arg2[%get3A_2, %get3A_3] : memref<1x128xf32, #tpu.memory_space<vmem>>, vector<1x128xf32>
    %get3A_5 = arith.constant 0 : index
    %get3A_6 = arith.constant 0 : index
    %get3A_7 = vector.load %arg3[%get3A_5, %get3A_6] : memref<1x128xf32, #tpu.memory_space<vmem>>, vector<1x128xf32>
    %reduce_sum3A = arith.constant dense<0.000000e+00> : vector<1000xf32>
    %reduce_sum3A_8 = vector.multi_reduction <add>, %get3A_1, %reduce_sum3A [1] : vector<1000x128xf32> to vector<1000xf32>
    %broadcast_in_dim3A = vector.shape_cast %reduce_sum3A_8 : vector<1000xf32> to vector<1000x1xf32>
    %div3A = arith.constant 1.280000e+02 : f32
    %div3A_9 = vector.broadcast %div3A : f32 to vector<1000x1xf32>
    %div3A_10 = arith.divf %broadcast_in_dim3A, %div3A_9 : vector<1000x1xf32>
    %sub3A = vector.broadcast %div3A_10 : vector<1000x1xf32> to vector<1000x128xf32>
    %sub3A_11 = arith.subf %get3A_1, %sub3A : vector<1000x128xf32>
    %integer_pow3A = arith.mulf %sub3A_11, %sub3A_11 : vector<1000x128xf32>
    %reduce_sum3A_12 = arith.constant dense<0.000000e+00> : vector<1000xf32>
    %reduce_sum3A_13 = vector.multi_reduction <add>, %integer_pow3A, %reduce_sum3A_12 [1] : vector<1000x128xf32> to vector<1000xf32>
    %broadcast_in_dim3A_14 = vector.shape_cast %reduce_sum3A_13 : vector<1000xf32> to vector<1000x1xf32>
    %div3A_15 = arith.constant 1.280000e+02 : f32
    %div3A_16 = vector.broadcast %div3A_15 : f32 to vector<1000x1xf32>
    %div3A_17 = arith.divf %broadcast_in_dim3A_14, %div3A_16 : vector<1000x1xf32>
    %sub3A_18 = vector.broadcast %div3A_10 : vector<1000x1xf32> to vector<1000x128xf32>
    %sub3A_19 = arith.subf %get3A_1, %sub3A_18 : vector<1000x128xf32>
    %add3A = arith.constant 9.99999974E-6 : f32
    %add3A_20 = vector.broadcast %add3A : f32 to vector<1000x1xf32>
    %add3A_21 = arith.addf %div3A_17, %add3A_20 : vector<1000x1xf32>
    %sqrt3A = math.sqrt %add3A_21 : vector<1000x1xf32>
    %div3A_22 = vector.broadcast %sqrt3A : vector<1000x1xf32> to vector<1000x128xf32>
    %div3A_23 = arith.divf %sub3A_19, %div3A_22 : vector<1000x128xf32>
    %mul3A = vector.broadcast %get3A_4 : vector<1x128xf32> to vector<1000x128xf32>
    %mul3A_24 = arith.mulf %div3A_23, %mul3A : vector<1000x128xf32>
    %add3A_25 = vector.broadcast %get3A_7 : vector<1x128xf32> to vector<1000x128xf32>
    %add3A_26 = arith.addf %mul3A_24, %add3A_25 : vector<1000x128xf32>
    %get3A_27 = arith.constant 0 : index
    %get3A_28 = arith.constant 0 : index
    %get3A_29 = vector.load %arg4[%get3A_27, %get3A_28] : memref<128x128xf32, #tpu.memory_space<vmem>>, vector<128x128xf32>
    %dot_general3A = arith.constant dense<0.000000e+00> : vector<1000x128xf32>
    %dot_general3A_30 = tpu.matmul %add3A_26, %get3A_29, %dot_general3A {dimension_numbers = #tpu.dot_dimension_numbers<[1], [0], [0], [1], [0, 0, 1, 1], [], []>, transpose_lhs_hint = false} : vector<1000x128xf32>, vector<128x128xf32>, vector<1000x128xf32> -> vector<1000x128xf32>
    %swap3A = arith.constant 0 : index
    %swap3A_31 = arith.constant 0 : index
    %swap3A_32 = vector.load %arg7[%swap3A, %swap3A_31] : memref<1000x128xf32, #tpu.memory_space<vmem>>, vector<1000x128xf32>
    tpu.vector_store %arg7[%swap3A, %swap3A_31], %dot_general3A_30 {strides = array<i32>} : memref<1000x128xf32, #tpu.memory_space<vmem>>, vector<1000x128xf32>,
    %get3A_33 = arith.constant 0 : index
    %get3A_34 = arith.constant 0 : index
    %get3A_35 = vector.load %arg5[%get3A_33, %get3A_34] : memref<128x128xf32, #tpu.memory_space<vmem>>, vector<128x128xf32>
    %dot_general3A_36 = arith.constant dense<0.000000e+00> : vector<1000x128xf32>
    %dot_general3A_37 = tpu.matmul %add3A_26, %get3A_35, %dot_general3A_36 {dimension_numbers = #tpu.dot_dimension_numbers<[1], [0], [0], [1], [0, 0, 1, 1], [], []>, transpose_lhs_hint = false} : vector<1000x128xf32>, vector<128x128xf32>, vector<1000x128xf32> -> vector<1000x128xf32>
    %mul3A_38 = arith.constant 2.500000e-01 : f32
    %mul3A_39 = vector.broadcast %mul3A_38 : f32 to vector<1000x128xf32>
    %mul3A_40 = arith.mulf %dot_general3A_37, %mul3A_39 : vector<1000x128xf32>
    %swap3A_41 = arith.constant 0 : index
    %swap3A_42 = arith.constant 0 : index
    %swap3A_43 = vector.load %arg8[%swap3A_41, %swap3A_42] : memref<1000x128xf32, #tpu.memory_space<vmem>>, vector<1000x128xf32>
    tpu.vector_store %arg8[%swap3A_41, %swap3A_42], %mul3A_40 {strides = array<i32>} : memref<1000x128xf32, #tpu.memory_space<vmem>>, vector<1000x128xf32>,
    %get3A_44 = arith.constant 0 : index
    %get3A_45 = arith.constant 0 : index
    %get3A_46 = vector.load %arg6[%get3A_44, %get3A_45] : memref<128x128xf32, #tpu.memory_space<vmem>>, vector<128x128xf32>
    %dot_general3A_47 = arith.constant dense<0.000000e+00> : vector<1000x128xf32>
    %dot_general3A_48 = tpu.matmul %add3A_26, %get3A_46, %dot_general3A_47 {dimension_numbers = #tpu.dot_dimension_numbers<[1], [0], [0], [1], [0, 0, 1, 1], [], []>, transpose_lhs_hint = false} : vector<1000x128xf32>, vector<128x128xf32>, vector<1000x128xf32> -> vector<1000x128xf32>
    %swap3A_49 = arith.constant 0 : index
    %swap3A_50 = arith.constant 0 : index
    %swap3A_51 = vector.load %arg9[%swap3A_49, %swap3A_50] : memref<1000x128xf32, #tpu.memory_space<vmem>>, vector<1000x128xf32>
    tpu.vector_store %arg9[%swap3A_49, %swap3A_50], %dot_general3A_48 {strides = array<i32>} : memref<1000x128xf32, #tpu.memory_space<vmem>>, vector<1000x128xf32>,
    return
  }
  func.func @transform_0(%arg0: i32) -> (i32, i32) {
    %c0_i32 = arith.constant 0 : i32
    %c0_i32_0 = arith.constant 0 : i32
    return %arg0, %c0_i32 : i32, i32
  }
  func.func @transform_1(%arg0: i32) -> (i32, i32) {
    %c0_i32 = arith.constant 0 : i32
    %c0_i32_0 = arith.constant 0 : i32
    %c0_i32_1 = arith.constant 0 : i32
    return %c0_i32, %c0_i32_0 : i32, i32
  }
  func.func @transform_2(%arg0: i32) -> (i32, i32) {
    %c0_i32 = arith.constant 0 : i32
    %c0_i32_0 = arith.constant 0 : i32
    %c0_i32_1 = arith.constant 0 : i32
    return %c0_i32, %c0_i32_0 : i32, i32
  }
  func.func @transform_3(%arg0: i32) -> (i32, i32) {
    %c0_i32 = arith.constant 0 : i32
    %c0_i32_0 = arith.constant 0 : i32
    %c0_i32_1 = arith.constant 0 : i32
    return %c0_i32, %c0_i32_0 : i32, i32
  }
  func.func @transform_4(%arg0: i32) -> (i32, i32) {
    %c0_i32 = arith.constant 0 : i32
    %c0_i32_0 = arith.constant 0 : i32
    %c0_i32_1 = arith.constant 0 : i32
    return %c0_i32, %c0_i32_0 : i32, i32
  }
  func.func @transform_5(%arg0: i32) -> (i32, i32) {
    %c0_i32 = arith.constant 0 : i32
    %c0_i32_0 = arith.constant 0 : i32
    %c0_i32_1 = arith.constant 0 : i32
    return %c0_i32, %c0_i32_0 : i32, i32
  }
  func.func @transform_6(%arg0: i32) -> (i32, i32) {
    %c0_i32 = arith.constant 0 : i32
    %c0_i32_0 = arith.constant 0 : i32
    return %arg0, %c0_i32 : i32, i32
  }
  func.func @transform_7(%arg0: i32) -> (i32, i32) {
    %c0_i32 = arith.constant 0 : i32
    %c0_i32_0 = arith.constant 0 : i32
    return %arg0, %c0_i32 : i32, i32
  }
  func.func @transform_8(%arg0: i32) -> (i32, i32) {
    %c0_i32 = arith.constant 0 : i32
    %c0_i32_0 = arith.constant 0 : i32
    return %arg0, %c0_i32 : i32, i32
  }
}

module attributes {stable_mosaic.version = 14 : i64} {
  func.func @_edge_proj_body(%arg0: i32, %arg1: memref<2000x128xf32, #tpu.memory_space<vmem>>, %arg2: memref<1x128xf32, #tpu.memory_space<vmem>>, %arg3: memref<1x128xf32, #tpu.memory_space<vmem>>, %arg4: memref<128x128xf32, #tpu.memory_space<vmem>>, %arg5: memref<128x128xf32, #tpu.memory_space<vmem>>, %arg6: memref<2000x128xf32, #tpu.memory_space<vmem>>, %arg7: memref<2000x128xf32, #tpu.memory_space<vmem>>) attributes {dimension_semantics = [#tpu.dimension_semantics<arbitrary>], iteration_bounds = array<i64: 160>, scalar_prefetch = 0 : i64, scratch_operands = 0 : i64, tpu.core_type = #tpu.core_type<tc>, window_params = [{transform_indices = @transform_0, window_bounds = array<i64: 2000, 128>}, {pipeline_mode = #tpu.pipeline_mode<synchronous>, transform_indices = @transform_1, window_bounds = array<i64: 1, 128>}, {pipeline_mode = #tpu.pipeline_mode<synchronous>, transform_indices = @transform_2, window_bounds = array<i64: 1, 128>}, {pipeline_mode = #tpu.pipeline_mode<synchronous>, transform_indices = @transform_3, window_bounds = array<i64: 128, 128>}, {pipeline_mode = #tpu.pipeline_mode<synchronous>, transform_indices = @transform_4, window_bounds = array<i64: 128, 128>}, {transform_indices = @transform_5, window_bounds = array<i64: 2000, 128>}, {transform_indices = @transform_6, window_bounds = array<i64: 2000, 128>}]} {
    %get3A = arith.constant 0 : index
    %get3A_0 = arith.constant 0 : index
    %get3A_1 = vector.load %arg1[%get3A, %get3A_0] : memref<2000x128xf32, #tpu.memory_space<vmem>>, vector<2000x128xf32>
    %get3A_2 = arith.constant 0 : index
    %get3A_3 = arith.constant 0 : index
    %get3A_4 = vector.load %arg2[%get3A_2, %get3A_3] : memref<1x128xf32, #tpu.memory_space<vmem>>, vector<1x128xf32>
    %get3A_5 = arith.constant 0 : index
    %get3A_6 = arith.constant 0 : index
    %get3A_7 = vector.load %arg3[%get3A_5, %get3A_6] : memref<1x128xf32, #tpu.memory_space<vmem>>, vector<1x128xf32>
    %reduce_sum3A = arith.constant dense<0.000000e+00> : vector<2000xf32>
    %reduce_sum3A_8 = vector.multi_reduction <add>, %get3A_1, %reduce_sum3A [1] : vector<2000x128xf32> to vector<2000xf32>
    %broadcast_in_dim3A = vector.shape_cast %reduce_sum3A_8 : vector<2000xf32> to vector<2000x1xf32>
    %div3A = arith.constant 1.280000e+02 : f32
    %div3A_9 = vector.broadcast %div3A : f32 to vector<2000x1xf32>
    %div3A_10 = arith.divf %broadcast_in_dim3A, %div3A_9 : vector<2000x1xf32>
    %sub3A = vector.broadcast %div3A_10 : vector<2000x1xf32> to vector<2000x128xf32>
    %sub3A_11 = arith.subf %get3A_1, %sub3A : vector<2000x128xf32>
    %integer_pow3A = arith.mulf %sub3A_11, %sub3A_11 : vector<2000x128xf32>
    %reduce_sum3A_12 = arith.constant dense<0.000000e+00> : vector<2000xf32>
    %reduce_sum3A_13 = vector.multi_reduction <add>, %integer_pow3A, %reduce_sum3A_12 [1] : vector<2000x128xf32> to vector<2000xf32>
    %broadcast_in_dim3A_14 = vector.shape_cast %reduce_sum3A_13 : vector<2000xf32> to vector<2000x1xf32>
    %div3A_15 = arith.constant 1.280000e+02 : f32
    %div3A_16 = vector.broadcast %div3A_15 : f32 to vector<2000x1xf32>
    %div3A_17 = arith.divf %broadcast_in_dim3A_14, %div3A_16 : vector<2000x1xf32>
    %sub3A_18 = vector.broadcast %div3A_10 : vector<2000x1xf32> to vector<2000x128xf32>
    %sub3A_19 = arith.subf %get3A_1, %sub3A_18 : vector<2000x128xf32>
    %add3A = arith.constant 9.99999974E-6 : f32
    %add3A_20 = vector.broadcast %add3A : f32 to vector<2000x1xf32>
    %add3A_21 = arith.addf %div3A_17, %add3A_20 : vector<2000x1xf32>
    %sqrt3A = math.sqrt %add3A_21 : vector<2000x1xf32>
    %div3A_22 = vector.broadcast %sqrt3A : vector<2000x1xf32> to vector<2000x128xf32>
    %div3A_23 = arith.divf %sub3A_19, %div3A_22 : vector<2000x128xf32>
    %mul3A = vector.broadcast %get3A_4 : vector<1x128xf32> to vector<2000x128xf32>
    %mul3A_24 = arith.mulf %div3A_23, %mul3A : vector<2000x128xf32>
    %add3A_25 = vector.broadcast %get3A_7 : vector<1x128xf32> to vector<2000x128xf32>
    %add3A_26 = arith.addf %mul3A_24, %add3A_25 : vector<2000x128xf32>
    %get3A_27 = arith.constant 0 : index
    %get3A_28 = arith.constant 0 : index
    %get3A_29 = vector.load %arg4[%get3A_27, %get3A_28] : memref<128x128xf32, #tpu.memory_space<vmem>>, vector<128x128xf32>
    %dot_general3A = arith.constant dense<0.000000e+00> : vector<2000x128xf32>
    %dot_general3A_30 = tpu.matmul %add3A_26, %get3A_29, %dot_general3A {dimension_numbers = #tpu.dot_dimension_numbers<[1], [0], [0], [1], [0, 0, 1, 1], [], []>, transpose_lhs_hint = false} : vector<2000x128xf32>, vector<128x128xf32>, vector<2000x128xf32> -> vector<2000x128xf32>
    %mul3A_31 = arith.constant 2.500000e-01 : f32
    %mul3A_32 = vector.broadcast %mul3A_31 : f32 to vector<2000x128xf32>
    %mul3A_33 = arith.mulf %dot_general3A_30, %mul3A_32 : vector<2000x128xf32>
    %swap3A = arith.constant 0 : index
    %swap3A_34 = arith.constant 0 : index
    %swap3A_35 = vector.load %arg6[%swap3A, %swap3A_34] : memref<2000x128xf32, #tpu.memory_space<vmem>>, vector<2000x128xf32>
    tpu.vector_store %arg6[%swap3A, %swap3A_34], %mul3A_33 {strides = array<i32>} : memref<2000x128xf32, #tpu.memory_space<vmem>>, vector<2000x128xf32>,
    %get3A_36 = arith.constant 0 : index
    %get3A_37 = arith.constant 0 : index
    %get3A_38 = vector.load %arg5[%get3A_36, %get3A_37] : memref<128x128xf32, #tpu.memory_space<vmem>>, vector<128x128xf32>
    %dot_general3A_39 = arith.constant dense<0.000000e+00> : vector<2000x128xf32>
    %dot_general3A_40 = tpu.matmul %add3A_26, %get3A_38, %dot_general3A_39 {dimension_numbers = #tpu.dot_dimension_numbers<[1], [0], [0], [1], [0, 0, 1, 1], [], []>, transpose_lhs_hint = false} : vector<2000x128xf32>, vector<128x128xf32>, vector<2000x128xf32> -> vector<2000x128xf32>
    %swap3A_41 = arith.constant 0 : index
    %swap3A_42 = arith.constant 0 : index
    %swap3A_43 = vector.load %arg7[%swap3A_41, %swap3A_42] : memref<2000x128xf32, #tpu.memory_space<vmem>>, vector<2000x128xf32>
    tpu.vector_store %arg7[%swap3A_41, %swap3A_42], %dot_general3A_40 {strides = array<i32>} : memref<2000x128xf32, #tpu.memory_space<vmem>>, vector<2000x128xf32>,
    return
  }
  func.func @transform_0(%arg0: i32) -> (i32, i32) {
    %c0_i32 = arith.constant 0 : i32
    %c0_i32_0 = arith.constant 0 : i32
    return %arg0, %c0_i32 : i32, i32
  }
  func.func @transform_1(%arg0: i32) -> (i32, i32) {
    %c0_i32 = arith.constant 0 : i32
    %c0_i32_0 = arith.constant 0 : i32
    %c0_i32_1 = arith.constant 0 : i32
    return %c0_i32, %c0_i32_0 : i32, i32
  }
  func.func @transform_2(%arg0: i32) -> (i32, i32) {
    %c0_i32 = arith.constant 0 : i32
    %c0_i32_0 = arith.constant 0 : i32
    %c0_i32_1 = arith.constant 0 : i32
    return %c0_i32, %c0_i32_0 : i32, i32
  }
  func.func @transform_3(%arg0: i32) -> (i32, i32) {
    %c0_i32 = arith.constant 0 : i32
    %c0_i32_0 = arith.constant 0 : i32
    %c0_i32_1 = arith.constant 0 : i32
    return %c0_i32, %c0_i32_0 : i32, i32
  }
  func.func @transform_4(%arg0: i32) -> (i32, i32) {
    %c0_i32 = arith.constant 0 : i32
    %c0_i32_0 = arith.constant 0 : i32
    %c0_i32_1 = arith.constant 0 : i32
    return %c0_i32, %c0_i32_0 : i32, i32
  }
  func.func @transform_5(%arg0: i32) -> (i32, i32) {
    %c0_i32 = arith.constant 0 : i32
    %c0_i32_0 = arith.constant 0 : i32
    return %arg0, %c0_i32 : i32, i32
  }
  func.func @transform_6(%arg0: i32) -> (i32, i32) {
    %c0_i32 = arith.constant 0 : i32
    %c0_i32_0 = arith.constant 0 : i32
    return %arg0, %c0_i32 : i32, i32
  }
}

module attributes {stable_mosaic.version = 14 : i64} {
  func.func @_attn_mlp_body(%arg0: i32, %arg1: memref<2000x128xf32, #tpu.memory_space<vmem>>, %arg2: memref<128x128xf32, #tpu.memory_space<vmem>>, %arg3: memref<128x128xf32, #tpu.memory_space<vmem>>, %arg4: memref<2000x128xf32, #tpu.memory_space<vmem>>) attributes {dimension_semantics = [#tpu.dimension_semantics<arbitrary>], iteration_bounds = array<i64: 10>, scalar_prefetch = 0 : i64, scratch_operands = 0 : i64, tpu.core_type = #tpu.core_type<tc>, window_params = [{transform_indices = @transform_0, window_bounds = array<i64: 2000, 128>}, {pipeline_mode = #tpu.pipeline_mode<synchronous>, transform_indices = @transform_1, window_bounds = array<i64: 128, 128>}, {pipeline_mode = #tpu.pipeline_mode<synchronous>, transform_indices = @transform_2, window_bounds = array<i64: 128, 128>}, {transform_indices = @transform_3, window_bounds = array<i64: 2000, 128>}]} {
    %get3A = arith.constant 0 : index
    %get3A_0 = arith.constant 0 : index
    %get3A_1 = vector.load %arg1[%get3A, %get3A_0] : memref<2000x128xf32, #tpu.memory_space<vmem>>, vector<2000x128xf32>
    %get3A_2 = arith.constant 0 : index
    %get3A_3 = arith.constant 0 : index
    %get3A_4 = vector.load %arg2[%get3A_2, %get3A_3] : memref<128x128xf32, #tpu.memory_space<vmem>>, vector<128x128xf32>
    %dot_general3A = arith.constant dense<0.000000e+00> : vector<2000x128xf32>
    %dot_general3A_5 = tpu.matmul %get3A_1, %get3A_4, %dot_general3A {dimension_numbers = #tpu.dot_dimension_numbers<[1], [0], [0], [1], [0, 0, 1, 1], [], []>, transpose_lhs_hint = false} : vector<2000x128xf32>, vector<128x128xf32>, vector<2000x128xf32> -> vector<2000x128xf32>
    %mul3A = arith.constant 5.000000e-01 : f32
    %mul3A_6 = vector.broadcast %mul3A : f32 to vector<2000x128xf32>
    %mul3A_7 = arith.mulf %mul3A_6, %dot_general3A_5 : vector<2000x128xf32>
    %mul3A_8 = arith.constant 0.707106769 : f32
    %mul3A_9 = vector.broadcast %mul3A_8 : f32 to vector<2000x128xf32>
    %mul3A_10 = arith.mulf %dot_general3A_5, %mul3A_9 : vector<2000x128xf32>
    %erf3A = math.erf %mul3A_10 : vector<2000x128xf32>
    %add3A = arith.constant 1.000000e+00 : f32
    %add3A_11 = vector.broadcast %add3A : f32 to vector<2000x128xf32>
    %add3A_12 = arith.addf %add3A_11, %erf3A : vector<2000x128xf32>
    %mul3A_13 = arith.mulf %mul3A_7, %add3A_12 : vector<2000x128xf32>
    %get3A_14 = arith.constant 0 : index
    %get3A_15 = arith.constant 0 : index
    %get3A_16 = vector.load %arg3[%get3A_14, %get3A_15] : memref<128x128xf32, #tpu.memory_space<vmem>>, vector<128x128xf32>
    %dot_general3A_17 = arith.constant dense<0.000000e+00> : vector<2000x128xf32>
    %dot_general3A_18 = tpu.matmul %mul3A_13, %get3A_16, %dot_general3A_17 {dimension_numbers = #tpu.dot_dimension_numbers<[1], [0], [0], [1], [0, 0, 1, 1], [], []>, transpose_lhs_hint = false} : vector<2000x128xf32>, vector<128x128xf32>, vector<2000x128xf32> -> vector<2000x128xf32>
    %exp3A = math.exp %dot_general3A_18 : vector<2000x128xf32>
    %swap3A = arith.constant 0 : index
    %swap3A_19 = arith.constant 0 : index
    %swap3A_20 = vector.load %arg4[%swap3A, %swap3A_19] : memref<2000x128xf32, #tpu.memory_space<vmem>>, vector<2000x128xf32>
    tpu.vector_store %arg4[%swap3A, %swap3A_19], %exp3A {strides = array<i32>} : memref<2000x128xf32, #tpu.memory_space<vmem>>, vector<2000x128xf32>,
    return
  }
  func.func @transform_0(%arg0: i32) -> (i32, i32) {
    %c0_i32 = arith.constant 0 : i32
    %c0_i32_0 = arith.constant 0 : i32
    return %arg0, %c0_i32 : i32, i32
  }
  func.func @transform_1(%arg0: i32) -> (i32, i32) {
    %c0_i32 = arith.constant 0 : i32
    %c0_i32_0 = arith.constant 0 : i32
    %c0_i32_1 = arith.constant 0 : i32
    return %c0_i32, %c0_i32_0 : i32, i32
  }
  func.func @transform_2(%arg0: i32) -> (i32, i32) {
    %c0_i32 = arith.constant 0 : i32
    %c0_i32_0 = arith.constant 0 : i32
    %c0_i32_1 = arith.constant 0 : i32
    return %c0_i32, %c0_i32_0 : i32, i32
  }
  func.func @transform_3(%arg0: i32) -> (i32, i32) {
    %c0_i32 = arith.constant 0 : i32
    %c0_i32_0 = arith.constant 0 : i32
    return %arg0, %c0_i32 : i32, i32
  }
}

module attributes {stable_mosaic.version = 14 : i64} {
  func.func @_finalize_body(%arg0: i32, %arg1: memref<1000x128xf32, #tpu.memory_space<vmem>>, %arg2: memref<1000x128xf32, #tpu.memory_space<vmem>>, %arg3: memref<1000x128xf32, #tpu.memory_space<vmem>>, %arg4: memref<1000x128xf32, #tpu.memory_space<vmem>>, %arg5: memref<128x128xf32, #tpu.memory_space<vmem>>, %arg6: memref<1x128xf32, #tpu.memory_space<vmem>>, %arg7: memref<1000x128xf32, #tpu.memory_space<vmem>>) attributes {dimension_semantics = [#tpu.dimension_semantics<arbitrary>], iteration_bounds = array<i64: 10>, scalar_prefetch = 0 : i64, scratch_operands = 0 : i64, tpu.core_type = #tpu.core_type<tc>, window_params = [{transform_indices = @transform_0, window_bounds = array<i64: 1000, 128>}, {transform_indices = @transform_1, window_bounds = array<i64: 1000, 128>}, {transform_indices = @transform_2, window_bounds = array<i64: 1000, 128>}, {transform_indices = @transform_3, window_bounds = array<i64: 1000, 128>}, {pipeline_mode = #tpu.pipeline_mode<synchronous>, transform_indices = @transform_4, window_bounds = array<i64: 128, 128>}, {pipeline_mode = #tpu.pipeline_mode<synchronous>, transform_indices = @transform_5, window_bounds = array<i64: 1, 128>}, {transform_indices = @transform_6, window_bounds = array<i64: 1000, 128>}]} {
    %get3A = arith.constant 0 : index
    %get3A_0 = arith.constant 0 : index
    %get3A_1 = vector.load %arg1[%get3A, %get3A_0] : memref<1000x128xf32, #tpu.memory_space<vmem>>, vector<1000x128xf32>
    %get3A_2 = arith.constant 0 : index
    %get3A_3 = arith.constant 0 : index
    %get3A_4 = vector.load %arg2[%get3A_2, %get3A_3] : memref<1000x128xf32, #tpu.memory_space<vmem>>, vector<1000x128xf32>
    %add3A = arith.addf %get3A_1, %get3A_4 : vector<1000x128xf32>
    %get3A_5 = arith.constant 0 : index
    %get3A_6 = arith.constant 0 : index
    %get3A_7 = vector.load %arg3[%get3A_5, %get3A_6] : memref<1000x128xf32, #tpu.memory_space<vmem>>, vector<1000x8xf32>
    %get3A_8 = arith.constant 0 : index
    %get3A_9 = arith.constant 0 : index
    %get3A_10 = vector.load %arg4[%get3A_8, %get3A_9] : memref<1000x128xf32, #tpu.memory_space<vmem>>, vector<1000x8xf32>
    %add3A_11 = arith.addf %get3A_7, %get3A_10 : vector<1000x8xf32>
    %add3A_12 = arith.constant 1.000000e-16 : f32
    %add3A_13 = vector.broadcast %add3A_12 : f32 to vector<1000x8xf32>
    %add3A_14 = arith.addf %add3A_11, %add3A_13 : vector<1000x8xf32>
    %reshape3A = vector.shape_cast %add3A_14 : vector<1000x8xf32> to vector<1000x8x1xf32>
    %broadcast_in_dim3A = vector.shape_cast %reshape3A : vector<1000x8x1xf32> to vector<1000x8x1xf32>
    %broadcast_in_dim3A_15 = vector.broadcast %broadcast_in_dim3A : vector<1000x8x1xf32> to vector<1000x8x16xf32>
    %reshape3A_16 = vector.shape_cast %broadcast_in_dim3A_15 : vector<1000x8x16xf32> to vector<1000x128xf32>
    %div3A = arith.divf %add3A, %reshape3A_16 : vector<1000x128xf32>
    %get3A_17 = arith.constant 0 : index
    %get3A_18 = arith.constant 0 : index
    %get3A_19 = vector.load %arg5[%get3A_17, %get3A_18] : memref<128x128xf32, #tpu.memory_space<vmem>>, vector<128x128xf32>
    %dot_general3A = arith.constant dense<0.000000e+00> : vector<1000x128xf32>
    %dot_general3A_20 = tpu.matmul %div3A, %get3A_19, %dot_general3A {dimension_numbers = #tpu.dot_dimension_numbers<[1], [0], [0], [1], [0, 0, 1, 1], [], []>, transpose_lhs_hint = false} : vector<1000x128xf32>, vector<128x128xf32>, vector<1000x128xf32> -> vector<1000x128xf32>
    %get3A_21 = arith.constant 0 : index
    %get3A_22 = arith.constant 0 : index
    %get3A_23 = vector.load %arg6[%get3A_21, %get3A_22] : memref<1x128xf32, #tpu.memory_space<vmem>>, vector<1x128xf32>
    %add3A_24 = vector.broadcast %get3A_23 : vector<1x128xf32> to vector<1000x128xf32>
    %add3A_25 = arith.addf %dot_general3A_20, %add3A_24 : vector<1000x128xf32>
    %swap3A = arith.constant 0 : index
    %swap3A_26 = arith.constant 0 : index
    %swap3A_27 = vector.load %arg7[%swap3A, %swap3A_26] : memref<1000x128xf32, #tpu.memory_space<vmem>>, vector<1000x128xf32>
    tpu.vector_store %arg7[%swap3A, %swap3A_26], %add3A_25 {strides = array<i32>} : memref<1000x128xf32, #tpu.memory_space<vmem>>, vector<1000x128xf32>,
    return
  }
  func.func @transform_0(%arg0: i32) -> (i32, i32) {
    %c0_i32 = arith.constant 0 : i32
    %c0_i32_0 = arith.constant 0 : i32
    return %arg0, %c0_i32 : i32, i32
  }
  func.func @transform_1(%arg0: i32) -> (i32, i32) {
    %c0_i32 = arith.constant 0 : i32
    %c0_i32_0 = arith.constant 0 : i32
    return %arg0, %c0_i32 : i32, i32
  }
  func.func @transform_2(%arg0: i32) -> (i32, i32) {
    %c0_i32 = arith.constant 0 : i32
    %c0_i32_0 = arith.constant 0 : i32
    return %arg0, %c0_i32 : i32, i32
  }
  func.func @transform_3(%arg0: i32) -> (i32, i32) {
    %c0_i32 = arith.constant 0 : i32
    %c0_i32_0 = arith.constant 0 : i32
    return %arg0, %c0_i32 : i32, i32
  }
  func.func @transform_4(%arg0: i32) -> (i32, i32) {
    %c0_i32 = arith.constant 0 : i32
    %c0_i32_0 = arith.constant 0 : i32
    %c0_i32_1 = arith.constant 0 : i32
    return %c0_i32, %c0_i32_0 : i32, i32
  }
  func.func @transform_5(%arg0: i32) -> (i32, i32) {
    %c0_i32 = arith.constant 0 : i32
    %c0_i32_0 = arith.constant 0 : i32
    %c0_i32_1 = arith.constant 0 : i32
    return %c0_i32, %c0_i32_0 : i32, i32
  }
  func.func @transform_6(%arg0: i32) -> (i32, i32) {
    %c0_i32 = arith.constant 0 : i32
    %c0_i32_0 = arith.constant 0 : i32
    return %arg0, %c0_i32 : i32, i32
  }
}

</mosaic_0001>

<sc_bundles>
// kernel: kernel.12.cloned.1.call-start
scs
__scs_entry_jumppad:
0x0: {  	(pc) =	sbr.rel $0x88, $3  }
0x1: {  	(tag) =	ssettag $0x0;
	lr =	simm.s32 $0x1  }
0x2: {  	[smem:$0x3F93] =	sst lr;
	_ =	strace $0xD0000000  }
0x3: {  	_ = 	snop  }
0x4: {  	_ = 	snop  }
0x5: {  	_ = 	snop  }
0x6: {  	_ = 	snop  }
0x7: {  	_ = 	snop  }
__scs_overlays_trampoline_lowered:
0x8: {  	[smem:$0x3FA2] =	sst s0  }
0x9: {  	[smem:$0x3FA3] =	sst s1  }
0xa: {  	[smem:$0x3FA4] =	sst s2  }
0xb: {  	[smem:$0x3FA5] =	sst s3  }
0xc: {  	[smem:$0x3FA6] =	sst s4  }
0xd: {  	[smem:$0x3FA7] =	sst s5  }
0xe: {  	[smem:$0x3FA8] =	sst s6  }
0xf: {  	[smem:$0x3FA9] =	sst s7  }
0x10: {  	[smem:$0x3FAA] =	sst s8  }
0x11: {  	[smem:$0x3FAB] =	sst s9;
	s0 =	simm.s32 @!p0 $0x0  }
0x12: {  	s1 =	sld [smem:$0x3F91];
	s0 =	simm.s32 @p0 $0x1  }
0x13: {  	[smem:$0x3FAC] =	sst s0;
	s0 =	simm.s32 @!p1 $0x0  }
0x14: {  	s2 =	sld [smem:$0x3F90];
	s0 =	simm.s32 @p1 $0x1  }
0x15: {  	[smem:$0x3FAD] =	sst s0;
	s0 =	simm.s32 @!p2 $0x0  }
0x16: {  	s3 =	sld [smem:$0x3FDB];
	s0 =	simm.s32 @p2 $0x1  }
0x17: {  	s4 =	simm.s32 $0x1BF5;
	[smem:$0x3FAF] =	sst s0  }
0x18: {  	s0 =	sld [smem:$0x3F92];
	_ =	swait.ge [sflag:s4], $0x0  }
0x19: {  	s7 =	sld [smem:$0x3F93]  }
0x1a: {  	s8 =	sadd.s32 $0xFFFFE003, lr  }
0x1b: {  	s9 =	sadd.s32 $0xFFFFFEF7, lr;
	s5 =	simm.s32 $0xFFFFFFFF;
	p2 =	slt.u32 s8, $0xFFFFF086  }
0x1c: {  	p1 =	slt.u32 s9, $0xF7A;
	s5 =	simm.s32 @!p2 $0x0  }
0x1d: {  	s5 =	simm.s32 @p1 $0x1;
	p0 =	seq.s32 s7, s2  }
0x1e: {  	s7 =	smul.u32 @!p0 $0xF7A, s2;
	p2 =	seq.s32 @!p0 s5, $0x0  }
0x1f: {  	s9 =	smul.u32 $0xF7A, s1;
	s8 =	simm.s32 @!p0 $0x1BF5;
	p2 =	por !p2, p0  }
0x20: {  	[sflag:s8] =	ssyncset.s32 @!p0 $0xFFFFF086;
	s6 =	sadd.s32 @!p0 s3, s7;
	s7 =	simm.s32 @!p0 $0x108  }
0x21: {  	s3 =	sadd.s32 s3, s9;
	s6 =	sadd.s32 @!p0 $0x88, s6;
	s7 =	simm.s32 @p2 $0x1082  }
0x22: {  	[simem:s7], [sflag:s8] =	dma.local @!p0 [hbm:s6], $0xF7A  }
0x23: {  	s9 =	sor.u32 $0xD0000000, s2;
	s6 =	simm.s32 $0x108;
	_ =	swait.ge @!p0 [sflag:s8], $0x0  }
0x24: {  	s3 =	sadd.s32 $0x88, s3;
	s6 =	simm.s32 @!p1 $0x1082;
	[sflag:s4] =	ssyncset.s32 $0xFFFFF086  }
0x25: {  	[simem:s6], [sflag:s4] =	dma.local [hbm:s3], $0xF7A  }
0x26: {  	[smem:$0x3F93] =	sst s1;
	(tag) =	ssettag s2;
	_ =	strace s9  }
0x27: {  	s1 =	sld [smem:$0x3FA3]  }
0x28: {  	s2 =	sld [smem:$0x3FA4]  }
0x29: {  	s4 =	sld [smem:$0x3FA6]  }
0x2a: {  	p0 =	seq.s32 s5, $0x0;
	s5 =	sld [smem:$0x3FA7]  }
0x2b: {  	s6 =	sld [smem:$0x3FA8]  }
0x2c: {  	s7 =	sld [smem:$0x3FA9]  }
0x2d: {  	s3 =	simm.s32 $0x108;
	s8 =	sld [smem:$0x3FAA]  }
0x2e: {  	s3 =	simm.s32 @!p0 $0x1082;
	s9 =	sld [smem:$0x3FAB]  }
0x2f: {  	lr =	sadd.s32 s0, s3;
	s0 =	sld [smem:$0x3FA2]  }
0x30: {  	s3 =	sld [smem:$0x3FA5]  }
0x31: {  	[smem:$0x3FAE] =	sst s10  }
0x32: {  	s10 =	sld [smem:$0x3FAC];
	_ =	sdelay $0x3  }
0x33: {  	p0 =	seq.s32 s10, $0x1;
	s10 =	sld [smem:$0x3FAE];
	_ =	sdelay $0x3  }
0x34: {  	[smem:$0x3FAE] =	sst s10  }
0x35: {  	s10 =	sld [smem:$0x3FAD];
	_ =	sdelay $0x3  }
0x36: {  	p1 =	seq.s32 s10, $0x1;
	s10 =	sld [smem:$0x3FAE];
	_ =	sdelay $0x3  }
0x37: {  	[smem:$0x3FAE] =	sst s10  }
0x38: {  	s10 =	sld [smem:$0x3FAF]  }
0x39: {  	_ = 	snop;
	(pc) =	sbr.ind lr, $3  }
0x3a: {  	_ = 	snop  }
0x3b: {  	_ = 	snop  }
0x3c: {  	p2 =	seq.s32 s10, $0x1;
	s10 =	sld [smem:$0x3FAE]  }
0x3d: {  	_ =	shalt  }
0x3e: {  	_ =	shalt  }
0x3f: {  	_ =	shalt  }
0x40: {  	_ =	shalt  }
0x41: {  	_ =	shalt  }
0x42: {  	_ =	shalt  }
0x43: {  	_ =	shalt  }
0x44: {  	_ =	shalt  }
0x45: {  	_ =	shalt  }
0x46: {  	_ =	shalt  }
0x47: {  	_ =	shalt  }
0x48: {  	_ =	shalt  }
0x49: {  	_ =	shalt  }
0x4a: {  	_ =	shalt  }
0x4b: {  	_ =	shalt  }
0x4c: {  	_ =	shalt  }
0x4d: {  	_ =	shalt  }
0x4e: {  	_ =	shalt  }
0x4f: {  	_ =	shalt  }
0x50: {  	_ =	shalt  }
0x51: {  	_ =	shalt  }
0x52: {  	_ =	shalt  }
0x53: {  	_ =	shalt  }
0x54: {  	_ =	shalt  }
0x55: {  	_ =	shalt  }
0x56: {  	_ =	shalt  }
0x57: {  	_ =	shalt  }
0x58: {  	_ =	shalt  }
0x59: {  	_ =	shalt  }
0x5a: {  	_ =	shalt  }
0x5b: {  	_ =	shalt  }
0x5c: {  	_ =	shalt  }
0x5d: {  	_ =	shalt  }
0x5e: {  	_ =	shalt  }
0x5f: {  	_ =	shalt  }
0x60: {  	_ =	shalt  }
0x61: {  	_ =	shalt  }
0x62: {  	_ =	shalt  }
0x63: {  	_ =	shalt  }
0x64: {  	_ =	shalt  }
0x65: {  	_ =	shalt  }
0x66: {  	_ =	shalt  }
0x67: {  	_ =	shalt  }
0x68: {  	_ =	shalt  }
0x69: {  	_ =	shalt  }
0x6a: {  	_ =	shalt  }
0x6b: {  	_ =	shalt  }
0x6c: {  	_ =	shalt  }
0x6d: {  	_ =	shalt  }
0x6e: {  	_ =	shalt  }
0x6f: {  	_ =	shalt  }
0x70: {  	_ =	shalt  }
0x71: {  	_ =	shalt  }
0x72: {  	_ =	shalt  }
0x73: {  	_ =	shalt  }
0x74: {  	_ =	shalt  }
0x75: {  	_ =	shalt  }
0x76: {  	_ =	shalt  }
0x77: {  	_ =	shalt  }
0x78: {  	_ =	shalt  }
0x79: {  	_ =	shalt  }
0x7a: {  	_ =	shalt  }
0x7b: {  	_ =	shalt  }
0x7c: {  	_ =	shalt  }
0x7d: {  	_ =	shalt  }
0x7e: {  	_ =	shalt  }
0x7f: {  	_ =	shalt  }
0x80: {  	_ =	shalt  }
0x81: {  	_ =	shalt  }
0x82: {  	_ =	shalt  }
0x83: {  	_ =	shalt  }
0x84: {  	_ =	shalt  }
0x85: {  	_ =	shalt  }
0x86: {  	_ =	shalt  }
0x87: {  	_ =	shalt  }
.Lfunc_end0:
.L_simem_size_0:
called_computation.1_lowered:
.L_overlay_start_0:
0x88: {  	s2 =	sld [smem:$0x3FD9]  }
0x89: {  	s3 =	sld [smem:$0x3FFE];
	_ =	sdelay $0x1  }
0x8a: {  	s1 =	srdreg.scid  }
0x8b: {  	s0 =	sand.u32 $0x1, s1  }
0x8c: {  	s16 =	sshll.u32 s0, $0xA;
	s2 =	sadd.s32 s3, s2  }
0x8d: {  	s2 =	sadd.s32 s2, s16  }
0x8e: {  	[smem:$0x3FBA] =	sst s2  }
0x8f: {  	_ = 	snop  }
0x90: {  	(tm) =	ssettm $0x1  }
0x91: {  	s17 =	sld [smem:$0x3FFB];
	_ =	sdelay $0x3  }
0x92: {  	_ =	strace s17  }
0x93: {  	s2 =	sld [smem:$0x3FFC];
	_ =	sdelay $0x3  }
0x94: {  	_ =	strace s2  }
0x95: {  	s2 =	sld [smem:$0x3FFD];
	_ =	sdelay $0x3  }
0x96: {  	_ =	strace s2  }
0x97: {  	_ =	strace $0x8FFFFFFF  }
0x98: {  	s18 =	sld [smem:$0x3FDB];
	_ =	sdelay $0x1  }
0x99: {  	s19 =	simm.s32 $_scs_section_size  }
0x9a: {  	s4 =	simm.s32 $_size__tile_overlayer_lowered;
	s5 =	simm.s32 $_tile_overlayer_lowered  }
0x9b: {  	s22 =	simm.s32 $0x1BFF;
	s21 =	sshll.u32 s5, $0x1;
	s2 =	sadd.s32 s19, s18  }
0x9c: {  	s6 =	simm.s32 $0x0;
	s20 =	sshll.u32 s4, $0x1;
	s4 =	sadd.s32 s21, s2  }
0x9d: {  	[timem:s6], [sflag:s22] =	dma.local [hbm:s4], s20  }
0x9e: {  	_ =	swait.ge [sflag:s22], s20  }
0x9f: {  	s3 =	ssub.s32 $0x0, s20;
	[sflag:s22] =	ssyncset.done $0x0  }
0xa0: {  	[sflag:s22] =	ssyncadd.s32 s3;
	_ =	sdelay $0x1  }
0xa1: {  	s23 =	simm.s32 $0x1B8B  }
0xa2: {  	_ =	swait.ge [sflag:s23], $0x1  }
0xa3: {  	[sflag:s23] =	ssyncset.done $0x0  }
0xa4: {  	s25 =	simm.s32 $0x1B8E;
	s24 =	sld [smem:$0x3FFE];
	[sflag:s23] =	ssyncadd.s32 $0xFFFFFFFF  }
0xa5: {  	s26 =	simm.s32 $execute0_lowered;
	[smem:$0x3FD2] =	sst s25  }
0xa6: {  	s4 =	sshll.u32 s26, $0x1;
	_ =	strace $0x80000049;
	[dreg:$0x1] =	wrdreg $0xFFFFFFFF  }
0xa7: {  	s28 =	simm.s32 $_size_execute0_lowered;
	s2 =	sadd.s32 s2, s4;
	[dreg:$0x0] =	wrdreg $0x0  }
0xa8: {  	s4 =	sshll.u32 s28, $0x1;
	[dreg:$0x2] =	wrdreg s2  }
0xa9: {  	[dreg:$0x3] =	wrdreg s4  }
0xaa: {  	[dreg:$0x4] =	wrdreg $0xC0  }
0xab: {  	_ =	task [dreg:s6], $0x5FFFF  }
0xac: {  	[dreg:$0x1] =	wrdreg $0xFFFFFFFF  }
0xad: {  	[dreg:$0x0] =	wrdreg $0x60  }
0xae: {  	[dreg:$0x2] =	wrdreg s24  }
0xaf: {  	[dreg:$0x3] =	wrdreg $0x61800  }
0xb0: {  	[dreg:$0x4] =	wrdreg $0x9  }
0xb1: {  	_ =	task.clear_ibuf [dreg:s6], $0x5FFFF;
	_ =	strace $0x90000049  }
0xb2: {  	s29 =	simm.s32 $0x9;
	_ =	strace $0x8000004B  }
0xb3: {  	_ =	swait.ge [sflag:s29], $0x1  }
0xb4: {  	[sflag:s29] =	ssyncadd.s32 $0xFFFFFFFF  }
0xb5: {  	_ =	strace $0x9000004B  }
0xb6: {  	_ =	sfence  }
0xb7: {  	s30 =	sld [smem:$0x0];
	_ =	sdelay $0x2  }
0xb8: {  	s31 =	sshll.u32 s1, $0xD;
	s1 =	sshrl.u32 s1, $0x2  }
0xb9: {  	s3 =	sand.u32 $0x4000, s31;
	s1 =	sadd.s32 s1, s30  }
0xba: {  	s0 =	sor.u32 s3, s0;
	s1 =	sshll.u32 s1, $0x11  }
0xbb: {  	s0 =	sor.u32 s1, s0  }
0xbc: {  	s0 =	sadd.s32 $0x8F2B, s0  }
0xbd: {  	[sflag:s0] =	ssyncadd.remote.s32 $0x1  }
0xbe: {  	_ =	sfence.sel $0xFFFF  }
0xbf: {  	[dreg:$0x0] =	wrdreg $0xFFFFFFFF;
	(pc) =	sbr.abs _section_cstart, $3  }
0xc0: {  	[dreg:$0x1] =	wrdreg $0xFFFFFFFF  }
0xc1: {  	_ =	task.clear_ibuf [dreg:s6], $0x2FFFF;
	_ =	strace $0x9FFFFFFF  }
0xc2: {  	(tm) =	ssettm $0x7FFFFFFF  }
0xc3: {  	_ =	shalt  }
tec
execute0_lowered:
.L_overlay_start_1:
0x0: {  	(tag) =	ssettag $0x1  }
0x1: {  	s0 =	rddreg [dreg:$0x0]  }
0x2: {  	s1 =	rddreg [dreg:$0x1];
	s2 =	simm.s32 $0x0;
	s3 =	srdreg.scid  }
0x3: {  	s26 =	stileid.u32;
	s14 =	simm.s32 $0xA;
	s20 =	simm.s32 $0x180  }
0x4: {  	s21 =	simm.s32 $0x2;
	s22 =	simm.s32 $0x80;
	s23 =	simm.s32 $0x2180  }
0x5: {  	s24 =	simm.s32 $0x4180;
	s25 =	simm.s32 $0x1;
	s28 =	simm.s32 $0x100  }
0x6: {  	s29 =	simm.s32 $0x0;
	[smem:$0x7FF] =	sst s2;
	s9 =	sand.u32 $0x1, s3  }
0x7: {  	s3 =	sadd.s32 $0xA02000, s0;
	s4 =	sadd.s32 $0x4F8E00, s0;
	s12 =	smul.u32 $0x9, s26  }
0x8: {  	s6 =	sadd.s32 $0xA29200, s0;
	s7 =	sadd.s32 $0xD000, s0;
	s17 =	smul.u32 $0x240, s26  }
0x9: {  	s8 =	sadd.s32 $0x3200, s0;
	s13 =	smin.u32 s26, $0xD;
	s19 =	smul.u32 $0x2700, s26  }
0xa: {  	p0 =	slt.u32 s26, $0xD;
	_ =	strace $0x8000004A;
	s5 =	smul.u32 $0x27100, s9  }
0xb: {  	s10 =	ssub.s32 $0x2, s9;
	s9 =	sshll.u32 s9, $0x4;
	s14 =	simm.s32 @!p0 $0x9  }
0xc: {  	s18 =	sshll.u32 s13, $0x6;
	s11 =	sshrl.u32 s10, $0x1;
	s15 =	sor.u32 s26, s9  }
0xd: {  	s9 =	sadd.s32 s13, s12;
	s12 =	smul.u32 $0x27, s26;
	s17 =	sadd.s32 s18, s17  }
0xe: {  	s0 =	sadd.s32 s5, s0;
	s16 =	ssub.s32 s10, s11;
	s10 =	sadd.s32 s14, s9  }
0xf: {  	s30 =	smul.u32 $0x9C, s15;
	p0 =	slt.u32 s15, $0x8;
	s14 =	simm.s32 $0x9D  }
0x10: {  	s31 =	smin.u32 s15, $0x8;
	s15 =	simm.s32 $0x28;
	s14 =	simm.s32 @!p0 $0x9C  }
0x11: {  	p0 =	seq.s32 s26, $0xF;
	s0 =	sadd.s32 s19, s0;
	s19 =	simm.s32 $0x40  }
0x12: {  	s11 =	sadd.s32 s31, s30;
	s15 =	simm.s32 @!p0 $0x27;
	s18 =	sadd.s32 $0x16E00, s0  }
0x13: {  	s13 =	sadd.s32 s14, s11;
	s14 =	sadd.s32 s12, s15;
	s15 =	smax.u32 s16, $0x1  }
0x14: {  	v0 =	vimm.f32 $0.0e+00;
	v1 =	vlaneseq.u32;
	s16 =	sor.u32 $0x30, s17;
	s17 =	smul.u32 $0x270, s26;
	s26 =	simm.s32 $0x10  }
.LBB2_1:
0x15: {  	s0 =	simm.s32 $0x0;
	s30 =	simm.s32 $0x200  }
.LBB2_2:
0x16: {  	p0 =	sne.s32 s30, $0x7E00;
	[tilespmem:s0+$0x1F0] =	vst v0  }
0x17: {  	[tilespmem:s0+$0x180] =	vst v0  }
0x18: {  	[tilespmem:s0+$0x190] =	vst v0  }
.Ltmp0:
0x19: {  	[tilespmem:s0+$0x1A0] =	vst v0;
	(pc) =	sbr.rel @p0 .LBB2_2-.Ltmp0, $4  }
0x1a: {  	[tilespmem:s0+$0x1B0] =	vst v0  }
0x1b: {  	[tilespmem:s0+$0x1C0] =	vst v0  }
0x1c: {  	[tilespmem:s0+$0x1D0] =	vst v0  }
0x1d: {  	[tilespmem:s0+$0x1E0] =	vst v0;
	s0 =	sshra.s32 s30, $0x2;
	s30 =	sadd.s32 $0x200, s30  }
0x1e: {  	[tilespmem:s0+$0x1F0] =	vst v0  }
0x1f: {  	[tilespmem:s0+$0x180] =	vst v0  }
0x20: {  	[tilespmem:s0+$0x190] =	vst v0  }
0x21: {  	[tilespmem:s0+$0x1A0] =	vst v0  }
0x22: {  	[tilespmem:s0+$0x1B0] =	vst v0  }
0x23: {  	[tilespmem:s0+$0x1C0] =	vst v0  }
0x24: {  	[tilespmem:s0+$0x1D0] =	vst v0  }
0x25: {  	[tilespmem:s0+$0x1E0] =	vst v0;
	s0 =	sadd.s32 $0x1, s9  }
0x26: {  	s30 =	sadd.s32 $0xFFFFFFD0, s16;
	p0 =	slt.u32 s0, s10  }
.Ltmp1:
0x27: {  	v2 =	vor.u32 s30, v1;
	(pc) =	sbr.rel @!p0 .LBB2_5-.Ltmp1, $4  }
0x28: {  	v3 =	vor.u32 s16, v1;
	s30 =	sadd.s32 $0xFFFFFFF0, s16;
	vm0 =	vlt.s32 v2, $0x270F  }
0x29: {  	s31 =	sadd.s32 $0xFFFFFFE0, s16;
	v4 =	vor.u32 s30, v1;
	v2 =	vnsel vm0, $0x270F, v2;
	vm0 =	vlt.s32 v3, $0x270F  }
0x2a: {  	vm1 =	vlt.s32 v4, $0x270F;
	[tilespmem:$0x0] =	vst v2;
	v2 =	vor.u32 s31, v1;
	v5 =	vnsel vm0, $0x270F, v3  }
0x2b: {  	s30 =	sadd.s32 $0x40, s16;
	v3 =	vnsel vm1, $0x270F, v4;
	vm0 =	vlt.s32 v2, $0x270F;
	[tilespmem:$0x30] =	vst v5  }
.LBB2_4:
0x2c: {  	s31 =	sadd.s32 $0xFFFFFFD0, s30;
	v2 =	vnsel vm0, $0x270F, v2;
	[tilespmem:$0x20] =	vst v3;
	s0 =	sadd.s32 $0x1, s0  }
0x2d: {  	[tilespmem:$0x10] =	vst v2;
	[spmem:s1] =	stream.indirect.scatter [tilespmem:s20], [sflag:$0x2], $0x80, s2, s19, $0xb8  }
0x2e: {  	p0 =	slt.u32 s0, s10  }
.Ltmp2:
0x2f: {  	v2 =	vor.u32 s31, v1;
	_ =	swait.ge [sflag:s21], $0x2000;
	(pc) =	sbr.rel @p0 .LBB2_4-.Ltmp2, $4  }
0x30: {  	v3 =	vor.u32 s30, v1;
	s31 =	sadd.s32 $0xFFFFFFF0, s30;
	vm0 =	vlt.s32 v2, $0x270F;
	[sflag:s21] =	ssyncset.done $0x0  }
0x31: {  	s5 =	sadd.s32 $0xFFFFFFE0, s30;
	v4 =	vor.u32 s31, v1;
	v2 =	vnsel vm0, $0x270F, v2;
	vm0 =	vlt.s32 v3, $0x270F;
	[sflag:s21] =	ssyncadd.s32 $0xFFFFE000  }
0x32: {  	vm1 =	vlt.s32 v4, $0x270F;
	v5 =	vnsel vm0, $0x270F, v3;
	[tilespmem:$0x0] =	vst v2;
	v2 =	vor.u32 s5, v1  }
0x33: {  	s30 =	sadd.s32 $0x40, s30;
	v3 =	vnsel vm1, $0x270F, v4;
	vm0 =	vlt.s32 v2, $0x270F;
	[tilespmem:$0x30] =	vst v5  }
.LBB2_5:
0x34: {  	v2 =	vnsel vm0, $0x270F, v2;
	[tilespmem:$0x20] =	vst v3  }
0x35: {  	[tilespmem:$0x10] =	vst v2  }
0x36: {  	[spmem:s1] =	stream.indirect.scatter [tilespmem:s20], [sflag:$0x2], $0x80, s2, s19, $0xb8;
	[tilespmem:$0x19A00] =	vst v63  }
0x37: {  	_ =	swait.ge [sflag:s21], $0x2000  }
0x38: {  	[sflag:s21] =	ssyncset.done $0x0  }
0x39: {  	[sflag:s21] =	ssyncadd.s32 $0xFFFFE000  }
0x3a: {  	s30 =	smov.u32 s11;
	[bflag:$0x0] =	sbarrier.arrive $0xFFFF  }
.LBB2_6:
0x3b: {  	s0 =	sshll.u32 s30, $0x3  }
0x3c: {  	s0 =	sand.u32 $0x1FFFFFF8, s0  }
0x3d: {  	s31 =	simm.s32 $0x0;
	s5 =	sadd.s32 s7, s0  }
0x3e: {  	[tilespmem:s31], [sflag:$0x2] =	stream.linear.gather [hbm4b:s5+s31], $0x40, $0x38;
	[tilespmem:$0x19A00] =	vst v63  }
0x3f: {  	_ =	swait.ge [sflag:s21], $0x40  }
0x40: {  	[sflag:s21] =	ssyncset.done $0x0  }
0x41: {  	s0 =	sadd.s32 s8, s0;
	[sflag:s21] =	ssyncadd.s32 $0xFFFFFFC0  }
0x42: {  	[tilespmem:s22], [sflag:$0x2] =	stream.linear.gather [hbm4b:s0+s31], $0x40, $0x38;
	[tilespmem:$0x19A00] =	vst v63  }
0x43: {  	_ =	swait.ge [sflag:s21], $0x40  }
0x44: {  	s5 =	sshll.u32 s30, $0xA;
	[sflag:s21] =	ssyncset.done $0x0  }
0x45: {  	s0 =	sand.u32 $0x1FFFFC00, s5;
	[sflag:s21] =	ssyncadd.s32 $0xFFFFFFC0  }
0x46: {  	[tilespmem:s20], [sflag:$0x1] =	stream.indirect.gather [hbm4b:s3+s19], $0x80, s22, s19, $0xb8;
	[tilespmem:$0x19A00] =	vst v63  }
0x47: {  	s5 =	sadd.s32 s4, s0  }
0x48: {  	[tilespmem:s23], [sflag:$0x2] =	stream.linear.gather [hbm4b:s5+s31], $0x2000, $0x38;
	[tilespmem:$0x19A00] =	vst v63  }
0x49: {  	_ =	swait.ge [sflag:s21], $0x2000  }
0x4a: {  	[sflag:s21] =	ssyncset.done $0x0  }
0x4b: {  	s0 =	sadd.s32 s6, s0;
	[sflag:s21] =	ssyncadd.s32 $0xFFFFE000  }
0x4c: {  	[tilespmem:s24], [sflag:$0x2] =	stream.linear.gather [hbm4b:s0+s31], $0x2000, $0x38;
	[tilespmem:$0x19A00] =	vst v63  }
0x4d: {  	_ =	swait.ge [sflag:s21], $0x2000  }
0x4e: {  	[sflag:s21] =	ssyncset.done $0x0  }
0x4f: {  	[sflag:s21] =	ssyncadd.s32 $0xFFFFE000  }
0x50: {  	_ =	swait.ge [sflag:s25], $0x2000  }
0x51: {  	[sflag:s25] =	ssyncset.done $0x0  }
0x52: {  	s31 =	simm.s32 $0x0;
	[sflag:s25] =	ssyncadd.s32 $0xFFFFE000  }
0x53: {  	v2 =	vld [tilespmem:s31+$0x4180]  }
0x54: {  	v9 =	vld [tilespmem:s31+$0x2180]  }
0x55: {  	v14 =	vld [tilespmem:s31+$0x2190]  }
0x56: {  	v8 =	vld [tilespmem:s31+$0x21A0]  }
0x57: {  	v7 =	vld [tilespmem:s31+$0x21B0]  }
0x58: {  	v6 =	vld [tilespmem:s31+$0x21C0]  }
0x59: {  	v5 =	vld [tilespmem:s31+$0x21D0]  }
0x5a: {  	v4 =	vld [tilespmem:s31+$0x21E0]  }
0x5b: {  	v3 =	vld [tilespmem:s31+$0x21F0]  }
0x5c: {  	v10 =	vld [tilespmem:s31+$0x180]  }
0x5d: {  	v15 =	vld [tilespmem:s31+$0x190]  }
0x5e: {  	v13 =	vld [tilespmem:s31+$0x1A0]  }
0x5f: {  	v12 =	vld [tilespmem:s31+$0x1B0]  }
0x60: {  	v11 =	vld [tilespmem:s31+$0x1C0]  }
0x61: {  	v16 =	vadd.f32 v9, v10;
	v10 =	vld [tilespmem:s31+$0x1D0];
	v17 =	vbroadcast v2, $0x0  }
0x62: {  	s0 =	simm.s32 $0x200;
	v14 =	vadd.f32 v14, v15;
	v15 =	vbroadcast v2, $0x1;
	v9 =	vld [tilespmem:s31+$0x1E0]  }
.LBB2_7:
0x63: {  	s5 =	sshra.s32 s0, $0x2;
	p0 =	sne.s32 s0, $0x7E00;
	v16 =	vmul.f32 v16, v17;
	v8 =	vadd.f32 v8, v13;
	v13 =	vbroadcast v2, $0x2;
	v17 =	vld [tilespmem:s31+$0x1F0]  }
0x64: {  	v18 =	vld [tilespmem:s5+$0x4180];
	v14 =	vmul.f32 v14, v15;
	v7 =	vadd.f32 v7, v12;
	v12 =	vbroadcast v2, $0x3  }
0x65: {  	v15 =	vld [tilespmem:s5+$0x2180];
	[tilespmem:s31+$0x180] =	vst v16;
	v13 =	vmul.f32 v8, v13;
	v6 =	vadd.f32 v6, v11;
	v11 =	vbroadcast v2, $0x4  }
0x66: {  	v19 =	vld [tilespmem:s5+$0x2190];
	[tilespmem:s31+$0x190] =	vst v14;
	v12 =	vmul.f32 v7, v12;
	v5 =	vadd.f32 v5, v10;
	v10 =	vbroadcast v2, $0x5  }
0x67: {  	v8 =	vld [tilespmem:s5+$0x21A0];
	[tilespmem:s31+$0x1A0] =	vst v13;
	v11 =	vmul.f32 v6, v11;
	v4 =	vadd.f32 v4, v9;
	v9 =	vbroadcast v2, $0x6  }
0x68: {  	v7 =	vld [tilespmem:s5+$0x21B0];
	[tilespmem:s31+$0x1B0] =	vst v12;
	v10 =	vmul.f32 v5, v10;
	v3 =	vadd.f32 v3, v17;
	v12 =	vbroadcast v2, $0x7  }
0x69: {  	v6 =	vld [tilespmem:s5+$0x21C0];
	[tilespmem:s31+$0x1C0] =	vst v11;
	v9 =	vmul.f32 v4, v9;
	v2 =	vmov v18  }
0x6a: {  	v5 =	vld [tilespmem:s5+$0x21D0];
	[tilespmem:s31+$0x1D0] =	vst v10;
	v10 =	vmul.f32 v3, v12  }
0x6b: {  	v4 =	vld [tilespmem:s5+$0x21E0];
	[tilespmem:s31+$0x1E0] =	vst v9  }
0x6c: {  	v3 =	vld [tilespmem:s5+$0x21F0];
	[tilespmem:s31+$0x1F0] =	vst v10;
	s31 =	smov.u32 s5  }
0x6d: {  	v9 =	vld [tilespmem:s31+$0x180]  }
0x6e: {  	v14 =	vld [tilespmem:s31+$0x190]  }
.Ltmp3:
0x6f: {  	v13 =	vld [tilespmem:s31+$0x1A0];
	(pc) =	sbr.rel @p0 .LBB2_7-.Ltmp3, $4  }
0x70: {  	v12 =	vld [tilespmem:s31+$0x1B0]  }
0x71: {  	v11 =	vld [tilespmem:s31+$0x1C0]  }
0x72: {  	v17 =	vbroadcast v2, $0x0;
	v16 =	vadd.f32 v15, v9;
	v10 =	vld [tilespmem:s31+$0x1D0]  }
0x73: {  	s0 =	sadd.s32 $0x200, s0;
	v15 =	vbroadcast v2, $0x1;
	v14 =	vadd.f32 v19, v14;
	v9 =	vld [tilespmem:s31+$0x1E0]  }
0x74: {  	v16 =	vmul.f32 v16, v17;
	v8 =	vadd.f32 v8, v13;
	v58 =	vbroadcast v2, $0x2;
	v59 =	vld [tilespmem:s31+$0x1F0]  }
0x75: {  	v60 =	vbroadcast v2, $0x3;
	v14 =	vmul.f32 v14, v15;
	v7 =	vadd.f32 v7, v12  }
0x76: {  	v61 =	vbroadcast v2, $0x4;
	[tilespmem:s31+$0x180] =	vst v16;
	v8 =	vmul.f32 v8, v58;
	v6 =	vadd.f32 v6, v11  }
0x77: {  	v62 =	vbroadcast v2, $0x5;
	[tilespmem:s31+$0x190] =	vst v14;
	v7 =	vmul.f32 v7, v60;
	v5 =	vadd.f32 v5, v10  }
0x78: {  	v63 =	vbroadcast v2, $0x6;
	[tilespmem:s31+$0x1A0] =	vst v8;
	v6 =	vmul.f32 v6, v61;
	v4 =	vadd.f32 v4, v9  }
0x79: {  	v2 =	vbroadcast v2, $0x7;
	[tilespmem:s31+$0x1B0] =	vst v7;
	v5 =	vmul.f32 v5, v62;
	v3 =	vadd.f32 v3, v59  }
0x7a: {  	[tilespmem:s31+$0x1C0] =	vst v6;
	v4 =	vmul.f32 v4, v63  }
0x7b: {  	s30 =	sadd.s32 $0x1, s30;
	[tilespmem:s31+$0x1D0] =	vst v5;
	v2 =	vmul.f32 v3, v2  }
0x7c: {  	p0 =	slt.u32 s30, s13;
	[tilespmem:s31+$0x1E0] =	vst v4  }
.Ltmp4:
0x7d: {  	[tilespmem:s31+$0x1F0] =	vst v2;
	(pc) =	sbr.rel @p0 .LBB2_6-.Ltmp4, $4  }
0x7e: {  	[spmem:s1] =	stream.indirect.scatter.add.f32 [tilespmem:s20], [sflag:$0x2], $0x80, s2, s19, $0xb8;
	[tilespmem:$0x19A00] =	vst v63  }
0x7f: {  	_ =	swait.ge [sflag:s21], $0x2000  }
0x80: {  	[sflag:s21] =	ssyncset.done $0x0  }
0x81: {  	[sflag:s21] =	ssyncadd.s32 $0xFFFFE000  }
0x82: {  	s31 =	sadd.s32 $0x1, s12  }
0x83: {  	p1 =	slt.u32 s31, s14  }
.Ltmp5:
0x84: {  	_ = 	snop;
	(pc) =	sbr.rel @!p1 .LBB2_13-.Ltmp5, $3  }
0x85: {  	_ =	sdelay $0x1  }
0x86: {  	[bflag:$0x0] =	sbarrier.arrive $0xFFFF  }
0x87: {  	p0 =	por $0x0, $0x0;
	s30 =	smov.u32 s17;
	s0 =	smov.u32 s18  }
0x88: {  	v2 =	vor.u32 s17, v1  }
0x89: {  	s31 =	sadd.s32 $0x1, s31;
	[tilespmem:$0x100] =	vst v2  }
0x8a: {  	[tilespmem:s20], [sflag:$0x1] =	stream.indirect.gather [spmem:s1], $0x80, s28, s26, $0xb8;
	[tilespmem:$0x19A00] =	vst v63  }
0x8b: {  	p1 =	slt.u32 s31, s14;
	_ =	swait.ge [sflag:s25], $0x800  }
.Ltmp6:
0x8c: {  	[sflag:s25] =	ssyncset.done $0x0;
	(pc) =	sbr.rel @!p1 .LBB2_11-.Ltmp6, $4  }
0x8d: {  	[sflag:s25] =	ssyncadd.s32 $0xFFFFF800  }
0x8e: {  	[hbm4b:s18+s2] =	stream.linear.scatter [tilespmem:s20], [sflag:$0x2], $0x800, $0x38;
	[tilespmem:$0x19A00] =	vst v63  }
0x8f: {  	s30 =	sadd.s32 $0x10, s17;
	_ =	swait.ge [sflag:s21], $0x800  }
0x90: {  	p0 =	por $0x1, $0x1;
	s0 =	smov.u32 s18;
	[sflag:s21] =	ssyncset.done $0x0  }
.LBB2_12:
0x91: {  	s31 =	sadd.s32 $0x1, s31;
	v2 =	vor.u32 s30, v1;
	[sflag:s21] =	ssyncadd.s32 $0xFFFFF800;
	s0 =	sadd.s32 $0x100, s0  }
0x92: {  	p1 =	slt.u32 s31, s14;
	[tilespmem:$0x100] =	vst v2  }
0x93: {  	[tilespmem:s20], [sflag:$0x1] =	stream.indirect.gather [spmem:s1], $0x80, s28, s26, $0xb8;
	[tilespmem:$0x19A00] =	vst v63  }
0x94: {  	_ =	swait.ge [sflag:s25], $0x800  }
.Ltmp7:
0x95: {  	[sflag:s25] =	ssyncset.done $0x0;
	(pc) =	sbr.rel @p1 .LBB2_12-.Ltmp7, $4  }
0x96: {  	[sflag:s25] =	ssyncadd.s32 $0xFFFFF800  }
0x97: {  	[hbm4b:s0+s2] =	stream.linear.scatter [tilespmem:s20], [sflag:$0x2], $0x800, $0x38;
	[tilespmem:$0x19A00] =	vst v63  }
0x98: {  	_ =	swait.ge [sflag:s21], $0x800  }
0x99: {  	s30 =	sadd.s32 $0x10, s30;
	[sflag:s21] =	ssyncset.done $0x0  }
.LBB2_13:
0x9a: {  	v2 =	vor.u32 s30, v1;
	[sflag:s21] =	ssyncadd.s32 @p0 $0xFFFFF800  }
0x9b: {  	[tilespmem:$0x100] =	vst v2  }
0x9c: {  	[tilespmem:s20], [sflag:$0x1] =	stream.indirect.gather [spmem:s1], $0x80, s28, s26, $0xb8;
	[tilespmem:$0x19A00] =	vst v63  }
0x9d: {  	s0 =	sadd.s32 @p0 $0x100, s0;
	_ =	swait.ge [sflag:s25], $0x800  }
0x9e: {  	s5 =	smov.u32 s18;
	s29 =	sadd.s32 $0x1, s29;
	[sflag:s25] =	ssyncset.done $0x0  }
0x9f: {  	s5 =	smov.u32 @p0 s0;
	p0 =	sne.s32 s29, s15;
	[sflag:s25] =	ssyncadd.s32 $0xFFFFF800  }
0xa0: {  	[hbm4b:s5+s2] =	stream.linear.scatter [tilespmem:s20], [sflag:$0x2], $0x800, $0x38;
	[tilespmem:$0x19A00] =	vst v63  }
.Ltmp8:
0xa1: {  	_ = 	snop;
	(pc) =	sbr.rel @p0 .LBB2_1-.Ltmp8, $4  }
.Ltmp9:
0xa2: {  	_ = 	snop;
	(pc) =	sbr.rel @!p0 .LBB2_14-.Ltmp9, $4  }
0xa3: {  	_ =	swait.ge [sflag:s21], $0x800  }
0xa4: {  	[sflag:s21] =	ssyncset.done $0x0  }
0xa5: {  	[sflag:s21] =	ssyncadd.s32 $0xFFFFF800  }
0xa6: {  	_ = 	snop  }
.LBB2_11:
.Ltmp10:
0xa7: {  	(pc) =	sbr.rel .LBB2_13-.Ltmp10, $2  }
0xa8: {  	_ =	sdelay $0x2  }
0xa9: {  	s0 =	smov.u32 s18  }
.LBB2_14:
0xaa: {  	_ =	sfence.sel $0x180000  }
0xab: {  	[bflag:$0x0] =	sbarrier.arrive $0xFFFF  }
0xac: {  	_ =	strace $0x9000004A  }
0xad: {  	s0 =	stileid.u32;
	[bflag:$0x2] =	sbarrier.arrive $0xFFFF  }
0xae: {  	p0 =	sne.s32 s0, $0x0;
	s0 =	rddreg [dreg:$0x2]  }
0xaf: {  	s0 =	sadd.s32 @!p0 $0x100000, s0  }
0xb0: {  	[sflag:s0] =	ssyncadd.tile.s32 @!p0 $0x1;
	_ =	shalt  }
.Lfunc_end2:
_tile_overlayer_lowered:
.L_overlay_start_2:
0xb1: {  	(tag) =	ssettag $0x2  }
0xb2: {  	s0 =	rddreg [dreg:$0x0];
	s2 =	stileid.u32  }
0xb3: {  	s1 =	rddreg [dreg:$0x1];
	p0 =	sne.s32 s2, $0x0  }
0xb4: {  	s3 =	rddreg [dreg:$0x2];
	[bflag:$0x3] =	sbarrier.arrive $0xFFFF;
	s2 =	simm.s32 @!p0 $0x1C02  }
0xb5: {  	[timem:s3], [sflag:s2] =	dma.local @!p0 [hbm:s0], s1  }
0xb6: {  	s0 =	simm.s32 @!p0 $0x2  }
0xb7: {  	_ =	swait.ge @!p0 [sflag:s0], s1  }
0xb8: {  	s1 =	ssub.s32 @!p0 $0x0, s1;
	[sflag:s0] =	ssyncset.done @!p0 $0x0  }
0xb9: {  	[sflag:s0] =	ssyncadd.s32 @!p0 s1  }
0xba: {  	[bflag:$0x3] =	sbarrier.arrive $0xFFFF  }
0xbb: {  	_ =	shalt  }

// kernel: kernel.15.cloned.1.call-start
scs
__scs_entry_jumppad:
0x0: {  	(pc) =	sbr.rel $0x88, $3  }
0x1: {  	(tag) =	ssettag $0x0;
	lr =	simm.s32 $0x1  }
0x2: {  	[smem:$0x3F93] =	sst lr;
	_ =	strace $0xD0000000  }
0x3: {  	_ = 	snop  }
0x4: {  	_ = 	snop  }
0x5: {  	_ = 	snop  }
0x6: {  	_ = 	snop  }
0x7: {  	_ = 	snop  }
__scs_overlays_trampoline_lowered:
0x8: {  	[smem:$0x3FA2] =	sst s0  }
0x9: {  	[smem:$0x3FA3] =	sst s1  }
0xa: {  	[smem:$0x3FA4] =	sst s2  }
0xb: {  	[smem:$0x3FA5] =	sst s3  }
0xc: {  	[smem:$0x3FA6] =	sst s4  }
0xd: {  	[smem:$0x3FA7] =	sst s5  }
0xe: {  	[smem:$0x3FA8] =	sst s6  }
0xf: {  	[smem:$0x3FA9] =	sst s7  }
0x10: {  	[smem:$0x3FAA] =	sst s8  }
0x11: {  	[smem:$0x3FAB] =	sst s9;
	s0 =	simm.s32 @!p0 $0x0  }
0x12: {  	s1 =	sld [smem:$0x3F91];
	s0 =	simm.s32 @p0 $0x1  }
0x13: {  	[smem:$0x3FAC] =	sst s0;
	s0 =	simm.s32 @!p1 $0x0  }
0x14: {  	s2 =	sld [smem:$0x3F90];
	s0 =	simm.s32 @p1 $0x1  }
0x15: {  	[smem:$0x3FAD] =	sst s0;
	s0 =	simm.s32 @!p2 $0x0  }
0x16: {  	s3 =	sld [smem:$0x3FDB];
	s0 =	simm.s32 @p2 $0x1  }
0x17: {  	s4 =	simm.s32 $0x1BF5;
	[smem:$0x3FAF] =	sst s0  }
0x18: {  	s0 =	sld [smem:$0x3F92];
	_ =	swait.ge [sflag:s4], $0x0  }
0x19: {  	s7 =	sld [smem:$0x3F93]  }
0x1a: {  	s8 =	sadd.s32 $0xFFFFE003, lr  }
0x1b: {  	s9 =	sadd.s32 $0xFFFFFEF7, lr;
	s5 =	simm.s32 $0xFFFFFFFF;
	p2 =	slt.u32 s8, $0xFFFFF086  }
0x1c: {  	p1 =	slt.u32 s9, $0xF7A;
	s5 =	simm.s32 @!p2 $0x0  }
0x1d: {  	s5 =	simm.s32 @p1 $0x1;
	p0 =	seq.s32 s7, s2  }
0x1e: {  	s7 =	smul.u32 @!p0 $0xF7A, s2;
	p2 =	seq.s32 @!p0 s5, $0x0  }
0x1f: {  	s9 =	smul.u32 $0xF7A, s1;
	s8 =	simm.s32 @!p0 $0x1BF5;
	p2 =	por !p2, p0  }
0x20: {  	[sflag:s8] =	ssyncset.s32 @!p0 $0xFFFFF086;
	s6 =	sadd.s32 @!p0 s3, s7;
	s7 =	simm.s32 @!p0 $0x108  }
0x21: {  	s3 =	sadd.s32 s3, s9;
	s6 =	sadd.s32 @!p0 $0x88, s6;
	s7 =	simm.s32 @p2 $0x1082  }
0x22: {  	[simem:s7], [sflag:s8] =	dma.local @!p0 [hbm:s6], $0xF7A  }
0x23: {  	s9 =	sor.u32 $0xD0000000, s2;
	s6 =	simm.s32 $0x108;
	_ =	swait.ge @!p0 [sflag:s8], $0x0  }
0x24: {  	s3 =	sadd.s32 $0x88, s3;
	s6 =	simm.s32 @!p1 $0x1082;
	[sflag:s4] =	ssyncset.s32 $0xFFFFF086  }
0x25: {  	[simem:s6], [sflag:s4] =	dma.local [hbm:s3], $0xF7A  }
0x26: {  	[smem:$0x3F93] =	sst s1;
	(tag) =	ssettag s2;
	_ =	strace s9  }
0x27: {  	s1 =	sld [smem:$0x3FA3]  }
0x28: {  	s2 =	sld [smem:$0x3FA4]  }
0x29: {  	s4 =	sld [smem:$0x3FA6]  }
0x2a: {  	p0 =	seq.s32 s5, $0x0;
	s5 =	sld [smem:$0x3FA7]  }
0x2b: {  	s6 =	sld [smem:$0x3FA8]  }
0x2c: {  	s7 =	sld [smem:$0x3FA9]  }
0x2d: {  	s3 =	simm.s32 $0x108;
	s8 =	sld [smem:$0x3FAA]  }
0x2e: {  	s3 =	simm.s32 @!p0 $0x1082;
	s9 =	sld [smem:$0x3FAB]  }
0x2f: {  	lr =	sadd.s32 s0, s3;
	s0 =	sld [smem:$0x3FA2]  }
0x30: {  	s3 =	sld [smem:$0x3FA5]  }
0x31: {  	[smem:$0x3FAE] =	sst s10  }
0x32: {  	s10 =	sld [smem:$0x3FAC];
	_ =	sdelay $0x3  }
0x33: {  	p0 =	seq.s32 s10, $0x1;
	s10 =	sld [smem:$0x3FAE];
	_ =	sdelay $0x3  }
0x34: {  	[smem:$0x3FAE] =	sst s10  }
0x35: {  	s10 =	sld [smem:$0x3FAD];
	_ =	sdelay $0x3  }
0x36: {  	p1 =	seq.s32 s10, $0x1;
	s10 =	sld [smem:$0x3FAE];
	_ =	sdelay $0x3  }
0x37: {  	[smem:$0x3FAE] =	sst s10  }
0x38: {  	s10 =	sld [smem:$0x3FAF]  }
0x39: {  	_ = 	snop;
	(pc) =	sbr.ind lr, $3  }
0x3a: {  	_ = 	snop  }
0x3b: {  	_ = 	snop  }
0x3c: {  	p2 =	seq.s32 s10, $0x1;
	s10 =	sld [smem:$0x3FAE]  }
0x3d: {  	_ =	shalt  }
0x3e: {  	_ =	shalt  }
0x3f: {  	_ =	shalt  }
0x40: {  	_ =	shalt  }
0x41: {  	_ =	shalt  }
0x42: {  	_ =	shalt  }
0x43: {  	_ =	shalt  }
0x44: {  	_ =	shalt  }
0x45: {  	_ =	shalt  }
0x46: {  	_ =	shalt  }
0x47: {  	_ =	shalt  }
0x48: {  	_ =	shalt  }
0x49: {  	_ =	shalt  }
0x4a: {  	_ =	shalt  }
0x4b: {  	_ =	shalt  }
0x4c: {  	_ =	shalt  }
0x4d: {  	_ =	shalt  }
0x4e: {  	_ =	shalt  }
0x4f: {  	_ =	shalt  }
0x50: {  	_ =	shalt  }
0x51: {  	_ =	shalt  }
0x52: {  	_ =	shalt  }
0x53: {  	_ =	shalt  }
0x54: {  	_ =	shalt  }
0x55: {  	_ =	shalt  }
0x56: {  	_ =	shalt  }
0x57: {  	_ =	shalt  }
0x58: {  	_ =	shalt  }
0x59: {  	_ =	shalt  }
0x5a: {  	_ =	shalt  }
0x5b: {  	_ =	shalt  }
0x5c: {  	_ =	shalt  }
0x5d: {  	_ =	shalt  }
0x5e: {  	_ =	shalt  }
0x5f: {  	_ =	shalt  }
0x60: {  	_ =	shalt  }
0x61: {  	_ =	shalt  }
0x62: {  	_ =	shalt  }
0x63: {  	_ =	shalt  }
0x64: {  	_ =	shalt  }
0x65: {  	_ =	shalt  }
0x66: {  	_ =	shalt  }
0x67: {  	_ =	shalt  }
0x68: {  	_ =	shalt  }
0x69: {  	_ =	shalt  }
0x6a: {  	_ =	shalt  }
0x6b: {  	_ =	shalt  }
0x6c: {  	_ =	shalt  }
0x6d: {  	_ =	shalt  }
0x6e: {  	_ =	shalt  }
0x6f: {  	_ =	shalt  }
0x70: {  	_ =	shalt  }
0x71: {  	_ =	shalt  }
0x72: {  	_ =	shalt  }
0x73: {  	_ =	shalt  }
0x74: {  	_ =	shalt  }
0x75: {  	_ =	shalt  }
0x76: {  	_ =	shalt  }
0x77: {  	_ =	shalt  }
0x78: {  	_ =	shalt  }
0x79: {  	_ =	shalt  }
0x7a: {  	_ =	shalt  }
0x7b: {  	_ =	shalt  }
0x7c: {  	_ =	shalt  }
0x7d: {  	_ =	shalt  }
0x7e: {  	_ =	shalt  }
0x7f: {  	_ =	shalt  }
0x80: {  	_ =	shalt  }
0x81: {  	_ =	shalt  }
0x82: {  	_ =	shalt  }
0x83: {  	_ =	shalt  }
0x84: {  	_ =	shalt  }
0x85: {  	_ =	shalt  }
0x86: {  	_ =	shalt  }
0x87: {  	_ =	shalt  }
.Lfunc_end0:
.L_simem_size_0:
called_computation.2_lowered:
.L_overlay_start_0:
0x88: {  	s2 =	sld [smem:$0x3FD9]  }
0x89: {  	s3 =	sld [smem:$0x3FFE];
	_ =	sdelay $0x1  }
0x8a: {  	s1 =	srdreg.scid  }
0x8b: {  	s0 =	sand.u32 $0x1, s1  }
0x8c: {  	s17 =	sshll.u32 s0, $0xA;
	s2 =	sadd.s32 s3, s2  }
0x8d: {  	s2 =	sadd.s32 s2, s17  }
0x8e: {  	[smem:$0x3FBA] =	sst s2  }
0x8f: {  	_ = 	snop  }
0x90: {  	(tm) =	ssettm $0x1  }
0x91: {  	s18 =	sld [smem:$0x3FFB];
	_ =	sdelay $0x3  }
0x92: {  	_ =	strace s18  }
0x93: {  	s2 =	sld [smem:$0x3FFC];
	_ =	sdelay $0x3  }
0x94: {  	_ =	strace s2  }
0x95: {  	s2 =	sld [smem:$0x3FFD];
	_ =	sdelay $0x3  }
0x96: {  	_ =	strace s2  }
0x97: {  	_ =	strace $0x8FFFFFFF  }
0x98: {  	s19 =	sld [smem:$0x3FDB];
	_ =	sdelay $0x1  }
0x99: {  	s20 =	simm.s32 $_scs_section_size  }
0x9a: {  	s4 =	simm.s32 $_size__tile_overlayer_lowered;
	s5 =	simm.s32 $_tile_overlayer_lowered  }
0x9b: {  	s6 =	simm.s32 $0x1BFF;
	s21 =	sshll.u32 s5, $0x1;
	s3 =	sadd.s32 s20, s19  }
0x9c: {  	s22 =	simm.s32 $0x0;
	s4 =	sshll.u32 s4, $0x1;
	s5 =	sadd.s32 s21, s3  }
0x9d: {  	[timem:s22], [sflag:s6] =	dma.local [hbm:s5], s4  }
0x9e: {  	_ =	swait.ge [sflag:s6], s4  }
0x9f: {  	s4 =	ssub.s32 $0x0, s4;
	[sflag:s6] =	ssyncset.done $0x0  }
0xa0: {  	[sflag:s6] =	ssyncadd.s32 s4;
	_ =	sdelay $0x1  }
0xa1: {  	s23 =	simm.s32 $0x1B8B  }
0xa2: {  	_ =	swait.ge [sflag:s23], $0x1  }
0xa3: {  	[sflag:s23] =	ssyncset.done $0x0  }
0xa4: {  	[sflag:s23] =	ssyncadd.s32 $0xFFFFFFFF  }
0xa5: {  	s4 =	sld [smem:$0x0]  }
0xa6: {  	s5 =	sand.u32 $0xFFFFFFFE, s1  }
0xa7: {  	p0 =	sne.s32 s1, s5  }
0xa8: {  	s5 =	sshll.u32 @p0 s5, $0xE  }
0xa9: {  	s5 =	sadd.s32 @p0 $0x11B8D, s5;
	s6 =	sshll.u32 @p0 s4, $0x11  }
0xaa: {  	s5 =	sor.u32 @p0 s6, s5  }
0xab: {  	[sflag:s5] =	ssyncadd.remote.s32 @p0 $0x1;
	_ =	sdelay $0x1  }
0xac: {  	s5 =	simm.s32 @p0 $0x1B8D  }
0xad: {  	_ =	swait.eq @p0 [sflag:s5], $0x1  }
0xae: {  	[sflag:s5] =	ssyncadd.s32 @p0 $0xFFFFFFFF  }
0xaf: {  	s6 =	sshll.u32 @!p0 s1, $0xE  }
0xb0: {  	s6 =	sor.u32 @!p0 $0x4000, s6;
	s5 =	simm.s32 @!p0 $0x1B8D  }
0xb1: {  	s4 =	sshll.u32 @!p0 s4, $0x11;
	s6 =	sadd.s32 @!p0 $0x11B8D, s6;
	_ =	swait.eq @!p0 [sflag:s5], $0x1  }
0xb2: {  	s4 =	sor.u32 @!p0 s4, s6;
	[sflag:s5] =	ssyncadd.s32 @!p0 $0xFFFFFFFF  }
0xb3: {  	s25 =	simm.s32 $0x1B8E;
	s24 =	sld [smem:$0x3FFE];
	[sflag:s4] =	ssyncadd.remote.s32 @!p0 $0x1  }
0xb4: {  	s26 =	simm.s32 $execute0_lowered;
	[smem:$0x3FD2] =	sst s25  }
0xb5: {  	s5 =	sshll.u32 s26, $0x1;
	_ =	strace $0x8000004C;
	[dreg:$0x1] =	wrdreg $0xFFFFFFFF  }
0xb6: {  	s28 =	simm.s32 $_size_execute0_lowered;
	s3 =	sadd.s32 s3, s5;
	[dreg:$0x0] =	wrdreg $0x0  }
0xb7: {  	s5 =	sshll.u32 s28, $0x1;
	[dreg:$0x2] =	wrdreg s3  }
0xb8: {  	[dreg:$0x3] =	wrdreg s5  }
0xb9: {  	[dreg:$0x4] =	wrdreg $0xC0  }
0xba: {  	_ =	task [dreg:s22], $0x5FFFF  }
0xbb: {  	[dreg:$0x1] =	wrdreg $0xFFFFFFFF  }
0xbc: {  	[dreg:$0x0] =	wrdreg $0x60  }
0xbd: {  	[dreg:$0x2] =	wrdreg s24  }
0xbe: {  	[dreg:$0x3] =	wrdreg $0x41000  }
0xbf: {  	[dreg:$0x4] =	wrdreg $0xA  }
0xc0: {  	_ =	task.clear_ibuf [dreg:s22], $0x5FFFF;
	_ =	strace $0x9000004C  }
0xc1: {  	s29 =	simm.s32 $0xA;
	_ =	strace $0x8000004E  }
0xc2: {  	_ =	swait.ge [sflag:s29], $0x1  }
0xc3: {  	[sflag:s29] =	ssyncadd.s32 $0xFFFFFFFF  }
0xc4: {  	_ =	strace $0x9000004E  }
0xc5: {  	_ =	sfence  }
0xc6: {  	s30 =	sld [smem:$0x0];
	_ =	sdelay $0x2  }
0xc7: {  	s31 =	sshll.u32 s1, $0xD;
	s1 =	sshrl.u32 s1, $0x2  }
0xc8: {  	s4 =	sand.u32 $0x4000, s31;
	s1 =	sadd.s32 s1, s30  }
0xc9: {  	s0 =	sor.u32 s4, s0;
	s1 =	sshll.u32 s1, $0x11  }
0xca: {  	s0 =	sor.u32 s1, s0  }
0xcb: {  	s0 =	sadd.s32 $0x8F2B, s0  }
0xcc: {  	[sflag:s0] =	ssyncadd.remote.s32 $0x1  }
0xcd: {  	_ =	sfence.sel $0xFFFF  }
0xce: {  	[dreg:$0x0] =	wrdreg $0xFFFFFFFF;
	(pc) =	sbr.abs _section_cstart, $3  }
0xcf: {  	[dreg:$0x1] =	wrdreg $0xFFFFFFFF  }
0xd0: {  	_ =	task.clear_ibuf [dreg:s22], $0x2FFFF;
	_ =	strace $0x9FFFFFFF  }
0xd1: {  	(tm) =	ssettm $0x7FFFFFFF  }
tec
execute0_lowered:
.L_overlay_start_1:
0x0: {  	(tag) =	ssettag $0x1  }
0x1: {  	s6 =	rddreg [dreg:$0x0]  }
0x2: {  	s1 =	rddreg [dreg:$0x1]  }
0x3: {  	s0 =	rddreg [dreg:$0x2]  }
0x4: {  	s2 =	simm.s32 $0x0;
	s4 =	srdreg.scid;
	s13 =	simm.s32 $0x9D  }
0x5: {  	s18 =	simm.s32 $0x2;
	s19 =	simm.s32 $0x100;
	s20 =	simm.s32 $0x10  }
0x6: {  	s21 =	simm.s32 $0x80;
	s22 =	simm.s32 $0x1;
	s23 =	simm.s32 $0x0  }
0x7: {  	[smem:$0x7FF] =	sst s2;
	s3 =	sadd.s32 $0xA29200, s6;
	s7 =	sand.u32 $0x1, s4  }
0x8: {  	s5 =	sadd.s32 $0xD000, s6;
	s4 =	stileid.u32;
	s8 =	smul.u32 $0x27100, s7  }
0x9: {  	_ =	strace $0x8000004D;
	s9 =	ssub.s32 $0x2, s7;
	s28 =	smul.u32 $0x9, s4  }
0xa: {  	s7 =	sshll.u32 s7, $0x4;
	p0 =	slt.u32 s4, $0xD;
	s14 =	smul.u32 $0x240, s4  }
0xb: {  	s11 =	smin.u32 s4, $0xD;
	s17 =	smul.u32 $0x2700, s4;
	s10 =	sshrl.u32 s9, $0x1  }
0xc: {  	s26 =	sor.u32 s4, s7;
	s16 =	sshll.u32 s11, $0x6;
	s15 =	sadd.s32 s8, s6  }
0xd: {  	s12 =	ssub.s32 s9, s10;
	s8 =	simm.s32 $0xA;
	s29 =	smul.u32 $0x9C, s26  }
0xe: {  	s30 =	smin.u32 s26, $0x8;
	s6 =	sadd.s32 s11, s28;
	s10 =	smul.u32 $0x27, s4  }
0xf: {  	s31 =	sadd.s32 s16, s14;
	s14 =	smul.u32 $0x270, s4;
	s16 =	simm.s32 $0x40  }
0x10: {  	s8 =	simm.s32 @!p0 $0x9;
	p0 =	slt.u32 s26, $0x8;
	s12 =	smax.u32 s12, $0x1  }
0x11: {  	s15 =	sadd.s32 s17, s15;
	s7 =	sadd.s32 s30, s29;
	s13 =	simm.s32 @!p0 $0x9C  }
0x12: {  	p0 =	seq.s32 s4, $0xF;
	s9 =	sadd.s32 s13, s7;
	s13 =	simm.s32 $0x28  }
0x13: {  	s17 =	simm.s32 $0x2100;
	s8 =	sadd.s32 s8, s6;
	s13 =	simm.s32 @!p0 $0x27  }
0x14: {  	v0 =	vimm.f32 $0.0e+00;
	v1 =	vlaneseq.u32;
	s15 =	sadd.s32 $0x65000, s15;
	s11 =	sadd.s32 s10, s13;
	s13 =	sor.u32 $0x30, s31  }
.LBB2_1:
0x15: {  	s24 =	simm.s32 $0x0;
	s25 =	simm.s32 $0x200  }
.LBB2_2:
0x16: {  	p0 =	sne.s32 s25, $0x7E00;
	[tilespmem:s24+$0x2170] =	vst v0  }
0x17: {  	[tilespmem:s24+$0x2100] =	vst v0  }
0x18: {  	[tilespmem:s24+$0x2110] =	vst v0  }
.Ltmp0:
0x19: {  	[tilespmem:s24+$0x2120] =	vst v0;
	(pc) =	sbr.rel @p0 .LBB2_2-.Ltmp0, $4  }
0x1a: {  	[tilespmem:s24+$0x2130] =	vst v0  }
0x1b: {  	[tilespmem:s24+$0x2140] =	vst v0  }
0x1c: {  	[tilespmem:s24+$0x2150] =	vst v0  }
0x1d: {  	[tilespmem:s24+$0x2160] =	vst v0;
	s24 =	sshra.s32 s25, $0x2;
	s25 =	sadd.s32 $0x200, s25  }
0x1e: {  	[tilespmem:s24+$0x2170] =	vst v0  }
0x1f: {  	[tilespmem:s24+$0x2100] =	vst v0  }
0x20: {  	[tilespmem:s24+$0x2110] =	vst v0  }
0x21: {  	[tilespmem:s24+$0x2120] =	vst v0  }
0x22: {  	[tilespmem:s24+$0x2130] =	vst v0  }
0x23: {  	[tilespmem:s24+$0x2140] =	vst v0  }
0x24: {  	[tilespmem:s24+$0x2150] =	vst v0  }
0x25: {  	[tilespmem:s24+$0x2160] =	vst v0;
	s24 =	sadd.s32 $0x1, s6  }
0x26: {  	s25 =	sadd.s32 $0xFFFFFFD0, s13;
	p0 =	slt.u32 s24, s8  }
.Ltmp1:
0x27: {  	v2 =	vor.u32 s25, v1;
	(pc) =	sbr.rel @!p0 .LBB2_5-.Ltmp1, $4  }
0x28: {  	s31 =	sadd.s32 $0xFFFFFFF0, s13;
	v3 =	vor.u32 s13, v1;
	vm0 =	vlt.s32 v2, $0x270F  }
0x29: {  	s26 =	sadd.s32 $0xFFFFFFE0, s13;
	v4 =	vor.u32 s31, v1;
	v2 =	vnsel vm0, $0x270F, v2;
	vm0 =	vlt.s32 v3, $0x270F  }
0x2a: {  	vm1 =	vlt.s32 v4, $0x270F;
	[tilespmem:$0x0] =	vst v2;
	v2 =	vor.u32 s26, v1;
	v5 =	vnsel vm0, $0x270F, v3  }
0x2b: {  	s25 =	sadd.s32 $0x40, s13;
	v3 =	vnsel vm1, $0x270F, v4;
	vm0 =	vlt.s32 v2, $0x270F;
	[tilespmem:$0x30] =	vst v5  }
.LBB2_4:
0x2c: {  	s26 =	sadd.s32 $0xFFFFFFD0, s25;
	v2 =	vnsel vm0, $0x270F, v2;
	[tilespmem:$0x20] =	vst v3;
	s24 =	sadd.s32 $0x1, s24  }
0x2d: {  	[tilespmem:$0x10] =	vst v2;
	[spmem:s1] =	stream.indirect.scatter [tilespmem:s17], [sflag:$0x2], $0x80, s2, s16, $0xb8  }
0x2e: {  	p0 =	slt.u32 s24, s8  }
.Ltmp2:
0x2f: {  	v2 =	vor.u32 s26, v1;
	_ =	swait.ge [sflag:s18], $0x2000;
	(pc) =	sbr.rel @p0 .LBB2_4-.Ltmp2, $4  }
0x30: {  	v3 =	vor.u32 s25, v1;
	s26 =	sadd.s32 $0xFFFFFFF0, s25;
	vm0 =	vlt.s32 v2, $0x270F;
	[sflag:s18] =	ssyncset.done $0x0  }
0x31: {  	s28 =	sadd.s32 $0xFFFFFFE0, s25;
	v4 =	vor.u32 s26, v1;
	v2 =	vnsel vm0, $0x270F, v2;
	vm0 =	vlt.s32 v3, $0x270F;
	[sflag:s18] =	ssyncadd.s32 $0xFFFFE000  }
0x32: {  	vm1 =	vlt.s32 v4, $0x270F;
	v5 =	vnsel vm0, $0x270F, v3;
	[tilespmem:$0x0] =	vst v2;
	v2 =	vor.u32 s28, v1  }
0x33: {  	s25 =	sadd.s32 $0x40, s25;
	v3 =	vnsel vm1, $0x270F, v4;
	vm0 =	vlt.s32 v2, $0x270F;
	[tilespmem:$0x30] =	vst v5  }
.LBB2_5:
0x34: {  	v2 =	vnsel vm0, $0x270F, v2;
	[tilespmem:$0x20] =	vst v3  }
0x35: {  	[tilespmem:$0x10] =	vst v2  }
0x36: {  	[spmem:s1] =	stream.indirect.scatter [tilespmem:s17], [sflag:$0x2], $0x80, s2, s16, $0xb8;
	[tilespmem:$0x17980] =	vst v63  }
0x37: {  	_ =	swait.ge [sflag:s18], $0x2000  }
0x38: {  	[sflag:s18] =	ssyncset.done $0x0  }
0x39: {  	[sflag:s18] =	ssyncadd.s32 $0xFFFFE000  }
0x3a: {  	s24 =	smov.u32 s7;
	[bflag:$0x0] =	sbarrier.arrive $0xFFFF  }
.LBB2_6:
0x3b: {  	s25 =	sshll.u32 s24, $0x3  }
0x3c: {  	s25 =	sand.u32 $0x1FFFFFF8, s25  }
0x3d: {  	s26 =	simm.s32 $0x0;
	s25 =	sadd.s32 s5, s25  }
0x3e: {  	[tilespmem:s26], [sflag:$0x2] =	stream.linear.gather [hbm4b:s25+s26], $0x40, $0x38;
	[tilespmem:$0x17980] =	vst v63  }
0x3f: {  	s31 =	sshll.u32 s24, $0xA;
	_ =	swait.ge [sflag:s18], $0x40  }
0x40: {  	s25 =	sand.u32 $0x1FFFFC00, s31;
	[sflag:s18] =	ssyncset.done $0x0  }
0x41: {  	s25 =	sadd.s32 s3, s25;
	[sflag:s18] =	ssyncadd.s32 $0xFFFFFFC0  }
0x42: {  	[tilespmem:s19], [sflag:$0x2] =	stream.linear.gather [hbm4b:s25+s26], $0x2000, $0x38;
	[tilespmem:$0x17980] =	vst v63  }
0x43: {  	_ =	swait.ge [sflag:s18], $0x2000  }
0x44: {  	[sflag:s18] =	ssyncset.done $0x0  }
0x45: {  	s25 =	simm.s32 $0x0;
	[sflag:s18] =	ssyncadd.s32 $0xFFFFE000  }
0x46: {  	s26 =	simm.s32 $0x200;
	v2 =	vld [tilespmem:s25+$0x100]  }
.LBB2_7:
0x47: {  	p0 =	sne.s32 s26, $0x7E00  }
.Ltmp3:
0x48: {  	_ = 	snop;
	(pc) =	sbr.rel @p0 .LBB2_7-.Ltmp3, $3  }
0x49: {  	_ =	sdelay $0x1  }
0x4a: {  	[tilespmem:s25+$0x2100] =	vst v2;
	s25 =	sshra.s32 s26, $0x2;
	s26 =	sadd.s32 $0x200, s26  }
0x4b: {  	v2 =	vld [tilespmem:s25+$0x100]  }
0x4c: {  	_ =	sdelay $0x1  }
0x4d: {  	s24 =	sadd.s32 $0x1, s24  }
0x4e: {  	p0 =	slt.u32 s24, s9  }
.Ltmp4:
0x4f: {  	[tilespmem:s25+$0x2100] =	vst v2;
	(pc) =	sbr.rel @p0 .LBB2_6-.Ltmp4, $4  }
0x50: {  	[spmem:s1] =	stream.indirect.scatter.add.f32 [tilespmem:s17], [sflag:$0x2], $0x80, s2, s16, $0xb8;
	[tilespmem:$0x17980] =	vst v63  }
0x51: {  	_ =	swait.ge [sflag:s18], $0x2000  }
0x52: {  	[sflag:s18] =	ssyncset.done $0x0  }
0x53: {  	[sflag:s18] =	ssyncadd.s32 $0xFFFFE000  }
0x54: {  	s26 =	sadd.s32 $0x1, s10  }
0x55: {  	p1 =	slt.u32 s26, s11  }
.Ltmp5:
0x56: {  	_ = 	snop;
	(pc) =	sbr.rel @!p1 .LBB2_13-.Ltmp5, $3  }
0x57: {  	_ =	sdelay $0x1  }
0x58: {  	[bflag:$0x0] =	sbarrier.arrive $0xFFFF  }
0x59: {  	p0 =	por $0x0, $0x0;
	s25 =	smov.u32 s14;
	s24 =	smov.u32 s15  }
0x5a: {  	v2 =	vor.u32 s14, v1  }
0x5b: {  	s26 =	sadd.s32 $0x1, s26;
	[tilespmem:$0x80] =	vst v2  }
0x5c: {  	[tilespmem:s17], [sflag:$0x1] =	stream.indirect.gather [spmem:s1], $0x80, s21, s20, $0xb8;
	[tilespmem:$0x17980] =	vst v63  }
0x5d: {  	p1 =	slt.u32 s26, s11;
	_ =	swait.ge [sflag:s22], $0x800  }
.Ltmp6:
0x5e: {  	[sflag:s22] =	ssyncset.done $0x0;
	(pc) =	sbr.rel @!p1 .LBB2_11-.Ltmp6, $4  }
0x5f: {  	[sflag:s22] =	ssyncadd.s32 $0xFFFFF800  }
0x60: {  	[hbm4b:s15+s2] =	stream.linear.scatter [tilespmem:s17], [sflag:$0x2], $0x800, $0x38;
	[tilespmem:$0x17980] =	vst v63  }
0x61: {  	s25 =	sadd.s32 $0x10, s14;
	_ =	swait.ge [sflag:s18], $0x800  }
0x62: {  	p0 =	por $0x1, $0x1;
	s24 =	smov.u32 s15;
	[sflag:s18] =	ssyncset.done $0x0  }
.LBB2_12:
0x63: {  	s26 =	sadd.s32 $0x1, s26;
	v2 =	vor.u32 s25, v1;
	[sflag:s18] =	ssyncadd.s32 $0xFFFFF800;
	s24 =	sadd.s32 $0x100, s24  }
0x64: {  	p1 =	slt.u32 s26, s11;
	[tilespmem:$0x80] =	vst v2  }
0x65: {  	[tilespmem:s17], [sflag:$0x1] =	stream.indirect.gather [spmem:s1], $0x80, s21, s20, $0xb8;
	[tilespmem:$0x17980] =	vst v63  }
0x66: {  	_ =	swait.ge [sflag:s22], $0x800  }
.Ltmp7:
0x67: {  	[sflag:s22] =	ssyncset.done $0x0;
	(pc) =	sbr.rel @p1 .LBB2_12-.Ltmp7, $4  }
0x68: {  	[sflag:s22] =	ssyncadd.s32 $0xFFFFF800  }
0x69: {  	[hbm4b:s24+s2] =	stream.linear.scatter [tilespmem:s17], [sflag:$0x2], $0x800, $0x38;
	[tilespmem:$0x17980] =	vst v63  }
0x6a: {  	_ =	swait.ge [sflag:s18], $0x800  }
0x6b: {  	s25 =	sadd.s32 $0x10, s25;
	[sflag:s18] =	ssyncset.done $0x0  }
.LBB2_13:
0x6c: {  	v2 =	vor.u32 s25, v1;
	[sflag:s18] =	ssyncadd.s32 @p0 $0xFFFFF800  }
0x6d: {  	[tilespmem:$0x80] =	vst v2  }
0x6e: {  	[tilespmem:s17], [sflag:$0x1] =	stream.indirect.gather [spmem:s1], $0x80, s21, s20, $0xb8;
	[tilespmem:$0x17980] =	vst v63  }
0x6f: {  	s24 =	sadd.s32 @p0 $0x100, s24;
	_ =	swait.ge [sflag:s22], $0x800  }
0x70: {  	s25 =	smov.u32 s15;
	s23 =	sadd.s32 $0x1, s23;
	[sflag:s22] =	ssyncset.done $0x0  }
0x71: {  	s25 =	smov.u32 @p0 s24;
	p0 =	sne.s32 s23, s12;
	[sflag:s22] =	ssyncadd.s32 $0xFFFFF800  }
0x72: {  	[hbm4b:s25+s2] =	stream.linear.scatter [tilespmem:s17], [sflag:$0x2], $0x800, $0x38;
	[tilespmem:$0x17980] =	vst v63  }
.Ltmp8:
0x73: {  	_ = 	snop;
	(pc) =	sbr.rel @p0 .LBB2_1-.Ltmp8, $4  }
.Ltmp9:
0x74: {  	_ = 	snop;
	(pc) =	sbr.rel @!p0 .LBB2_14-.Ltmp9, $4  }
0x75: {  	_ =	swait.ge [sflag:s18], $0x800  }
0x76: {  	[sflag:s18] =	ssyncset.done $0x0  }
0x77: {  	[sflag:s18] =	ssyncadd.s32 $0xFFFFF800  }
0x78: {  	_ = 	snop  }
.LBB2_11:
.Ltmp10:
0x79: {  	(pc) =	sbr.rel .LBB2_13-.Ltmp10, $2  }
0x7a: {  	_ =	sdelay $0x2  }
0x7b: {  	s24 =	smov.u32 s15  }
.LBB2_14:
0x7c: {  	_ =	sfence.sel $0x180000  }
0x7d: {  	[bflag:$0x0] =	sbarrier.arrive $0xFFFF  }
0x7e: {  	p0 =	sne.s32 s4, $0x0;
	_ =	strace $0x9000004D  }
0x7f: {  	s0 =	sadd.s32 @!p0 $0x100000, s0;
	[bflag:$0x2] =	sbarrier.arrive $0xFFFF  }
0x80: {  	[sflag:s0] =	ssyncadd.tile.s32 @!p0 $0x1;
	_ =	shalt  }
.Lfunc_end2:
_tile_overlayer_lowered:
.L_overlay_start_2:
0x81: {  	(tag) =	ssettag $0x2  }
0x82: {  	s0 =	rddreg [dreg:$0x0];
	s2 =	stileid.u32  }
0x83: {  	s1 =	rddreg [dreg:$0x1];
	p0 =	sne.s32 s2, $0x0  }
0x84: {  	s3 =	rddreg [dreg:$0x2];
	[bflag:$0x3] =	sbarrier.arrive $0xFFFF;
	s2 =	simm.s32 @!p0 $0x1C02  }
0x85: {  	[timem:s3], [sflag:s2] =	dma.local @!p0 [hbm:s0], s1  }
0x86: {  	s0 =	simm.s32 @!p0 $0x2  }
0x87: {  	_ =	swait.ge @!p0 [sflag:s0], s1  }
0x88: {  	s1 =	ssub.s32 @!p0 $0x0, s1;
	[sflag:s0] =	ssyncset.done @!p0 $0x0  }
0x89: {  	[sflag:s0] =	ssyncadd.s32 @!p0 s1  }
0x8a: {  	[bflag:$0x3] =	sbarrier.arrive $0xFFFF  }
0x8b: {  	_ =	shalt  }

// kernel: kernel.9.cloned.1.call-start
scs
__scs_entry_jumppad:
0x0: {  	(pc) =	sbr.rel $0x88, $3  }
0x1: {  	(tag) =	ssettag $0x0;
	lr =	simm.s32 $0x1  }
0x2: {  	[smem:$0x3F93] =	sst lr;
	_ =	strace $0xD0000000  }
0x3: {  	_ = 	snop  }
0x4: {  	_ = 	snop  }
0x5: {  	_ = 	snop  }
0x6: {  	_ = 	snop  }
0x7: {  	_ = 	snop  }
__scs_overlays_trampoline_lowered:
0x8: {  	[smem:$0x3FA2] =	sst s0  }
0x9: {  	[smem:$0x3FA3] =	sst s1  }
0xa: {  	[smem:$0x3FA4] =	sst s2  }
0xb: {  	[smem:$0x3FA5] =	sst s3  }
0xc: {  	[smem:$0x3FA6] =	sst s4  }
0xd: {  	[smem:$0x3FA7] =	sst s5  }
0xe: {  	[smem:$0x3FA8] =	sst s6  }
0xf: {  	[smem:$0x3FA9] =	sst s7  }
0x10: {  	[smem:$0x3FAA] =	sst s8  }
0x11: {  	[smem:$0x3FAB] =	sst s9;
	s0 =	simm.s32 @!p0 $0x0  }
0x12: {  	s1 =	sld [smem:$0x3F91];
	s0 =	simm.s32 @p0 $0x1  }
0x13: {  	[smem:$0x3FAC] =	sst s0;
	s0 =	simm.s32 @!p1 $0x0  }
0x14: {  	s2 =	sld [smem:$0x3F90];
	s0 =	simm.s32 @p1 $0x1  }
0x15: {  	[smem:$0x3FAD] =	sst s0;
	s0 =	simm.s32 @!p2 $0x0  }
0x16: {  	s3 =	sld [smem:$0x3FDB];
	s0 =	simm.s32 @p2 $0x1  }
0x17: {  	s4 =	simm.s32 $0x1BF5;
	[smem:$0x3FAF] =	sst s0  }
0x18: {  	s0 =	sld [smem:$0x3F92];
	_ =	swait.ge [sflag:s4], $0x0  }
0x19: {  	s7 =	sld [smem:$0x3F93]  }
0x1a: {  	s8 =	sadd.s32 $0xFFFFE003, lr  }
0x1b: {  	s9 =	sadd.s32 $0xFFFFFEF7, lr;
	s5 =	simm.s32 $0xFFFFFFFF;
	p2 =	slt.u32 s8, $0xFFFFF086  }
0x1c: {  	p1 =	slt.u32 s9, $0xF7A;
	s5 =	simm.s32 @!p2 $0x0  }
0x1d: {  	s5 =	simm.s32 @p1 $0x1;
	p0 =	seq.s32 s7, s2  }
0x1e: {  	s7 =	smul.u32 @!p0 $0xF7A, s2;
	p2 =	seq.s32 @!p0 s5, $0x0  }
0x1f: {  	s9 =	smul.u32 $0xF7A, s1;
	s8 =	simm.s32 @!p0 $0x1BF5;
	p2 =	por !p2, p0  }
0x20: {  	[sflag:s8] =	ssyncset.s32 @!p0 $0xFFFFF086;
	s6 =	sadd.s32 @!p0 s3, s7;
	s7 =	simm.s32 @!p0 $0x108  }
0x21: {  	s3 =	sadd.s32 s3, s9;
	s6 =	sadd.s32 @!p0 $0x88, s6;
	s7 =	simm.s32 @p2 $0x1082  }
0x22: {  	[simem:s7], [sflag:s8] =	dma.local @!p0 [hbm:s6], $0xF7A  }
0x23: {  	s9 =	sor.u32 $0xD0000000, s2;
	s6 =	simm.s32 $0x108;
	_ =	swait.ge @!p0 [sflag:s8], $0x0  }
0x24: {  	s3 =	sadd.s32 $0x88, s3;
	s6 =	simm.s32 @!p1 $0x1082;
	[sflag:s4] =	ssyncset.s32 $0xFFFFF086  }
0x25: {  	[simem:s6], [sflag:s4] =	dma.local [hbm:s3], $0xF7A  }
0x26: {  	[smem:$0x3F93] =	sst s1;
	(tag) =	ssettag s2;
	_ =	strace s9  }
0x27: {  	s1 =	sld [smem:$0x3FA3]  }
0x28: {  	s2 =	sld [smem:$0x3FA4]  }
0x29: {  	s4 =	sld [smem:$0x3FA6]  }
0x2a: {  	p0 =	seq.s32 s5, $0x0;
	s5 =	sld [smem:$0x3FA7]  }
0x2b: {  	s6 =	sld [smem:$0x3FA8]  }
0x2c: {  	s7 =	sld [smem:$0x3FA9]  }
0x2d: {  	s3 =	simm.s32 $0x108;
	s8 =	sld [smem:$0x3FAA]  }
0x2e: {  	s3 =	simm.s32 @!p0 $0x1082;
	s9 =	sld [smem:$0x3FAB]  }
0x2f: {  	lr =	sadd.s32 s0, s3;
	s0 =	sld [smem:$0x3FA2]  }
0x30: {  	s3 =	sld [smem:$0x3FA5]  }
0x31: {  	[smem:$0x3FAE] =	sst s10  }
0x32: {  	s10 =	sld [smem:$0x3FAC];
	_ =	sdelay $0x3  }
0x33: {  	p0 =	seq.s32 s10, $0x1;
	s10 =	sld [smem:$0x3FAE];
	_ =	sdelay $0x3  }
0x34: {  	[smem:$0x3FAE] =	sst s10  }
0x35: {  	s10 =	sld [smem:$0x3FAD];
	_ =	sdelay $0x3  }
0x36: {  	p1 =	seq.s32 s10, $0x1;
	s10 =	sld [smem:$0x3FAE];
	_ =	sdelay $0x3  }
0x37: {  	[smem:$0x3FAE] =	sst s10  }
0x38: {  	s10 =	sld [smem:$0x3FAF]  }
0x39: {  	_ = 	snop;
	(pc) =	sbr.ind lr, $3  }
0x3a: {  	_ = 	snop  }
0x3b: {  	_ = 	snop  }
0x3c: {  	p2 =	seq.s32 s10, $0x1;
	s10 =	sld [smem:$0x3FAE]  }
0x3d: {  	_ =	shalt  }
0x3e: {  	_ =	shalt  }
0x3f: {  	_ =	shalt  }
0x40: {  	_ =	shalt  }
0x41: {  	_ =	shalt  }
0x42: {  	_ =	shalt  }
0x43: {  	_ =	shalt  }
0x44: {  	_ =	shalt  }
0x45: {  	_ =	shalt  }
0x46: {  	_ =	shalt  }
0x47: {  	_ =	shalt  }
0x48: {  	_ =	shalt  }
0x49: {  	_ =	shalt  }
0x4a: {  	_ =	shalt  }
0x4b: {  	_ =	shalt  }
0x4c: {  	_ =	shalt  }
0x4d: {  	_ =	shalt  }
0x4e: {  	_ =	shalt  }
0x4f: {  	_ =	shalt  }
0x50: {  	_ =	shalt  }
0x51: {  	_ =	shalt  }
0x52: {  	_ =	shalt  }
0x53: {  	_ =	shalt  }
0x54: {  	_ =	shalt  }
0x55: {  	_ =	shalt  }
0x56: {  	_ =	shalt  }
0x57: {  	_ =	shalt  }
0x58: {  	_ =	shalt  }
0x59: {  	_ =	shalt  }
0x5a: {  	_ =	shalt  }
0x5b: {  	_ =	shalt  }
0x5c: {  	_ =	shalt  }
0x5d: {  	_ =	shalt  }
0x5e: {  	_ =	shalt  }
0x5f: {  	_ =	shalt  }
0x60: {  	_ =	shalt  }
0x61: {  	_ =	shalt  }
0x62: {  	_ =	shalt  }
0x63: {  	_ =	shalt  }
0x64: {  	_ =	shalt  }
0x65: {  	_ =	shalt  }
0x66: {  	_ =	shalt  }
0x67: {  	_ =	shalt  }
0x68: {  	_ =	shalt  }
0x69: {  	_ =	shalt  }
0x6a: {  	_ =	shalt  }
0x6b: {  	_ =	shalt  }
0x6c: {  	_ =	shalt  }
0x6d: {  	_ =	shalt  }
0x6e: {  	_ =	shalt  }
0x6f: {  	_ =	shalt  }
0x70: {  	_ =	shalt  }
0x71: {  	_ =	shalt  }
0x72: {  	_ =	shalt  }
0x73: {  	_ =	shalt  }
0x74: {  	_ =	shalt  }
0x75: {  	_ =	shalt  }
0x76: {  	_ =	shalt  }
0x77: {  	_ =	shalt  }
0x78: {  	_ =	shalt  }
0x79: {  	_ =	shalt  }
0x7a: {  	_ =	shalt  }
0x7b: {  	_ =	shalt  }
0x7c: {  	_ =	shalt  }
0x7d: {  	_ =	shalt  }
0x7e: {  	_ =	shalt  }
0x7f: {  	_ =	shalt  }
0x80: {  	_ =	shalt  }
0x81: {  	_ =	shalt  }
0x82: {  	_ =	shalt  }
0x83: {  	_ =	shalt  }
0x84: {  	_ =	shalt  }
0x85: {  	_ =	shalt  }
0x86: {  	_ =	shalt  }
0x87: {  	_ =	shalt  }
.Lfunc_end0:
.L_simem_size_0:
called_computation_lowered:
.L_overlay_start_0:
0x88: {  	s2 =	sld [smem:$0x3FD9]  }
0x89: {  	s3 =	sld [smem:$0x3FFE];
	_ =	sdelay $0x1  }
0x8a: {  	s1 =	srdreg.scid  }
0x8b: {  	s0 =	sand.u32 $0x1, s1  }
0x8c: {  	s17 =	sshll.u32 s0, $0xA;
	s2 =	sadd.s32 s3, s2  }
0x8d: {  	s2 =	sadd.s32 s2, s17  }
0x8e: {  	[smem:$0x3FBA] =	sst s2  }
0x8f: {  	_ = 	snop  }
0x90: {  	s2 =	sld [smem:$0x3FD0];
	(tm) =	ssettm $0x1  }
0x91: {  	s18 =	sld [smem:$0x3FFB];
	_ =	sdelay $0x3  }
0x92: {  	_ =	strace s18  }
0x93: {  	s3 =	sld [smem:$0x3FFC];
	_ =	sdelay $0x3  }
0x94: {  	_ =	strace s3  }
0x95: {  	s3 =	sld [smem:$0x3FFD];
	_ =	sdelay $0x3  }
0x96: {  	_ =	strace s3  }
0x97: {  	_ =	strace $0x8FFFFFFF  }
0x98: {  	s19 =	sld [smem:$0x3FDB];
	_ =	sdelay $0x1  }
0x99: {  	s4 =	simm.s32 $_scs_section_size  }
0x9a: {  	s5 =	simm.s32 $_size__tile_overlayer_lowered;
	s6 =	simm.s32 $_tile_overlayer_lowered  }
0x9b: {  	s22 =	simm.s32 $0x1BFF;
	s21 =	sshll.u32 s6, $0x1;
	s3 =	sadd.s32 s4, s19  }
0x9c: {  	s7 =	simm.s32 $0x0;
	s20 =	sshll.u32 s5, $0x1;
	s5 =	sadd.s32 s21, s3  }
0x9d: {  	[timem:s7], [sflag:s22] =	dma.local [hbm:s5], s20  }
0x9e: {  	_ =	swait.ge [sflag:s22], s20  }
0x9f: {  	s4 =	ssub.s32 $0x0, s20;
	[sflag:s22] =	ssyncset.done $0x0  }
0xa0: {  	[sflag:s22] =	ssyncadd.s32 s4;
	_ =	sdelay $0x1  }
0xa1: {  	s23 =	simm.s32 $0x1B8B  }
0xa2: {  	_ =	swait.ge [sflag:s23], $0x1  }
0xa3: {  	[sflag:s23] =	ssyncset.done $0x0  }
0xa4: {  	s25 =	simm.s32 $0x1B8E;
	s24 =	sld [smem:$0x3FFE];
	[sflag:s23] =	ssyncadd.s32 $0xFFFFFFFF  }
0xa5: {  	s26 =	simm.s32 $execute0_lowered;
	[smem:$0x3FD2] =	sst s25  }
0xa6: {  	s5 =	sshll.u32 s26, $0x1;
	_ =	strace $0x80000046;
	[dreg:$0x1] =	wrdreg $0xFFFFFFFF  }
0xa7: {  	s28 =	simm.s32 $_size_execute0_lowered;
	s3 =	sadd.s32 s3, s5;
	[dreg:$0x0] =	wrdreg $0x0  }
0xa8: {  	s5 =	sshll.u32 s28, $0x1;
	[dreg:$0x2] =	wrdreg s3  }
0xa9: {  	[dreg:$0x3] =	wrdreg s5  }
0xaa: {  	[dreg:$0x4] =	wrdreg $0xC0  }
0xab: {  	_ =	task [dreg:s7], $0x5FFFF  }
0xac: {  	[dreg:$0x1] =	wrdreg $0xFFFFFFFF  }
0xad: {  	[dreg:$0x0] =	wrdreg $0x60  }
0xae: {  	[dreg:$0x2] =	wrdreg s2  }
0xaf: {  	[dreg:$0x3] =	wrdreg s24  }
0xb0: {  	[dreg:$0x4] =	wrdreg $0x9  }
0xb1: {  	_ =	task.clear_ibuf [dreg:s7], $0x5FFFF;
	_ =	strace $0x90000046  }
0xb2: {  	s29 =	simm.s32 $0x9;
	_ =	strace $0x80000048  }
0xb3: {  	_ =	swait.ge [sflag:s29], $0x1  }
0xb4: {  	[sflag:s29] =	ssyncadd.s32 $0xFFFFFFFF  }
0xb5: {  	_ =	strace $0x90000048  }
0xb6: {  	_ =	sfence  }
0xb7: {  	s30 =	sld [smem:$0x0];
	_ =	sdelay $0x2  }
0xb8: {  	s31 =	sshll.u32 s1, $0xD;
	s1 =	sshrl.u32 s1, $0x2  }
0xb9: {  	s3 =	sand.u32 $0x4000, s31;
	s1 =	sadd.s32 s1, s30  }
0xba: {  	s0 =	sor.u32 s3, s0;
	s1 =	sshll.u32 s1, $0x11  }
0xbb: {  	s0 =	sor.u32 s1, s0  }
0xbc: {  	s0 =	sadd.s32 $0x8F2B, s0  }
0xbd: {  	[sflag:s0] =	ssyncadd.remote.s32 $0x1  }
0xbe: {  	_ =	sfence.sel $0xFFFF  }
0xbf: {  	[dreg:$0x0] =	wrdreg $0xFFFFFFFF;
	(pc) =	sbr.abs _section_cstart, $3  }
0xc0: {  	[dreg:$0x1] =	wrdreg $0xFFFFFFFF  }
0xc1: {  	_ =	task.clear_ibuf [dreg:s7], $0x2FFFF;
	_ =	strace $0x9FFFFFFF  }
0xc2: {  	(tm) =	ssettm $0x7FFFFFFF  }
0xc3: {  	_ =	shalt  }
tec
execute0_lowered:
.L_overlay_start_1:
0x0: {  	(tag) =	ssettag $0x1  }
0x1: {  	v0 =	vimm.s32 $0xFEDCBA98;
	v1 =	vimm.s32 $0x76543210  }
0x2: {  	v2 =	vimm.s32 $0xBA98FEDC;
	v3 =	vimm.s32 $0x32107654;
	v4 =	vimm.s32 $0xDCFE98BA  }
0x3: {  	s0 =	rddreg [dreg:$0x0];
	v5 =	vimm.s32 $0x54761032;
	v6 =	vimm.s32 $0xEFCDAB89;
	v7 =	vimm.s32 $0x67452301  }
0x4: {  	s9 =	rddreg [dreg:$0x1];
	vm0 =	vmmov $0x1;
	vm1 =	vmmov $0x3;
	vm2 =	vmmov $0x7  }
0x5: {  	s1 =	rddreg [dreg:$0x2];
	vm3 =	vmmov $0xf;
	vm4 =	vmmov $0x1f;
	vm5 =	vmmov $0x3f  }
0x6: {  	s2 =	simm.s32 $0x0;
	s4 =	srdreg.scid;
	s14 =	simm.s32 $0x4F;
	vm6 =	vmmov $0x7f;
	vm7 =	vmmov $0xff;
	vm8 =	vmmov $0x1ff  }
0x7: {  	s15 =	simm.s32 $0x4100;
	s16 =	simm.s32 $0x8100;
	s17 =	simm.s32 $0x1;
	vm9 =	vmmov $0x3ff;
	vm10 =	vmmov $0x7ff;
	vm11 =	vmmov $0xfff  }
0x8: {  	s18 =	simm.s32 $0x2;
	s19 =	simm.s32 $0xC100;
	s20 =	simm.s32 $0x0;
	v0 =	vunpack.c.l.s4.s8 v0;
	v1 =	vunpack.c.l.s4.s8 v1;
	v2 =	vunpack.c.l.s4.s8 v2  }
0x9: {  	v3 =	vunpack.c.l.s4.s8 v3;
	v4 =	vunpack.c.l.s4.s8 v4;
	v5 =	vunpack.c.l.s4.s8 v5;
	[smem:$0x7FF] =	sst s2;
	s3 =	sadd.s32 $0x9DAE00, s9;
	s7 =	sand.u32 $0x1, s4  }
0xa: {  	v6 =	vunpack.c.l.s4.s8 v6;
	v7 =	vunpack.c.l.s4.s8 v7;
	s5 =	sadd.s32 $0x16E00, s9;
	s4 =	stileid.u32;
	s6 =	sadd.s32 $0xD000, s9;
	v0 =	vunpack.c.0.s8.s32 v0  }
0xb: {  	_ =	strace $0x80000047;
	s8 =	sshll.u32 s7, $0x4;
	s10 =	ssub.s32 $0x2, s7;
	v2 =	vunpack.c.0.s8.s32 v2;
	v3 =	vunpack.c.0.s8.s32 v3;
	v4 =	vunpack.c.0.s8.s32 v4  }
0xc: {  	s7 =	sadd.s32 $0x3200, s9;
	s9 =	sadd.s32 $0xA29200, s9;
	v5 =	vunpack.c.0.s8.s32 v5;
	v6 =	vunpack.c.0.s8.s32 v6;
	v7 =	vunpack.c.0.s8.s32 v7;
	s8 =	sor.u32 s4, s8  }
0xd: {  	vm12 =	vmmov $0x1fff;
	v1 =	vunpack.c.0.s8.s32 v1;
	s11 =	sshrl.u32 s10, $0x1;
	s12 =	smul.u32 $0x4E, s8;
	p0 =	slt.u32 s8, $0x4;
	v2 =	vcombine.low v3, v2  }
0xe: {  	s13 =	smin.u32 s8, $0x4;
	s11 =	ssub.s32 s10, s11;
	v3 =	vcombine.low v5, v4;
	v4 =	vcombine.low v7, v6;
	v0 =	vand.u32 $0xF, v0;
	s14 =	simm.s32 @!p0 $0x4E  }
0xf: {  	vm13 =	vmmov $0x3fff;
	vm14 =	vmmov $0x7fff;
	s11 =	smax.u32 s11, $0x1;
	v0 =	vcombine.low v0, v1;
	s8 =	sadd.s32 s13, s12;
	s12 =	simm.s32 $0x3  }
0x10: {  	s13 =	simm.s32 $0x80;
	v1 =	vand.u32 $0xF, v2;
	v2 =	vand.u32 $0xF, v3;
	v3 =	vand.u32 $0xF, v4;
	s10 =	sadd.s32 s14, s8;
	s14 =	simm.s32 $0x100  }
.LBB2_1:
0x11: {  	s21 =	smov.u32 s8  }
.LBB2_2:
0x12: {  	s22 =	sshll.u32 s21, $0x4  }
0x13: {  	s22 =	sand.u32 $0x1FFFFFF0, s22  }
0x14: {  	s24 =	simm.s32 $0x0;
	s23 =	sadd.s32 s6, s22  }
0x15: {  	[tilespmem:s24], [sflag:$0x3] =	stream.linear.gather [hbm4b:s23+s24], $0x80, $0x38;
	[tilespmem:$0xC500] =	vst v63  }
0x16: {  	_ =	swait.ge [sflag:s12], $0x80  }
0x17: {  	[sflag:s12] =	ssyncset.done $0x0  }
0x18: {  	s22 =	sadd.s32 s7, s22;
	[sflag:s12] =	ssyncadd.s32 $0xFFFFFF80  }
0x19: {  	[tilespmem:s13], [sflag:$0x3] =	stream.linear.gather [hbm4b:s22+s24], $0x80, $0x38;
	[tilespmem:$0xC500] =	vst v63  }
0x1a: {  	_ =	swait.ge [sflag:s12], $0x80  }
0x1b: {  	[sflag:s12] =	ssyncset.done $0x0  }
0x1c: {  	s31 =	sshll.u32 s21, $0xB;
	[sflag:s12] =	ssyncadd.s32 $0xFFFFFF80  }
0x1d: {  	[tilespmem:s14], [sflag:$0x1] =	stream.indirect.gather [hbm4b:s0+s13], $0x80, s24, s13, $0xb8;
	[tilespmem:$0xC500] =	vst v63  }
0x1e: {  	s22 =	sand.u32 $0x1FFFF800, s31  }
0x1f: {  	[tilespmem:s15], [sflag:$0x2] =	stream.indirect.gather [hbm4b:s3+s13], $0x80, s13, s13, $0xb8;
	[tilespmem:$0xC500] =	vst v63  }
0x20: {  	s22 =	sadd.s32 s5, s22  }
0x21: {  	[tilespmem:s16], [sflag:$0x3] =	stream.linear.gather [hbm4b:s22+s24], $0x4000, $0x38;
	[tilespmem:$0xC500] =	vst v63  }
0x22: {  	_ =	swait.ge [sflag:s12], $0x4000  }
0x23: {  	[sflag:s12] =	ssyncset.done $0x0  }
0x24: {  	[sflag:s12] =	ssyncadd.s32 $0xFFFFC000  }
0x25: {  	_ =	swait.ge [sflag:s17], $0x4000  }
0x26: {  	[sflag:s17] =	ssyncset.done $0x0  }
0x27: {  	[sflag:s17] =	ssyncadd.s32 $0xFFFFC000  }
0x28: {  	_ =	swait.ge [sflag:s18], $0x4000  }
0x29: {  	[sflag:s18] =	ssyncset.done $0x0  }
0x2a: {  	s23 =	simm.s32 $0x0;
	[sflag:s18] =	ssyncadd.s32 $0xFFFFC000  }
0x2b: {  	v4 =	vld [tilespmem:s23+$0x8150]  }
0x2c: {  	v5 =	vld [tilespmem:s23+$0x4150]  }
0x2d: {  	v6 =	vld [tilespmem:s23+$0x140]  }
0x2e: {  	v7 =	vld [tilespmem:s23+$0x4140]  }
0x2f: {  	v8 =	vld [tilespmem:s23+$0x8140]  }
0x30: {  	v9 =	vld [tilespmem:s23+$0x110]  }
0x31: {  	v10 =	vld [tilespmem:s23+$0x120]  }
0x32: {  	v11 =	vld [tilespmem:s23+$0x8120]  }
0x33: {  	v12 =	vld [tilespmem:s23+$0x4120]  }
0x34: {  	v13 =	vld [tilespmem:s23+$0x8110]  }
0x35: {  	v14 =	vld [tilespmem:s23+$0x4100]  }
0x36: {  	v15 =	vld [tilespmem:s23+$0x4110]  }
0x37: {  	v16 =	vld [tilespmem:s23+$0x8100]  }
0x38: {  	v17 =	vld [tilespmem:s23+$0x8170]  }
0x39: {  	v20 =	vld [tilespmem:s23+$0x4190]  }
0x3a: {  	v7 =	vadd.f32 v8, v7;
	v8 =	vld [tilespmem:s23+$0x100]  }
0x3b: {  	v21 =	vld [tilespmem:s23+$0x8190];
	v11 =	vadd.f32 v11, v12  }
0x3c: {  	v12 =	vld [tilespmem:s23+$0x150];
	v13 =	vadd.f32 v13, v15;
	v6 =	vmul.f32 v7, v6  }
0x3d: {  	v7 =	vld [tilespmem:s23+$0x8160];
	v10 =	vmul.f32 v11, v10;
	v11 =	vadd.f32 v16, v14  }
0x3e: {  	v14 =	vld [tilespmem:s23+$0x4160];
	v9 =	vmul.f32 v13, v9;
	v13 =	vperm.xlane v6, v0  }
0x3f: {  	v15 =	vld [tilespmem:s23+$0x4170];
	v4 =	vadd.f32 v4, v5;
	v16 =	vperm.xlane v10, v0;
	v5 =	vmul.f32 v11, v8  }
0x40: {  	v8 =	vld [tilespmem:s23+$0x160];
	v11 =	vperm.xlane v9, v0;
	v13 =	vadd.f32 v6, v13  }
0x41: {  	v18 =	vld [tilespmem:s23+$0x170];
	v20 =	vadd.f32 v21, v20;
	v10 =	vadd.f32 v10, v16;
	v6 =	vperm.xlane v5, v0  }
0x42: {  	v4 =	vmul.f32 v4, v12;
	v9 =	vadd.f32 v9, v11;
	v11 =	vperm.xlane v13, v1  }
0x43: {  	v27 =	vld [tilespmem:s23+$0x190];
	v7 =	vadd.f32 v7, v14;
	v12 =	vperm.xlane v10, v1;
	v5 =	vadd.f32 v5, v6  }
0x44: {  	v14 =	vadd.f32 v17, v15;
	v11 =	vadd.f32 v13, v11;
	v13 =	vperm.xlane v4, v0  }
0x45: {  	v7 =	vmul.f32 v7, v8;
	v10 =	vadd.f32 v10, v12;
	v8 =	vperm.xlane v5, v1  }
0x46: {  	v12 =	vmul.f32 v14, v18;
	v16 =	vperm.xlane v11, v2;
	v4 =	vadd.f32 v4, v13  }
0x47: {  	v15 =	vld [tilespmem:s23+$0x4130];
	v14 =	vperm.xlane v9, v1;
	v5 =	vadd.f32 v5, v8;
	v8 =	vperm.xlane v10, v2  }
0x48: {  	v21 =	vmul.f32 v20, v27;
	v13 =	vld [tilespmem:s23+$0x8130];
	v11 =	vadd.f32 v11, v16;
	v16 =	vperm.xlane v4, v1  }
0x49: {  	v20 =	vld [tilespmem:s23+$0x1A0];
	v14 =	vadd.f32 v9, v14;
	v19 =	vperm.xlane v5, v2;
	v10 =	vadd.f32 v10, v8  }
0x4a: {  	v18 =	vld [tilespmem:s23+$0x130];
	v8 =	vperm.xlane v12, v0;
	v23 =	vperm.xlane v11, v3;
	v24 =	vadd.f32 v4, v16  }
0x4b: {  	v6 =	vld [tilespmem:s23+$0x4180];
	v17 =	vperm.xlane v7, v0;
	v22 =	vperm.xlane v14, v2;
	v25 =	vadd.f32 v5, v19  }
0x4c: {  	v9 =	vld [tilespmem:s23+$0x8180];
	v5 =	vadd.f32 v12, v8;
	v4 =	vadd.f32 v11, v23;
	v11 =	vperm.xlane v24, v2  }
0x4d: {  	v16 =	vld [tilespmem:s23+$0x41A0];
	v26 =	vperm.xlane v10, v3;
	v8 =	vadd.f32 v13, v15;
	v12 =	vadd.f32 v14, v22  }
0x4e: {  	v15 =	vld [tilespmem:s23+$0x81A0];
	v14 =	vadd.f32 v7, v17;
	v13 =	vperm.xlane v25, v3;
	v17 =	vadd.f32 v24, v11  }
0x4f: {  	v19 =	vld [tilespmem:s23+$0x180];
	v18 =	vmul.f32 v8, v18;
	v10 =	vadd.f32 v10, v26;
	v11 =	vperm.xlane v5, v1  }
0x50: {  	s25 =	simm.s32 $0x400;
	s24 =	simm.s32 $0xC100;
	s22 =	simm.s32 $0xC100;
	v7 =	vld [tilespmem:s23+$0x41B0];
	v8 =	vadd.f32 v25, v13;
	v13 =	vperm.xlane v12, v3;
	v22 =	vperm.xlane v17, v3  }
.LBB2_3:
0x51: {  	p0 =	sne.s32 s25, $0xFC00  }
0x52: {  	v23 =	vperm.xlane v18, v0;
	v24 =	vperm.xlane v14, v1;
	v6 =	vadd.f32 v9, v6;
	v9 =	vld [tilespmem:s23+$0x1C0];
	s24 =	sadd.s32 $0x10, s24;
	s26 =	smov.u32 s25;
	s25 =	sadd.s32 $0x400, s25  }
0x53: {  	v17 =	vadd.f32 v17, v22;
	v22 =	vperm.xlane v21, v0;
	v25 =	vld [tilespmem:s23+$0x81C0]  }
0x54: {  	v15 =	vadd.f32 v15, v16;
	v18 =	vadd.f32 v18, v23;
	v6 =	vmul.f32 v6, v19;
	v16 =	vld [tilespmem:s23+$0x41C0]  }
0x55: {  	v14 =	vadd.f32 v14, v24;
	v19 =	vadd.f32 v21, v22;
	v21 =	vld [tilespmem:s23+$0x81B0]  }
0x56: {  	v22 =	vperm.xlane v6, v0;
	v15 =	vmul.f32 v15, v20;
	v20 =	vld [tilespmem:s23+$0x81D0]  }
0x57: {  	v23 =	vperm.xlane v18, v1;
	v24 =	vperm.xlane v19, v1;
	v26 =	vld [tilespmem:s23+$0x41D0]  }
0x58: {  	v12 =	vadd.f32 v12, v13;
	v6 =	vadd.f32 v6, v22;
	v13 =	vperm.xlane v15, v0;
	v22 =	vld [tilespmem:s23+$0x1B0]  }
0x59: {  	v18 =	vadd.f32 v18, v23;
	v23 =	vperm.xlane v14, v2;
	v16 =	vadd.f32 v25, v16  }
0x5a: {  	v19 =	vadd.f32 v19, v24;
	v25 =	vperm.xlane v6, v1;
	v13 =	vadd.f32 v15, v13;
	v15 =	vld [tilespmem:s23+$0x1D0]  }
0x5b: {  	v5 =	vadd.f32 v5, v11;
	v8 =	vsel vm0, v8, v12;
	v12 =	vadd.f32 v14, v23;
	v11 =	vld [tilespmem:s23+$0x81E0]  }
0x5c: {  	v8 =	vsel vm1, v8, v10;
	v10 =	vperm.xlane v19, v2;
	v6 =	vadd.f32 v6, v25;
	v14 =	vld [tilespmem:s23+$0x41E0]  }
0x5d: {  	v23 =	vperm.xlane v5, v2;
	v7 =	vadd.f32 v21, v7;
	v20 =	vadd.f32 v20, v26  }
0x5e: {  	v9 =	vmul.f32 v16, v9;
	v10 =	vadd.f32 v19, v10;
	v21 =	vperm.xlane v6, v2  }
0x5f: {  	v5 =	vadd.f32 v5, v23;
	v16 =	vperm.xlane v13, v1;
	v15 =	vmul.f32 v20, v15;
	v19 =	vld [tilespmem:s23+$0x1E0]  }
0x60: {  	v20 =	vperm.xlane v18, v2;
	v6 =	vadd.f32 v6, v21;
	v21 =	vperm.xlane v10, v3;
	v23 =	vld [tilespmem:s23+$0x41F0]  }
0x61: {  	v24 =	vperm.xlane v5, v3;
	v13 =	vadd.f32 v13, v16;
	v11 =	vadd.f32 v11, v14  }
0x62: {  	v16 =	vperm.xlane v15, v0;
	v14 =	vperm.xlane v6, v3;
	v10 =	vadd.f32 v10, v21  }
0x63: {  	v5 =	vadd.f32 v5, v24;
	v18 =	vadd.f32 v18, v20;
	v20 =	vperm.xlane v9, v0;
	v21 =	vld [tilespmem:s23+$0x81F0]  }
0x64: {  	v24 =	vperm.xlane v12, v3;
	v6 =	vadd.f32 v6, v14;
	v11 =	vmul.f32 v11, v19  }
0x65: {  	v7 =	vmul.f32 v7, v22;
	v9 =	vadd.f32 v9, v20;
	v14 =	vperm.xlane v18, v3;
	v19 =	vld [tilespmem:s23+$0x1F0]  }
0x66: {  	v12 =	vadd.f32 v12, v24;
	v15 =	vadd.f32 v15, v16;
	v16 =	vperm.xlane v11, v0  }
0x67: {  	v20 =	vperm.xlane v9, v1;
	v14 =	vadd.f32 v18, v14;
	v18 =	vperm.xlane v7, v0  }
0x68: {  	v22 =	vperm.xlane v13, v2;
	v24 =	vperm.xlane v15, v1;
	v21 =	vadd.f32 v21, v23  }
0x69: {  	v9 =	vadd.f32 v9, v20;
	v8 =	vsel vm2, v8, v14;
	v7 =	vadd.f32 v7, v18  }
0x6a: {  	v14 =	vadd.f32 v15, v24;
	v11 =	vadd.f32 v11, v16;
	v15 =	vmul.f32 v21, v19  }
0x6b: {  	v13 =	vadd.f32 v13, v22;
	v18 =	vperm.xlane v9, v2;
	v16 =	vperm.xlane v7, v1  }
0x6c: {  	v4 =	vsel vm3, v8, v4;
	v8 =	vperm.xlane v14, v2;
	v19 =	vperm.xlane v11, v1  }
0x6d: {  	v20 =	vperm.xlane v13, v3;
	v7 =	vadd.f32 v7, v16;
	v16 =	vperm.xlane v15, v0  }
0x6e: {  	v4 =	vsel vm4, v4, v17;
	v8 =	vadd.f32 v14, v8;
	v11 =	vadd.f32 v11, v19  }
0x6f: {  	v4 =	vsel vm5, v4, v12;
	v12 =	vperm.xlane v7, v2;
	v14 =	vadd.f32 v15, v16  }
0x70: {  	v9 =	vadd.f32 v9, v18;
	v15 =	vperm.xlane v8, v3;
	v16 =	vperm.xlane v11, v2  }
0x71: {  	v4 =	vsel vm6, v4, v5;
	v5 =	vadd.f32 v7, v12;
	v7 =	vperm.xlane v14, v1  }
0x72: {  	v4 =	vsel vm7, v4, v6;
	v6 =	vadd.f32 v8, v15;
	v8 =	vadd.f32 v11, v16  }
0x73: {  	v4 =	vsel vm8, v4, v10;
	v10 =	vperm.xlane v5, v3;
	v7 =	vadd.f32 v14, v7  }
0x74: {  	v11 =	vadd.f32 v13, v20;
	v12 =	vperm.xlane v9, v3;
	v13 =	vperm.xlane v8, v3  }
0x75: {  	v5 =	vadd.f32 v5, v10;
	v10 =	vperm.xlane v7, v2  }
0x76: {  	v4 =	vsel vm9, v4, v11;
	v9 =	vadd.f32 v9, v12;
	v8 =	vadd.f32 v8, v13  }
0x77: {  	v4 =	vsel vm10, v4, v5;
	v5 =	vadd.f32 v7, v10  }
0x78: {  	v4 =	vsel vm11, v4, v9  }
0x79: {  	v4 =	vsel vm12, v4, v6;
	v6 =	vperm.xlane v5, v3  }
0x7a: {  	v4 =	vsel vm13, v4, v8  }
0x7b: {  	s23 =	sshra.s32 s26, $0x2;
	v5 =	vadd.f32 v5, v6;
	_ =	sdelay $0x1  }
0x7c: {  	v4 =	vsel vm14, v4, v5  }
0x7d: {  	[tilespmem:s22+$0x0] =	vst v4;
	s22 =	smov.u32 s24  }
0x7e: {  	v4 =	vld [tilespmem:s23+$0x8150]  }
0x7f: {  	v5 =	vld [tilespmem:s23+$0x4150]  }
0x80: {  	v6 =	vld [tilespmem:s23+$0x140]  }
0x81: {  	v7 =	vld [tilespmem:s23+$0x4140]  }
0x82: {  	v8 =	vld [tilespmem:s23+$0x8140]  }
0x83: {  	v9 =	vld [tilespmem:s23+$0x110]  }
0x84: {  	v10 =	vld [tilespmem:s23+$0x120]  }
0x85: {  	v11 =	vld [tilespmem:s23+$0x8120]  }
0x86: {  	v12 =	vld [tilespmem:s23+$0x4120]  }
0x87: {  	v13 =	vld [tilespmem:s23+$0x8110]  }
0x88: {  	v14 =	vld [tilespmem:s23+$0x4100]  }
0x89: {  	v15 =	vld [tilespmem:s23+$0x4110]  }
0x8a: {  	v16 =	vld [tilespmem:s23+$0x8100]  }
0x8b: {  	v7 =	vadd.f32 v8, v7;
	v11 =	vadd.f32 v11, v12;
	v8 =	vld [tilespmem:s23+$0x8170]  }
0x8c: {  	v12 =	vld [tilespmem:s23+$0x100]  }
0x8d: {  	v10 =	vmul.f32 v11, v10;
	v11 =	vld [tilespmem:s23+$0x150]  }
0x8e: {  	v6 =	vmul.f32 v7, v6;
	v13 =	vadd.f32 v13, v15;
	v7 =	vld [tilespmem:s23+$0x8160]  }
0x8f: {  	v4 =	vadd.f32 v4, v5;
	v14 =	vadd.f32 v16, v14;
	v15 =	vperm.xlane v10, v0;
	v5 =	vld [tilespmem:s23+$0x4160]  }
0x90: {  	v9 =	vmul.f32 v13, v9;
	v13 =	vperm.xlane v6, v0;
	v16 =	vld [tilespmem:s23+$0x4170]  }
0x91: {  	v12 =	vmul.f32 v14, v12;
	v10 =	vadd.f32 v10, v15;
	v14 =	vld [tilespmem:s23+$0x160]  }
0x92: {  	v15 =	vperm.xlane v9, v0;
	v13 =	vadd.f32 v6, v13;
	v4 =	vmul.f32 v4, v11;
	v11 =	vld [tilespmem:s23+$0x170]  }
0x93: {  	v6 =	vperm.xlane v12, v0;
	v17 =	vperm.xlane v10, v1  }
0x94: {  	v15 =	vadd.f32 v9, v15;
	v9 =	vperm.xlane v13, v1;
	v5 =	vadd.f32 v7, v5  }
0x95: {  	v7 =	vadd.f32 v12, v6;
	v8 =	vadd.f32 v8, v16;
	v6 =	vld [tilespmem:s23+$0x4180]  }
0x96: {  	v12 =	vadd.f32 v13, v9;
	v13 =	vperm.xlane v4, v0;
	v14 =	vmul.f32 v5, v14;
	v9 =	vld [tilespmem:s23+$0x8180]  }
0x97: {  	v10 =	vadd.f32 v10, v17;
	v5 =	vperm.xlane v7, v1;
	v8 =	vmul.f32 v8, v11;
	v11 =	vld [tilespmem:s23+$0x4190]  }
0x98: {  	v16 =	vperm.xlane v15, v1;
	v17 =	vld [tilespmem:s23+$0x4130];
	v18 =	vperm.xlane v12, v2;
	v4 =	vadd.f32 v4, v13  }
0x99: {  	v19 =	vperm.xlane v14, v0;
	v5 =	vadd.f32 v7, v5;
	v7 =	vperm.xlane v10, v2;
	v13 =	vld [tilespmem:s23+$0x8130]  }
0x9a: {  	v16 =	vadd.f32 v15, v16;
	v20 =	vld [tilespmem:s23+$0x130];
	v12 =	vadd.f32 v12, v18;
	v15 =	vperm.xlane v4, v1  }
0x9b: {  	v18 =	vperm.xlane v5, v2;
	v10 =	vadd.f32 v10, v7;
	v7 =	vperm.xlane v8, v0;
	v21 =	vld [tilespmem:s23+$0x8190]  }
0x9c: {  	v22 =	vperm.xlane v16, v2;
	v23 =	vperm.xlane v12, v3;
	v24 =	vadd.f32 v4, v15  }
0x9d: {  	v25 =	vadd.f32 v5, v18;
	v26 =	vperm.xlane v10, v3;
	v5 =	vadd.f32 v8, v7;
	v27 =	vld [tilespmem:s23+$0x190]  }
.Ltmp0:
0x9e: {  	v7 =	vadd.f32 v13, v17;
	v4 =	vadd.f32 v12, v23;
	v8 =	vperm.xlane v24, v2;
	v15 =	vld [tilespmem:s23+$0x81A0];
	(pc) =	sbr.rel @p0 .LBB2_3-.Ltmp0, $4  }
0x9f: {  	v14 =	vadd.f32 v14, v19;
	v12 =	vadd.f32 v16, v22;
	v13 =	vperm.xlane v25, v3;
	v16 =	vld [tilespmem:s23+$0x41A0]  }
0xa0: {  	v18 =	vmul.f32 v7, v20;
	v17 =	vadd.f32 v24, v8;
	v19 =	vld [tilespmem:s23+$0x180];
	v20 =	vadd.f32 v21, v11  }
0xa1: {  	v11 =	vperm.xlane v5, v1;
	v8 =	vadd.f32 v25, v13;
	v13 =	vperm.xlane v12, v3;
	v7 =	vld [tilespmem:s23+$0x41B0]  }
0xa2: {  	v10 =	vadd.f32 v10, v26;
	v22 =	vperm.xlane v17, v3;
	v21 =	vmul.f32 v20, v27;
	v20 =	vld [tilespmem:s23+$0x1A0]  }
0xa3: {  	v24 =	vld [tilespmem:s23+$0x81C0]  }
0xa4: {  	v43 =	vld [tilespmem:s23+$0x41C0]  }
0xa5: {  	v47 =	vld [tilespmem:s23+$0x1C0]  }
0xa6: {  	v49 =	vld [tilespmem:s23+$0x81D0]  }
0xa7: {  	v51 =	vld [tilespmem:s23+$0x41D0]  }
0xa8: {  	v53 =	vld [tilespmem:s23+$0x81B0]  }
0xa9: {  	v6 =	vadd.f32 v9, v6;
	v42 =	vperm.xlane v18, v0;
	v44 =	vperm.xlane v14, v1;
	v57 =	vld [tilespmem:s23+$0x81E0]  }
0xaa: {  	v12 =	vadd.f32 v12, v13;
	v5 =	vadd.f32 v5, v11;
	v59 =	vld [tilespmem:s23+$0x41E0];
	v23 =	vperm.xlane v21, v0  }
0xab: {  	v31 =	vld [tilespmem:s23+$0x41F0];
	v15 =	vadd.f32 v15, v16;
	v6 =	vmul.f32 v6, v19;
	v9 =	vadd.f32 v18, v42  }
0xac: {  	v34 =	vld [tilespmem:s23+$0x81F0];
	v14 =	vadd.f32 v14, v44;
	v8 =	vsel vm0, v8, v12;
	v60 =	vperm.xlane v5, v2  }
0xad: {  	v62 =	vld [tilespmem:s23+$0x1B0];
	v45 =	vadd.f32 v21, v23;
	v8 =	vsel vm1, v8, v10;
	v46 =	vperm.xlane v6, v0  }
0xae: {  	v28 =	vld [tilespmem:s23+$0x1E0];
	v15 =	vmul.f32 v15, v20;
	v48 =	vperm.xlane v9, v1;
	v5 =	vadd.f32 v5, v60  }
0xaf: {  	v25 =	vld [tilespmem:s23+$0x1F0];
	v55 =	vperm.xlane v14, v2;
	v16 =	vadd.f32 v24, v43;
	v18 =	vadd.f32 v49, v51  }
0xb0: {  	v56 =	vld [tilespmem:s23+$0x1D0];
	v50 =	vperm.xlane v45, v1;
	v7 =	vadd.f32 v53, v7;
	v10 =	vadd.f32 v57, v59  }
0xb1: {  	v40 =	vadd.f32 v34, v31;
	v6 =	vadd.f32 v6, v46;
	v52 =	vperm.xlane v15, v0  }
0xb2: {  	v9 =	vadd.f32 v9, v48;
	v32 =	vperm.xlane v5, v3;
	v16 =	vmul.f32 v16, v47  }
0xb3: {  	v14 =	vadd.f32 v14, v55;
	v10 =	vmul.f32 v10, v28;
	v7 =	vmul.f32 v7, v62  }
0xb4: {  	v19 =	vadd.f32 v45, v50;
	v44 =	vmul.f32 v40, v25;
	v54 =	vperm.xlane v6, v1  }
0xb5: {  	v13 =	vadd.f32 v15, v52;
	v15 =	vmul.f32 v18, v56;
	v29 =	vperm.xlane v9, v2  }
0xb6: {  	v17 =	vadd.f32 v17, v22;
	v37 =	vperm.xlane v14, v3;
	v58 =	vperm.xlane v19, v2  }
0xb7: {  	v5 =	vadd.f32 v5, v32;
	v36 =	vperm.xlane v16, v0;
	v39 =	vperm.xlane v7, v0  }
0xb8: {  	v41 =	vperm.xlane v10, v0;
	v49 =	vperm.xlane v44, v0;
	v6 =	vadd.f32 v6, v54  }
0xb9: {  	v63 =	vperm.xlane v13, v1;
	v9 =	vadd.f32 v9, v29;
	v14 =	vadd.f32 v14, v37  }
0xba: {  	v35 =	vperm.xlane v15, v0;
	v12 =	vadd.f32 v19, v58;
	v16 =	vadd.f32 v16, v36  }
0xbb: {  	v7 =	vadd.f32 v7, v39;
	v10 =	vadd.f32 v10, v41;
	v61 =	vperm.xlane v6, v2  }
0xbc: {  	v52 =	vadd.f32 v44, v49;
	v38 =	vperm.xlane v9, v3;
	v30 =	vperm.xlane v12, v3  }
0xbd: {  	v15 =	vadd.f32 v15, v35;
	v42 =	vperm.xlane v16, v1;
	v48 =	vperm.xlane v7, v1  }
0xbe: {  	v13 =	vadd.f32 v13, v63;
	v53 =	vperm.xlane v10, v1;
	v56 =	vperm.xlane v52, v1  }
0xbf: {  	v6 =	vadd.f32 v6, v61;
	v9 =	vadd.f32 v9, v38;
	v43 =	vperm.xlane v15, v1  }
0xc0: {  	v45 =	vperm.xlane v13, v2;
	v12 =	vadd.f32 v12, v30;
	v46 =	vadd.f32 v16, v42  }
0xc1: {  	v7 =	vadd.f32 v7, v48;
	v57 =	vadd.f32 v52, v56;
	v33 =	vperm.xlane v6, v3  }
0xc2: {  	v8 =	vsel vm2, v8, v9;
	v47 =	vadd.f32 v15, v43;
	v13 =	vadd.f32 v13, v45  }
0xc3: {  	v50 =	vperm.xlane v46, v2;
	v4 =	vsel vm3, v8, v4;
	v55 =	vperm.xlane v7, v2  }
0xc4: {  	v8 =	vadd.f32 v10, v53;
	v60 =	vperm.xlane v57, v2;
	v6 =	vadd.f32 v6, v33  }
0xc5: {  	v51 =	vperm.xlane v47, v2;
	v54 =	vperm.xlane v13, v3;
	v4 =	vsel vm4, v4, v17  }
0xc6: {  	v9 =	vadd.f32 v46, v50;
	v4 =	vsel vm5, v4, v14;
	v7 =	vadd.f32 v7, v55  }
0xc7: {  	v59 =	vperm.xlane v8, v2;
	v11 =	vadd.f32 v47, v51;
	v4 =	vsel vm6, v4, v5  }
0xc8: {  	v13 =	vadd.f32 v13, v54;
	v4 =	vsel vm7, v4, v6;
	v5 =	vperm.xlane v7, v3  }
0xc9: {  	v8 =	vadd.f32 v8, v59;
	v61 =	vperm.xlane v9, v3;
	v6 =	vadd.f32 v57, v60  }
0xca: {  	v58 =	vperm.xlane v11, v3;
	v4 =	vsel vm8, v4, v12;
	v5 =	vadd.f32 v7, v5  }
0xcb: {  	v62 =	vperm.xlane v8, v3;
	v4 =	vsel vm9, v4, v13;
	v9 =	vadd.f32 v9, v61  }
0xcc: {  	v63 =	vadd.f32 v11, v58;
	v4 =	vsel vm10, v4, v5;
	v5 =	vperm.xlane v6, v3  }
0xcd: {  	v7 =	vadd.f32 v8, v62;
	v4 =	vsel vm11, v4, v9  }
0xce: {  	v4 =	vsel vm12, v4, v63;
	v5 =	vadd.f32 v6, v5  }
0xcf: {  	s30 =	sshll.u32 s21, $0x7;
	s21 =	sadd.s32 $0x1, s21;
	v4 =	vsel vm13, v4, v7  }
0xd0: {  	s23 =	sand.u32 $0x1FFFFF80, s30;
	p0 =	slt.u32 s21, s10;
	v4 =	vsel vm14, v4, v5  }
.Ltmp1:
0xd1: {  	s31 =	sadd.s32 s9, s23;
	[tilespmem:s22+$0x0] =	vst v4;
	(pc) =	sbr.rel @p0 .LBB2_2-.Ltmp1, $4  }
0xd2: {  	[hbm4b:s31+s2] =	stream.linear.scatter [tilespmem:s19], [sflag:$0x3], $0x400, $0x38;
	[tilespmem:$0xC500] =	vst v63  }
0xd3: {  	_ =	swait.ge [sflag:s12], $0x400  }
0xd4: {  	[sflag:s12] =	ssyncset.done $0x0  }
0xd5: {  	[sflag:s12] =	ssyncadd.s32 $0xFFFFFC00  }
0xd6: {  	s20 =	sadd.s32 $0x1, s20  }
0xd7: {  	p0 =	sne.s32 s20, s11  }
.Ltmp2:
0xd8: {  	_ = 	snop;
	(pc) =	sbr.rel @p0 .LBB2_1-.Ltmp2, $1  }
0xd9: {  	_ =	sdelay $0x3  }
0xda: {  	_ =	sfence.sel $0x180000  }
0xdb: {  	[bflag:$0x0] =	sbarrier.arrive $0xFFFF  }
0xdc: {  	p0 =	sne.s32 s4, $0x0;
	_ =	strace $0x90000047  }
0xdd: {  	s0 =	sadd.s32 @!p0 $0x100000, s1;
	[bflag:$0x2] =	sbarrier.arrive $0xFFFF  }
0xde: {  	[sflag:s0] =	ssyncadd.tile.s32 @!p0 $0x1;
	_ =	shalt  }
.Lfunc_end2:
_tile_overlayer_lowered:
.L_overlay_start_2:
0xdf: {  	(tag) =	ssettag $0x2  }
0xe0: {  	s0 =	rddreg [dreg:$0x0];
	s2 =	stileid.u32  }
0xe1: {  	s1 =	rddreg [dreg:$0x1];
	p0 =	sne.s32 s2, $0x0  }
0xe2: {  	s3 =	rddreg [dreg:$0x2];
	[bflag:$0x3] =	sbarrier.arrive $0xFFFF;
	s2 =	simm.s32 @!p0 $0x1C03  }
0xe3: {  	[timem:s3], [sflag:s2] =	dma.local @!p0 [hbm:s0], s1  }
0xe4: {  	s0 =	simm.s32 @!p0 $0x3  }
0xe5: {  	_ =	swait.ge @!p0 [sflag:s0], s1  }
0xe6: {  	s1 =	ssub.s32 @!p0 $0x0, s1;
	[sflag:s0] =	ssyncset.done @!p0 $0x0  }
0xe7: {  	[sflag:s0] =	ssyncadd.s32 @!p0 s1  }
0xe8: {  	[bflag:$0x3] =	sbarrier.arrive $0xFFFF  }
0xe9: {  	_ =	shalt  }

</sc_bundles>
